<compile_context>
chip_gen: v7x
topology: tpu7x:2x2x1
jax: 0.10.2.dev20260603
libtpu: 0.0.44.dev20260713+nightly
codegen_flags: <defaults>
</compile_context>

<pallas_src>
import functools

import jax
import jax.numpy as jnp
from jax import lax
from jax.experimental import pallas as pl
from jax.experimental.pallas import tpu as pltpu
from jax.experimental.pallas import tpu_sc as plsc

B = 4096
NSLAB = 2
BS_ = B // NSLAB
S = 50
SP = 56
E = 128
NC = 2
NS = 16
NW = NC * NS
BPW = BS_ // NW
CH = 128
NCH = BPW * SP // CH
LANES = E // 16


def _sc_gather(k_table, q_table, v_table, kidx3, qidx3, vidx3):
    mesh = plsc.VectorSubcoreMesh(core_axis_name="c", subcore_axis_name="s")

    @functools.partial(
        pl.kernel,
        mesh=mesh,
        out_type=[
            jax.ShapeDtypeStruct((BS_ * SP, E), jnp.float32),
            jax.ShapeDtypeStruct((BS_ * SP, E), jnp.float32),
            jax.ShapeDtypeStruct((BS_, E), jnp.float32),
        ],
        scratch_types=[
            pltpu.VMEM((NCH, CH), jnp.int32),
            pltpu.VMEM((NCH, CH), jnp.int32),
            pltpu.VMEM((BPW, S), jnp.int32),
            pltpu.VMEM((CH, E), jnp.float32),
            pltpu.VMEM((CH, E), jnp.float32),
            pltpu.VMEM((CH, E), jnp.float32),
            pltpu.VMEM((CH, E), jnp.float32),
            pltpu.VMEM((S, E), jnp.float32),
            pltpu.VMEM((S, E), jnp.float32),
            pltpu.VMEM((BPW, E), jnp.float32),
            pltpu.SemaphoreType.DMA,
            pltpu.SemaphoreType.DMA,
            pltpu.SemaphoreType.DMA,
            pltpu.SemaphoreType.DMA,
            pltpu.SemaphoreType.DMA,
            pltpu.SemaphoreType.DMA,
            pltpu.SemaphoreType.DMA,
        ],
    )
    def sc(kt, qt, vt, kidx_h, qidx_h, vidx_h, kg_out, vg_out, qs_out,
           kidx_v, qidx_v, vidx_v, kbuf0, kbuf1, vbuf0, vbuf1,
           qbuf0, qbuf1, qstag,
           kgsem, vgsem, qgsem, kw0, kw1, vw0, vw1):
        kbufs = (kbuf0, kbuf1)
        vbufs = (vbuf0, vbuf1)
        qbufs = (qbuf0, qbuf1)
        kwsems = (kw0, kw1)
        vwsems = (vw0, vw1)
        c = lax.axis_index("c")
        s = lax.axis_index("s")
        wid = c * NS + s
        base_b = wid * BPW
        base_row = base_b * SP

        pltpu.sync_copy(kidx_h.at[wid], kidx_v)
        pltpu.sync_copy(qidx_h.at[wid], qidx_v)
        pltpu.sync_copy(vidx_h.at[wid], vidx_v)

        def g_start(table, idx_v, bb, j, u, sem):
            pltpu.async_copy(table.at[idx_v.at[j]], bb[u], sem)

        def g_wait(table, idx_v, bb, j, u, sem):
            pltpu.make_async_copy(table.at[idx_v.at[j]], bb[u], sem).wait()

        def w_descr(bb, out, j, u, sems):
            dst = pl.ds(base_row + j * CH, CH)
            return pltpu.make_async_copy(bb[u], out.at[dst], sems[u])

        def q_start(b, u):
            pltpu.async_copy(qt.at[vidx_v.at[b]], qbufs[u], qgsem)

        def q_wait(b, u):
            pltpu.make_async_copy(qt.at[vidx_v.at[b]], qbufs[u], qgsem).wait()

        def q_reduce(b, u):
            qb = qbufs[u]
            accs = tuple(qb[0, pl.ds(16 * l, 16)] for l in range(LANES))

            def row_add(r, a):
                return tuple(a[l] + qb[r, pl.ds(16 * l, 16)]
                             for l in range(LANES))

            accs = lax.fori_loop(1, S, row_add, accs)
            for l in range(LANES):
                qstag[b, pl.ds(16 * l, 16)] = accs[l]

        g_start(kt, kidx_v, kbufs, 0, 0, kgsem)
        g_start(vt, qidx_v, vbufs, 0, 0, vgsem)
        q_start(0, 0)

        def table_step(table, idx_v, bb, out, j, u, jj, sems, gsem):
            g_wait(table, idx_v, bb, j, u, gsem)
            w_descr(bb, out, j, u, sems).start()
            if u == 0:
                @pl.when(jj >= 1)
                def _():
                    w_descr(bb, out, j - 1, 1, sems).wait()
                g_start(table, idx_v, bb, j + 1, 1, gsem)
            else:
                w_descr(bb, out, j - 1, 0, sems).wait()

                @pl.when(jj < NCH // 2 - 1)
                def _():
                    g_start(table, idx_v, bb, j + 1, 0, gsem)

        def body(jj, _):
            for u in range(2):
                j = jj * 2 + u
                table_step(kt, kidx_v, kbufs, kg_out, j, u, jj, kwsems,
                           kgsem)
                b = 2 * j
                q_wait(b, 0)
                q_start(b + 1, 1)
                q_reduce(b, 0)
                table_step(vt, qidx_v, vbufs, vg_out, j, u, jj, vwsems,
                           vgsem)
                q_wait(b + 1, 1)
                if u == 0:
                    q_start(b + 2, 0)
                else:
                    @pl.when(jj < NCH // 2 - 1)
                    def _():
                        q_start(b + 2, 0)
                q_reduce(b + 1, 1)
            return 0

        lax.fori_loop(0, NCH // 2, body, 0)
        w_descr(kbufs, kg_out, NCH - 1, 1, kwsems).wait()
        w_descr(vbufs, vg_out, NCH - 1, 1, vwsems).wait()

        q_start(2 * NCH, 0)

        def q_tail(bb, _):
            for u in range(2):
                b = bb * 2 + u
                q_wait(b, u)
                if u == 0:
                    q_start(b + 1, 1)
                else:
                    @pl.when(bb < BPW // 2 - 1)
                    def _():
                        q_start(b + 1, 0)
                q_reduce(b, u)
            return 0

        lax.fori_loop(NCH, BPW // 2, q_tail, 0)
        pltpu.sync_copy(qstag, qs_out.at[pl.ds(base_b, BPW)])

    return sc(k_table, q_table, v_table, kidx3, qidx3, vidx3)


def _tc_body(kg_ref, vg_ref, qs_ref, ref_ref, freq_ref, out_ref):
    k = kg_ref[...]
    v = vg_ref[...]
    sidx = lax.broadcasted_iota(jnp.int32, k.shape, 1)
    valid = sidx < S
    qs = qs_ref[...] * (float(E) ** 0.5)
    t = jnp.where(valid, qs[:, None, :] * k, -1e30)
    m = jnp.max(t, axis=1, keepdims=True)
    p = jnp.exp(t - m)
    den = jnp.sum(p, axis=1)
    num = jnp.sum(p * jnp.where(valid, v, 0.0), axis=1)
    sub = num / den
    n = jnp.sqrt(jnp.sum(sub * sub, axis=1, keepdims=True))
    sub = sub / jnp.maximum(n, 1e-12)
    r = ref_ref[...]
    rn = jnp.sqrt(jnp.sum(r * r, axis=1, keepdims=True))
    r = r / jnp.maximum(rn, 1e-12)
    sq = jnp.sum((sub - r) ** 2, axis=1, keepdims=True) / float(E)
    out_ref[...] = 1.0 - sq * jnp.log(freq_ref[...])


def _tc_softmax(kg3, vg3, qsum, ref_vector, freq):
    BB = 256
    grid = (BS_ // BB,)
    return pl.pallas_call(
        _tc_body,
        grid=grid,
        in_specs=[
            pl.BlockSpec((BB, SP, E), lambda i: (i, 0, 0)),
            pl.BlockSpec((BB, SP, E), lambda i: (i, 0, 0)),
            pl.BlockSpec((BB, E), lambda i: (i, 0)),
            pl.BlockSpec((BB, E), lambda i: (i, 0)),
            pl.BlockSpec((BB, 1), lambda i: (i, 0)),
        ],
        out_specs=pl.BlockSpec((BB, 1), lambda i: (i, 0)),
        out_shape=jax.ShapeDtypeStruct((BS_, 1), jnp.float32),
    )(kg3, vg3, qsum, ref_vector, freq)


def kernel(k_idx, v_idx, q_idx, ref_vector, freq, q_table, k_table, v_table):
    ki = k_idx.astype(jnp.int32)
    qi = q_idx.astype(jnp.int32)
    kip = jnp.concatenate([ki, ki[:, :SP - S]], axis=1)
    qip = jnp.concatenate([qi, qi[:, :SP - S]], axis=1)
    vi = v_idx.astype(jnp.int32)

    outs = []
    for sl in range(NSLAB):
        lo, hi = sl * BS_, (sl + 1) * BS_
        kidx3 = kip[lo:hi].reshape(NW, NCH, CH)
        qidx3 = qip[lo:hi].reshape(NW, NCH, CH)
        vidx3 = vi[lo:hi].reshape(NW, BPW, S)
        kg, vg, qsum = _sc_gather(k_table, q_table, v_table,
                                  kidx3, qidx3, vidx3)
        kg3 = kg.reshape(BS_, SP, E)
        vg3 = vg.reshape(BS_, SP, E)
        outs.append(_tc_softmax(kg3, vg3, qsum,
                                ref_vector[lo:hi], freq[lo:hi]))
    return jnp.concatenate(outs, axis=0)

# --- scband reference (transcript-rebuilt; emitter-appended) ---
"""Pipeline reference for scband-sasaki-model-53077205844300 (READ-ONLY COPY).

The authoritative reference and input builder live on the scoring server;
editing this copy changes nothing except your own understanding.
"""

import jax, jax.numpy as jnp
import numpy as np

N_VOCAB = 100000
EMB = 128
B, S = 4096, 50


def setup_inputs(seed: int = 0) -> dict:
    key = jax.random.key(seed)
    ks = jax.random.split(key, 8)
    k_idx = jax.random.randint(ks[0], (B, S), 0, N_VOCAB)
    v_idx = jax.random.randint(ks[1], (B, S), 0, N_VOCAB)
    q_idx = jax.random.randint(ks[2], (B, S), 0, N_VOCAB)
    ref_vector = jax.random.normal(ks[3], (B, EMB), dtype=jnp.float32)
    freq = jax.random.uniform(ks[4], (B, 1), dtype=jnp.float32, minval=0.1, maxval=1.0)
    q_table = jax.random.normal(ks[5], (N_VOCAB, EMB), dtype=jnp.float32)
    k_table = jax.random.normal(ks[6], (N_VOCAB, EMB), dtype=jnp.float32)
    v_table = jax.random.normal(ks[7], (N_VOCAB, EMB), dtype=jnp.float32)
    return {"k_idx": k_idx, "v_idx": v_idx, "q_idx": q_idx,
            "ref_vector": ref_vector, "freq": freq,
            "q_table": q_table, "k_table": k_table, "v_table": v_table}


def _normalize(x, axis=1, eps=1e-12):
    n = jnp.linalg.norm(x, axis=axis, keepdims=True)
    return x / jnp.maximum(n, eps)


def reference(k_idx, v_idx, q_idx, ref_vector, freq, q_table, k_table, v_table):
    E = q_table.shape[1]
    # mask = -relu(-k_idx) * 10000, broadcast over the embedding dim
    mask = -jax.nn.relu(-k_idx.astype(jnp.float32)) * 10000.0  # (B, S)
    mask = mask[:, :, None]  # (B, S, 1) -> broadcasts to (B, S, E)
    # embedding gathers (SparseCore-friendly)
    k = jnp.take(k_table, k_idx, axis=0)  # (B, S, E)
    q = jnp.take(q_table, v_idx, axis=0)  # (B, S, E)  (note: v_idx -> q_embeddings, as in original)
    v = jnp.take(v_table, q_idx, axis=0)  # (B, S, E)  (note: q_idx -> v_embeddings, as in original)
    q = jnp.sum(q, axis=1, keepdims=True)  # (B, 1, E), broadcast over seq instead of repeat
    a = jax.nn.softmax(q * k * (float(E) ** 0.5) + mask, axis=1)
    sub_vector = jnp.sum(a * v, axis=1)  # (B, E)
    sub_vector = _normalize(sub_vector, axis=1)
    ref_n = _normalize(ref_vector, axis=1)
    sq_loss = jnp.sum((sub_vector - ref_n) ** 2 / float(E), axis=1, keepdims=True)  # (B, 1)
    sq_loss = sq_loss * jnp.log(freq)
    return 1.0 - sq_loss

if __name__ == "__main__":
    import jax
    _d = setup_inputs()
    print(jax.jit(kernel)(*tuple(_d.values())))

</pallas_src>

<mosaic_0001>
#map = affine_map<(d0, d1) -> (0, 0)>
#map1 = affine_map<(d0, d1) -> (0, 0, 0)>
module attributes {stable_mosaic.version = 14 : i64} {
  func.func @sc(%arg0: i32, %arg1: i32, %arg2: memref<100000x128xf32, #tpu.memory_space<hbm>>, %arg3: memref<100000x128xf32, #tpu.memory_space<hbm>>, %arg4: memref<100000x128xf32, #tpu.memory_space<hbm>>, %arg5: memref<32x28x128xi32, #tpu.memory_space<hbm>>, %arg6: memref<32x28x128xi32, #tpu.memory_space<hbm>>, %arg7: memref<32x64x50xi32, #tpu.memory_space<hbm>>, %arg8: memref<114688x128xf32, #tpu.memory_space<hbm>>, %arg9: memref<114688x128xf32, #tpu.memory_space<hbm>>, %arg10: memref<2048x128xf32, #tpu.memory_space<hbm>>, %arg11: memref<28x128xi32, #tpu.memory_space<vmem>>, %arg12: memref<28x128xi32, #tpu.memory_space<vmem>>, %arg13: memref<64x50xi32, #tpu.memory_space<vmem>>, %arg14: memref<128x128xf32, #tpu.memory_space<vmem>>, %arg15: memref<128x128xf32, #tpu.memory_space<vmem>>, %arg16: memref<128x128xf32, #tpu.memory_space<vmem>>, %arg17: memref<128x128xf32, #tpu.memory_space<vmem>>, %arg18: memref<50x128xf32, #tpu.memory_space<vmem>>, %arg19: memref<50x128xf32, #tpu.memory_space<vmem>>, %arg20: memref<64x128xf32, #tpu.memory_space<vmem>>, %arg21: memref<!tpu.dma_semaphore, #tpu.memory_space<semaphore_mem>>, %arg22: memref<!tpu.dma_semaphore, #tpu.memory_space<semaphore_mem>>, %arg23: memref<!tpu.dma_semaphore, #tpu.memory_space<semaphore_mem>>, %arg24: memref<!tpu.dma_semaphore, #tpu.memory_space<semaphore_mem>>, %arg25: memref<!tpu.dma_semaphore, #tpu.memory_space<semaphore_mem>>, %arg26: memref<!tpu.dma_semaphore, #tpu.memory_space<semaphore_mem>>, %arg27: memref<!tpu.dma_semaphore, #tpu.memory_space<semaphore_mem>>) attributes {dimension_semantics = [#tpu.dimension_semantics<core_parallel>, #tpu.dimension_semantics<subcore_parallel>], iteration_bounds = array<i64: 2, 16>, scalar_prefetch = 0 : i64, scratch_operands = 17 : i64, tpu.core_type = #tpu.core_type<sc_vector_subcore>, window_params = [{transform_indices = #map}, {transform_indices = #map}, {transform_indices = #map}, {transform_indices = #map1}, {transform_indices = #map1}, {transform_indices = #map1}, {transform_indices = #map}, {transform_indices = #map}, {transform_indices = #map}]} {
    %mul3A = arith.constant 16 : i32
    %mul3A_0 = arith.muli %arg0, %mul3A : i32
    %add3A = arith.addi %mul3A_0, %arg1 : i32
    %mul3A_1 = arith.constant 64 : i32
    %mul3A_2 = arith.muli %add3A, %mul3A_1 : i32
    %mul3A_3 = arith.constant 56 : i32
    %mul3A_4 = arith.muli %mul3A_2, %mul3A_3 : i32
    "tpu.region"() ({
      %run_scoped3A = tpu.sem_alloc : memref<!tpu.dma_semaphore, #tpu.memory_space<semaphore_mem>>
      %dma_start3A_56 = arith.constant 0 : i32
      %dma_start3A_57 = arith.constant 0 : i32
      %dma_start3A_58 = tpu.memref_slice %arg5[%add3A, %dma_start3A_56, %dma_start3A_57] : memref<32x28x128xi32, #tpu.memory_space<hbm>> -> memref<1x28x128xi32, #tpu.memory_space<hbm>>
      %dma_start3A_59 = tpu.memref_squeeze %dma_start3A_58 : memref<1x28x128xi32, #tpu.memory_space<hbm>> -> memref<28x128xi32, #tpu.memory_space<hbm>>
      %dma_start3A_60 = arith.constant 0 : i32
      %dma_start3A_61 = arith.constant 0 : i32
      %dma_start3A_62 = tpu.memref_slice %arg5[%add3A, %dma_start3A_60, %dma_start3A_61] : memref<32x28x128xi32, #tpu.memory_space<hbm>> -> memref<1x28x128xi32, #tpu.memory_space<hbm>>
      %dma_start3A_63 = tpu.memref_squeeze %dma_start3A_62 : memref<1x28x128xi32, #tpu.memory_space<hbm>> -> memref<28x128xi32, #tpu.memory_space<hbm>>
      tpu.enqueue_dma source(%dma_start3A_63 : memref<28x128xi32, #tpu.memory_space<hbm>>) target(%arg11 : memref<28x128xi32, #tpu.memory_space<vmem>>) target_semaphore(%run_scoped3A : memref<!tpu.dma_semaphore, #tpu.memory_space<semaphore_mem>>)
      %dma_wait3A_64 = arith.constant 0 : i32
      %dma_wait3A_65 = arith.constant 0 : i32
      %dma_wait3A_66 = tpu.memref_slice %arg5[%add3A, %dma_wait3A_64, %dma_wait3A_65] : memref<32x28x128xi32, #tpu.memory_space<hbm>> -> memref<1x28x128xi32, #tpu.memory_space<hbm>>
      %dma_wait3A_67 = tpu.memref_squeeze %dma_wait3A_66 : memref<1x28x128xi32, #tpu.memory_space<hbm>> -> memref<28x128xi32, #tpu.memory_space<hbm>>
      %dma_wait3A_68 = arith.constant 0 : i32
      %dma_wait3A_69 = arith.constant 0 : i32
      %dma_wait3A_70 = tpu.memref_slice %arg5[%add3A, %dma_wait3A_68, %dma_wait3A_69] : memref<32x28x128xi32, #tpu.memory_space<hbm>> -> memref<1x28x128xi32, #tpu.memory_space<hbm>>
      %dma_wait3A_71 = tpu.memref_squeeze %dma_wait3A_70 : memref<1x28x128xi32, #tpu.memory_space<hbm>> -> memref<28x128xi32, #tpu.memory_space<hbm>>
      tpu.wait_dma2 semaphore(%run_scoped3A : memref<!tpu.dma_semaphore, #tpu.memory_space<semaphore_mem>>) src(%dma_wait3A_71 : memref<28x128xi32, #tpu.memory_space<hbm>>) dst(%arg11 : memref<28x128xi32, #tpu.memory_space<vmem>>)
      tpu.yield
    }) : () -> ()
    "tpu.region"() ({
      %run_scoped3A = tpu.sem_alloc : memref<!tpu.dma_semaphore, #tpu.memory_space<semaphore_mem>>
      %dma_start3A_56 = arith.constant 0 : i32
      %dma_start3A_57 = arith.constant 0 : i32
      %dma_start3A_58 = tpu.memref_slice %arg6[%add3A, %dma_start3A_56, %dma_start3A_57] : memref<32x28x128xi32, #tpu.memory_space<hbm>> -> memref<1x28x128xi32, #tpu.memory_space<hbm>>
      %dma_start3A_59 = tpu.memref_squeeze %dma_start3A_58 : memref<1x28x128xi32, #tpu.memory_space<hbm>> -> memref<28x128xi32, #tpu.memory_space<hbm>>
      %dma_start3A_60 = arith.constant 0 : i32
      %dma_start3A_61 = arith.constant 0 : i32
      %dma_start3A_62 = tpu.memref_slice %arg6[%add3A, %dma_start3A_60, %dma_start3A_61] : memref<32x28x128xi32, #tpu.memory_space<hbm>> -> memref<1x28x128xi32, #tpu.memory_space<hbm>>
      %dma_start3A_63 = tpu.memref_squeeze %dma_start3A_62 : memref<1x28x128xi32, #tpu.memory_space<hbm>> -> memref<28x128xi32, #tpu.memory_space<hbm>>
      tpu.enqueue_dma source(%dma_start3A_63 : memref<28x128xi32, #tpu.memory_space<hbm>>) target(%arg12 : memref<28x128xi32, #tpu.memory_space<vmem>>) target_semaphore(%run_scoped3A : memref<!tpu.dma_semaphore, #tpu.memory_space<semaphore_mem>>)
      %dma_wait3A_64 = arith.constant 0 : i32
      %dma_wait3A_65 = arith.constant 0 : i32
      %dma_wait3A_66 = tpu.memref_slice %arg6[%add3A, %dma_wait3A_64, %dma_wait3A_65] : memref<32x28x128xi32, #tpu.memory_space<hbm>> -> memref<1x28x128xi32, #tpu.memory_space<hbm>>
      %dma_wait3A_67 = tpu.memref_squeeze %dma_wait3A_66 : memref<1x28x128xi32, #tpu.memory_space<hbm>> -> memref<28x128xi32, #tpu.memory_space<hbm>>
      %dma_wait3A_68 = arith.constant 0 : i32
      %dma_wait3A_69 = arith.constant 0 : i32
      %dma_wait3A_70 = tpu.memref_slice %arg6[%add3A, %dma_wait3A_68, %dma_wait3A_69] : memref<32x28x128xi32, #tpu.memory_space<hbm>> -> memref<1x28x128xi32, #tpu.memory_space<hbm>>
      %dma_wait3A_71 = tpu.memref_squeeze %dma_wait3A_70 : memref<1x28x128xi32, #tpu.memory_space<hbm>> -> memref<28x128xi32, #tpu.memory_space<hbm>>
      tpu.wait_dma2 semaphore(%run_scoped3A : memref<!tpu.dma_semaphore, #tpu.memory_space<semaphore_mem>>) src(%dma_wait3A_71 : memref<28x128xi32, #tpu.memory_space<hbm>>) dst(%arg12 : memref<28x128xi32, #tpu.memory_space<vmem>>)
      tpu.yield
    }) : () -> ()
    "tpu.region"() ({
      %run_scoped3A = tpu.sem_alloc : memref<!tpu.dma_semaphore, #tpu.memory_space<semaphore_mem>>
      %dma_start3A_56 = arith.constant 0 : i32
      %dma_start3A_57 = arith.constant 0 : i32
      %dma_start3A_58 = tpu.memref_slice %arg7[%add3A, %dma_start3A_56, %dma_start3A_57] : memref<32x64x50xi32, #tpu.memory_space<hbm>> -> memref<1x64x50xi32, #tpu.memory_space<hbm>>
      %dma_start3A_59 = tpu.memref_squeeze %dma_start3A_58 : memref<1x64x50xi32, #tpu.memory_space<hbm>> -> memref<64x50xi32, #tpu.memory_space<hbm>>
      %dma_start3A_60 = arith.constant 0 : i32
      %dma_start3A_61 = arith.constant 0 : i32
      %dma_start3A_62 = tpu.memref_slice %arg7[%add3A, %dma_start3A_60, %dma_start3A_61] : memref<32x64x50xi32, #tpu.memory_space<hbm>> -> memref<1x64x50xi32, #tpu.memory_space<hbm>>
      %dma_start3A_63 = tpu.memref_squeeze %dma_start3A_62 : memref<1x64x50xi32, #tpu.memory_space<hbm>> -> memref<64x50xi32, #tpu.memory_space<hbm>>
      tpu.enqueue_dma source(%dma_start3A_63 : memref<64x50xi32, #tpu.memory_space<hbm>>) target(%arg13 : memref<64x50xi32, #tpu.memory_space<vmem>>) target_semaphore(%run_scoped3A : memref<!tpu.dma_semaphore, #tpu.memory_space<semaphore_mem>>)
      %dma_wait3A_64 = arith.constant 0 : i32
      %dma_wait3A_65 = arith.constant 0 : i32
      %dma_wait3A_66 = tpu.memref_slice %arg7[%add3A, %dma_wait3A_64, %dma_wait3A_65] : memref<32x64x50xi32, #tpu.memory_space<hbm>> -> memref<1x64x50xi32, #tpu.memory_space<hbm>>
      %dma_wait3A_67 = tpu.memref_squeeze %dma_wait3A_66 : memref<1x64x50xi32, #tpu.memory_space<hbm>> -> memref<64x50xi32, #tpu.memory_space<hbm>>
      %dma_wait3A_68 = arith.constant 0 : i32
      %dma_wait3A_69 = arith.constant 0 : i32
      %dma_wait3A_70 = tpu.memref_slice %arg7[%add3A, %dma_wait3A_68, %dma_wait3A_69] : memref<32x64x50xi32, #tpu.memory_space<hbm>> -> memref<1x64x50xi32, #tpu.memory_space<hbm>>
      %dma_wait3A_71 = tpu.memref_squeeze %dma_wait3A_70 : memref<1x64x50xi32, #tpu.memory_space<hbm>> -> memref<64x50xi32, #tpu.memory_space<hbm>>
      tpu.wait_dma2 semaphore(%run_scoped3A : memref<!tpu.dma_semaphore, #tpu.memory_space<semaphore_mem>>) src(%dma_wait3A_71 : memref<64x50xi32, #tpu.memory_space<hbm>>) dst(%arg13 : memref<64x50xi32, #tpu.memory_space<vmem>>)
      tpu.yield
    }) : () -> ()
    %dma_start3A = arith.constant 0 : i32
    %dma_start3A_5 = arith.constant 0 : i32
    %dma_start3A_6 = tpu.memref_slice %arg11[%dma_start3A, %dma_start3A_5] : memref<28x128xi32, #tpu.memory_space<vmem>> -> memref<1x128xi32, #tpu.memory_space<vmem>>
    %dma_start3A_7 = tpu.memref_squeeze %dma_start3A_6 : memref<1x128xi32, #tpu.memory_space<vmem>> -> memref<128xi32, #tpu.memory_space<vmem>>
    %dma_start3A_8 = arith.constant 0 : i32
    %dma_start3A_9 = arith.constant 0 : i32
    %dma_start3A_10 = tpu.memref_slice %arg2[%dma_start3A_8, %dma_start3A_9] : memref<100000x128xf32, #tpu.memory_space<hbm>> -> memref<100000x128xf32, #tpu.memory_space<hbm>>
    tpu.enqueue_indirect_dma source(%dma_start3A_10 : memref<100000x128xf32, #tpu.memory_space<hbm>>) target(%arg14 : memref<128x128xf32, #tpu.memory_space<vmem>>) offsets(%dma_start3A_7 : memref<128xi32, #tpu.memory_space<vmem>>) semaphore(%arg21 : memref<!tpu.dma_semaphore, #tpu.memory_space<semaphore_mem>>)
    %dma_start3A_11 = arith.constant 0 : i32
    %dma_start3A_12 = arith.constant 0 : i32
    %dma_start3A_13 = tpu.memref_slice %arg12[%dma_start3A_11, %dma_start3A_12] : memref<28x128xi32, #tpu.memory_space<vmem>> -> memref<1x128xi32, #tpu.memory_space<vmem>>
    %dma_start3A_14 = tpu.memref_squeeze %dma_start3A_13 : memref<1x128xi32, #tpu.memory_space<vmem>> -> memref<128xi32, #tpu.memory_space<vmem>>
    %dma_start3A_15 = arith.constant 0 : i32
    %dma_start3A_16 = arith.constant 0 : i32
    %dma_start3A_17 = tpu.memref_slice %arg4[%dma_start3A_15, %dma_start3A_16] : memref<100000x128xf32, #tpu.memory_space<hbm>> -> memref<100000x128xf32, #tpu.memory_space<hbm>>
    tpu.enqueue_indirect_dma source(%dma_start3A_17 : memref<100000x128xf32, #tpu.memory_space<hbm>>) target(%arg16 : memref<128x128xf32, #tpu.memory_space<vmem>>) offsets(%dma_start3A_14 : memref<128xi32, #tpu.memory_space<vmem>>) semaphore(%arg22 : memref<!tpu.dma_semaphore, #tpu.memory_space<semaphore_mem>>)
    %dma_start3A_18 = arith.constant 0 : i32
    %dma_start3A_19 = arith.constant 0 : i32
    %dma_start3A_20 = tpu.memref_slice %arg13[%dma_start3A_18, %dma_start3A_19] : memref<64x50xi32, #tpu.memory_space<vmem>> -> memref<1x50xi32, #tpu.memory_space<vmem>>
    %dma_start3A_21 = tpu.memref_squeeze %dma_start3A_20 : memref<1x50xi32, #tpu.memory_space<vmem>> -> memref<50xi32, #tpu.memory_space<vmem>>
    %dma_start3A_22 = arith.constant 0 : i32
    %dma_start3A_23 = arith.constant 0 : i32
    %dma_start3A_24 = tpu.memref_slice %arg3[%dma_start3A_22, %dma_start3A_23] : memref<100000x128xf32, #tpu.memory_space<hbm>> -> memref<100000x128xf32, #tpu.memory_space<hbm>>
    tpu.enqueue_indirect_dma source(%dma_start3A_24 : memref<100000x128xf32, #tpu.memory_space<hbm>>) target(%arg18 : memref<50x128xf32, #tpu.memory_space<vmem>>) offsets(%dma_start3A_21 : memref<50xi32, #tpu.memory_space<vmem>>) semaphore(%arg23 : memref<!tpu.dma_semaphore, #tpu.memory_space<semaphore_mem>>)
    %scan3A = arith.constant 0 : i32
    %scan3A_25 = arith.constant 0 : i32
    %scan3A_26 = arith.constant 14 : i32
    %scan3A_27 = arith.addi %scan3A_25, %scan3A_26 : i32
    %scan3A_28 = arith.constant 1 : i32
    %scan3A_29 = scf.for %scan3A_56 = %scan3A_25 to %scan3A_27 step %scan3A_28 iter_args(%scan3A_57 = %scan3A) -> (i32)  : i32 {
      %mul3A_58 = arith.constant 2 : i32
      %mul3A_59 = arith.muli %scan3A_56, %mul3A_58 : i32
      %add3A_60 = arith.constant 0 : i32
      %add3A_61 = arith.addi %mul3A_59, %add3A_60 : i32
      %dma_wait3A_62 = arith.constant 0 : i32
      %dma_wait3A_63 = tpu.memref_slice %arg11[%add3A_61, %dma_wait3A_62] : memref<28x128xi32, #tpu.memory_space<vmem>> -> memref<1x128xi32, #tpu.memory_space<vmem>>
      %dma_wait3A_64 = tpu.memref_squeeze %dma_wait3A_63 : memref<1x128xi32, #tpu.memory_space<vmem>> -> memref<128xi32, #tpu.memory_space<vmem>>
      %dma_wait3A_65 = arith.constant 0 : i32
      %dma_wait3A_66 = arith.constant 0 : i32
      %dma_wait3A_67 = tpu.memref_slice %arg2[%dma_wait3A_65, %dma_wait3A_66] : memref<100000x128xf32, #tpu.memory_space<hbm>> -> memref<100000x128xf32, #tpu.memory_space<hbm>>
      tpu.wait_indirect_dma semaphore(%arg21 : memref<!tpu.dma_semaphore, #tpu.memory_space<semaphore_mem>>) src(%dma_wait3A_67 : memref<100000x128xf32, #tpu.memory_space<hbm>>) dst(%arg14 : memref<128x128xf32, #tpu.memory_space<vmem>>)
      %mul3A_68 = arith.constant 128 : i32
      %mul3A_69 = arith.muli %add3A_61, %mul3A_68 : i32
      %add3A_70 = arith.addi %mul3A_4, %mul3A_69 : i32
      %dma_start3A_71 = arith.constant 0 : i32
      %dma_start3A_72 = tpu.memref_slice %arg8[%add3A_70, %dma_start3A_71] : memref<114688x128xf32, #tpu.memory_space<hbm>> -> memref<128x128xf32, #tpu.memory_space<hbm>>
      %dma_start3A_73 = arith.constant 0 : i32
      %dma_start3A_74 = tpu.memref_slice %arg8[%add3A_70, %dma_start3A_73] : memref<114688x128xf32, #tpu.memory_space<hbm>> -> memref<128x128xf32, #tpu.memory_space<hbm>>
      tpu.enqueue_dma source(%arg14 : memref<128x128xf32, #tpu.memory_space<vmem>>) target(%dma_start3A_74 : memref<128x128xf32, #tpu.memory_space<hbm>>) target_semaphore(%arg24 : memref<!tpu.dma_semaphore, #tpu.memory_space<semaphore_mem>>)
      %ge3A = arith.constant 1 : i32
      %ge3A_75 = arith.cmpi sge, %scan3A_56, %ge3A : i32
      %convert_element_type3A = arith.extui %ge3A_75 : i1 to i32
      %cond3A = arith.constant 0 : i32
      %cond3A_76 = arith.cmpi ne, %convert_element_type3A, %cond3A : i32
      scf.if %cond3A_76 {
        %sub3A_575 = arith.constant 1 : i32
        %sub3A_576 = arith.subi %add3A_61, %sub3A_575 : i32
        %mul3A_577 = arith.constant 128 : i32
        %mul3A_578 = arith.muli %sub3A_576, %mul3A_577 : i32
        %add3A_579 = arith.addi %mul3A_4, %mul3A_578 : i32
        %dma_wait3A_580 = arith.constant 0 : i32
        %dma_wait3A_581 = tpu.memref_slice %arg8[%add3A_579, %dma_wait3A_580] : memref<114688x128xf32, #tpu.memory_space<hbm>> -> memref<128x128xf32, #tpu.memory_space<hbm>>
        %dma_wait3A_582 = arith.constant 0 : i32
        %dma_wait3A_583 = tpu.memref_slice %arg8[%add3A_579, %dma_wait3A_582] : memref<114688x128xf32, #tpu.memory_space<hbm>> -> memref<128x128xf32, #tpu.memory_space<hbm>>
        tpu.wait_dma2 semaphore(%arg25 : memref<!tpu.dma_semaphore, #tpu.memory_space<semaphore_mem>>) src(%arg15 : memref<128x128xf32, #tpu.memory_space<vmem>>) dst(%dma_wait3A_583 : memref<128x128xf32, #tpu.memory_space<hbm>>)
      } else {
      }
      %add3A_77 = arith.constant 1 : i32
      %add3A_78 = arith.addi %add3A_61, %add3A_77 : i32
      %dma_start3A_79 = arith.constant 0 : i32
      %dma_start3A_80 = tpu.memref_slice %arg11[%add3A_78, %dma_start3A_79] : memref<28x128xi32, #tpu.memory_space<vmem>> -> memref<1x128xi32, #tpu.memory_space<vmem>>
      %dma_start3A_81 = tpu.memref_squeeze %dma_start3A_80 : memref<1x128xi32, #tpu.memory_space<vmem>> -> memref<128xi32, #tpu.memory_space<vmem>>
      %dma_start3A_82 = arith.constant 0 : i32
      %dma_start3A_83 = arith.constant 0 : i32
      %dma_start3A_84 = tpu.memref_slice %arg2[%dma_start3A_82, %dma_start3A_83] : memref<100000x128xf32, #tpu.memory_space<hbm>> -> memref<100000x128xf32, #tpu.memory_space<hbm>>
      tpu.enqueue_indirect_dma source(%dma_start3A_84 : memref<100000x128xf32, #tpu.memory_space<hbm>>) target(%arg15 : memref<128x128xf32, #tpu.memory_space<vmem>>) offsets(%dma_start3A_81 : memref<128xi32, #tpu.memory_space<vmem>>) semaphore(%arg21 : memref<!tpu.dma_semaphore, #tpu.memory_space<semaphore_mem>>)
      %mul3A_85 = arith.constant 2 : i32
      %mul3A_86 = arith.muli %mul3A_85, %add3A_61 : i32
      %dma_wait3A_87 = arith.constant 0 : i32
      %dma_wait3A_88 = tpu.memref_slice %arg13[%mul3A_86, %dma_wait3A_87] : memref<64x50xi32, #tpu.memory_space<vmem>> -> memref<1x50xi32, #tpu.memory_space<vmem>>
      %dma_wait3A_89 = tpu.memref_squeeze %dma_wait3A_88 : memref<1x50xi32, #tpu.memory_space<vmem>> -> memref<50xi32, #tpu.memory_space<vmem>>
      %dma_wait3A_90 = arith.constant 0 : i32
      %dma_wait3A_91 = arith.constant 0 : i32
      %dma_wait3A_92 = tpu.memref_slice %arg3[%dma_wait3A_90, %dma_wait3A_91] : memref<100000x128xf32, #tpu.memory_space<hbm>> -> memref<100000x128xf32, #tpu.memory_space<hbm>>
      tpu.wait_indirect_dma semaphore(%arg23 : memref<!tpu.dma_semaphore, #tpu.memory_space<semaphore_mem>>) src(%dma_wait3A_92 : memref<100000x128xf32, #tpu.memory_space<hbm>>) dst(%arg18 : memref<50x128xf32, #tpu.memory_space<vmem>>)
      %add3A_93 = arith.constant 1 : i32
      %add3A_94 = arith.addi %mul3A_86, %add3A_93 : i32
      %dma_start3A_95 = arith.constant 0 : i32
      %dma_start3A_96 = tpu.memref_slice %arg13[%add3A_94, %dma_start3A_95] : memref<64x50xi32, #tpu.memory_space<vmem>> -> memref<1x50xi32, #tpu.memory_space<vmem>>
      %dma_start3A_97 = tpu.memref_squeeze %dma_start3A_96 : memref<1x50xi32, #tpu.memory_space<vmem>> -> memref<50xi32, #tpu.memory_space<vmem>>
      %dma_start3A_98 = arith.constant 0 : i32
      %dma_start3A_99 = arith.constant 0 : i32
      %dma_start3A_100 = tpu.memref_slice %arg3[%dma_start3A_98, %dma_start3A_99] : memref<100000x128xf32, #tpu.memory_space<hbm>> -> memref<100000x128xf32, #tpu.memory_space<hbm>>
      tpu.enqueue_indirect_dma source(%dma_start3A_100 : memref<100000x128xf32, #tpu.memory_space<hbm>>) target(%arg19 : memref<50x128xf32, #tpu.memory_space<vmem>>) offsets(%dma_start3A_97 : memref<50xi32, #tpu.memory_space<vmem>>) semaphore(%arg23 : memref<!tpu.dma_semaphore, #tpu.memory_space<semaphore_mem>>)
      %get3A = arith.constant 0 : i32
      %get3A_101 = arith.index_cast %get3A : i32 to index
      %get3A_102 = arith.constant 0 : index
      %get3A_103 = tpu.vector_load %arg18[%get3A_101, %get3A_102] {strides = array<i32>} : memref<50x128xf32, #tpu.memory_space<vmem>>, vector<1x16xf32>,
      %get3A_104 = vector.shape_cast %get3A_103 : vector<1x16xf32> to vector<16xf32>
      %get3A_105 = arith.constant 0 : i32
      %get3A_106 = arith.index_cast %get3A_105 : i32 to index
      %get3A_107 = arith.constant 16 : index
      %get3A_108 = tpu.vector_load %arg18[%get3A_106, %get3A_107] {strides = array<i32>} : memref<50x128xf32, #tpu.memory_space<vmem>>, vector<1x16xf32>,
      %get3A_109 = vector.shape_cast %get3A_108 : vector<1x16xf32> to vector<16xf32>
      %get3A_110 = arith.constant 0 : i32
      %get3A_111 = arith.index_cast %get3A_110 : i32 to index
      %get3A_112 = arith.constant 32 : index
      %get3A_113 = tpu.vector_load %arg18[%get3A_111, %get3A_112] {strides = array<i32>} : memref<50x128xf32, #tpu.memory_space<vmem>>, vector<1x16xf32>,
      %get3A_114 = vector.shape_cast %get3A_113 : vector<1x16xf32> to vector<16xf32>
      %get3A_115 = arith.constant 0 : i32
      %get3A_116 = arith.index_cast %get3A_115 : i32 to index
      %get3A_117 = arith.constant 48 : index
      %get3A_118 = tpu.vector_load %arg18[%get3A_116, %get3A_117] {strides = array<i32>} : memref<50x128xf32, #tpu.memory_space<vmem>>, vector<1x16xf32>,
      %get3A_119 = vector.shape_cast %get3A_118 : vector<1x16xf32> to vector<16xf32>
      %get3A_120 = arith.constant 0 : i32
      %get3A_121 = arith.index_cast %get3A_120 : i32 to index
      %get3A_122 = arith.constant 64 : index
      %get3A_123 = tpu.vector_load %arg18[%get3A_121, %get3A_122] {strides = array<i32>} : memref<50x128xf32, #tpu.memory_space<vmem>>, vector<1x16xf32>,
      %get3A_124 = vector.shape_cast %get3A_123 : vector<1x16xf32> to vector<16xf32>
      %get3A_125 = arith.constant 0 : i32
      %get3A_126 = arith.index_cast %get3A_125 : i32 to index
      %get3A_127 = arith.constant 80 : index
      %get3A_128 = tpu.vector_load %arg18[%get3A_126, %get3A_127] {strides = array<i32>} : memref<50x128xf32, #tpu.memory_space<vmem>>, vector<1x16xf32>,
      %get3A_129 = vector.shape_cast %get3A_128 : vector<1x16xf32> to vector<16xf32>
      %get3A_130 = arith.constant 0 : i32
      %get3A_131 = arith.index_cast %get3A_130 : i32 to index
      %get3A_132 = arith.constant 96 : index
      %get3A_133 = tpu.vector_load %arg18[%get3A_131, %get3A_132] {strides = array<i32>} : memref<50x128xf32, #tpu.memory_space<vmem>>, vector<1x16xf32>,
      %get3A_134 = vector.shape_cast %get3A_133 : vector<1x16xf32> to vector<16xf32>
      %get3A_135 = arith.constant 0 : i32
      %get3A_136 = arith.index_cast %get3A_135 : i32 to index
      %get3A_137 = arith.constant 112 : index
      %get3A_138 = tpu.vector_load %arg18[%get3A_136, %get3A_137] {strides = array<i32>} : memref<50x128xf32, #tpu.memory_space<vmem>>, vector<1x16xf32>,
      %get3A_139 = vector.shape_cast %get3A_138 : vector<1x16xf32> to vector<16xf32>
      %scan3A_140 = arith.constant 1 : i32
      %scan3A_141 = arith.constant 49 : i32
      %scan3A_142 = arith.addi %scan3A_140, %scan3A_141 : i32
      %scan3A_143 = arith.constant 1 : i32
      %scan3A_144:8 = scf.for %scan3A_575 = %scan3A_140 to %scan3A_142 step %scan3A_143 iter_args(%scan3A_576 = %get3A_104, %scan3A_577 = %get3A_109, %scan3A_578 = %get3A_114, %scan3A_579 = %get3A_119, %scan3A_580 = %get3A_124, %scan3A_581 = %get3A_129, %scan3A_582 = %get3A_134, %scan3A_583 = %get3A_139) -> (vector<16xf32>, vector<16xf32>, vector<16xf32>, vector<16xf32>, vector<16xf32>, vector<16xf32>, vector<16xf32>, vector<16xf32>)  : i32 {
        %get3A_584 = arith.index_cast %scan3A_575 : i32 to index
        %get3A_585 = arith.constant 0 : index
        %get3A_586 = tpu.vector_load %arg18[%get3A_584, %get3A_585] {strides = array<i32>} : memref<50x128xf32, #tpu.memory_space<vmem>>, vector<1x16xf32>,
        %get3A_587 = vector.shape_cast %get3A_586 : vector<1x16xf32> to vector<16xf32>
        %add3A_588 = arith.addf %scan3A_576, %get3A_587 : vector<16xf32>
        %get3A_589 = arith.index_cast %scan3A_575 : i32 to index
        %get3A_590 = arith.constant 16 : index
        %get3A_591 = tpu.vector_load %arg18[%get3A_589, %get3A_590] {strides = array<i32>} : memref<50x128xf32, #tpu.memory_space<vmem>>, vector<1x16xf32>,
        %get3A_592 = vector.shape_cast %get3A_591 : vector<1x16xf32> to vector<16xf32>
        %add3A_593 = arith.addf %scan3A_577, %get3A_592 : vector<16xf32>
        %get3A_594 = arith.index_cast %scan3A_575 : i32 to index
        %get3A_595 = arith.constant 32 : index
        %get3A_596 = tpu.vector_load %arg18[%get3A_594, %get3A_595] {strides = array<i32>} : memref<50x128xf32, #tpu.memory_space<vmem>>, vector<1x16xf32>,
        %get3A_597 = vector.shape_cast %get3A_596 : vector<1x16xf32> to vector<16xf32>
        %add3A_598 = arith.addf %scan3A_578, %get3A_597 : vector<16xf32>
        %get3A_599 = arith.index_cast %scan3A_575 : i32 to index
        %get3A_600 = arith.constant 48 : index
        %get3A_601 = tpu.vector_load %arg18[%get3A_599, %get3A_600] {strides = array<i32>} : memref<50x128xf32, #tpu.memory_space<vmem>>, vector<1x16xf32>,
        %get3A_602 = vector.shape_cast %get3A_601 : vector<1x16xf32> to vector<16xf32>
        %add3A_603 = arith.addf %scan3A_579, %get3A_602 : vector<16xf32>
        %get3A_604 = arith.index_cast %scan3A_575 : i32 to index
        %get3A_605 = arith.constant 64 : index
        %get3A_606 = tpu.vector_load %arg18[%get3A_604, %get3A_605] {strides = array<i32>} : memref<50x128xf32, #tpu.memory_space<vmem>>, vector<1x16xf32>,
        %get3A_607 = vector.shape_cast %get3A_606 : vector<1x16xf32> to vector<16xf32>
        %add3A_608 = arith.addf %scan3A_580, %get3A_607 : vector<16xf32>
        %get3A_609 = arith.index_cast %scan3A_575 : i32 to index
        %get3A_610 = arith.constant 80 : index
        %get3A_611 = tpu.vector_load %arg18[%get3A_609, %get3A_610] {strides = array<i32>} : memref<50x128xf32, #tpu.memory_space<vmem>>, vector<1x16xf32>,
        %get3A_612 = vector.shape_cast %get3A_611 : vector<1x16xf32> to vector<16xf32>
        %add3A_613 = arith.addf %scan3A_581, %get3A_612 : vector<16xf32>
        %get3A_614 = arith.index_cast %scan3A_575 : i32 to index
        %get3A_615 = arith.constant 96 : index
        %get3A_616 = tpu.vector_load %arg18[%get3A_614, %get3A_615] {strides = array<i32>} : memref<50x128xf32, #tpu.memory_space<vmem>>, vector<1x16xf32>,
        %get3A_617 = vector.shape_cast %get3A_616 : vector<1x16xf32> to vector<16xf32>
        %add3A_618 = arith.addf %scan3A_582, %get3A_617 : vector<16xf32>
        %get3A_619 = arith.index_cast %scan3A_575 : i32 to index
        %get3A_620 = arith.constant 112 : index
        %get3A_621 = tpu.vector_load %arg18[%get3A_619, %get3A_620] {strides = array<i32>} : memref<50x128xf32, #tpu.memory_space<vmem>>, vector<1x16xf32>,
        %get3A_622 = vector.shape_cast %get3A_621 : vector<1x16xf32> to vector<16xf32>
        %add3A_623 = arith.addf %scan3A_583, %get3A_622 : vector<16xf32>
        scf.yield %add3A_588, %add3A_593, %add3A_598, %add3A_603, %add3A_608, %add3A_613, %add3A_618, %add3A_623 : vector<16xf32>, vector<16xf32>, vector<16xf32>, vector<16xf32>, vector<16xf32>, vector<16xf32>, vector<16xf32>, vector<16xf32>
      }
      %scan3A_145 = arith.constant 49 : i32
      %swap3A = arith.index_cast %mul3A_86 : i32 to index
      %swap3A_146 = arith.constant 0 : index
      %swap3A_147 = tpu.vector_load %arg20[%swap3A, %swap3A_146] {strides = array<i32>} : memref<64x128xf32, #tpu.memory_space<vmem>>, vector<1x16xf32>,
      %swap3A_148 = vector.shape_cast %swap3A_147 : vector<1x16xf32> to vector<16xf32>
      %swap3A_149 = vector.shape_cast %scan3A_144#0 : vector<16xf32> to vector<1x16xf32>
      tpu.vector_store %arg20[%swap3A, %swap3A_146], %swap3A_149 {strides = array<i32>} : memref<64x128xf32, #tpu.memory_space<vmem>>, vector<1x16xf32>,
      %swap3A_150 = arith.index_cast %mul3A_86 : i32 to index
      %swap3A_151 = arith.constant 16 : index
      %swap3A_152 = tpu.vector_load %arg20[%swap3A_150, %swap3A_151] {strides = array<i32>} : memref<64x128xf32, #tpu.memory_space<vmem>>, vector<1x16xf32>,
      %swap3A_153 = vector.shape_cast %swap3A_152 : vector<1x16xf32> to vector<16xf32>
      %swap3A_154 = vector.shape_cast %scan3A_144#1 : vector<16xf32> to vector<1x16xf32>
      tpu.vector_store %arg20[%swap3A_150, %swap3A_151], %swap3A_154 {strides = array<i32>} : memref<64x128xf32, #tpu.memory_space<vmem>>, vector<1x16xf32>,
      %swap3A_155 = arith.index_cast %mul3A_86 : i32 to index
      %swap3A_156 = arith.constant 32 : index
      %swap3A_157 = tpu.vector_load %arg20[%swap3A_155, %swap3A_156] {strides = array<i32>} : memref<64x128xf32, #tpu.memory_space<vmem>>, vector<1x16xf32>,
      %swap3A_158 = vector.shape_cast %swap3A_157 : vector<1x16xf32> to vector<16xf32>
      %swap3A_159 = vector.shape_cast %scan3A_144#2 : vector<16xf32> to vector<1x16xf32>
      tpu.vector_store %arg20[%swap3A_155, %swap3A_156], %swap3A_159 {strides = array<i32>} : memref<64x128xf32, #tpu.memory_space<vmem>>, vector<1x16xf32>,
      %swap3A_160 = arith.index_cast %mul3A_86 : i32 to index
      %swap3A_161 = arith.constant 48 : index
      %swap3A_162 = tpu.vector_load %arg20[%swap3A_160, %swap3A_161] {strides = array<i32>} : memref<64x128xf32, #tpu.memory_space<vmem>>, vector<1x16xf32>,
      %swap3A_163 = vector.shape_cast %swap3A_162 : vector<1x16xf32> to vector<16xf32>
      %swap3A_164 = vector.shape_cast %scan3A_144#3 : vector<16xf32> to vector<1x16xf32>
      tpu.vector_store %arg20[%swap3A_160, %swap3A_161], %swap3A_164 {strides = array<i32>} : memref<64x128xf32, #tpu.memory_space<vmem>>, vector<1x16xf32>,
      %swap3A_165 = arith.index_cast %mul3A_86 : i32 to index
      %swap3A_166 = arith.constant 64 : index
      %swap3A_167 = tpu.vector_load %arg20[%swap3A_165, %swap3A_166] {strides = array<i32>} : memref<64x128xf32, #tpu.memory_space<vmem>>, vector<1x16xf32>,
      %swap3A_168 = vector.shape_cast %swap3A_167 : vector<1x16xf32> to vector<16xf32>
      %swap3A_169 = vector.shape_cast %scan3A_144#4 : vector<16xf32> to vector<1x16xf32>
      tpu.vector_store %arg20[%swap3A_165, %swap3A_166], %swap3A_169 {strides = array<i32>} : memref<64x128xf32, #tpu.memory_space<vmem>>, vector<1x16xf32>,
      %swap3A_170 = arith.index_cast %mul3A_86 : i32 to index
      %swap3A_171 = arith.constant 80 : index
      %swap3A_172 = tpu.vector_load %arg20[%swap3A_170, %swap3A_171] {strides = array<i32>} : memref<64x128xf32, #tpu.memory_space<vmem>>, vector<1x16xf32>,
      %swap3A_173 = vector.shape_cast %swap3A_172 : vector<1x16xf32> to vector<16xf32>
      %swap3A_174 = vector.shape_cast %scan3A_144#5 : vector<16xf32> to vector<1x16xf32>
      tpu.vector_store %arg20[%swap3A_170, %swap3A_171], %swap3A_174 {strides = array<i32>} : memref<64x128xf32, #tpu.memory_space<vmem>>, vector<1x16xf32>,
      %swap3A_175 = arith.index_cast %mul3A_86 : i32 to index
      %swap3A_176 = arith.constant 96 : index
      %swap3A_177 = tpu.vector_load %arg20[%swap3A_175, %swap3A_176] {strides = array<i32>} : memref<64x128xf32, #tpu.memory_space<vmem>>, vector<1x16xf32>,
      %swap3A_178 = vector.shape_cast %swap3A_177 : vector<1x16xf32> to vector<16xf32>
      %swap3A_179 = vector.shape_cast %scan3A_144#6 : vector<16xf32> to vector<1x16xf32>
      tpu.vector_store %arg20[%swap3A_175, %swap3A_176], %swap3A_179 {strides = array<i32>} : memref<64x128xf32, #tpu.memory_space<vmem>>, vector<1x16xf32>,
      %swap3A_180 = arith.index_cast %mul3A_86 : i32 to index
      %swap3A_181 = arith.constant 112 : index
      %swap3A_182 = tpu.vector_load %arg20[%swap3A_180, %swap3A_181] {strides = array<i32>} : memref<64x128xf32, #tpu.memory_space<vmem>>, vector<1x16xf32>,
      %swap3A_183 = vector.shape_cast %swap3A_182 : vector<1x16xf32> to vector<16xf32>
      %swap3A_184 = vector.shape_cast %scan3A_144#7 : vector<16xf32> to vector<1x16xf32>
      tpu.vector_store %arg20[%swap3A_180, %swap3A_181], %swap3A_184 {strides = array<i32>} : memref<64x128xf32, #tpu.memory_space<vmem>>, vector<1x16xf32>,
      %dma_wait3A_185 = arith.constant 0 : i32
      %dma_wait3A_186 = tpu.memref_slice %arg12[%add3A_61, %dma_wait3A_185] : memref<28x128xi32, #tpu.memory_space<vmem>> -> memref<1x128xi32, #tpu.memory_space<vmem>>
      %dma_wait3A_187 = tpu.memref_squeeze %dma_wait3A_186 : memref<1x128xi32, #tpu.memory_space<vmem>> -> memref<128xi32, #tpu.memory_space<vmem>>
      %dma_wait3A_188 = arith.constant 0 : i32
      %dma_wait3A_189 = arith.constant 0 : i32
      %dma_wait3A_190 = tpu.memref_slice %arg4[%dma_wait3A_188, %dma_wait3A_189] : memref<100000x128xf32, #tpu.memory_space<hbm>> -> memref<100000x128xf32, #tpu.memory_space<hbm>>
      tpu.wait_indirect_dma semaphore(%arg22 : memref<!tpu.dma_semaphore, #tpu.memory_space<semaphore_mem>>) src(%dma_wait3A_190 : memref<100000x128xf32, #tpu.memory_space<hbm>>) dst(%arg16 : memref<128x128xf32, #tpu.memory_space<vmem>>)
      %mul3A_191 = arith.constant 128 : i32
      %mul3A_192 = arith.muli %add3A_61, %mul3A_191 : i32
      %add3A_193 = arith.addi %mul3A_4, %mul3A_192 : i32
      %dma_start3A_194 = arith.constant 0 : i32
      %dma_start3A_195 = tpu.memref_slice %arg9[%add3A_193, %dma_start3A_194] : memref<114688x128xf32, #tpu.memory_space<hbm>> -> memref<128x128xf32, #tpu.memory_space<hbm>>
      %dma_start3A_196 = arith.constant 0 : i32
      %dma_start3A_197 = tpu.memref_slice %arg9[%add3A_193, %dma_start3A_196] : memref<114688x128xf32, #tpu.memory_space<hbm>> -> memref<128x128xf32, #tpu.memory_space<hbm>>
      tpu.enqueue_dma source(%arg16 : memref<128x128xf32, #tpu.memory_space<vmem>>) target(%dma_start3A_197 : memref<128x128xf32, #tpu.memory_space<hbm>>) target_semaphore(%arg26 : memref<!tpu.dma_semaphore, #tpu.memory_space<semaphore_mem>>)
      %ge3A_198 = arith.constant 1 : i32
      %ge3A_199 = arith.cmpi sge, %scan3A_56, %ge3A_198 : i32
      %convert_element_type3A_200 = arith.extui %ge3A_199 : i1 to i32
      %cond3A_201 = arith.constant 0 : i32
      %cond3A_202 = arith.cmpi ne, %convert_element_type3A_200, %cond3A_201 : i32
      scf.if %cond3A_202 {
        %sub3A_575 = arith.constant 1 : i32
        %sub3A_576 = arith.subi %add3A_61, %sub3A_575 : i32
        %mul3A_577 = arith.constant 128 : i32
        %mul3A_578 = arith.muli %sub3A_576, %mul3A_577 : i32
        %add3A_579 = arith.addi %mul3A_4, %mul3A_578 : i32
        %dma_wait3A_580 = arith.constant 0 : i32
        %dma_wait3A_581 = tpu.memref_slice %arg9[%add3A_579, %dma_wait3A_580] : memref<114688x128xf32, #tpu.memory_space<hbm>> -> memref<128x128xf32, #tpu.memory_space<hbm>>
        %dma_wait3A_582 = arith.constant 0 : i32
        %dma_wait3A_583 = tpu.memref_slice %arg9[%add3A_579, %dma_wait3A_582] : memref<114688x128xf32, #tpu.memory_space<hbm>> -> memref<128x128xf32, #tpu.memory_space<hbm>>
        tpu.wait_dma2 semaphore(%arg27 : memref<!tpu.dma_semaphore, #tpu.memory_space<semaphore_mem>>) src(%arg17 : memref<128x128xf32, #tpu.memory_space<vmem>>) dst(%dma_wait3A_583 : memref<128x128xf32, #tpu.memory_space<hbm>>)
      } else {
      }
      %add3A_203 = arith.constant 1 : i32
      %add3A_204 = arith.addi %add3A_61, %add3A_203 : i32
      %dma_start3A_205 = arith.constant 0 : i32
      %dma_start3A_206 = tpu.memref_slice %arg12[%add3A_204, %dma_start3A_205] : memref<28x128xi32, #tpu.memory_space<vmem>> -> memref<1x128xi32, #tpu.memory_space<vmem>>
      %dma_start3A_207 = tpu.memref_squeeze %dma_start3A_206 : memref<1x128xi32, #tpu.memory_space<vmem>> -> memref<128xi32, #tpu.memory_space<vmem>>
      %dma_start3A_208 = arith.constant 0 : i32
      %dma_start3A_209 = arith.constant 0 : i32
      %dma_start3A_210 = tpu.memref_slice %arg4[%dma_start3A_208, %dma_start3A_209] : memref<100000x128xf32, #tpu.memory_space<hbm>> -> memref<100000x128xf32, #tpu.memory_space<hbm>>
      tpu.enqueue_indirect_dma source(%dma_start3A_210 : memref<100000x128xf32, #tpu.memory_space<hbm>>) target(%arg17 : memref<128x128xf32, #tpu.memory_space<vmem>>) offsets(%dma_start3A_207 : memref<128xi32, #tpu.memory_space<vmem>>) semaphore(%arg22 : memref<!tpu.dma_semaphore, #tpu.memory_space<semaphore_mem>>)
      %add3A_211 = arith.constant 1 : i32
      %add3A_212 = arith.addi %mul3A_86, %add3A_211 : i32
      %dma_wait3A_213 = arith.constant 0 : i32
      %dma_wait3A_214 = tpu.memref_slice %arg13[%add3A_212, %dma_wait3A_213] : memref<64x50xi32, #tpu.memory_space<vmem>> -> memref<1x50xi32, #tpu.memory_space<vmem>>
      %dma_wait3A_215 = tpu.memref_squeeze %dma_wait3A_214 : memref<1x50xi32, #tpu.memory_space<vmem>> -> memref<50xi32, #tpu.memory_space<vmem>>
      %dma_wait3A_216 = arith.constant 0 : i32
      %dma_wait3A_217 = arith.constant 0 : i32
      %dma_wait3A_218 = tpu.memref_slice %arg3[%dma_wait3A_216, %dma_wait3A_217] : memref<100000x128xf32, #tpu.memory_space<hbm>> -> memref<100000x128xf32, #tpu.memory_space<hbm>>
      tpu.wait_indirect_dma semaphore(%arg23 : memref<!tpu.dma_semaphore, #tpu.memory_space<semaphore_mem>>) src(%dma_wait3A_218 : memref<100000x128xf32, #tpu.memory_space<hbm>>) dst(%arg19 : memref<50x128xf32, #tpu.memory_space<vmem>>)
      %add3A_219 = arith.constant 2 : i32
      %add3A_220 = arith.addi %mul3A_86, %add3A_219 : i32
      %dma_start3A_221 = arith.constant 0 : i32
      %dma_start3A_222 = tpu.memref_slice %arg13[%add3A_220, %dma_start3A_221] : memref<64x50xi32, #tpu.memory_space<vmem>> -> memref<1x50xi32, #tpu.memory_space<vmem>>
      %dma_start3A_223 = tpu.memref_squeeze %dma_start3A_222 : memref<1x50xi32, #tpu.memory_space<vmem>> -> memref<50xi32, #tpu.memory_space<vmem>>
      %dma_start3A_224 = arith.constant 0 : i32
      %dma_start3A_225 = arith.constant 0 : i32
      %dma_start3A_226 = tpu.memref_slice %arg3[%dma_start3A_224, %dma_start3A_225] : memref<100000x128xf32, #tpu.memory_space<hbm>> -> memref<100000x128xf32, #tpu.memory_space<hbm>>
      tpu.enqueue_indirect_dma source(%dma_start3A_226 : memref<100000x128xf32, #tpu.memory_space<hbm>>) target(%arg18 : memref<50x128xf32, #tpu.memory_space<vmem>>) offsets(%dma_start3A_223 : memref<50xi32, #tpu.memory_space<vmem>>) semaphore(%arg23 : memref<!tpu.dma_semaphore, #tpu.memory_space<semaphore_mem>>)
      %add3A_227 = arith.constant 1 : i32
      %add3A_228 = arith.addi %mul3A_86, %add3A_227 : i32
      %get3A_229 = arith.constant 0 : i32
      %get3A_230 = arith.index_cast %get3A_229 : i32 to index
      %get3A_231 = arith.constant 0 : index
      %get3A_232 = tpu.vector_load %arg19[%get3A_230, %get3A_231] {strides = array<i32>} : memref<50x128xf32, #tpu.memory_space<vmem>>, vector<1x16xf32>,
      %get3A_233 = vector.shape_cast %get3A_232 : vector<1x16xf32> to vector<16xf32>
      %get3A_234 = arith.constant 0 : i32
      %get3A_235 = arith.index_cast %get3A_234 : i32 to index
      %get3A_236 = arith.constant 16 : index
      %get3A_237 = tpu.vector_load %arg19[%get3A_235, %get3A_236] {strides = array<i32>} : memref<50x128xf32, #tpu.memory_space<vmem>>, vector<1x16xf32>,
      %get3A_238 = vector.shape_cast %get3A_237 : vector<1x16xf32> to vector<16xf32>
      %get3A_239 = arith.constant 0 : i32
      %get3A_240 = arith.index_cast %get3A_239 : i32 to index
      %get3A_241 = arith.constant 32 : index
      %get3A_242 = tpu.vector_load %arg19[%get3A_240, %get3A_241] {strides = array<i32>} : memref<50x128xf32, #tpu.memory_space<vmem>>, vector<1x16xf32>,
      %get3A_243 = vector.shape_cast %get3A_242 : vector<1x16xf32> to vector<16xf32>
      %get3A_244 = arith.constant 0 : i32
      %get3A_245 = arith.index_cast %get3A_244 : i32 to index
      %get3A_246 = arith.constant 48 : index
      %get3A_247 = tpu.vector_load %arg19[%get3A_245, %get3A_246] {strides = array<i32>} : memref<50x128xf32, #tpu.memory_space<vmem>>, vector<1x16xf32>,
      %get3A_248 = vector.shape_cast %get3A_247 : vector<1x16xf32> to vector<16xf32>
      %get3A_249 = arith.constant 0 : i32
      %get3A_250 = arith.index_cast %get3A_249 : i32 to index
      %get3A_251 = arith.constant 64 : index
      %get3A_252 = tpu.vector_load %arg19[%get3A_250, %get3A_251] {strides = array<i32>} : memref<50x128xf32, #tpu.memory_space<vmem>>, vector<1x16xf32>,
      %get3A_253 = vector.shape_cast %get3A_252 : vector<1x16xf32> to vector<16xf32>
      %get3A_254 = arith.constant 0 : i32
      %get3A_255 = arith.index_cast %get3A_254 : i32 to index
      %get3A_256 = arith.constant 80 : index
      %get3A_257 = tpu.vector_load %arg19[%get3A_255, %get3A_256] {strides = array<i32>} : memref<50x128xf32, #tpu.memory_space<vmem>>, vector<1x16xf32>,
      %get3A_258 = vector.shape_cast %get3A_257 : vector<1x16xf32> to vector<16xf32>
      %get3A_259 = arith.constant 0 : i32
      %get3A_260 = arith.index_cast %get3A_259 : i32 to index
      %get3A_261 = arith.constant 96 : index
      %get3A_262 = tpu.vector_load %arg19[%get3A_260, %get3A_261] {strides = array<i32>} : memref<50x128xf32, #tpu.memory_space<vmem>>, vector<1x16xf32>,
      %get3A_263 = vector.shape_cast %get3A_262 : vector<1x16xf32> to vector<16xf32>
      %get3A_264 = arith.constant 0 : i32
      %get3A_265 = arith.index_cast %get3A_264 : i32 to index
      %get3A_266 = arith.constant 112 : index
      %get3A_267 = tpu.vector_load %arg19[%get3A_265, %get3A_266] {strides = array<i32>} : memref<50x128xf32, #tpu.memory_space<vmem>>, vector<1x16xf32>,
      %get3A_268 = vector.shape_cast %get3A_267 : vector<1x16xf32> to vector<16xf32>
      %scan3A_269 = arith.constant 1 : i32
      %scan3A_270 = arith.constant 49 : i32
      %scan3A_271 = arith.addi %scan3A_269, %scan3A_270 : i32
      %scan3A_272 = arith.constant 1 : i32
      %scan3A_273:8 = scf.for %scan3A_575 = %scan3A_269 to %scan3A_271 step %scan3A_272 iter_args(%scan3A_576 = %get3A_233, %scan3A_577 = %get3A_238, %scan3A_578 = %get3A_243, %scan3A_579 = %get3A_248, %scan3A_580 = %get3A_253, %scan3A_581 = %get3A_258, %scan3A_582 = %get3A_263, %scan3A_583 = %get3A_268) -> (vector<16xf32>, vector<16xf32>, vector<16xf32>, vector<16xf32>, vector<16xf32>, vector<16xf32>, vector<16xf32>, vector<16xf32>)  : i32 {
        %get3A_584 = arith.index_cast %scan3A_575 : i32 to index
        %get3A_585 = arith.constant 0 : index
        %get3A_586 = tpu.vector_load %arg19[%get3A_584, %get3A_585] {strides = array<i32>} : memref<50x128xf32, #tpu.memory_space<vmem>>, vector<1x16xf32>,
        %get3A_587 = vector.shape_cast %get3A_586 : vector<1x16xf32> to vector<16xf32>
        %add3A_588 = arith.addf %scan3A_576, %get3A_587 : vector<16xf32>
        %get3A_589 = arith.index_cast %scan3A_575 : i32 to index
        %get3A_590 = arith.constant 16 : index
        %get3A_591 = tpu.vector_load %arg19[%get3A_589, %get3A_590] {strides = array<i32>} : memref<50x128xf32, #tpu.memory_space<vmem>>, vector<1x16xf32>,
        %get3A_592 = vector.shape_cast %get3A_591 : vector<1x16xf32> to vector<16xf32>
        %add3A_593 = arith.addf %scan3A_577, %get3A_592 : vector<16xf32>
        %get3A_594 = arith.index_cast %scan3A_575 : i32 to index
        %get3A_595 = arith.constant 32 : index
        %get3A_596 = tpu.vector_load %arg19[%get3A_594, %get3A_595] {strides = array<i32>} : memref<50x128xf32, #tpu.memory_space<vmem>>, vector<1x16xf32>,
        %get3A_597 = vector.shape_cast %get3A_596 : vector<1x16xf32> to vector<16xf32>
        %add3A_598 = arith.addf %scan3A_578, %get3A_597 : vector<16xf32>
        %get3A_599 = arith.index_cast %scan3A_575 : i32 to index
        %get3A_600 = arith.constant 48 : index
        %get3A_601 = tpu.vector_load %arg19[%get3A_599, %get3A_600] {strides = array<i32>} : memref<50x128xf32, #tpu.memory_space<vmem>>, vector<1x16xf32>,
        %get3A_602 = vector.shape_cast %get3A_601 : vector<1x16xf32> to vector<16xf32>
        %add3A_603 = arith.addf %scan3A_579, %get3A_602 : vector<16xf32>
        %get3A_604 = arith.index_cast %scan3A_575 : i32 to index
        %get3A_605 = arith.constant 64 : index
        %get3A_606 = tpu.vector_load %arg19[%get3A_604, %get3A_605] {strides = array<i32>} : memref<50x128xf32, #tpu.memory_space<vmem>>, vector<1x16xf32>,
        %get3A_607 = vector.shape_cast %get3A_606 : vector<1x16xf32> to vector<16xf32>
        %add3A_608 = arith.addf %scan3A_580, %get3A_607 : vector<16xf32>
        %get3A_609 = arith.index_cast %scan3A_575 : i32 to index
        %get3A_610 = arith.constant 80 : index
        %get3A_611 = tpu.vector_load %arg19[%get3A_609, %get3A_610] {strides = array<i32>} : memref<50x128xf32, #tpu.memory_space<vmem>>, vector<1x16xf32>,
        %get3A_612 = vector.shape_cast %get3A_611 : vector<1x16xf32> to vector<16xf32>
        %add3A_613 = arith.addf %scan3A_581, %get3A_612 : vector<16xf32>
        %get3A_614 = arith.index_cast %scan3A_575 : i32 to index
        %get3A_615 = arith.constant 96 : index
        %get3A_616 = tpu.vector_load %arg19[%get3A_614, %get3A_615] {strides = array<i32>} : memref<50x128xf32, #tpu.memory_space<vmem>>, vector<1x16xf32>,
        %get3A_617 = vector.shape_cast %get3A_616 : vector<1x16xf32> to vector<16xf32>
        %add3A_618 = arith.addf %scan3A_582, %get3A_617 : vector<16xf32>
        %get3A_619 = arith.index_cast %scan3A_575 : i32 to index
        %get3A_620 = arith.constant 112 : index
        %get3A_621 = tpu.vector_load %arg19[%get3A_619, %get3A_620] {strides = array<i32>} : memref<50x128xf32, #tpu.memory_space<vmem>>, vector<1x16xf32>,
        %get3A_622 = vector.shape_cast %get3A_621 : vector<1x16xf32> to vector<16xf32>
        %add3A_623 = arith.addf %scan3A_583, %get3A_622 : vector<16xf32>
        scf.yield %add3A_588, %add3A_593, %add3A_598, %add3A_603, %add3A_608, %add3A_613, %add3A_618, %add3A_623 : vector<16xf32>, vector<16xf32>, vector<16xf32>, vector<16xf32>, vector<16xf32>, vector<16xf32>, vector<16xf32>, vector<16xf32>
      }
      %scan3A_274 = arith.constant 49 : i32
      %swap3A_275 = arith.index_cast %add3A_228 : i32 to index
      %swap3A_276 = arith.constant 0 : index
      %swap3A_277 = tpu.vector_load %arg20[%swap3A_275, %swap3A_276] {strides = array<i32>} : memref<64x128xf32, #tpu.memory_space<vmem>>, vector<1x16xf32>,
      %swap3A_278 = vector.shape_cast %swap3A_277 : vector<1x16xf32> to vector<16xf32>
      %swap3A_279 = vector.shape_cast %scan3A_273#0 : vector<16xf32> to vector<1x16xf32>
      tpu.vector_store %arg20[%swap3A_275, %swap3A_276], %swap3A_279 {strides = array<i32>} : memref<64x128xf32, #tpu.memory_space<vmem>>, vector<1x16xf32>,
      %swap3A_280 = arith.index_cast %add3A_228 : i32 to index
      %swap3A_281 = arith.constant 16 : index
      %swap3A_282 = tpu.vector_load %arg20[%swap3A_280, %swap3A_281] {strides = array<i32>} : memref<64x128xf32, #tpu.memory_space<vmem>>, vector<1x16xf32>,
      %swap3A_283 = vector.shape_cast %swap3A_282 : vector<1x16xf32> to vector<16xf32>
      %swap3A_284 = vector.shape_cast %scan3A_273#1 : vector<16xf32> to vector<1x16xf32>
      tpu.vector_store %arg20[%swap3A_280, %swap3A_281], %swap3A_284 {strides = array<i32>} : memref<64x128xf32, #tpu.memory_space<vmem>>, vector<1x16xf32>,
      %swap3A_285 = arith.index_cast %add3A_228 : i32 to index
      %swap3A_286 = arith.constant 32 : index
      %swap3A_287 = tpu.vector_load %arg20[%swap3A_285, %swap3A_286] {strides = array<i32>} : memref<64x128xf32, #tpu.memory_space<vmem>>, vector<1x16xf32>,
      %swap3A_288 = vector.shape_cast %swap3A_287 : vector<1x16xf32> to vector<16xf32>
      %swap3A_289 = vector.shape_cast %scan3A_273#2 : vector<16xf32> to vector<1x16xf32>
      tpu.vector_store %arg20[%swap3A_285, %swap3A_286], %swap3A_289 {strides = array<i32>} : memref<64x128xf32, #tpu.memory_space<vmem>>, vector<1x16xf32>,
      %swap3A_290 = arith.index_cast %add3A_228 : i32 to index
      %swap3A_291 = arith.constant 48 : index
      %swap3A_292 = tpu.vector_load %arg20[%swap3A_290, %swap3A_291] {strides = array<i32>} : memref<64x128xf32, #tpu.memory_space<vmem>>, vector<1x16xf32>,
      %swap3A_293 = vector.shape_cast %swap3A_292 : vector<1x16xf32> to vector<16xf32>
      %swap3A_294 = vector.shape_cast %scan3A_273#3 : vector<16xf32> to vector<1x16xf32>
      tpu.vector_store %arg20[%swap3A_290, %swap3A_291], %swap3A_294 {strides = array<i32>} : memref<64x128xf32, #tpu.memory_space<vmem>>, vector<1x16xf32>,
      %swap3A_295 = arith.index_cast %add3A_228 : i32 to index
      %swap3A_296 = arith.constant 64 : index
      %swap3A_297 = tpu.vector_load %arg20[%swap3A_295, %swap3A_296] {strides = array<i32>} : memref<64x128xf32, #tpu.memory_space<vmem>>, vector<1x16xf32>,
      %swap3A_298 = vector.shape_cast %swap3A_297 : vector<1x16xf32> to vector<16xf32>
      %swap3A_299 = vector.shape_cast %scan3A_273#4 : vector<16xf32> to vector<1x16xf32>
      tpu.vector_store %arg20[%swap3A_295, %swap3A_296], %swap3A_299 {strides = array<i32>} : memref<64x128xf32, #tpu.memory_space<vmem>>, vector<1x16xf32>,
      %swap3A_300 = arith.index_cast %add3A_228 : i32 to index
      %swap3A_301 = arith.constant 80 : index
      %swap3A_302 = tpu.vector_load %arg20[%swap3A_300, %swap3A_301] {strides = array<i32>} : memref<64x128xf32, #tpu.memory_space<vmem>>, vector<1x16xf32>,
      %swap3A_303 = vector.shape_cast %swap3A_302 : vector<1x16xf32> to vector<16xf32>
      %swap3A_304 = vector.shape_cast %scan3A_273#5 : vector<16xf32> to vector<1x16xf32>
      tpu.vector_store %arg20[%swap3A_300, %swap3A_301], %swap3A_304 {strides = array<i32>} : memref<64x128xf32, #tpu.memory_space<vmem>>, vector<1x16xf32>,
      %swap3A_305 = arith.index_cast %add3A_228 : i32 to index
      %swap3A_306 = arith.constant 96 : index
      %swap3A_307 = tpu.vector_load %arg20[%swap3A_305, %swap3A_306] {strides = array<i32>} : memref<64x128xf32, #tpu.memory_space<vmem>>, vector<1x16xf32>,
      %swap3A_308 = vector.shape_cast %swap3A_307 : vector<1x16xf32> to vector<16xf32>
      %swap3A_309 = vector.shape_cast %scan3A_273#6 : vector<16xf32> to vector<1x16xf32>
      tpu.vector_store %arg20[%swap3A_305, %swap3A_306], %swap3A_309 {strides = array<i32>} : memref<64x128xf32, #tpu.memory_space<vmem>>, vector<1x16xf32>,
      %swap3A_310 = arith.index_cast %add3A_228 : i32 to index
      %swap3A_311 = arith.constant 112 : index
      %swap3A_312 = tpu.vector_load %arg20[%swap3A_310, %swap3A_311] {strides = array<i32>} : memref<64x128xf32, #tpu.memory_space<vmem>>, vector<1x16xf32>,
      %swap3A_313 = vector.shape_cast %swap3A_312 : vector<1x16xf32> to vector<16xf32>
      %swap3A_314 = vector.shape_cast %scan3A_273#7 : vector<16xf32> to vector<1x16xf32>
      tpu.vector_store %arg20[%swap3A_310, %swap3A_311], %swap3A_314 {strides = array<i32>} : memref<64x128xf32, #tpu.memory_space<vmem>>, vector<1x16xf32>,
      %mul3A_315 = arith.constant 2 : i32
      %mul3A_316 = arith.muli %scan3A_56, %mul3A_315 : i32
      %add3A_317 = arith.constant 1 : i32
      %add3A_318 = arith.addi %mul3A_316, %add3A_317 : i32
      %dma_wait3A_319 = arith.constant 0 : i32
      %dma_wait3A_320 = tpu.memref_slice %arg11[%add3A_318, %dma_wait3A_319] : memref<28x128xi32, #tpu.memory_space<vmem>> -> memref<1x128xi32, #tpu.memory_space<vmem>>
      %dma_wait3A_321 = tpu.memref_squeeze %dma_wait3A_320 : memref<1x128xi32, #tpu.memory_space<vmem>> -> memref<128xi32, #tpu.memory_space<vmem>>
      %dma_wait3A_322 = arith.constant 0 : i32
      %dma_wait3A_323 = arith.constant 0 : i32
      %dma_wait3A_324 = tpu.memref_slice %arg2[%dma_wait3A_322, %dma_wait3A_323] : memref<100000x128xf32, #tpu.memory_space<hbm>> -> memref<100000x128xf32, #tpu.memory_space<hbm>>
      tpu.wait_indirect_dma semaphore(%arg21 : memref<!tpu.dma_semaphore, #tpu.memory_space<semaphore_mem>>) src(%dma_wait3A_324 : memref<100000x128xf32, #tpu.memory_space<hbm>>) dst(%arg15 : memref<128x128xf32, #tpu.memory_space<vmem>>)
      %mul3A_325 = arith.constant 128 : i32
      %mul3A_326 = arith.muli %add3A_318, %mul3A_325 : i32
      %add3A_327 = arith.addi %mul3A_4, %mul3A_326 : i32
      %dma_start3A_328 = arith.constant 0 : i32
      %dma_start3A_329 = tpu.memref_slice %arg8[%add3A_327, %dma_start3A_328] : memref<114688x128xf32, #tpu.memory_space<hbm>> -> memref<128x128xf32, #tpu.memory_space<hbm>>
      %dma_start3A_330 = arith.constant 0 : i32
      %dma_start3A_331 = tpu.memref_slice %arg8[%add3A_327, %dma_start3A_330] : memref<114688x128xf32, #tpu.memory_space<hbm>> -> memref<128x128xf32, #tpu.memory_space<hbm>>
      tpu.enqueue_dma source(%arg15 : memref<128x128xf32, #tpu.memory_space<vmem>>) target(%dma_start3A_331 : memref<128x128xf32, #tpu.memory_space<hbm>>) target_semaphore(%arg25 : memref<!tpu.dma_semaphore, #tpu.memory_space<semaphore_mem>>)
      %sub3A = arith.constant 1 : i32
      %sub3A_332 = arith.subi %add3A_318, %sub3A : i32
      %mul3A_333 = arith.constant 128 : i32
      %mul3A_334 = arith.muli %sub3A_332, %mul3A_333 : i32
      %add3A_335 = arith.addi %mul3A_4, %mul3A_334 : i32
      %dma_wait3A_336 = arith.constant 0 : i32
      %dma_wait3A_337 = tpu.memref_slice %arg8[%add3A_335, %dma_wait3A_336] : memref<114688x128xf32, #tpu.memory_space<hbm>> -> memref<128x128xf32, #tpu.memory_space<hbm>>
      %dma_wait3A_338 = arith.constant 0 : i32
      %dma_wait3A_339 = tpu.memref_slice %arg8[%add3A_335, %dma_wait3A_338] : memref<114688x128xf32, #tpu.memory_space<hbm>> -> memref<128x128xf32, #tpu.memory_space<hbm>>
      tpu.wait_dma2 semaphore(%arg24 : memref<!tpu.dma_semaphore, #tpu.memory_space<semaphore_mem>>) src(%arg14 : memref<128x128xf32, #tpu.memory_space<vmem>>) dst(%dma_wait3A_339 : memref<128x128xf32, #tpu.memory_space<hbm>>)
      %lt3A = arith.constant 13 : i32
      %lt3A_340 = arith.cmpi slt, %scan3A_56, %lt3A : i32
      %convert_element_type3A_341 = arith.extui %lt3A_340 : i1 to i32
      %cond3A_342 = arith.constant 0 : i32
      %cond3A_343 = arith.cmpi ne, %convert_element_type3A_341, %cond3A_342 : i32
      scf.if %cond3A_343 {
        %add3A_575 = arith.constant 1 : i32
        %add3A_576 = arith.addi %add3A_318, %add3A_575 : i32
        %dma_start3A_577 = arith.constant 0 : i32
        %dma_start3A_578 = tpu.memref_slice %arg11[%add3A_576, %dma_start3A_577] : memref<28x128xi32, #tpu.memory_space<vmem>> -> memref<1x128xi32, #tpu.memory_space<vmem>>
        %dma_start3A_579 = tpu.memref_squeeze %dma_start3A_578 : memref<1x128xi32, #tpu.memory_space<vmem>> -> memref<128xi32, #tpu.memory_space<vmem>>
        %dma_start3A_580 = arith.constant 0 : i32
        %dma_start3A_581 = arith.constant 0 : i32
        %dma_start3A_582 = tpu.memref_slice %arg2[%dma_start3A_580, %dma_start3A_581] : memref<100000x128xf32, #tpu.memory_space<hbm>> -> memref<100000x128xf32, #tpu.memory_space<hbm>>
        tpu.enqueue_indirect_dma source(%dma_start3A_582 : memref<100000x128xf32, #tpu.memory_space<hbm>>) target(%arg14 : memref<128x128xf32, #tpu.memory_space<vmem>>) offsets(%dma_start3A_579 : memref<128xi32, #tpu.memory_space<vmem>>) semaphore(%arg21 : memref<!tpu.dma_semaphore, #tpu.memory_space<semaphore_mem>>)
      } else {
      }
      %mul3A_344 = arith.constant 2 : i32
      %mul3A_345 = arith.muli %mul3A_344, %add3A_318 : i32
      %dma_wait3A_346 = arith.constant 0 : i32
      %dma_wait3A_347 = tpu.memref_slice %arg13[%mul3A_345, %dma_wait3A_346] : memref<64x50xi32, #tpu.memory_space<vmem>> -> memref<1x50xi32, #tpu.memory_space<vmem>>
      %dma_wait3A_348 = tpu.memref_squeeze %dma_wait3A_347 : memref<1x50xi32, #tpu.memory_space<vmem>> -> memref<50xi32, #tpu.memory_space<vmem>>
      %dma_wait3A_349 = arith.constant 0 : i32
      %dma_wait3A_350 = arith.constant 0 : i32
      %dma_wait3A_351 = tpu.memref_slice %arg3[%dma_wait3A_349, %dma_wait3A_350] : memref<100000x128xf32, #tpu.memory_space<hbm>> -> memref<100000x128xf32, #tpu.memory_space<hbm>>
      tpu.wait_indirect_dma semaphore(%arg23 : memref<!tpu.dma_semaphore, #tpu.memory_space<semaphore_mem>>) src(%dma_wait3A_351 : memref<100000x128xf32, #tpu.memory_space<hbm>>) dst(%arg18 : memref<50x128xf32, #tpu.memory_space<vmem>>)
      %add3A_352 = arith.constant 1 : i32
      %add3A_353 = arith.addi %mul3A_345, %add3A_352 : i32
      %dma_start3A_354 = arith.constant 0 : i32
      %dma_start3A_355 = tpu.memref_slice %arg13[%add3A_353, %dma_start3A_354] : memref<64x50xi32, #tpu.memory_space<vmem>> -> memref<1x50xi32, #tpu.memory_space<vmem>>
      %dma_start3A_356 = tpu.memref_squeeze %dma_start3A_355 : memref<1x50xi32, #tpu.memory_space<vmem>> -> memref<50xi32, #tpu.memory_space<vmem>>
      %dma_start3A_357 = arith.constant 0 : i32
      %dma_start3A_358 = arith.constant 0 : i32
      %dma_start3A_359 = tpu.memref_slice %arg3[%dma_start3A_357, %dma_start3A_358] : memref<100000x128xf32, #tpu.memory_space<hbm>> -> memref<100000x128xf32, #tpu.memory_space<hbm>>
      tpu.enqueue_indirect_dma source(%dma_start3A_359 : memref<100000x128xf32, #tpu.memory_space<hbm>>) target(%arg19 : memref<50x128xf32, #tpu.memory_space<vmem>>) offsets(%dma_start3A_356 : memref<50xi32, #tpu.memory_space<vmem>>) semaphore(%arg23 : memref<!tpu.dma_semaphore, #tpu.memory_space<semaphore_mem>>)
      %get3A_360 = arith.constant 0 : i32
      %get3A_361 = arith.index_cast %get3A_360 : i32 to index
      %get3A_362 = arith.constant 0 : index
      %get3A_363 = tpu.vector_load %arg18[%get3A_361, %get3A_362] {strides = array<i32>} : memref<50x128xf32, #tpu.memory_space<vmem>>, vector<1x16xf32>,
      %get3A_364 = vector.shape_cast %get3A_363 : vector<1x16xf32> to vector<16xf32>
      %get3A_365 = arith.constant 0 : i32
      %get3A_366 = arith.index_cast %get3A_365 : i32 to index
      %get3A_367 = arith.constant 16 : index
      %get3A_368 = tpu.vector_load %arg18[%get3A_366, %get3A_367] {strides = array<i32>} : memref<50x128xf32, #tpu.memory_space<vmem>>, vector<1x16xf32>,
      %get3A_369 = vector.shape_cast %get3A_368 : vector<1x16xf32> to vector<16xf32>
      %get3A_370 = arith.constant 0 : i32
      %get3A_371 = arith.index_cast %get3A_370 : i32 to index
      %get3A_372 = arith.constant 32 : index
      %get3A_373 = tpu.vector_load %arg18[%get3A_371, %get3A_372] {strides = array<i32>} : memref<50x128xf32, #tpu.memory_space<vmem>>, vector<1x16xf32>,
      %get3A_374 = vector.shape_cast %get3A_373 : vector<1x16xf32> to vector<16xf32>
      %get3A_375 = arith.constant 0 : i32
      %get3A_376 = arith.index_cast %get3A_375 : i32 to index
      %get3A_377 = arith.constant 48 : index
      %get3A_378 = tpu.vector_load %arg18[%get3A_376, %get3A_377] {strides = array<i32>} : memref<50x128xf32, #tpu.memory_space<vmem>>, vector<1x16xf32>,
      %get3A_379 = vector.shape_cast %get3A_378 : vector<1x16xf32> to vector<16xf32>
      %get3A_380 = arith.constant 0 : i32
      %get3A_381 = arith.index_cast %get3A_380 : i32 to index
      %get3A_382 = arith.constant 64 : index
      %get3A_383 = tpu.vector_load %arg18[%get3A_381, %get3A_382] {strides = array<i32>} : memref<50x128xf32, #tpu.memory_space<vmem>>, vector<1x16xf32>,
      %get3A_384 = vector.shape_cast %get3A_383 : vector<1x16xf32> to vector<16xf32>
      %get3A_385 = arith.constant 0 : i32
      %get3A_386 = arith.index_cast %get3A_385 : i32 to index
      %get3A_387 = arith.constant 80 : index
      %get3A_388 = tpu.vector_load %arg18[%get3A_386, %get3A_387] {strides = array<i32>} : memref<50x128xf32, #tpu.memory_space<vmem>>, vector<1x16xf32>,
      %get3A_389 = vector.shape_cast %get3A_388 : vector<1x16xf32> to vector<16xf32>
      %get3A_390 = arith.constant 0 : i32
      %get3A_391 = arith.index_cast %get3A_390 : i32 to index
      %get3A_392 = arith.constant 96 : index
      %get3A_393 = tpu.vector_load %arg18[%get3A_391, %get3A_392] {strides = array<i32>} : memref<50x128xf32, #tpu.memory_space<vmem>>, vector<1x16xf32>,
      %get3A_394 = vector.shape_cast %get3A_393 : vector<1x16xf32> to vector<16xf32>
      %get3A_395 = arith.constant 0 : i32
      %get3A_396 = arith.index_cast %get3A_395 : i32 to index
      %get3A_397 = arith.constant 112 : index
      %get3A_398 = tpu.vector_load %arg18[%get3A_396, %get3A_397] {strides = array<i32>} : memref<50x128xf32, #tpu.memory_space<vmem>>, vector<1x16xf32>,
      %get3A_399 = vector.shape_cast %get3A_398 : vector<1x16xf32> to vector<16xf32>
      %scan3A_400 = arith.constant 1 : i32
      %scan3A_401 = arith.constant 49 : i32
      %scan3A_402 = arith.addi %scan3A_400, %scan3A_401 : i32
      %scan3A_403 = arith.constant 1 : i32
      %scan3A_404:8 = scf.for %scan3A_575 = %scan3A_400 to %scan3A_402 step %scan3A_403 iter_args(%scan3A_576 = %get3A_364, %scan3A_577 = %get3A_369, %scan3A_578 = %get3A_374, %scan3A_579 = %get3A_379, %scan3A_580 = %get3A_384, %scan3A_581 = %get3A_389, %scan3A_582 = %get3A_394, %scan3A_583 = %get3A_399) -> (vector<16xf32>, vector<16xf32>, vector<16xf32>, vector<16xf32>, vector<16xf32>, vector<16xf32>, vector<16xf32>, vector<16xf32>)  : i32 {
        %get3A_584 = arith.index_cast %scan3A_575 : i32 to index
        %get3A_585 = arith.constant 0 : index
        %get3A_586 = tpu.vector_load %arg18[%get3A_584, %get3A_585] {strides = array<i32>} : memref<50x128xf32, #tpu.memory_space<vmem>>, vector<1x16xf32>,
        %get3A_587 = vector.shape_cast %get3A_586 : vector<1x16xf32> to vector<16xf32>
        %add3A_588 = arith.addf %scan3A_576, %get3A_587 : vector<16xf32>
        %get3A_589 = arith.index_cast %scan3A_575 : i32 to index
        %get3A_590 = arith.constant 16 : index
        %get3A_591 = tpu.vector_load %arg18[%get3A_589, %get3A_590] {strides = array<i32>} : memref<50x128xf32, #tpu.memory_space<vmem>>, vector<1x16xf32>,
        %get3A_592 = vector.shape_cast %get3A_591 : vector<1x16xf32> to vector<16xf32>
        %add3A_593 = arith.addf %scan3A_577, %get3A_592 : vector<16xf32>
        %get3A_594 = arith.index_cast %scan3A_575 : i32 to index
        %get3A_595 = arith.constant 32 : index
        %get3A_596 = tpu.vector_load %arg18[%get3A_594, %get3A_595] {strides = array<i32>} : memref<50x128xf32, #tpu.memory_space<vmem>>, vector<1x16xf32>,
        %get3A_597 = vector.shape_cast %get3A_596 : vector<1x16xf32> to vector<16xf32>
        %add3A_598 = arith.addf %scan3A_578, %get3A_597 : vector<16xf32>
        %get3A_599 = arith.index_cast %scan3A_575 : i32 to index
        %get3A_600 = arith.constant 48 : index
        %get3A_601 = tpu.vector_load %arg18[%get3A_599, %get3A_600] {strides = array<i32>} : memref<50x128xf32, #tpu.memory_space<vmem>>, vector<1x16xf32>,
        %get3A_602 = vector.shape_cast %get3A_601 : vector<1x16xf32> to vector<16xf32>
        %add3A_603 = arith.addf %scan3A_579, %get3A_602 : vector<16xf32>
        %get3A_604 = arith.index_cast %scan3A_575 : i32 to index
        %get3A_605 = arith.constant 64 : index
        %get3A_606 = tpu.vector_load %arg18[%get3A_604, %get3A_605] {strides = array<i32>} : memref<50x128xf32, #tpu.memory_space<vmem>>, vector<1x16xf32>,
        %get3A_607 = vector.shape_cast %get3A_606 : vector<1x16xf32> to vector<16xf32>
        %add3A_608 = arith.addf %scan3A_580, %get3A_607 : vector<16xf32>
        %get3A_609 = arith.index_cast %scan3A_575 : i32 to index
        %get3A_610 = arith.constant 80 : index
        %get3A_611 = tpu.vector_load %arg18[%get3A_609, %get3A_610] {strides = array<i32>} : memref<50x128xf32, #tpu.memory_space<vmem>>, vector<1x16xf32>,
        %get3A_612 = vector.shape_cast %get3A_611 : vector<1x16xf32> to vector<16xf32>
        %add3A_613 = arith.addf %scan3A_581, %get3A_612 : vector<16xf32>
        %get3A_614 = arith.index_cast %scan3A_575 : i32 to index
        %get3A_615 = arith.constant 96 : index
        %get3A_616 = tpu.vector_load %arg18[%get3A_614, %get3A_615] {strides = array<i32>} : memref<50x128xf32, #tpu.memory_space<vmem>>, vector<1x16xf32>,
        %get3A_617 = vector.shape_cast %get3A_616 : vector<1x16xf32> to vector<16xf32>
        %add3A_618 = arith.addf %scan3A_582, %get3A_617 : vector<16xf32>
        %get3A_619 = arith.index_cast %scan3A_575 : i32 to index
        %get3A_620 = arith.constant 112 : index
        %get3A_621 = tpu.vector_load %arg18[%get3A_619, %get3A_620] {strides = array<i32>} : memref<50x128xf32, #tpu.memory_space<vmem>>, vector<1x16xf32>,
        %get3A_622 = vector.shape_cast %get3A_621 : vector<1x16xf32> to vector<16xf32>
        %add3A_623 = arith.addf %scan3A_583, %get3A_622 : vector<16xf32>
        scf.yield %add3A_588, %add3A_593, %add3A_598, %add3A_603, %add3A_608, %add3A_613, %add3A_618, %add3A_623 : vector<16xf32>, vector<16xf32>, vector<16xf32>, vector<16xf32>, vector<16xf32>, vector<16xf32>, vector<16xf32>, vector<16xf32>
      }
      %scan3A_405 = arith.constant 49 : i32
      %swap3A_406 = arith.index_cast %mul3A_345 : i32 to index
      %swap3A_407 = arith.constant 0 : index
      %swap3A_408 = tpu.vector_load %arg20[%swap3A_406, %swap3A_407] {strides = array<i32>} : memref<64x128xf32, #tpu.memory_space<vmem>>, vector<1x16xf32>,
      %swap3A_409 = vector.shape_cast %swap3A_408 : vector<1x16xf32> to vector<16xf32>
      %swap3A_410 = vector.shape_cast %scan3A_404#0 : vector<16xf32> to vector<1x16xf32>
      tpu.vector_store %arg20[%swap3A_406, %swap3A_407], %swap3A_410 {strides = array<i32>} : memref<64x128xf32, #tpu.memory_space<vmem>>, vector<1x16xf32>,
      %swap3A_411 = arith.index_cast %mul3A_345 : i32 to index
      %swap3A_412 = arith.constant 16 : index
      %swap3A_413 = tpu.vector_load %arg20[%swap3A_411, %swap3A_412] {strides = array<i32>} : memref<64x128xf32, #tpu.memory_space<vmem>>, vector<1x16xf32>,
      %swap3A_414 = vector.shape_cast %swap3A_413 : vector<1x16xf32> to vector<16xf32>
      %swap3A_415 = vector.shape_cast %scan3A_404#1 : vector<16xf32> to vector<1x16xf32>
      tpu.vector_store %arg20[%swap3A_411, %swap3A_412], %swap3A_415 {strides = array<i32>} : memref<64x128xf32, #tpu.memory_space<vmem>>, vector<1x16xf32>,
      %swap3A_416 = arith.index_cast %mul3A_345 : i32 to index
      %swap3A_417 = arith.constant 32 : index
      %swap3A_418 = tpu.vector_load %arg20[%swap3A_416, %swap3A_417] {strides = array<i32>} : memref<64x128xf32, #tpu.memory_space<vmem>>, vector<1x16xf32>,
      %swap3A_419 = vector.shape_cast %swap3A_418 : vector<1x16xf32> to vector<16xf32>
      %swap3A_420 = vector.shape_cast %scan3A_404#2 : vector<16xf32> to vector<1x16xf32>
      tpu.vector_store %arg20[%swap3A_416, %swap3A_417], %swap3A_420 {strides = array<i32>} : memref<64x128xf32, #tpu.memory_space<vmem>>, vector<1x16xf32>,
      %swap3A_421 = arith.index_cast %mul3A_345 : i32 to index
      %swap3A_422 = arith.constant 48 : index
      %swap3A_423 = tpu.vector_load %arg20[%swap3A_421, %swap3A_422] {strides = array<i32>} : memref<64x128xf32, #tpu.memory_space<vmem>>, vector<1x16xf32>,
      %swap3A_424 = vector.shape_cast %swap3A_423 : vector<1x16xf32> to vector<16xf32>
      %swap3A_425 = vector.shape_cast %scan3A_404#3 : vector<16xf32> to vector<1x16xf32>
      tpu.vector_store %arg20[%swap3A_421, %swap3A_422], %swap3A_425 {strides = array<i32>} : memref<64x128xf32, #tpu.memory_space<vmem>>, vector<1x16xf32>,
      %swap3A_426 = arith.index_cast %mul3A_345 : i32 to index
      %swap3A_427 = arith.constant 64 : index
      %swap3A_428 = tpu.vector_load %arg20[%swap3A_426, %swap3A_427] {strides = array<i32>} : memref<64x128xf32, #tpu.memory_space<vmem>>, vector<1x16xf32>,
      %swap3A_429 = vector.shape_cast %swap3A_428 : vector<1x16xf32> to vector<16xf32>
      %swap3A_430 = vector.shape_cast %scan3A_404#4 : vector<16xf32> to vector<1x16xf32>
      tpu.vector_store %arg20[%swap3A_426, %swap3A_427], %swap3A_430 {strides = array<i32>} : memref<64x128xf32, #tpu.memory_space<vmem>>, vector<1x16xf32>,
      %swap3A_431 = arith.index_cast %mul3A_345 : i32 to index
      %swap3A_432 = arith.constant 80 : index
      %swap3A_433 = tpu.vector_load %arg20[%swap3A_431, %swap3A_432] {strides = array<i32>} : memref<64x128xf32, #tpu.memory_space<vmem>>, vector<1x16xf32>,
      %swap3A_434 = vector.shape_cast %swap3A_433 : vector<1x16xf32> to vector<16xf32>
      %swap3A_435 = vector.shape_cast %scan3A_404#5 : vector<16xf32> to vector<1x16xf32>
      tpu.vector_store %arg20[%swap3A_431, %swap3A_432], %swap3A_435 {strides = array<i32>} : memref<64x128xf32, #tpu.memory_space<vmem>>, vector<1x16xf32>,
      %swap3A_436 = arith.index_cast %mul3A_345 : i32 to index
      %swap3A_437 = arith.constant 96 : index
      %swap3A_438 = tpu.vector_load %arg20[%swap3A_436, %swap3A_437] {strides = array<i32>} : memref<64x128xf32, #tpu.memory_space<vmem>>, vector<1x16xf32>,
      %swap3A_439 = vector.shape_cast %swap3A_438 : vector<1x16xf32> to vector<16xf32>
      %swap3A_440 = vector.shape_cast %scan3A_404#6 : vector<16xf32> to vector<1x16xf32>
      tpu.vector_store %arg20[%swap3A_436, %swap3A_437], %swap3A_440 {strides = array<i32>} : memref<64x128xf32, #tpu.memory_space<vmem>>, vector<1x16xf32>,
      %swap3A_441 = arith.index_cast %mul3A_345 : i32 to index
      %swap3A_442 = arith.constant 112 : index
      %swap3A_443 = tpu.vector_load %arg20[%swap3A_441, %swap3A_442] {strides = array<i32>} : memref<64x128xf32, #tpu.memory_space<vmem>>, vector<1x16xf32>,
      %swap3A_444 = vector.shape_cast %swap3A_443 : vector<1x16xf32> to vector<16xf32>
      %swap3A_445 = vector.shape_cast %scan3A_404#7 : vector<16xf32> to vector<1x16xf32>
      tpu.vector_store %arg20[%swap3A_441, %swap3A_442], %swap3A_445 {strides = array<i32>} : memref<64x128xf32, #tpu.memory_space<vmem>>, vector<1x16xf32>,
      %dma_wait3A_446 = arith.constant 0 : i32
      %dma_wait3A_447 = tpu.memref_slice %arg12[%add3A_318, %dma_wait3A_446] : memref<28x128xi32, #tpu.memory_space<vmem>> -> memref<1x128xi32, #tpu.memory_space<vmem>>
      %dma_wait3A_448 = tpu.memref_squeeze %dma_wait3A_447 : memref<1x128xi32, #tpu.memory_space<vmem>> -> memref<128xi32, #tpu.memory_space<vmem>>
      %dma_wait3A_449 = arith.constant 0 : i32
      %dma_wait3A_450 = arith.constant 0 : i32
      %dma_wait3A_451 = tpu.memref_slice %arg4[%dma_wait3A_449, %dma_wait3A_450] : memref<100000x128xf32, #tpu.memory_space<hbm>> -> memref<100000x128xf32, #tpu.memory_space<hbm>>
      tpu.wait_indirect_dma semaphore(%arg22 : memref<!tpu.dma_semaphore, #tpu.memory_space<semaphore_mem>>) src(%dma_wait3A_451 : memref<100000x128xf32, #tpu.memory_space<hbm>>) dst(%arg17 : memref<128x128xf32, #tpu.memory_space<vmem>>)
      %mul3A_452 = arith.constant 128 : i32
      %mul3A_453 = arith.muli %add3A_318, %mul3A_452 : i32
      %add3A_454 = arith.addi %mul3A_4, %mul3A_453 : i32
      %dma_start3A_455 = arith.constant 0 : i32
      %dma_start3A_456 = tpu.memref_slice %arg9[%add3A_454, %dma_start3A_455] : memref<114688x128xf32, #tpu.memory_space<hbm>> -> memref<128x128xf32, #tpu.memory_space<hbm>>
      %dma_start3A_457 = arith.constant 0 : i32
      %dma_start3A_458 = tpu.memref_slice %arg9[%add3A_454, %dma_start3A_457] : memref<114688x128xf32, #tpu.memory_space<hbm>> -> memref<128x128xf32, #tpu.memory_space<hbm>>
      tpu.enqueue_dma source(%arg17 : memref<128x128xf32, #tpu.memory_space<vmem>>) target(%dma_start3A_458 : memref<128x128xf32, #tpu.memory_space<hbm>>) target_semaphore(%arg27 : memref<!tpu.dma_semaphore, #tpu.memory_space<semaphore_mem>>)
      %sub3A_459 = arith.constant 1 : i32
      %sub3A_460 = arith.subi %add3A_318, %sub3A_459 : i32
      %mul3A_461 = arith.constant 128 : i32
      %mul3A_462 = arith.muli %sub3A_460, %mul3A_461 : i32
      %add3A_463 = arith.addi %mul3A_4, %mul3A_462 : i32
      %dma_wait3A_464 = arith.constant 0 : i32
      %dma_wait3A_465 = tpu.memref_slice %arg9[%add3A_463, %dma_wait3A_464] : memref<114688x128xf32, #tpu.memory_space<hbm>> -> memref<128x128xf32, #tpu.memory_space<hbm>>
      %dma_wait3A_466 = arith.constant 0 : i32
      %dma_wait3A_467 = tpu.memref_slice %arg9[%add3A_463, %dma_wait3A_466] : memref<114688x128xf32, #tpu.memory_space<hbm>> -> memref<128x128xf32, #tpu.memory_space<hbm>>
      tpu.wait_dma2 semaphore(%arg26 : memref<!tpu.dma_semaphore, #tpu.memory_space<semaphore_mem>>) src(%arg16 : memref<128x128xf32, #tpu.memory_space<vmem>>) dst(%dma_wait3A_467 : memref<128x128xf32, #tpu.memory_space<hbm>>)
      %lt3A_468 = arith.constant 13 : i32
      %lt3A_469 = arith.cmpi slt, %scan3A_56, %lt3A_468 : i32
      %convert_element_type3A_470 = arith.extui %lt3A_469 : i1 to i32
      %cond3A_471 = arith.constant 0 : i32
      %cond3A_472 = arith.cmpi ne, %convert_element_type3A_470, %cond3A_471 : i32
      scf.if %cond3A_472 {
        %add3A_575 = arith.constant 1 : i32
        %add3A_576 = arith.addi %add3A_318, %add3A_575 : i32
        %dma_start3A_577 = arith.constant 0 : i32
        %dma_start3A_578 = tpu.memref_slice %arg12[%add3A_576, %dma_start3A_577] : memref<28x128xi32, #tpu.memory_space<vmem>> -> memref<1x128xi32, #tpu.memory_space<vmem>>
        %dma_start3A_579 = tpu.memref_squeeze %dma_start3A_578 : memref<1x128xi32, #tpu.memory_space<vmem>> -> memref<128xi32, #tpu.memory_space<vmem>>
        %dma_start3A_580 = arith.constant 0 : i32
        %dma_start3A_581 = arith.constant 0 : i32
        %dma_start3A_582 = tpu.memref_slice %arg4[%dma_start3A_580, %dma_start3A_581] : memref<100000x128xf32, #tpu.memory_space<hbm>> -> memref<100000x128xf32, #tpu.memory_space<hbm>>
        tpu.enqueue_indirect_dma source(%dma_start3A_582 : memref<100000x128xf32, #tpu.memory_space<hbm>>) target(%arg16 : memref<128x128xf32, #tpu.memory_space<vmem>>) offsets(%dma_start3A_579 : memref<128xi32, #tpu.memory_space<vmem>>) semaphore(%arg22 : memref<!tpu.dma_semaphore, #tpu.memory_space<semaphore_mem>>)
      } else {
      }
      %add3A_473 = arith.constant 1 : i32
      %add3A_474 = arith.addi %mul3A_345, %add3A_473 : i32
      %dma_wait3A_475 = arith.constant 0 : i32
      %dma_wait3A_476 = tpu.memref_slice %arg13[%add3A_474, %dma_wait3A_475] : memref<64x50xi32, #tpu.memory_space<vmem>> -> memref<1x50xi32, #tpu.memory_space<vmem>>
      %dma_wait3A_477 = tpu.memref_squeeze %dma_wait3A_476 : memref<1x50xi32, #tpu.memory_space<vmem>> -> memref<50xi32, #tpu.memory_space<vmem>>
      %dma_wait3A_478 = arith.constant 0 : i32
      %dma_wait3A_479 = arith.constant 0 : i32
      %dma_wait3A_480 = tpu.memref_slice %arg3[%dma_wait3A_478, %dma_wait3A_479] : memref<100000x128xf32, #tpu.memory_space<hbm>> -> memref<100000x128xf32, #tpu.memory_space<hbm>>
      tpu.wait_indirect_dma semaphore(%arg23 : memref<!tpu.dma_semaphore, #tpu.memory_space<semaphore_mem>>) src(%dma_wait3A_480 : memref<100000x128xf32, #tpu.memory_space<hbm>>) dst(%arg19 : memref<50x128xf32, #tpu.memory_space<vmem>>)
      %lt3A_481 = arith.constant 13 : i32
      %lt3A_482 = arith.cmpi slt, %scan3A_56, %lt3A_481 : i32
      %convert_element_type3A_483 = arith.extui %lt3A_482 : i1 to i32
      %cond3A_484 = arith.constant 0 : i32
      %cond3A_485 = arith.cmpi ne, %convert_element_type3A_483, %cond3A_484 : i32
      scf.if %cond3A_485 {
        %add3A_575 = arith.constant 2 : i32
        %add3A_576 = arith.addi %mul3A_345, %add3A_575 : i32
        %dma_start3A_577 = arith.constant 0 : i32
        %dma_start3A_578 = tpu.memref_slice %arg13[%add3A_576, %dma_start3A_577] : memref<64x50xi32, #tpu.memory_space<vmem>> -> memref<1x50xi32, #tpu.memory_space<vmem>>
        %dma_start3A_579 = tpu.memref_squeeze %dma_start3A_578 : memref<1x50xi32, #tpu.memory_space<vmem>> -> memref<50xi32, #tpu.memory_space<vmem>>
        %dma_start3A_580 = arith.constant 0 : i32
        %dma_start3A_581 = arith.constant 0 : i32
        %dma_start3A_582 = tpu.memref_slice %arg3[%dma_start3A_580, %dma_start3A_581] : memref<100000x128xf32, #tpu.memory_space<hbm>> -> memref<100000x128xf32, #tpu.memory_space<hbm>>
        tpu.enqueue_indirect_dma source(%dma_start3A_582 : memref<100000x128xf32, #tpu.memory_space<hbm>>) target(%arg18 : memref<50x128xf32, #tpu.memory_space<vmem>>) offsets(%dma_start3A_579 : memref<50xi32, #tpu.memory_space<vmem>>) semaphore(%arg23 : memref<!tpu.dma_semaphore, #tpu.memory_space<semaphore_mem>>)
      } else {
      }
      %add3A_486 = arith.constant 1 : i32
      %add3A_487 = arith.addi %mul3A_345, %add3A_486 : i32
      %get3A_488 = arith.constant 0 : i32
      %get3A_489 = arith.index_cast %get3A_488 : i32 to index
      %get3A_490 = arith.constant 0 : index
      %get3A_491 = tpu.vector_load %arg19[%get3A_489, %get3A_490] {strides = array<i32>} : memref<50x128xf32, #tpu.memory_space<vmem>>, vector<1x16xf32>,
      %get3A_492 = vector.shape_cast %get3A_491 : vector<1x16xf32> to vector<16xf32>
      %get3A_493 = arith.constant 0 : i32
      %get3A_494 = arith.index_cast %get3A_493 : i32 to index
      %get3A_495 = arith.constant 16 : index
      %get3A_496 = tpu.vector_load %arg19[%get3A_494, %get3A_495] {strides = array<i32>} : memref<50x128xf32, #tpu.memory_space<vmem>>, vector<1x16xf32>,
      %get3A_497 = vector.shape_cast %get3A_496 : vector<1x16xf32> to vector<16xf32>
      %get3A_498 = arith.constant 0 : i32
      %get3A_499 = arith.index_cast %get3A_498 : i32 to index
      %get3A_500 = arith.constant 32 : index
      %get3A_501 = tpu.vector_load %arg19[%get3A_499, %get3A_500] {strides = array<i32>} : memref<50x128xf32, #tpu.memory_space<vmem>>, vector<1x16xf32>,
      %get3A_502 = vector.shape_cast %get3A_501 : vector<1x16xf32> to vector<16xf32>
      %get3A_503 = arith.constant 0 : i32
      %get3A_504 = arith.index_cast %get3A_503 : i32 to index
      %get3A_505 = arith.constant 48 : index
      %get3A_506 = tpu.vector_load %arg19[%get3A_504, %get3A_505] {strides = array<i32>} : memref<50x128xf32, #tpu.memory_space<vmem>>, vector<1x16xf32>,
      %get3A_507 = vector.shape_cast %get3A_506 : vector<1x16xf32> to vector<16xf32>
      %get3A_508 = arith.constant 0 : i32
      %get3A_509 = arith.index_cast %get3A_508 : i32 to index
      %get3A_510 = arith.constant 64 : index
      %get3A_511 = tpu.vector_load %arg19[%get3A_509, %get3A_510] {strides = array<i32>} : memref<50x128xf32, #tpu.memory_space<vmem>>, vector<1x16xf32>,
      %get3A_512 = vector.shape_cast %get3A_511 : vector<1x16xf32> to vector<16xf32>
      %get3A_513 = arith.constant 0 : i32
      %get3A_514 = arith.index_cast %get3A_513 : i32 to index
      %get3A_515 = arith.constant 80 : index
      %get3A_516 = tpu.vector_load %arg19[%get3A_514, %get3A_515] {strides = array<i32>} : memref<50x128xf32, #tpu.memory_space<vmem>>, vector<1x16xf32>,
      %get3A_517 = vector.shape_cast %get3A_516 : vector<1x16xf32> to vector<16xf32>
      %get3A_518 = arith.constant 0 : i32
      %get3A_519 = arith.index_cast %get3A_518 : i32 to index
      %get3A_520 = arith.constant 96 : index
      %get3A_521 = tpu.vector_load %arg19[%get3A_519, %get3A_520] {strides = array<i32>} : memref<50x128xf32, #tpu.memory_space<vmem>>, vector<1x16xf32>,
      %get3A_522 = vector.shape_cast %get3A_521 : vector<1x16xf32> to vector<16xf32>
      %get3A_523 = arith.constant 0 : i32
      %get3A_524 = arith.index_cast %get3A_523 : i32 to index
      %get3A_525 = arith.constant 112 : index
      %get3A_526 = tpu.vector_load %arg19[%get3A_524, %get3A_525] {strides = array<i32>} : memref<50x128xf32, #tpu.memory_space<vmem>>, vector<1x16xf32>,
      %get3A_527 = vector.shape_cast %get3A_526 : vector<1x16xf32> to vector<16xf32>
      %scan3A_528 = arith.constant 1 : i32
      %scan3A_529 = arith.constant 49 : i32
      %scan3A_530 = arith.addi %scan3A_528, %scan3A_529 : i32
      %scan3A_531 = arith.constant 1 : i32
      %scan3A_532:8 = scf.for %scan3A_575 = %scan3A_528 to %scan3A_530 step %scan3A_531 iter_args(%scan3A_576 = %get3A_492, %scan3A_577 = %get3A_497, %scan3A_578 = %get3A_502, %scan3A_579 = %get3A_507, %scan3A_580 = %get3A_512, %scan3A_581 = %get3A_517, %scan3A_582 = %get3A_522, %scan3A_583 = %get3A_527) -> (vector<16xf32>, vector<16xf32>, vector<16xf32>, vector<16xf32>, vector<16xf32>, vector<16xf32>, vector<16xf32>, vector<16xf32>)  : i32 {
        %get3A_584 = arith.index_cast %scan3A_575 : i32 to index
        %get3A_585 = arith.constant 0 : index
        %get3A_586 = tpu.vector_load %arg19[%get3A_584, %get3A_585] {strides = array<i32>} : memref<50x128xf32, #tpu.memory_space<vmem>>, vector<1x16xf32>,
        %get3A_587 = vector.shape_cast %get3A_586 : vector<1x16xf32> to vector<16xf32>
        %add3A_588 = arith.addf %scan3A_576, %get3A_587 : vector<16xf32>
        %get3A_589 = arith.index_cast %scan3A_575 : i32 to index
        %get3A_590 = arith.constant 16 : index
        %get3A_591 = tpu.vector_load %arg19[%get3A_589, %get3A_590] {strides = array<i32>} : memref<50x128xf32, #tpu.memory_space<vmem>>, vector<1x16xf32>,
        %get3A_592 = vector.shape_cast %get3A_591 : vector<1x16xf32> to vector<16xf32>
        %add3A_593 = arith.addf %scan3A_577, %get3A_592 : vector<16xf32>
        %get3A_594 = arith.index_cast %scan3A_575 : i32 to index
        %get3A_595 = arith.constant 32 : index
        %get3A_596 = tpu.vector_load %arg19[%get3A_594, %get3A_595] {strides = array<i32>} : memref<50x128xf32, #tpu.memory_space<vmem>>, vector<1x16xf32>,
        %get3A_597 = vector.shape_cast %get3A_596 : vector<1x16xf32> to vector<16xf32>
        %add3A_598 = arith.addf %scan3A_578, %get3A_597 : vector<16xf32>
        %get3A_599 = arith.index_cast %scan3A_575 : i32 to index
        %get3A_600 = arith.constant 48 : index
        %get3A_601 = tpu.vector_load %arg19[%get3A_599, %get3A_600] {strides = array<i32>} : memref<50x128xf32, #tpu.memory_space<vmem>>, vector<1x16xf32>,
        %get3A_602 = vector.shape_cast %get3A_601 : vector<1x16xf32> to vector<16xf32>
        %add3A_603 = arith.addf %scan3A_579, %get3A_602 : vector<16xf32>
        %get3A_604 = arith.index_cast %scan3A_575 : i32 to index
        %get3A_605 = arith.constant 64 : index
        %get3A_606 = tpu.vector_load %arg19[%get3A_604, %get3A_605] {strides = array<i32>} : memref<50x128xf32, #tpu.memory_space<vmem>>, vector<1x16xf32>,
        %get3A_607 = vector.shape_cast %get3A_606 : vector<1x16xf32> to vector<16xf32>
        %add3A_608 = arith.addf %scan3A_580, %get3A_607 : vector<16xf32>
        %get3A_609 = arith.index_cast %scan3A_575 : i32 to index
        %get3A_610 = arith.constant 80 : index
        %get3A_611 = tpu.vector_load %arg19[%get3A_609, %get3A_610] {strides = array<i32>} : memref<50x128xf32, #tpu.memory_space<vmem>>, vector<1x16xf32>,
        %get3A_612 = vector.shape_cast %get3A_611 : vector<1x16xf32> to vector<16xf32>
        %add3A_613 = arith.addf %scan3A_581, %get3A_612 : vector<16xf32>
        %get3A_614 = arith.index_cast %scan3A_575 : i32 to index
        %get3A_615 = arith.constant 96 : index
        %get3A_616 = tpu.vector_load %arg19[%get3A_614, %get3A_615] {strides = array<i32>} : memref<50x128xf32, #tpu.memory_space<vmem>>, vector<1x16xf32>,
        %get3A_617 = vector.shape_cast %get3A_616 : vector<1x16xf32> to vector<16xf32>
        %add3A_618 = arith.addf %scan3A_582, %get3A_617 : vector<16xf32>
        %get3A_619 = arith.index_cast %scan3A_575 : i32 to index
        %get3A_620 = arith.constant 112 : index
        %get3A_621 = tpu.vector_load %arg19[%get3A_619, %get3A_620] {strides = array<i32>} : memref<50x128xf32, #tpu.memory_space<vmem>>, vector<1x16xf32>,
        %get3A_622 = vector.shape_cast %get3A_621 : vector<1x16xf32> to vector<16xf32>
        %add3A_623 = arith.addf %scan3A_583, %get3A_622 : vector<16xf32>
        scf.yield %add3A_588, %add3A_593, %add3A_598, %add3A_603, %add3A_608, %add3A_613, %add3A_618, %add3A_623 : vector<16xf32>, vector<16xf32>, vector<16xf32>, vector<16xf32>, vector<16xf32>, vector<16xf32>, vector<16xf32>, vector<16xf32>
      }
      %scan3A_533 = arith.constant 49 : i32
      %swap3A_534 = arith.index_cast %add3A_487 : i32 to index
      %swap3A_535 = arith.constant 0 : index
      %swap3A_536 = tpu.vector_load %arg20[%swap3A_534, %swap3A_535] {strides = array<i32>} : memref<64x128xf32, #tpu.memory_space<vmem>>, vector<1x16xf32>,
      %swap3A_537 = vector.shape_cast %swap3A_536 : vector<1x16xf32> to vector<16xf32>
      %swap3A_538 = vector.shape_cast %scan3A_532#0 : vector<16xf32> to vector<1x16xf32>
      tpu.vector_store %arg20[%swap3A_534, %swap3A_535], %swap3A_538 {strides = array<i32>} : memref<64x128xf32, #tpu.memory_space<vmem>>, vector<1x16xf32>,
      %swap3A_539 = arith.index_cast %add3A_487 : i32 to index
      %swap3A_540 = arith.constant 16 : index
      %swap3A_541 = tpu.vector_load %arg20[%swap3A_539, %swap3A_540] {strides = array<i32>} : memref<64x128xf32, #tpu.memory_space<vmem>>, vector<1x16xf32>,
      %swap3A_542 = vector.shape_cast %swap3A_541 : vector<1x16xf32> to vector<16xf32>
      %swap3A_543 = vector.shape_cast %scan3A_532#1 : vector<16xf32> to vector<1x16xf32>
      tpu.vector_store %arg20[%swap3A_539, %swap3A_540], %swap3A_543 {strides = array<i32>} : memref<64x128xf32, #tpu.memory_space<vmem>>, vector<1x16xf32>,
      %swap3A_544 = arith.index_cast %add3A_487 : i32 to index
      %swap3A_545 = arith.constant 32 : index
      %swap3A_546 = tpu.vector_load %arg20[%swap3A_544, %swap3A_545] {strides = array<i32>} : memref<64x128xf32, #tpu.memory_space<vmem>>, vector<1x16xf32>,
      %swap3A_547 = vector.shape_cast %swap3A_546 : vector<1x16xf32> to vector<16xf32>
      %swap3A_548 = vector.shape_cast %scan3A_532#2 : vector<16xf32> to vector<1x16xf32>
      tpu.vector_store %arg20[%swap3A_544, %swap3A_545], %swap3A_548 {strides = array<i32>} : memref<64x128xf32, #tpu.memory_space<vmem>>, vector<1x16xf32>,
      %swap3A_549 = arith.index_cast %add3A_487 : i32 to index
      %swap3A_550 = arith.constant 48 : index
      %swap3A_551 = tpu.vector_load %arg20[%swap3A_549, %swap3A_550] {strides = array<i32>} : memref<64x128xf32, #tpu.memory_space<vmem>>, vector<1x16xf32>,
      %swap3A_552 = vector.shape_cast %swap3A_551 : vector<1x16xf32> to vector<16xf32>
      %swap3A_553 = vector.shape_cast %scan3A_532#3 : vector<16xf32> to vector<1x16xf32>
      tpu.vector_store %arg20[%swap3A_549, %swap3A_550], %swap3A_553 {strides = array<i32>} : memref<64x128xf32, #tpu.memory_space<vmem>>, vector<1x16xf32>,
      %swap3A_554 = arith.index_cast %add3A_487 : i32 to index
      %swap3A_555 = arith.constant 64 : index
      %swap3A_556 = tpu.vector_load %arg20[%swap3A_554, %swap3A_555] {strides = array<i32>} : memref<64x128xf32, #tpu.memory_space<vmem>>, vector<1x16xf32>,
      %swap3A_557 = vector.shape_cast %swap3A_556 : vector<1x16xf32> to vector<16xf32>
      %swap3A_558 = vector.shape_cast %scan3A_532#4 : vector<16xf32> to vector<1x16xf32>
      tpu.vector_store %arg20[%swap3A_554, %swap3A_555], %swap3A_558 {strides = array<i32>} : memref<64x128xf32, #tpu.memory_space<vmem>>, vector<1x16xf32>,
      %swap3A_559 = arith.index_cast %add3A_487 : i32 to index
      %swap3A_560 = arith.constant 80 : index
      %swap3A_561 = tpu.vector_load %arg20[%swap3A_559, %swap3A_560] {strides = array<i32>} : memref<64x128xf32, #tpu.memory_space<vmem>>, vector<1x16xf32>,
      %swap3A_562 = vector.shape_cast %swap3A_561 : vector<1x16xf32> to vector<16xf32>
      %swap3A_563 = vector.shape_cast %scan3A_532#5 : vector<16xf32> to vector<1x16xf32>
      tpu.vector_store %arg20[%swap3A_559, %swap3A_560], %swap3A_563 {strides = array<i32>} : memref<64x128xf32, #tpu.memory_space<vmem>>, vector<1x16xf32>,
      %swap3A_564 = arith.index_cast %add3A_487 : i32 to index
      %swap3A_565 = arith.constant 96 : index
      %swap3A_566 = tpu.vector_load %arg20[%swap3A_564, %swap3A_565] {strides = array<i32>} : memref<64x128xf32, #tpu.memory_space<vmem>>, vector<1x16xf32>,
      %swap3A_567 = vector.shape_cast %swap3A_566 : vector<1x16xf32> to vector<16xf32>
      %swap3A_568 = vector.shape_cast %scan3A_532#6 : vector<16xf32> to vector<1x16xf32>
      tpu.vector_store %arg20[%swap3A_564, %swap3A_565], %swap3A_568 {strides = array<i32>} : memref<64x128xf32, #tpu.memory_space<vmem>>, vector<1x16xf32>,
      %swap3A_569 = arith.index_cast %add3A_487 : i32 to index
      %swap3A_570 = arith.constant 112 : index
      %swap3A_571 = tpu.vector_load %arg20[%swap3A_569, %swap3A_570] {strides = array<i32>} : memref<64x128xf32, #tpu.memory_space<vmem>>, vector<1x16xf32>,
      %swap3A_572 = vector.shape_cast %swap3A_571 : vector<1x16xf32> to vector<16xf32>
      %swap3A_573 = vector.shape_cast %scan3A_532#7 : vector<16xf32> to vector<1x16xf32>
      tpu.vector_store %arg20[%swap3A_569, %swap3A_570], %swap3A_573 {strides = array<i32>} : memref<64x128xf32, #tpu.memory_space<vmem>>, vector<1x16xf32>,
      %scan3A_574 = arith.constant 0 : i32
      scf.yield %scan3A_574 : i32
    }
    %scan3A_30 = arith.constant 14 : i32
    %add3A_31 = arith.constant 3456 : i32
    %add3A_32 = arith.addi %mul3A_4, %add3A_31 : i32
    %dma_wait3A = arith.constant 0 : i32
    %dma_wait3A_33 = tpu.memref_slice %arg8[%add3A_32, %dma_wait3A] : memref<114688x128xf32, #tpu.memory_space<hbm>> -> memref<128x128xf32, #tpu.memory_space<hbm>>
    %dma_wait3A_34 = arith.constant 0 : i32
    %dma_wait3A_35 = tpu.memref_slice %arg8[%add3A_32, %dma_wait3A_34] : memref<114688x128xf32, #tpu.memory_space<hbm>> -> memref<128x128xf32, #tpu.memory_space<hbm>>
    tpu.wait_dma2 semaphore(%arg25 : memref<!tpu.dma_semaphore, #tpu.memory_space<semaphore_mem>>) src(%arg15 : memref<128x128xf32, #tpu.memory_space<vmem>>) dst(%dma_wait3A_35 : memref<128x128xf32, #tpu.memory_space<hbm>>)
    %add3A_36 = arith.constant 3456 : i32
    %add3A_37 = arith.addi %mul3A_4, %add3A_36 : i32
    %dma_wait3A_38 = arith.constant 0 : i32
    %dma_wait3A_39 = tpu.memref_slice %arg9[%add3A_37, %dma_wait3A_38] : memref<114688x128xf32, #tpu.memory_space<hbm>> -> memref<128x128xf32, #tpu.memory_space<hbm>>
    %dma_wait3A_40 = arith.constant 0 : i32
    %dma_wait3A_41 = tpu.memref_slice %arg9[%add3A_37, %dma_wait3A_40] : memref<114688x128xf32, #tpu.memory_space<hbm>> -> memref<128x128xf32, #tpu.memory_space<hbm>>
    tpu.wait_dma2 semaphore(%arg27 : memref<!tpu.dma_semaphore, #tpu.memory_space<semaphore_mem>>) src(%arg17 : memref<128x128xf32, #tpu.memory_space<vmem>>) dst(%dma_wait3A_41 : memref<128x128xf32, #tpu.memory_space<hbm>>)
    %dma_start3A_42 = arith.constant 56 : i32
    %dma_start3A_43 = arith.constant 0 : i32
    %dma_start3A_44 = tpu.memref_slice %arg13[%dma_start3A_42, %dma_start3A_43] : memref<64x50xi32, #tpu.memory_space<vmem>> -> memref<1x50xi32, #tpu.memory_space<vmem>>
    %dma_start3A_45 = tpu.memref_squeeze %dma_start3A_44 : memref<1x50xi32, #tpu.memory_space<vmem>> -> memref<50xi32, #tpu.memory_space<vmem>>
    %dma_start3A_46 = arith.constant 0 : i32
    %dma_start3A_47 = arith.constant 0 : i32
    %dma_start3A_48 = tpu.memref_slice %arg3[%dma_start3A_46, %dma_start3A_47] : memref<100000x128xf32, #tpu.memory_space<hbm>> -> memref<100000x128xf32, #tpu.memory_space<hbm>>
    tpu.enqueue_indirect_dma source(%dma_start3A_48 : memref<100000x128xf32, #tpu.memory_space<hbm>>) target(%arg18 : memref<50x128xf32, #tpu.memory_space<vmem>>) offsets(%dma_start3A_45 : memref<50xi32, #tpu.memory_space<vmem>>) semaphore(%arg23 : memref<!tpu.dma_semaphore, #tpu.memory_space<semaphore_mem>>)
    %scan3A_49 = arith.constant 0 : i32
    %scan3A_50 = arith.constant 28 : i32
    %scan3A_51 = arith.constant 4 : i32
    %scan3A_52 = arith.addi %scan3A_50, %scan3A_51 : i32
    %scan3A_53 = arith.constant 1 : i32
    %scan3A_54 = scf.for %scan3A_56 = %scan3A_50 to %scan3A_52 step %scan3A_53 iter_args(%scan3A_57 = %scan3A_49) -> (i32)  : i32 {
      %mul3A_58 = arith.constant 2 : i32
      %mul3A_59 = arith.muli %scan3A_56, %mul3A_58 : i32
      %add3A_60 = arith.constant 0 : i32
      %add3A_61 = arith.addi %mul3A_59, %add3A_60 : i32
      %dma_wait3A_62 = arith.constant 0 : i32
      %dma_wait3A_63 = tpu.memref_slice %arg13[%add3A_61, %dma_wait3A_62] : memref<64x50xi32, #tpu.memory_space<vmem>> -> memref<1x50xi32, #tpu.memory_space<vmem>>
      %dma_wait3A_64 = tpu.memref_squeeze %dma_wait3A_63 : memref<1x50xi32, #tpu.memory_space<vmem>> -> memref<50xi32, #tpu.memory_space<vmem>>
      %dma_wait3A_65 = arith.constant 0 : i32
      %dma_wait3A_66 = arith.constant 0 : i32
      %dma_wait3A_67 = tpu.memref_slice %arg3[%dma_wait3A_65, %dma_wait3A_66] : memref<100000x128xf32, #tpu.memory_space<hbm>> -> memref<100000x128xf32, #tpu.memory_space<hbm>>
      tpu.wait_indirect_dma semaphore(%arg23 : memref<!tpu.dma_semaphore, #tpu.memory_space<semaphore_mem>>) src(%dma_wait3A_67 : memref<100000x128xf32, #tpu.memory_space<hbm>>) dst(%arg18 : memref<50x128xf32, #tpu.memory_space<vmem>>)
      %add3A_68 = arith.constant 1 : i32
      %add3A_69 = arith.addi %add3A_61, %add3A_68 : i32
      %dma_start3A_70 = arith.constant 0 : i32
      %dma_start3A_71 = tpu.memref_slice %arg13[%add3A_69, %dma_start3A_70] : memref<64x50xi32, #tpu.memory_space<vmem>> -> memref<1x50xi32, #tpu.memory_space<vmem>>
      %dma_start3A_72 = tpu.memref_squeeze %dma_start3A_71 : memref<1x50xi32, #tpu.memory_space<vmem>> -> memref<50xi32, #tpu.memory_space<vmem>>
      %dma_start3A_73 = arith.constant 0 : i32
      %dma_start3A_74 = arith.constant 0 : i32
      %dma_start3A_75 = tpu.memref_slice %arg3[%dma_start3A_73, %dma_start3A_74] : memref<100000x128xf32, #tpu.memory_space<hbm>> -> memref<100000x128xf32, #tpu.memory_space<hbm>>
      tpu.enqueue_indirect_dma source(%dma_start3A_75 : memref<100000x128xf32, #tpu.memory_space<hbm>>) target(%arg19 : memref<50x128xf32, #tpu.memory_space<vmem>>) offsets(%dma_start3A_72 : memref<50xi32, #tpu.memory_space<vmem>>) semaphore(%arg23 : memref<!tpu.dma_semaphore, #tpu.memory_space<semaphore_mem>>)
      %get3A = arith.constant 0 : i32
      %get3A_76 = arith.index_cast %get3A : i32 to index
      %get3A_77 = arith.constant 0 : index
      %get3A_78 = tpu.vector_load %arg18[%get3A_76, %get3A_77] {strides = array<i32>} : memref<50x128xf32, #tpu.memory_space<vmem>>, vector<1x16xf32>,
      %get3A_79 = vector.shape_cast %get3A_78 : vector<1x16xf32> to vector<16xf32>
      %get3A_80 = arith.constant 0 : i32
      %get3A_81 = arith.index_cast %get3A_80 : i32 to index
      %get3A_82 = arith.constant 16 : index
      %get3A_83 = tpu.vector_load %arg18[%get3A_81, %get3A_82] {strides = array<i32>} : memref<50x128xf32, #tpu.memory_space<vmem>>, vector<1x16xf32>,
      %get3A_84 = vector.shape_cast %get3A_83 : vector<1x16xf32> to vector<16xf32>
      %get3A_85 = arith.constant 0 : i32
      %get3A_86 = arith.index_cast %get3A_85 : i32 to index
      %get3A_87 = arith.constant 32 : index
      %get3A_88 = tpu.vector_load %arg18[%get3A_86, %get3A_87] {strides = array<i32>} : memref<50x128xf32, #tpu.memory_space<vmem>>, vector<1x16xf32>,
      %get3A_89 = vector.shape_cast %get3A_88 : vector<1x16xf32> to vector<16xf32>
      %get3A_90 = arith.constant 0 : i32
      %get3A_91 = arith.index_cast %get3A_90 : i32 to index
      %get3A_92 = arith.constant 48 : index
      %get3A_93 = tpu.vector_load %arg18[%get3A_91, %get3A_92] {strides = array<i32>} : memref<50x128xf32, #tpu.memory_space<vmem>>, vector<1x16xf32>,
      %get3A_94 = vector.shape_cast %get3A_93 : vector<1x16xf32> to vector<16xf32>
      %get3A_95 = arith.constant 0 : i32
      %get3A_96 = arith.index_cast %get3A_95 : i32 to index
      %get3A_97 = arith.constant 64 : index
      %get3A_98 = tpu.vector_load %arg18[%get3A_96, %get3A_97] {strides = array<i32>} : memref<50x128xf32, #tpu.memory_space<vmem>>, vector<1x16xf32>,
      %get3A_99 = vector.shape_cast %get3A_98 : vector<1x16xf32> to vector<16xf32>
      %get3A_100 = arith.constant 0 : i32
      %get3A_101 = arith.index_cast %get3A_100 : i32 to index
      %get3A_102 = arith.constant 80 : index
      %get3A_103 = tpu.vector_load %arg18[%get3A_101, %get3A_102] {strides = array<i32>} : memref<50x128xf32, #tpu.memory_space<vmem>>, vector<1x16xf32>,
      %get3A_104 = vector.shape_cast %get3A_103 : vector<1x16xf32> to vector<16xf32>
      %get3A_105 = arith.constant 0 : i32
      %get3A_106 = arith.index_cast %get3A_105 : i32 to index
      %get3A_107 = arith.constant 96 : index
      %get3A_108 = tpu.vector_load %arg18[%get3A_106, %get3A_107] {strides = array<i32>} : memref<50x128xf32, #tpu.memory_space<vmem>>, vector<1x16xf32>,
      %get3A_109 = vector.shape_cast %get3A_108 : vector<1x16xf32> to vector<16xf32>
      %get3A_110 = arith.constant 0 : i32
      %get3A_111 = arith.index_cast %get3A_110 : i32 to index
      %get3A_112 = arith.constant 112 : index
      %get3A_113 = tpu.vector_load %arg18[%get3A_111, %get3A_112] {strides = array<i32>} : memref<50x128xf32, #tpu.memory_space<vmem>>, vector<1x16xf32>,
      %get3A_114 = vector.shape_cast %get3A_113 : vector<1x16xf32> to vector<16xf32>
      %scan3A_115 = arith.constant 1 : i32
      %scan3A_116 = arith.constant 49 : i32
      %scan3A_117 = arith.addi %scan3A_115, %scan3A_116 : i32
      %scan3A_118 = arith.constant 1 : i32
      %scan3A_119:8 = scf.for %scan3A_259 = %scan3A_115 to %scan3A_117 step %scan3A_118 iter_args(%scan3A_260 = %get3A_79, %scan3A_261 = %get3A_84, %scan3A_262 = %get3A_89, %scan3A_263 = %get3A_94, %scan3A_264 = %get3A_99, %scan3A_265 = %get3A_104, %scan3A_266 = %get3A_109, %scan3A_267 = %get3A_114) -> (vector<16xf32>, vector<16xf32>, vector<16xf32>, vector<16xf32>, vector<16xf32>, vector<16xf32>, vector<16xf32>, vector<16xf32>)  : i32 {
        %get3A_268 = arith.index_cast %scan3A_259 : i32 to index
        %get3A_269 = arith.constant 0 : index
        %get3A_270 = tpu.vector_load %arg18[%get3A_268, %get3A_269] {strides = array<i32>} : memref<50x128xf32, #tpu.memory_space<vmem>>, vector<1x16xf32>,
        %get3A_271 = vector.shape_cast %get3A_270 : vector<1x16xf32> to vector<16xf32>
        %add3A_272 = arith.addf %scan3A_260, %get3A_271 : vector<16xf32>
        %get3A_273 = arith.index_cast %scan3A_259 : i32 to index
        %get3A_274 = arith.constant 16 : index
        %get3A_275 = tpu.vector_load %arg18[%get3A_273, %get3A_274] {strides = array<i32>} : memref<50x128xf32, #tpu.memory_space<vmem>>, vector<1x16xf32>,
        %get3A_276 = vector.shape_cast %get3A_275 : vector<1x16xf32> to vector<16xf32>
        %add3A_277 = arith.addf %scan3A_261, %get3A_276 : vector<16xf32>
        %get3A_278 = arith.index_cast %scan3A_259 : i32 to index
        %get3A_279 = arith.constant 32 : index
        %get3A_280 = tpu.vector_load %arg18[%get3A_278, %get3A_279] {strides = array<i32>} : memref<50x128xf32, #tpu.memory_space<vmem>>, vector<1x16xf32>,
        %get3A_281 = vector.shape_cast %get3A_280 : vector<1x16xf32> to vector<16xf32>
        %add3A_282 = arith.addf %scan3A_262, %get3A_281 : vector<16xf32>
        %get3A_283 = arith.index_cast %scan3A_259 : i32 to index
        %get3A_284 = arith.constant 48 : index
        %get3A_285 = tpu.vector_load %arg18[%get3A_283, %get3A_284] {strides = array<i32>} : memref<50x128xf32, #tpu.memory_space<vmem>>, vector<1x16xf32>,
        %get3A_286 = vector.shape_cast %get3A_285 : vector<1x16xf32> to vector<16xf32>
        %add3A_287 = arith.addf %scan3A_263, %get3A_286 : vector<16xf32>
        %get3A_288 = arith.index_cast %scan3A_259 : i32 to index
        %get3A_289 = arith.constant 64 : index
        %get3A_290 = tpu.vector_load %arg18[%get3A_288, %get3A_289] {strides = array<i32>} : memref<50x128xf32, #tpu.memory_space<vmem>>, vector<1x16xf32>,
        %get3A_291 = vector.shape_cast %get3A_290 : vector<1x16xf32> to vector<16xf32>
        %add3A_292 = arith.addf %scan3A_264, %get3A_291 : vector<16xf32>
        %get3A_293 = arith.index_cast %scan3A_259 : i32 to index
        %get3A_294 = arith.constant 80 : index
        %get3A_295 = tpu.vector_load %arg18[%get3A_293, %get3A_294] {strides = array<i32>} : memref<50x128xf32, #tpu.memory_space<vmem>>, vector<1x16xf32>,
        %get3A_296 = vector.shape_cast %get3A_295 : vector<1x16xf32> to vector<16xf32>
        %add3A_297 = arith.addf %scan3A_265, %get3A_296 : vector<16xf32>
        %get3A_298 = arith.index_cast %scan3A_259 : i32 to index
        %get3A_299 = arith.constant 96 : index
        %get3A_300 = tpu.vector_load %arg18[%get3A_298, %get3A_299] {strides = array<i32>} : memref<50x128xf32, #tpu.memory_space<vmem>>, vector<1x16xf32>,
        %get3A_301 = vector.shape_cast %get3A_300 : vector<1x16xf32> to vector<16xf32>
        %add3A_302 = arith.addf %scan3A_266, %get3A_301 : vector<16xf32>
        %get3A_303 = arith.index_cast %scan3A_259 : i32 to index
        %get3A_304 = arith.constant 112 : index
        %get3A_305 = tpu.vector_load %arg18[%get3A_303, %get3A_304] {strides = array<i32>} : memref<50x128xf32, #tpu.memory_space<vmem>>, vector<1x16xf32>,
        %get3A_306 = vector.shape_cast %get3A_305 : vector<1x16xf32> to vector<16xf32>
        %add3A_307 = arith.addf %scan3A_267, %get3A_306 : vector<16xf32>
        scf.yield %add3A_272, %add3A_277, %add3A_282, %add3A_287, %add3A_292, %add3A_297, %add3A_302, %add3A_307 : vector<16xf32>, vector<16xf32>, vector<16xf32>, vector<16xf32>, vector<16xf32>, vector<16xf32>, vector<16xf32>, vector<16xf32>
      }
      %scan3A_120 = arith.constant 49 : i32
      %swap3A = arith.index_cast %add3A_61 : i32 to index
      %swap3A_121 = arith.constant 0 : index
      %swap3A_122 = tpu.vector_load %arg20[%swap3A, %swap3A_121] {strides = array<i32>} : memref<64x128xf32, #tpu.memory_space<vmem>>, vector<1x16xf32>,
      %swap3A_123 = vector.shape_cast %swap3A_122 : vector<1x16xf32> to vector<16xf32>
      %swap3A_124 = vector.shape_cast %scan3A_119#0 : vector<16xf32> to vector<1x16xf32>
      tpu.vector_store %arg20[%swap3A, %swap3A_121], %swap3A_124 {strides = array<i32>} : memref<64x128xf32, #tpu.memory_space<vmem>>, vector<1x16xf32>,
      %swap3A_125 = arith.index_cast %add3A_61 : i32 to index
      %swap3A_126 = arith.constant 16 : index
      %swap3A_127 = tpu.vector_load %arg20[%swap3A_125, %swap3A_126] {strides = array<i32>} : memref<64x128xf32, #tpu.memory_space<vmem>>, vector<1x16xf32>,
      %swap3A_128 = vector.shape_cast %swap3A_127 : vector<1x16xf32> to vector<16xf32>
      %swap3A_129 = vector.shape_cast %scan3A_119#1 : vector<16xf32> to vector<1x16xf32>
      tpu.vector_store %arg20[%swap3A_125, %swap3A_126], %swap3A_129 {strides = array<i32>} : memref<64x128xf32, #tpu.memory_space<vmem>>, vector<1x16xf32>,
      %swap3A_130 = arith.index_cast %add3A_61 : i32 to index
      %swap3A_131 = arith.constant 32 : index
      %swap3A_132 = tpu.vector_load %arg20[%swap3A_130, %swap3A_131] {strides = array<i32>} : memref<64x128xf32, #tpu.memory_space<vmem>>, vector<1x16xf32>,
      %swap3A_133 = vector.shape_cast %swap3A_132 : vector<1x16xf32> to vector<16xf32>
      %swap3A_134 = vector.shape_cast %scan3A_119#2 : vector<16xf32> to vector<1x16xf32>
      tpu.vector_store %arg20[%swap3A_130, %swap3A_131], %swap3A_134 {strides = array<i32>} : memref<64x128xf32, #tpu.memory_space<vmem>>, vector<1x16xf32>,
      %swap3A_135 = arith.index_cast %add3A_61 : i32 to index
      %swap3A_136 = arith.constant 48 : index
      %swap3A_137 = tpu.vector_load %arg20[%swap3A_135, %swap3A_136] {strides = array<i32>} : memref<64x128xf32, #tpu.memory_space<vmem>>, vector<1x16xf32>,
      %swap3A_138 = vector.shape_cast %swap3A_137 : vector<1x16xf32> to vector<16xf32>
      %swap3A_139 = vector.shape_cast %scan3A_119#3 : vector<16xf32> to vector<1x16xf32>
      tpu.vector_store %arg20[%swap3A_135, %swap3A_136], %swap3A_139 {strides = array<i32>} : memref<64x128xf32, #tpu.memory_space<vmem>>, vector<1x16xf32>,
      %swap3A_140 = arith.index_cast %add3A_61 : i32 to index
      %swap3A_141 = arith.constant 64 : index
      %swap3A_142 = tpu.vector_load %arg20[%swap3A_140, %swap3A_141] {strides = array<i32>} : memref<64x128xf32, #tpu.memory_space<vmem>>, vector<1x16xf32>,
      %swap3A_143 = vector.shape_cast %swap3A_142 : vector<1x16xf32> to vector<16xf32>
      %swap3A_144 = vector.shape_cast %scan3A_119#4 : vector<16xf32> to vector<1x16xf32>
      tpu.vector_store %arg20[%swap3A_140, %swap3A_141], %swap3A_144 {strides = array<i32>} : memref<64x128xf32, #tpu.memory_space<vmem>>, vector<1x16xf32>,
      %swap3A_145 = arith.index_cast %add3A_61 : i32 to index
      %swap3A_146 = arith.constant 80 : index
      %swap3A_147 = tpu.vector_load %arg20[%swap3A_145, %swap3A_146] {strides = array<i32>} : memref<64x128xf32, #tpu.memory_space<vmem>>, vector<1x16xf32>,
      %swap3A_148 = vector.shape_cast %swap3A_147 : vector<1x16xf32> to vector<16xf32>
      %swap3A_149 = vector.shape_cast %scan3A_119#5 : vector<16xf32> to vector<1x16xf32>
      tpu.vector_store %arg20[%swap3A_145, %swap3A_146], %swap3A_149 {strides = array<i32>} : memref<64x128xf32, #tpu.memory_space<vmem>>, vector<1x16xf32>,
      %swap3A_150 = arith.index_cast %add3A_61 : i32 to index
      %swap3A_151 = arith.constant 96 : index
      %swap3A_152 = tpu.vector_load %arg20[%swap3A_150, %swap3A_151] {strides = array<i32>} : memref<64x128xf32, #tpu.memory_space<vmem>>, vector<1x16xf32>,
      %swap3A_153 = vector.shape_cast %swap3A_152 : vector<1x16xf32> to vector<16xf32>
      %swap3A_154 = vector.shape_cast %scan3A_119#6 : vector<16xf32> to vector<1x16xf32>
      tpu.vector_store %arg20[%swap3A_150, %swap3A_151], %swap3A_154 {strides = array<i32>} : memref<64x128xf32, #tpu.memory_space<vmem>>, vector<1x16xf32>,
      %swap3A_155 = arith.index_cast %add3A_61 : i32 to index
      %swap3A_156 = arith.constant 112 : index
      %swap3A_157 = tpu.vector_load %arg20[%swap3A_155, %swap3A_156] {strides = array<i32>} : memref<64x128xf32, #tpu.memory_space<vmem>>, vector<1x16xf32>,
      %swap3A_158 = vector.shape_cast %swap3A_157 : vector<1x16xf32> to vector<16xf32>
      %swap3A_159 = vector.shape_cast %scan3A_119#7 : vector<16xf32> to vector<1x16xf32>
      tpu.vector_store %arg20[%swap3A_155, %swap3A_156], %swap3A_159 {strides = array<i32>} : memref<64x128xf32, #tpu.memory_space<vmem>>, vector<1x16xf32>,
      %mul3A_160 = arith.constant 2 : i32
      %mul3A_161 = arith.muli %scan3A_56, %mul3A_160 : i32
      %add3A_162 = arith.constant 1 : i32
      %add3A_163 = arith.addi %mul3A_161, %add3A_162 : i32
      %dma_wait3A_164 = arith.constant 0 : i32
      %dma_wait3A_165 = tpu.memref_slice %arg13[%add3A_163, %dma_wait3A_164] : memref<64x50xi32, #tpu.memory_space<vmem>> -> memref<1x50xi32, #tpu.memory_space<vmem>>
      %dma_wait3A_166 = tpu.memref_squeeze %dma_wait3A_165 : memref<1x50xi32, #tpu.memory_space<vmem>> -> memref<50xi32, #tpu.memory_space<vmem>>
      %dma_wait3A_167 = arith.constant 0 : i32
      %dma_wait3A_168 = arith.constant 0 : i32
      %dma_wait3A_169 = tpu.memref_slice %arg3[%dma_wait3A_167, %dma_wait3A_168] : memref<100000x128xf32, #tpu.memory_space<hbm>> -> memref<100000x128xf32, #tpu.memory_space<hbm>>
      tpu.wait_indirect_dma semaphore(%arg23 : memref<!tpu.dma_semaphore, #tpu.memory_space<semaphore_mem>>) src(%dma_wait3A_169 : memref<100000x128xf32, #tpu.memory_space<hbm>>) dst(%arg19 : memref<50x128xf32, #tpu.memory_space<vmem>>)
      %lt3A = arith.constant 31 : i32
      %lt3A_170 = arith.cmpi slt, %scan3A_56, %lt3A : i32
      %convert_element_type3A = arith.extui %lt3A_170 : i1 to i32
      %cond3A = arith.constant 0 : i32
      %cond3A_171 = arith.cmpi ne, %convert_element_type3A, %cond3A : i32
      scf.if %cond3A_171 {
        %add3A_259 = arith.constant 1 : i32
        %add3A_260 = arith.addi %add3A_163, %add3A_259 : i32
        %dma_start3A_261 = arith.constant 0 : i32
        %dma_start3A_262 = tpu.memref_slice %arg13[%add3A_260, %dma_start3A_261] : memref<64x50xi32, #tpu.memory_space<vmem>> -> memref<1x50xi32, #tpu.memory_space<vmem>>
        %dma_start3A_263 = tpu.memref_squeeze %dma_start3A_262 : memref<1x50xi32, #tpu.memory_space<vmem>> -> memref<50xi32, #tpu.memory_space<vmem>>
        %dma_start3A_264 = arith.constant 0 : i32
        %dma_start3A_265 = arith.constant 0 : i32
        %dma_start3A_266 = tpu.memref_slice %arg3[%dma_start3A_264, %dma_start3A_265] : memref<100000x128xf32, #tpu.memory_space<hbm>> -> memref<100000x128xf32, #tpu.memory_space<hbm>>
        tpu.enqueue_indirect_dma source(%dma_start3A_266 : memref<100000x128xf32, #tpu.memory_space<hbm>>) target(%arg18 : memref<50x128xf32, #tpu.memory_space<vmem>>) offsets(%dma_start3A_263 : memref<50xi32, #tpu.memory_space<vmem>>) semaphore(%arg23 : memref<!tpu.dma_semaphore, #tpu.memory_space<semaphore_mem>>)
      } else {
      }
      %get3A_172 = arith.constant 0 : i32
      %get3A_173 = arith.index_cast %get3A_172 : i32 to index
      %get3A_174 = arith.constant 0 : index
      %get3A_175 = tpu.vector_load %arg19[%get3A_173, %get3A_174] {strides = array<i32>} : memref<50x128xf32, #tpu.memory_space<vmem>>, vector<1x16xf32>,
      %get3A_176 = vector.shape_cast %get3A_175 : vector<1x16xf32> to vector<16xf32>
      %get3A_177 = arith.constant 0 : i32
      %get3A_178 = arith.index_cast %get3A_177 : i32 to index
      %get3A_179 = arith.constant 16 : index
      %get3A_180 = tpu.vector_load %arg19[%get3A_178, %get3A_179] {strides = array<i32>} : memref<50x128xf32, #tpu.memory_space<vmem>>, vector<1x16xf32>,
      %get3A_181 = vector.shape_cast %get3A_180 : vector<1x16xf32> to vector<16xf32>
      %get3A_182 = arith.constant 0 : i32
      %get3A_183 = arith.index_cast %get3A_182 : i32 to index
      %get3A_184 = arith.constant 32 : index
      %get3A_185 = tpu.vector_load %arg19[%get3A_183, %get3A_184] {strides = array<i32>} : memref<50x128xf32, #tpu.memory_space<vmem>>, vector<1x16xf32>,
      %get3A_186 = vector.shape_cast %get3A_185 : vector<1x16xf32> to vector<16xf32>
      %get3A_187 = arith.constant 0 : i32
      %get3A_188 = arith.index_cast %get3A_187 : i32 to index
      %get3A_189 = arith.constant 48 : index
      %get3A_190 = tpu.vector_load %arg19[%get3A_188, %get3A_189] {strides = array<i32>} : memref<50x128xf32, #tpu.memory_space<vmem>>, vector<1x16xf32>,
      %get3A_191 = vector.shape_cast %get3A_190 : vector<1x16xf32> to vector<16xf32>
      %get3A_192 = arith.constant 0 : i32
      %get3A_193 = arith.index_cast %get3A_192 : i32 to index
      %get3A_194 = arith.constant 64 : index
      %get3A_195 = tpu.vector_load %arg19[%get3A_193, %get3A_194] {strides = array<i32>} : memref<50x128xf32, #tpu.memory_space<vmem>>, vector<1x16xf32>,
      %get3A_196 = vector.shape_cast %get3A_195 : vector<1x16xf32> to vector<16xf32>
      %get3A_197 = arith.constant 0 : i32
      %get3A_198 = arith.index_cast %get3A_197 : i32 to index
      %get3A_199 = arith.constant 80 : index
      %get3A_200 = tpu.vector_load %arg19[%get3A_198, %get3A_199] {strides = array<i32>} : memref<50x128xf32, #tpu.memory_space<vmem>>, vector<1x16xf32>,
      %get3A_201 = vector.shape_cast %get3A_200 : vector<1x16xf32> to vector<16xf32>
      %get3A_202 = arith.constant 0 : i32
      %get3A_203 = arith.index_cast %get3A_202 : i32 to index
      %get3A_204 = arith.constant 96 : index
      %get3A_205 = tpu.vector_load %arg19[%get3A_203, %get3A_204] {strides = array<i32>} : memref<50x128xf32, #tpu.memory_space<vmem>>, vector<1x16xf32>,
      %get3A_206 = vector.shape_cast %get3A_205 : vector<1x16xf32> to vector<16xf32>
      %get3A_207 = arith.constant 0 : i32
      %get3A_208 = arith.index_cast %get3A_207 : i32 to index
      %get3A_209 = arith.constant 112 : index
      %get3A_210 = tpu.vector_load %arg19[%get3A_208, %get3A_209] {strides = array<i32>} : memref<50x128xf32, #tpu.memory_space<vmem>>, vector<1x16xf32>,
      %get3A_211 = vector.shape_cast %get3A_210 : vector<1x16xf32> to vector<16xf32>
      %scan3A_212 = arith.constant 1 : i32
      %scan3A_213 = arith.constant 49 : i32
      %scan3A_214 = arith.addi %scan3A_212, %scan3A_213 : i32
      %scan3A_215 = arith.constant 1 : i32
      %scan3A_216:8 = scf.for %scan3A_259 = %scan3A_212 to %scan3A_214 step %scan3A_215 iter_args(%scan3A_260 = %get3A_176, %scan3A_261 = %get3A_181, %scan3A_262 = %get3A_186, %scan3A_263 = %get3A_191, %scan3A_264 = %get3A_196, %scan3A_265 = %get3A_201, %scan3A_266 = %get3A_206, %scan3A_267 = %get3A_211) -> (vector<16xf32>, vector<16xf32>, vector<16xf32>, vector<16xf32>, vector<16xf32>, vector<16xf32>, vector<16xf32>, vector<16xf32>)  : i32 {
        %get3A_268 = arith.index_cast %scan3A_259 : i32 to index
        %get3A_269 = arith.constant 0 : index
        %get3A_270 = tpu.vector_load %arg19[%get3A_268, %get3A_269] {strides = array<i32>} : memref<50x128xf32, #tpu.memory_space<vmem>>, vector<1x16xf32>,
        %get3A_271 = vector.shape_cast %get3A_270 : vector<1x16xf32> to vector<16xf32>
        %add3A_272 = arith.addf %scan3A_260, %get3A_271 : vector<16xf32>
        %get3A_273 = arith.index_cast %scan3A_259 : i32 to index
        %get3A_274 = arith.constant 16 : index
        %get3A_275 = tpu.vector_load %arg19[%get3A_273, %get3A_274] {strides = array<i32>} : memref<50x128xf32, #tpu.memory_space<vmem>>, vector<1x16xf32>,
        %get3A_276 = vector.shape_cast %get3A_275 : vector<1x16xf32> to vector<16xf32>
        %add3A_277 = arith.addf %scan3A_261, %get3A_276 : vector<16xf32>
        %get3A_278 = arith.index_cast %scan3A_259 : i32 to index
        %get3A_279 = arith.constant 32 : index
        %get3A_280 = tpu.vector_load %arg19[%get3A_278, %get3A_279] {strides = array<i32>} : memref<50x128xf32, #tpu.memory_space<vmem>>, vector<1x16xf32>,
        %get3A_281 = vector.shape_cast %get3A_280 : vector<1x16xf32> to vector<16xf32>
        %add3A_282 = arith.addf %scan3A_262, %get3A_281 : vector<16xf32>
        %get3A_283 = arith.index_cast %scan3A_259 : i32 to index
        %get3A_284 = arith.constant 48 : index
        %get3A_285 = tpu.vector_load %arg19[%get3A_283, %get3A_284] {strides = array<i32>} : memref<50x128xf32, #tpu.memory_space<vmem>>, vector<1x16xf32>,
        %get3A_286 = vector.shape_cast %get3A_285 : vector<1x16xf32> to vector<16xf32>
        %add3A_287 = arith.addf %scan3A_263, %get3A_286 : vector<16xf32>
        %get3A_288 = arith.index_cast %scan3A_259 : i32 to index
        %get3A_289 = arith.constant 64 : index
        %get3A_290 = tpu.vector_load %arg19[%get3A_288, %get3A_289] {strides = array<i32>} : memref<50x128xf32, #tpu.memory_space<vmem>>, vector<1x16xf32>,
        %get3A_291 = vector.shape_cast %get3A_290 : vector<1x16xf32> to vector<16xf32>
        %add3A_292 = arith.addf %scan3A_264, %get3A_291 : vector<16xf32>
        %get3A_293 = arith.index_cast %scan3A_259 : i32 to index
        %get3A_294 = arith.constant 80 : index
        %get3A_295 = tpu.vector_load %arg19[%get3A_293, %get3A_294] {strides = array<i32>} : memref<50x128xf32, #tpu.memory_space<vmem>>, vector<1x16xf32>,
        %get3A_296 = vector.shape_cast %get3A_295 : vector<1x16xf32> to vector<16xf32>
        %add3A_297 = arith.addf %scan3A_265, %get3A_296 : vector<16xf32>
        %get3A_298 = arith.index_cast %scan3A_259 : i32 to index
        %get3A_299 = arith.constant 96 : index
        %get3A_300 = tpu.vector_load %arg19[%get3A_298, %get3A_299] {strides = array<i32>} : memref<50x128xf32, #tpu.memory_space<vmem>>, vector<1x16xf32>,
        %get3A_301 = vector.shape_cast %get3A_300 : vector<1x16xf32> to vector<16xf32>
        %add3A_302 = arith.addf %scan3A_266, %get3A_301 : vector<16xf32>
        %get3A_303 = arith.index_cast %scan3A_259 : i32 to index
        %get3A_304 = arith.constant 112 : index
        %get3A_305 = tpu.vector_load %arg19[%get3A_303, %get3A_304] {strides = array<i32>} : memref<50x128xf32, #tpu.memory_space<vmem>>, vector<1x16xf32>,
        %get3A_306 = vector.shape_cast %get3A_305 : vector<1x16xf32> to vector<16xf32>
        %add3A_307 = arith.addf %scan3A_267, %get3A_306 : vector<16xf32>
        scf.yield %add3A_272, %add3A_277, %add3A_282, %add3A_287, %add3A_292, %add3A_297, %add3A_302, %add3A_307 : vector<16xf32>, vector<16xf32>, vector<16xf32>, vector<16xf32>, vector<16xf32>, vector<16xf32>, vector<16xf32>, vector<16xf32>
      }
      %scan3A_217 = arith.constant 49 : i32
      %swap3A_218 = arith.index_cast %add3A_163 : i32 to index
      %swap3A_219 = arith.constant 0 : index
      %swap3A_220 = tpu.vector_load %arg20[%swap3A_218, %swap3A_219] {strides = array<i32>} : memref<64x128xf32, #tpu.memory_space<vmem>>, vector<1x16xf32>,
      %swap3A_221 = vector.shape_cast %swap3A_220 : vector<1x16xf32> to vector<16xf32>
      %swap3A_222 = vector.shape_cast %scan3A_216#0 : vector<16xf32> to vector<1x16xf32>
      tpu.vector_store %arg20[%swap3A_218, %swap3A_219], %swap3A_222 {strides = array<i32>} : memref<64x128xf32, #tpu.memory_space<vmem>>, vector<1x16xf32>,
      %swap3A_223 = arith.index_cast %add3A_163 : i32 to index
      %swap3A_224 = arith.constant 16 : index
      %swap3A_225 = tpu.vector_load %arg20[%swap3A_223, %swap3A_224] {strides = array<i32>} : memref<64x128xf32, #tpu.memory_space<vmem>>, vector<1x16xf32>,
      %swap3A_226 = vector.shape_cast %swap3A_225 : vector<1x16xf32> to vector<16xf32>
      %swap3A_227 = vector.shape_cast %scan3A_216#1 : vector<16xf32> to vector<1x16xf32>
      tpu.vector_store %arg20[%swap3A_223, %swap3A_224], %swap3A_227 {strides = array<i32>} : memref<64x128xf32, #tpu.memory_space<vmem>>, vector<1x16xf32>,
      %swap3A_228 = arith.index_cast %add3A_163 : i32 to index
      %swap3A_229 = arith.constant 32 : index
      %swap3A_230 = tpu.vector_load %arg20[%swap3A_228, %swap3A_229] {strides = array<i32>} : memref<64x128xf32, #tpu.memory_space<vmem>>, vector<1x16xf32>,
      %swap3A_231 = vector.shape_cast %swap3A_230 : vector<1x16xf32> to vector<16xf32>
      %swap3A_232 = vector.shape_cast %scan3A_216#2 : vector<16xf32> to vector<1x16xf32>
      tpu.vector_store %arg20[%swap3A_228, %swap3A_229], %swap3A_232 {strides = array<i32>} : memref<64x128xf32, #tpu.memory_space<vmem>>, vector<1x16xf32>,
      %swap3A_233 = arith.index_cast %add3A_163 : i32 to index
      %swap3A_234 = arith.constant 48 : index
      %swap3A_235 = tpu.vector_load %arg20[%swap3A_233, %swap3A_234] {strides = array<i32>} : memref<64x128xf32, #tpu.memory_space<vmem>>, vector<1x16xf32>,
      %swap3A_236 = vector.shape_cast %swap3A_235 : vector<1x16xf32> to vector<16xf32>
      %swap3A_237 = vector.shape_cast %scan3A_216#3 : vector<16xf32> to vector<1x16xf32>
      tpu.vector_store %arg20[%swap3A_233, %swap3A_234], %swap3A_237 {strides = array<i32>} : memref<64x128xf32, #tpu.memory_space<vmem>>, vector<1x16xf32>,
      %swap3A_238 = arith.index_cast %add3A_163 : i32 to index
      %swap3A_239 = arith.constant 64 : index
      %swap3A_240 = tpu.vector_load %arg20[%swap3A_238, %swap3A_239] {strides = array<i32>} : memref<64x128xf32, #tpu.memory_space<vmem>>, vector<1x16xf32>,
      %swap3A_241 = vector.shape_cast %swap3A_240 : vector<1x16xf32> to vector<16xf32>
      %swap3A_242 = vector.shape_cast %scan3A_216#4 : vector<16xf32> to vector<1x16xf32>
      tpu.vector_store %arg20[%swap3A_238, %swap3A_239], %swap3A_242 {strides = array<i32>} : memref<64x128xf32, #tpu.memory_space<vmem>>, vector<1x16xf32>,
      %swap3A_243 = arith.index_cast %add3A_163 : i32 to index
      %swap3A_244 = arith.constant 80 : index
      %swap3A_245 = tpu.vector_load %arg20[%swap3A_243, %swap3A_244] {strides = array<i32>} : memref<64x128xf32, #tpu.memory_space<vmem>>, vector<1x16xf32>,
      %swap3A_246 = vector.shape_cast %swap3A_245 : vector<1x16xf32> to vector<16xf32>
      %swap3A_247 = vector.shape_cast %scan3A_216#5 : vector<16xf32> to vector<1x16xf32>
      tpu.vector_store %arg20[%swap3A_243, %swap3A_244], %swap3A_247 {strides = array<i32>} : memref<64x128xf32, #tpu.memory_space<vmem>>, vector<1x16xf32>,
      %swap3A_248 = arith.index_cast %add3A_163 : i32 to index
      %swap3A_249 = arith.constant 96 : index
      %swap3A_250 = tpu.vector_load %arg20[%swap3A_248, %swap3A_249] {strides = array<i32>} : memref<64x128xf32, #tpu.memory_space<vmem>>, vector<1x16xf32>,
      %swap3A_251 = vector.shape_cast %swap3A_250 : vector<1x16xf32> to vector<16xf32>
      %swap3A_252 = vector.shape_cast %scan3A_216#6 : vector<16xf32> to vector<1x16xf32>
      tpu.vector_store %arg20[%swap3A_248, %swap3A_249], %swap3A_252 {strides = array<i32>} : memref<64x128xf32, #tpu.memory_space<vmem>>, vector<1x16xf32>,
      %swap3A_253 = arith.index_cast %add3A_163 : i32 to index
      %swap3A_254 = arith.constant 112 : index
      %swap3A_255 = tpu.vector_load %arg20[%swap3A_253, %swap3A_254] {strides = array<i32>} : memref<64x128xf32, #tpu.memory_space<vmem>>, vector<1x16xf32>,
      %swap3A_256 = vector.shape_cast %swap3A_255 : vector<1x16xf32> to vector<16xf32>
      %swap3A_257 = vector.shape_cast %scan3A_216#7 : vector<16xf32> to vector<1x16xf32>
      tpu.vector_store %arg20[%swap3A_253, %swap3A_254], %swap3A_257 {strides = array<i32>} : memref<64x128xf32, #tpu.memory_space<vmem>>, vector<1x16xf32>,
      %scan3A_258 = arith.constant 0 : i32
      scf.yield %scan3A_258 : i32
    }
    %scan3A_55 = arith.constant 4 : i32
    "tpu.region"() ({
      %run_scoped3A = tpu.sem_alloc : memref<!tpu.dma_semaphore, #tpu.memory_space<semaphore_mem>>
      %dma_start3A_56 = arith.constant 0 : i32
      %dma_start3A_57 = tpu.memref_slice %arg10[%mul3A_2, %dma_start3A_56] : memref<2048x128xf32, #tpu.memory_space<hbm>> -> memref<64x128xf32, #tpu.memory_space<hbm>>
      %dma_start3A_58 = arith.constant 0 : i32
      %dma_start3A_59 = tpu.memref_slice %arg10[%mul3A_2, %dma_start3A_58] : memref<2048x128xf32, #tpu.memory_space<hbm>> -> memref<64x128xf32, #tpu.memory_space<hbm>>
      tpu.enqueue_dma source(%arg20 : memref<64x128xf32, #tpu.memory_space<vmem>>) target(%dma_start3A_59 : memref<64x128xf32, #tpu.memory_space<hbm>>) target_semaphore(%run_scoped3A : memref<!tpu.dma_semaphore, #tpu.memory_space<semaphore_mem>>)
      %dma_wait3A_60 = arith.constant 0 : i32
      %dma_wait3A_61 = tpu.memref_slice %arg10[%mul3A_2, %dma_wait3A_60] : memref<2048x128xf32, #tpu.memory_space<hbm>> -> memref<64x128xf32, #tpu.memory_space<hbm>>
      %dma_wait3A_62 = arith.constant 0 : i32
      %dma_wait3A_63 = tpu.memref_slice %arg10[%mul3A_2, %dma_wait3A_62] : memref<2048x128xf32, #tpu.memory_space<hbm>> -> memref<64x128xf32, #tpu.memory_space<hbm>>
      tpu.wait_dma2 semaphore(%run_scoped3A : memref<!tpu.dma_semaphore, #tpu.memory_space<semaphore_mem>>) src(%arg20 : memref<64x128xf32, #tpu.memory_space<vmem>>) dst(%dma_wait3A_63 : memref<64x128xf32, #tpu.memory_space<hbm>>)
      tpu.yield
    }) : () -> ()
    return
  }
}

#map = affine_map<(d0, d1) -> (0, 0)>
#map1 = affine_map<(d0, d1) -> (0, 0, 0)>
module attributes {stable_mosaic.version = 14 : i64} {
  func.func @sc(%arg0: i32, %arg1: i32, %arg2: memref<100000x128xf32, #tpu.memory_space<hbm>>, %arg3: memref<100000x128xf32, #tpu.memory_space<hbm>>, %arg4: memref<100000x128xf32, #tpu.memory_space<hbm>>, %arg5: memref<32x28x128xi32, #tpu.memory_space<hbm>>, %arg6: memref<32x28x128xi32, #tpu.memory_space<hbm>>, %arg7: memref<32x64x50xi32, #tpu.memory_space<hbm>>, %arg8: memref<114688x128xf32, #tpu.memory_space<hbm>>, %arg9: memref<114688x128xf32, #tpu.memory_space<hbm>>, %arg10: memref<2048x128xf32, #tpu.memory_space<hbm>>, %arg11: memref<28x128xi32, #tpu.memory_space<vmem>>, %arg12: memref<28x128xi32, #tpu.memory_space<vmem>>, %arg13: memref<64x50xi32, #tpu.memory_space<vmem>>, %arg14: memref<128x128xf32, #tpu.memory_space<vmem>>, %arg15: memref<128x128xf32, #tpu.memory_space<vmem>>, %arg16: memref<128x128xf32, #tpu.memory_space<vmem>>, %arg17: memref<128x128xf32, #tpu.memory_space<vmem>>, %arg18: memref<50x128xf32, #tpu.memory_space<vmem>>, %arg19: memref<50x128xf32, #tpu.memory_space<vmem>>, %arg20: memref<64x128xf32, #tpu.memory_space<vmem>>, %arg21: memref<!tpu.dma_semaphore, #tpu.memory_space<semaphore_mem>>, %arg22: memref<!tpu.dma_semaphore, #tpu.memory_space<semaphore_mem>>, %arg23: memref<!tpu.dma_semaphore, #tpu.memory_space<semaphore_mem>>, %arg24: memref<!tpu.dma_semaphore, #tpu.memory_space<semaphore_mem>>, %arg25: memref<!tpu.dma_semaphore, #tpu.memory_space<semaphore_mem>>, %arg26: memref<!tpu.dma_semaphore, #tpu.memory_space<semaphore_mem>>, %arg27: memref<!tpu.dma_semaphore, #tpu.memory_space<semaphore_mem>>) attributes {dimension_semantics = [#tpu.dimension_semantics<core_parallel>, #tpu.dimension_semantics<subcore_parallel>], iteration_bounds = array<i64: 2, 16>, scalar_prefetch = 0 : i64, scratch_operands = 17 : i64, tpu.core_type = #tpu.core_type<sc_vector_subcore>, window_params = [{transform_indices = #map}, {transform_indices = #map}, {transform_indices = #map}, {transform_indices = #map1}, {transform_indices = #map1}, {transform_indices = #map1}, {transform_indices = #map}, {transform_indices = #map}, {transform_indices = #map}]} {
    %mul3A = arith.constant 16 : i32
    %mul3A_0 = arith.muli %arg0, %mul3A : i32
    %add3A = arith.addi %mul3A_0, %arg1 : i32
    %mul3A_1 = arith.constant 64 : i32
    %mul3A_2 = arith.muli %add3A, %mul3A_1 : i32
    %mul3A_3 = arith.constant 56 : i32
    %mul3A_4 = arith.muli %mul3A_2, %mul3A_3 : i32
    "tpu.region"() ({
      %run_scoped3A = tpu.sem_alloc : memref<!tpu.dma_semaphore, #tpu.memory_space<semaphore_mem>>
      %dma_start3A_56 = arith.constant 0 : i32
      %dma_start3A_57 = arith.constant 0 : i32
      %dma_start3A_58 = tpu.memref_slice %arg5[%add3A, %dma_start3A_56, %dma_start3A_57] : memref<32x28x128xi32, #tpu.memory_space<hbm>> -> memref<1x28x128xi32, #tpu.memory_space<hbm>>
      %dma_start3A_59 = tpu.memref_squeeze %dma_start3A_58 : memref<1x28x128xi32, #tpu.memory_space<hbm>> -> memref<28x128xi32, #tpu.memory_space<hbm>>
      %dma_start3A_60 = arith.constant 0 : i32
      %dma_start3A_61 = arith.constant 0 : i32
      %dma_start3A_62 = tpu.memref_slice %arg5[%add3A, %dma_start3A_60, %dma_start3A_61] : memref<32x28x128xi32, #tpu.memory_space<hbm>> -> memref<1x28x128xi32, #tpu.memory_space<hbm>>
      %dma_start3A_63 = tpu.memref_squeeze %dma_start3A_62 : memref<1x28x128xi32, #tpu.memory_space<hbm>> -> memref<28x128xi32, #tpu.memory_space<hbm>>
      tpu.enqueue_dma source(%dma_start3A_63 : memref<28x128xi32, #tpu.memory_space<hbm>>) target(%arg11 : memref<28x128xi32, #tpu.memory_space<vmem>>) target_semaphore(%run_scoped3A : memref<!tpu.dma_semaphore, #tpu.memory_space<semaphore_mem>>)
      %dma_wait3A_64 = arith.constant 0 : i32
      %dma_wait3A_65 = arith.constant 0 : i32
      %dma_wait3A_66 = tpu.memref_slice %arg5[%add3A, %dma_wait3A_64, %dma_wait3A_65] : memref<32x28x128xi32, #tpu.memory_space<hbm>> -> memref<1x28x128xi32, #tpu.memory_space<hbm>>
      %dma_wait3A_67 = tpu.memref_squeeze %dma_wait3A_66 : memref<1x28x128xi32, #tpu.memory_space<hbm>> -> memref<28x128xi32, #tpu.memory_space<hbm>>
      %dma_wait3A_68 = arith.constant 0 : i32
      %dma_wait3A_69 = arith.constant 0 : i32
      %dma_wait3A_70 = tpu.memref_slice %arg5[%add3A, %dma_wait3A_68, %dma_wait3A_69] : memref<32x28x128xi32, #tpu.memory_space<hbm>> -> memref<1x28x128xi32, #tpu.memory_space<hbm>>
      %dma_wait3A_71 = tpu.memref_squeeze %dma_wait3A_70 : memref<1x28x128xi32, #tpu.memory_space<hbm>> -> memref<28x128xi32, #tpu.memory_space<hbm>>
      tpu.wait_dma2 semaphore(%run_scoped3A : memref<!tpu.dma_semaphore, #tpu.memory_space<semaphore_mem>>) src(%dma_wait3A_71 : memref<28x128xi32, #tpu.memory_space<hbm>>) dst(%arg11 : memref<28x128xi32, #tpu.memory_space<vmem>>)
      tpu.yield
    }) : () -> ()
    "tpu.region"() ({
      %run_scoped3A = tpu.sem_alloc : memref<!tpu.dma_semaphore, #tpu.memory_space<semaphore_mem>>
      %dma_start3A_56 = arith.constant 0 : i32
      %dma_start3A_57 = arith.constant 0 : i32
      %dma_start3A_58 = tpu.memref_slice %arg6[%add3A, %dma_start3A_56, %dma_start3A_57] : memref<32x28x128xi32, #tpu.memory_space<hbm>> -> memref<1x28x128xi32, #tpu.memory_space<hbm>>
      %dma_start3A_59 = tpu.memref_squeeze %dma_start3A_58 : memref<1x28x128xi32, #tpu.memory_space<hbm>> -> memref<28x128xi32, #tpu.memory_space<hbm>>
      %dma_start3A_60 = arith.constant 0 : i32
      %dma_start3A_61 = arith.constant 0 : i32
      %dma_start3A_62 = tpu.memref_slice %arg6[%add3A, %dma_start3A_60, %dma_start3A_61] : memref<32x28x128xi32, #tpu.memory_space<hbm>> -> memref<1x28x128xi32, #tpu.memory_space<hbm>>
      %dma_start3A_63 = tpu.memref_squeeze %dma_start3A_62 : memref<1x28x128xi32, #tpu.memory_space<hbm>> -> memref<28x128xi32, #tpu.memory_space<hbm>>
      tpu.enqueue_dma source(%dma_start3A_63 : memref<28x128xi32, #tpu.memory_space<hbm>>) target(%arg12 : memref<28x128xi32, #tpu.memory_space<vmem>>) target_semaphore(%run_scoped3A : memref<!tpu.dma_semaphore, #tpu.memory_space<semaphore_mem>>)
      %dma_wait3A_64 = arith.constant 0 : i32
      %dma_wait3A_65 = arith.constant 0 : i32
      %dma_wait3A_66 = tpu.memref_slice %arg6[%add3A, %dma_wait3A_64, %dma_wait3A_65] : memref<32x28x128xi32, #tpu.memory_space<hbm>> -> memref<1x28x128xi32, #tpu.memory_space<hbm>>
      %dma_wait3A_67 = tpu.memref_squeeze %dma_wait3A_66 : memref<1x28x128xi32, #tpu.memory_space<hbm>> -> memref<28x128xi32, #tpu.memory_space<hbm>>
      %dma_wait3A_68 = arith.constant 0 : i32
      %dma_wait3A_69 = arith.constant 0 : i32
      %dma_wait3A_70 = tpu.memref_slice %arg6[%add3A, %dma_wait3A_68, %dma_wait3A_69] : memref<32x28x128xi32, #tpu.memory_space<hbm>> -> memref<1x28x128xi32, #tpu.memory_space<hbm>>
      %dma_wait3A_71 = tpu.memref_squeeze %dma_wait3A_70 : memref<1x28x128xi32, #tpu.memory_space<hbm>> -> memref<28x128xi32, #tpu.memory_space<hbm>>
      tpu.wait_dma2 semaphore(%run_scoped3A : memref<!tpu.dma_semaphore, #tpu.memory_space<semaphore_mem>>) src(%dma_wait3A_71 : memref<28x128xi32, #tpu.memory_space<hbm>>) dst(%arg12 : memref<28x128xi32, #tpu.memory_space<vmem>>)
      tpu.yield
    }) : () -> ()
    "tpu.region"() ({
      %run_scoped3A = tpu.sem_alloc : memref<!tpu.dma_semaphore, #tpu.memory_space<semaphore_mem>>
      %dma_start3A_56 = arith.constant 0 : i32
      %dma_start3A_57 = arith.constant 0 : i32
      %dma_start3A_58 = tpu.memref_slice %arg7[%add3A, %dma_start3A_56, %dma_start3A_57] : memref<32x64x50xi32, #tpu.memory_space<hbm>> -> memref<1x64x50xi32, #tpu.memory_space<hbm>>
      %dma_start3A_59 = tpu.memref_squeeze %dma_start3A_58 : memref<1x64x50xi32, #tpu.memory_space<hbm>> -> memref<64x50xi32, #tpu.memory_space<hbm>>
      %dma_start3A_60 = arith.constant 0 : i32
      %dma_start3A_61 = arith.constant 0 : i32
      %dma_start3A_62 = tpu.memref_slice %arg7[%add3A, %dma_start3A_60, %dma_start3A_61] : memref<32x64x50xi32, #tpu.memory_space<hbm>> -> memref<1x64x50xi32, #tpu.memory_space<hbm>>
      %dma_start3A_63 = tpu.memref_squeeze %dma_start3A_62 : memref<1x64x50xi32, #tpu.memory_space<hbm>> -> memref<64x50xi32, #tpu.memory_space<hbm>>
      tpu.enqueue_dma source(%dma_start3A_63 : memref<64x50xi32, #tpu.memory_space<hbm>>) target(%arg13 : memref<64x50xi32, #tpu.memory_space<vmem>>) target_semaphore(%run_scoped3A : memref<!tpu.dma_semaphore, #tpu.memory_space<semaphore_mem>>)
      %dma_wait3A_64 = arith.constant 0 : i32
      %dma_wait3A_65 = arith.constant 0 : i32
      %dma_wait3A_66 = tpu.memref_slice %arg7[%add3A, %dma_wait3A_64, %dma_wait3A_65] : memref<32x64x50xi32, #tpu.memory_space<hbm>> -> memref<1x64x50xi32, #tpu.memory_space<hbm>>
      %dma_wait3A_67 = tpu.memref_squeeze %dma_wait3A_66 : memref<1x64x50xi32, #tpu.memory_space<hbm>> -> memref<64x50xi32, #tpu.memory_space<hbm>>
      %dma_wait3A_68 = arith.constant 0 : i32
      %dma_wait3A_69 = arith.constant 0 : i32
      %dma_wait3A_70 = tpu.memref_slice %arg7[%add3A, %dma_wait3A_68, %dma_wait3A_69] : memref<32x64x50xi32, #tpu.memory_space<hbm>> -> memref<1x64x50xi32, #tpu.memory_space<hbm>>
      %dma_wait3A_71 = tpu.memref_squeeze %dma_wait3A_70 : memref<1x64x50xi32, #tpu.memory_space<hbm>> -> memref<64x50xi32, #tpu.memory_space<hbm>>
      tpu.wait_dma2 semaphore(%run_scoped3A : memref<!tpu.dma_semaphore, #tpu.memory_space<semaphore_mem>>) src(%dma_wait3A_71 : memref<64x50xi32, #tpu.memory_space<hbm>>) dst(%arg13 : memref<64x50xi32, #tpu.memory_space<vmem>>)
      tpu.yield
    }) : () -> ()
    %dma_start3A = arith.constant 0 : i32
    %dma_start3A_5 = arith.constant 0 : i32
    %dma_start3A_6 = tpu.memref_slice %arg11[%dma_start3A, %dma_start3A_5] : memref<28x128xi32, #tpu.memory_space<vmem>> -> memref<1x128xi32, #tpu.memory_space<vmem>>
    %dma_start3A_7 = tpu.memref_squeeze %dma_start3A_6 : memref<1x128xi32, #tpu.memory_space<vmem>> -> memref<128xi32, #tpu.memory_space<vmem>>
    %dma_start3A_8 = arith.constant 0 : i32
    %dma_start3A_9 = arith.constant 0 : i32
    %dma_start3A_10 = tpu.memref_slice %arg2[%dma_start3A_8, %dma_start3A_9] : memref<100000x128xf32, #tpu.memory_space<hbm>> -> memref<100000x128xf32, #tpu.memory_space<hbm>>
    tpu.enqueue_indirect_dma source(%dma_start3A_10 : memref<100000x128xf32, #tpu.memory_space<hbm>>) target(%arg14 : memref<128x128xf32, #tpu.memory_space<vmem>>) offsets(%dma_start3A_7 : memref<128xi32, #tpu.memory_space<vmem>>) semaphore(%arg21 : memref<!tpu.dma_semaphore, #tpu.memory_space<semaphore_mem>>)
    %dma_start3A_11 = arith.constant 0 : i32
    %dma_start3A_12 = arith.constant 0 : i32
    %dma_start3A_13 = tpu.memref_slice %arg12[%dma_start3A_11, %dma_start3A_12] : memref<28x128xi32, #tpu.memory_space<vmem>> -> memref<1x128xi32, #tpu.memory_space<vmem>>
    %dma_start3A_14 = tpu.memref_squeeze %dma_start3A_13 : memref<1x128xi32, #tpu.memory_space<vmem>> -> memref<128xi32, #tpu.memory_space<vmem>>
    %dma_start3A_15 = arith.constant 0 : i32
    %dma_start3A_16 = arith.constant 0 : i32
    %dma_start3A_17 = tpu.memref_slice %arg4[%dma_start3A_15, %dma_start3A_16] : memref<100000x128xf32, #tpu.memory_space<hbm>> -> memref<100000x128xf32, #tpu.memory_space<hbm>>
    tpu.enqueue_indirect_dma source(%dma_start3A_17 : memref<100000x128xf32, #tpu.memory_space<hbm>>) target(%arg16 : memref<128x128xf32, #tpu.memory_space<vmem>>) offsets(%dma_start3A_14 : memref<128xi32, #tpu.memory_space<vmem>>) semaphore(%arg22 : memref<!tpu.dma_semaphore, #tpu.memory_space<semaphore_mem>>)
    %dma_start3A_18 = arith.constant 0 : i32
    %dma_start3A_19 = arith.constant 0 : i32
    %dma_start3A_20 = tpu.memref_slice %arg13[%dma_start3A_18, %dma_start3A_19] : memref<64x50xi32, #tpu.memory_space<vmem>> -> memref<1x50xi32, #tpu.memory_space<vmem>>
    %dma_start3A_21 = tpu.memref_squeeze %dma_start3A_20 : memref<1x50xi32, #tpu.memory_space<vmem>> -> memref<50xi32, #tpu.memory_space<vmem>>
    %dma_start3A_22 = arith.constant 0 : i32
    %dma_start3A_23 = arith.constant 0 : i32
    %dma_start3A_24 = tpu.memref_slice %arg3[%dma_start3A_22, %dma_start3A_23] : memref<100000x128xf32, #tpu.memory_space<hbm>> -> memref<100000x128xf32, #tpu.memory_space<hbm>>
    tpu.enqueue_indirect_dma source(%dma_start3A_24 : memref<100000x128xf32, #tpu.memory_space<hbm>>) target(%arg18 : memref<50x128xf32, #tpu.memory_space<vmem>>) offsets(%dma_start3A_21 : memref<50xi32, #tpu.memory_space<vmem>>) semaphore(%arg23 : memref<!tpu.dma_semaphore, #tpu.memory_space<semaphore_mem>>)
    %scan3A = arith.constant 0 : i32
    %scan3A_25 = arith.constant 0 : i32
    %scan3A_26 = arith.constant 14 : i32
    %scan3A_27 = arith.addi %scan3A_25, %scan3A_26 : i32
    %scan3A_28 = arith.constant 1 : i32
    %scan3A_29 = scf.for %scan3A_56 = %scan3A_25 to %scan3A_27 step %scan3A_28 iter_args(%scan3A_57 = %scan3A) -> (i32)  : i32 {
      %mul3A_58 = arith.constant 2 : i32
      %mul3A_59 = arith.muli %scan3A_56, %mul3A_58 : i32
      %add3A_60 = arith.constant 0 : i32
      %add3A_61 = arith.addi %mul3A_59, %add3A_60 : i32
      %dma_wait3A_62 = arith.constant 0 : i32
      %dma_wait3A_63 = tpu.memref_slice %arg11[%add3A_61, %dma_wait3A_62] : memref<28x128xi32, #tpu.memory_space<vmem>> -> memref<1x128xi32, #tpu.memory_space<vmem>>
      %dma_wait3A_64 = tpu.memref_squeeze %dma_wait3A_63 : memref<1x128xi32, #tpu.memory_space<vmem>> -> memref<128xi32, #tpu.memory_space<vmem>>
      %dma_wait3A_65 = arith.constant 0 : i32
      %dma_wait3A_66 = arith.constant 0 : i32
      %dma_wait3A_67 = tpu.memref_slice %arg2[%dma_wait3A_65, %dma_wait3A_66] : memref<100000x128xf32, #tpu.memory_space<hbm>> -> memref<100000x128xf32, #tpu.memory_space<hbm>>
      tpu.wait_indirect_dma semaphore(%arg21 : memref<!tpu.dma_semaphore, #tpu.memory_space<semaphore_mem>>) src(%dma_wait3A_67 : memref<100000x128xf32, #tpu.memory_space<hbm>>) dst(%arg14 : memref<128x128xf32, #tpu.memory_space<vmem>>)
      %mul3A_68 = arith.constant 128 : i32
      %mul3A_69 = arith.muli %add3A_61, %mul3A_68 : i32
      %add3A_70 = arith.addi %mul3A_4, %mul3A_69 : i32
      %dma_start3A_71 = arith.constant 0 : i32
      %dma_start3A_72 = tpu.memref_slice %arg8[%add3A_70, %dma_start3A_71] : memref<114688x128xf32, #tpu.memory_space<hbm>> -> memref<128x128xf32, #tpu.memory_space<hbm>>
      %dma_start3A_73 = arith.constant 0 : i32
      %dma_start3A_74 = tpu.memref_slice %arg8[%add3A_70, %dma_start3A_73] : memref<114688x128xf32, #tpu.memory_space<hbm>> -> memref<128x128xf32, #tpu.memory_space<hbm>>
      tpu.enqueue_dma source(%arg14 : memref<128x128xf32, #tpu.memory_space<vmem>>) target(%dma_start3A_74 : memref<128x128xf32, #tpu.memory_space<hbm>>) target_semaphore(%arg24 : memref<!tpu.dma_semaphore, #tpu.memory_space<semaphore_mem>>)
      %ge3A = arith.constant 1 : i32
      %ge3A_75 = arith.cmpi sge, %scan3A_56, %ge3A : i32
      %convert_element_type3A = arith.extui %ge3A_75 : i1 to i32
      %cond3A = arith.constant 0 : i32
      %cond3A_76 = arith.cmpi ne, %convert_element_type3A, %cond3A : i32
      scf.if %cond3A_76 {
        %sub3A_575 = arith.constant 1 : i32
        %sub3A_576 = arith.subi %add3A_61, %sub3A_575 : i32
        %mul3A_577 = arith.constant 128 : i32
        %mul3A_578 = arith.muli %sub3A_576, %mul3A_577 : i32
        %add3A_579 = arith.addi %mul3A_4, %mul3A_578 : i32
        %dma_wait3A_580 = arith.constant 0 : i32
        %dma_wait3A_581 = tpu.memref_slice %arg8[%add3A_579, %dma_wait3A_580] : memref<114688x128xf32, #tpu.memory_space<hbm>> -> memref<128x128xf32, #tpu.memory_space<hbm>>
        %dma_wait3A_582 = arith.constant 0 : i32
        %dma_wait3A_583 = tpu.memref_slice %arg8[%add3A_579, %dma_wait3A_582] : memref<114688x128xf32, #tpu.memory_space<hbm>> -> memref<128x128xf32, #tpu.memory_space<hbm>>
        tpu.wait_dma2 semaphore(%arg25 : memref<!tpu.dma_semaphore, #tpu.memory_space<semaphore_mem>>) src(%arg15 : memref<128x128xf32, #tpu.memory_space<vmem>>) dst(%dma_wait3A_583 : memref<128x128xf32, #tpu.memory_space<hbm>>)
      } else {
      }
      %add3A_77 = arith.constant 1 : i32
      %add3A_78 = arith.addi %add3A_61, %add3A_77 : i32
      %dma_start3A_79 = arith.constant 0 : i32
      %dma_start3A_80 = tpu.memref_slice %arg11[%add3A_78, %dma_start3A_79] : memref<28x128xi32, #tpu.memory_space<vmem>> -> memref<1x128xi32, #tpu.memory_space<vmem>>
      %dma_start3A_81 = tpu.memref_squeeze %dma_start3A_80 : memref<1x128xi32, #tpu.memory_space<vmem>> -> memref<128xi32, #tpu.memory_space<vmem>>
      %dma_start3A_82 = arith.constant 0 : i32
      %dma_start3A_83 = arith.constant 0 : i32
      %dma_start3A_84 = tpu.memref_slice %arg2[%dma_start3A_82, %dma_start3A_83] : memref<100000x128xf32, #tpu.memory_space<hbm>> -> memref<100000x128xf32, #tpu.memory_space<hbm>>
      tpu.enqueue_indirect_dma source(%dma_start3A_84 : memref<100000x128xf32, #tpu.memory_space<hbm>>) target(%arg15 : memref<128x128xf32, #tpu.memory_space<vmem>>) offsets(%dma_start3A_81 : memref<128xi32, #tpu.memory_space<vmem>>) semaphore(%arg21 : memref<!tpu.dma_semaphore, #tpu.memory_space<semaphore_mem>>)
      %mul3A_85 = arith.constant 2 : i32
      %mul3A_86 = arith.muli %mul3A_85, %add3A_61 : i32
      %dma_wait3A_87 = arith.constant 0 : i32
      %dma_wait3A_88 = tpu.memref_slice %arg13[%mul3A_86, %dma_wait3A_87] : memref<64x50xi32, #tpu.memory_space<vmem>> -> memref<1x50xi32, #tpu.memory_space<vmem>>
      %dma_wait3A_89 = tpu.memref_squeeze %dma_wait3A_88 : memref<1x50xi32, #tpu.memory_space<vmem>> -> memref<50xi32, #tpu.memory_space<vmem>>
      %dma_wait3A_90 = arith.constant 0 : i32
      %dma_wait3A_91 = arith.constant 0 : i32
      %dma_wait3A_92 = tpu.memref_slice %arg3[%dma_wait3A_90, %dma_wait3A_91] : memref<100000x128xf32, #tpu.memory_space<hbm>> -> memref<100000x128xf32, #tpu.memory_space<hbm>>
      tpu.wait_indirect_dma semaphore(%arg23 : memref<!tpu.dma_semaphore, #tpu.memory_space<semaphore_mem>>) src(%dma_wait3A_92 : memref<100000x128xf32, #tpu.memory_space<hbm>>) dst(%arg18 : memref<50x128xf32, #tpu.memory_space<vmem>>)
      %add3A_93 = arith.constant 1 : i32
      %add3A_94 = arith.addi %mul3A_86, %add3A_93 : i32
      %dma_start3A_95 = arith.constant 0 : i32
      %dma_start3A_96 = tpu.memref_slice %arg13[%add3A_94, %dma_start3A_95] : memref<64x50xi32, #tpu.memory_space<vmem>> -> memref<1x50xi32, #tpu.memory_space<vmem>>
      %dma_start3A_97 = tpu.memref_squeeze %dma_start3A_96 : memref<1x50xi32, #tpu.memory_space<vmem>> -> memref<50xi32, #tpu.memory_space<vmem>>
      %dma_start3A_98 = arith.constant 0 : i32
      %dma_start3A_99 = arith.constant 0 : i32
      %dma_start3A_100 = tpu.memref_slice %arg3[%dma_start3A_98, %dma_start3A_99] : memref<100000x128xf32, #tpu.memory_space<hbm>> -> memref<100000x128xf32, #tpu.memory_space<hbm>>
      tpu.enqueue_indirect_dma source(%dma_start3A_100 : memref<100000x128xf32, #tpu.memory_space<hbm>>) target(%arg19 : memref<50x128xf32, #tpu.memory_space<vmem>>) offsets(%dma_start3A_97 : memref<50xi32, #tpu.memory_space<vmem>>) semaphore(%arg23 : memref<!tpu.dma_semaphore, #tpu.memory_space<semaphore_mem>>)
      %get3A = arith.constant 0 : i32
      %get3A_101 = arith.index_cast %get3A : i32 to index
      %get3A_102 = arith.constant 0 : index
      %get3A_103 = tpu.vector_load %arg18[%get3A_101, %get3A_102] {strides = array<i32>} : memref<50x128xf32, #tpu.memory_space<vmem>>, vector<1x16xf32>,
      %get3A_104 = vector.shape_cast %get3A_103 : vector<1x16xf32> to vector<16xf32>
      %get3A_105 = arith.constant 0 : i32
      %get3A_106 = arith.index_cast %get3A_105 : i32 to index
      %get3A_107 = arith.constant 16 : index
      %get3A_108 = tpu.vector_load %arg18[%get3A_106, %get3A_107] {strides = array<i32>} : memref<50x128xf32, #tpu.memory_space<vmem>>, vector<1x16xf32>,
      %get3A_109 = vector.shape_cast %get3A_108 : vector<1x16xf32> to vector<16xf32>
      %get3A_110 = arith.constant 0 : i32
      %get3A_111 = arith.index_cast %get3A_110 : i32 to index
      %get3A_112 = arith.constant 32 : index
      %get3A_113 = tpu.vector_load %arg18[%get3A_111, %get3A_112] {strides = array<i32>} : memref<50x128xf32, #tpu.memory_space<vmem>>, vector<1x16xf32>,
      %get3A_114 = vector.shape_cast %get3A_113 : vector<1x16xf32> to vector<16xf32>
      %get3A_115 = arith.constant 0 : i32
      %get3A_116 = arith.index_cast %get3A_115 : i32 to index
      %get3A_117 = arith.constant 48 : index
      %get3A_118 = tpu.vector_load %arg18[%get3A_116, %get3A_117] {strides = array<i32>} : memref<50x128xf32, #tpu.memory_space<vmem>>, vector<1x16xf32>,
      %get3A_119 = vector.shape_cast %get3A_118 : vector<1x16xf32> to vector<16xf32>
      %get3A_120 = arith.constant 0 : i32
      %get3A_121 = arith.index_cast %get3A_120 : i32 to index
      %get3A_122 = arith.constant 64 : index
      %get3A_123 = tpu.vector_load %arg18[%get3A_121, %get3A_122] {strides = array<i32>} : memref<50x128xf32, #tpu.memory_space<vmem>>, vector<1x16xf32>,
      %get3A_124 = vector.shape_cast %get3A_123 : vector<1x16xf32> to vector<16xf32>
      %get3A_125 = arith.constant 0 : i32
      %get3A_126 = arith.index_cast %get3A_125 : i32 to index
      %get3A_127 = arith.constant 80 : index
      %get3A_128 = tpu.vector_load %arg18[%get3A_126, %get3A_127] {strides = array<i32>} : memref<50x128xf32, #tpu.memory_space<vmem>>, vector<1x16xf32>,
      %get3A_129 = vector.shape_cast %get3A_128 : vector<1x16xf32> to vector<16xf32>
      %get3A_130 = arith.constant 0 : i32
      %get3A_131 = arith.index_cast %get3A_130 : i32 to index
      %get3A_132 = arith.constant 96 : index
      %get3A_133 = tpu.vector_load %arg18[%get3A_131, %get3A_132] {strides = array<i32>} : memref<50x128xf32, #tpu.memory_space<vmem>>, vector<1x16xf32>,
      %get3A_134 = vector.shape_cast %get3A_133 : vector<1x16xf32> to vector<16xf32>
      %get3A_135 = arith.constant 0 : i32
      %get3A_136 = arith.index_cast %get3A_135 : i32 to index
      %get3A_137 = arith.constant 112 : index
      %get3A_138 = tpu.vector_load %arg18[%get3A_136, %get3A_137] {strides = array<i32>} : memref<50x128xf32, #tpu.memory_space<vmem>>, vector<1x16xf32>,
      %get3A_139 = vector.shape_cast %get3A_138 : vector<1x16xf32> to vector<16xf32>
      %scan3A_140 = arith.constant 1 : i32
      %scan3A_141 = arith.constant 49 : i32
      %scan3A_142 = arith.addi %scan3A_140, %scan3A_141 : i32
      %scan3A_143 = arith.constant 1 : i32
      %scan3A_144:8 = scf.for %scan3A_575 = %scan3A_140 to %scan3A_142 step %scan3A_143 iter_args(%scan3A_576 = %get3A_104, %scan3A_577 = %get3A_109, %scan3A_578 = %get3A_114, %scan3A_579 = %get3A_119, %scan3A_580 = %get3A_124, %scan3A_581 = %get3A_129, %scan3A_582 = %get3A_134, %scan3A_583 = %get3A_139) -> (vector<16xf32>, vector<16xf32>, vector<16xf32>, vector<16xf32>, vector<16xf32>, vector<16xf32>, vector<16xf32>, vector<16xf32>)  : i32 {
        %get3A_584 = arith.index_cast %scan3A_575 : i32 to index
        %get3A_585 = arith.constant 0 : index
        %get3A_586 = tpu.vector_load %arg18[%get3A_584, %get3A_585] {strides = array<i32>} : memref<50x128xf32, #tpu.memory_space<vmem>>, vector<1x16xf32>,
        %get3A_587 = vector.shape_cast %get3A_586 : vector<1x16xf32> to vector<16xf32>
        %add3A_588 = arith.addf %scan3A_576, %get3A_587 : vector<16xf32>
        %get3A_589 = arith.index_cast %scan3A_575 : i32 to index
        %get3A_590 = arith.constant 16 : index
        %get3A_591 = tpu.vector_load %arg18[%get3A_589, %get3A_590] {strides = array<i32>} : memref<50x128xf32, #tpu.memory_space<vmem>>, vector<1x16xf32>,
        %get3A_592 = vector.shape_cast %get3A_591 : vector<1x16xf32> to vector<16xf32>
        %add3A_593 = arith.addf %scan3A_577, %get3A_592 : vector<16xf32>
        %get3A_594 = arith.index_cast %scan3A_575 : i32 to index
        %get3A_595 = arith.constant 32 : index
        %get3A_596 = tpu.vector_load %arg18[%get3A_594, %get3A_595] {strides = array<i32>} : memref<50x128xf32, #tpu.memory_space<vmem>>, vector<1x16xf32>,
        %get3A_597 = vector.shape_cast %get3A_596 : vector<1x16xf32> to vector<16xf32>
        %add3A_598 = arith.addf %scan3A_578, %get3A_597 : vector<16xf32>
        %get3A_599 = arith.index_cast %scan3A_575 : i32 to index
        %get3A_600 = arith.constant 48 : index
        %get3A_601 = tpu.vector_load %arg18[%get3A_599, %get3A_600] {strides = array<i32>} : memref<50x128xf32, #tpu.memory_space<vmem>>, vector<1x16xf32>,
        %get3A_602 = vector.shape_cast %get3A_601 : vector<1x16xf32> to vector<16xf32>
        %add3A_603 = arith.addf %scan3A_579, %get3A_602 : vector<16xf32>
        %get3A_604 = arith.index_cast %scan3A_575 : i32 to index
        %get3A_605 = arith.constant 64 : index
        %get3A_606 = tpu.vector_load %arg18[%get3A_604, %get3A_605] {strides = array<i32>} : memref<50x128xf32, #tpu.memory_space<vmem>>, vector<1x16xf32>,
        %get3A_607 = vector.shape_cast %get3A_606 : vector<1x16xf32> to vector<16xf32>
        %add3A_608 = arith.addf %scan3A_580, %get3A_607 : vector<16xf32>
        %get3A_609 = arith.index_cast %scan3A_575 : i32 to index
        %get3A_610 = arith.constant 80 : index
        %get3A_611 = tpu.vector_load %arg18[%get3A_609, %get3A_610] {strides = array<i32>} : memref<50x128xf32, #tpu.memory_space<vmem>>, vector<1x16xf32>,
        %get3A_612 = vector.shape_cast %get3A_611 : vector<1x16xf32> to vector<16xf32>
        %add3A_613 = arith.addf %scan3A_581, %get3A_612 : vector<16xf32>
        %get3A_614 = arith.index_cast %scan3A_575 : i32 to index
        %get3A_615 = arith.constant 96 : index
        %get3A_616 = tpu.vector_load %arg18[%get3A_614, %get3A_615] {strides = array<i32>} : memref<50x128xf32, #tpu.memory_space<vmem>>, vector<1x16xf32>,
        %get3A_617 = vector.shape_cast %get3A_616 : vector<1x16xf32> to vector<16xf32>
        %add3A_618 = arith.addf %scan3A_582, %get3A_617 : vector<16xf32>
        %get3A_619 = arith.index_cast %scan3A_575 : i32 to index
        %get3A_620 = arith.constant 112 : index
        %get3A_621 = tpu.vector_load %arg18[%get3A_619, %get3A_620] {strides = array<i32>} : memref<50x128xf32, #tpu.memory_space<vmem>>, vector<1x16xf32>,
        %get3A_622 = vector.shape_cast %get3A_621 : vector<1x16xf32> to vector<16xf32>
        %add3A_623 = arith.addf %scan3A_583, %get3A_622 : vector<16xf32>
        scf.yield %add3A_588, %add3A_593, %add3A_598, %add3A_603, %add3A_608, %add3A_613, %add3A_618, %add3A_623 : vector<16xf32>, vector<16xf32>, vector<16xf32>, vector<16xf32>, vector<16xf32>, vector<16xf32>, vector<16xf32>, vector<16xf32>
      }
      %scan3A_145 = arith.constant 49 : i32
      %swap3A = arith.index_cast %mul3A_86 : i32 to index
      %swap3A_146 = arith.constant 0 : index
      %swap3A_147 = tpu.vector_load %arg20[%swap3A, %swap3A_146] {strides = array<i32>} : memref<64x128xf32, #tpu.memory_space<vmem>>, vector<1x16xf32>,
      %swap3A_148 = vector.shape_cast %swap3A_147 : vector<1x16xf32> to vector<16xf32>
      %swap3A_149 = vector.shape_cast %scan3A_144#0 : vector<16xf32> to vector<1x16xf32>
      tpu.vector_store %arg20[%swap3A, %swap3A_146], %swap3A_149 {strides = array<i32>} : memref<64x128xf32, #tpu.memory_space<vmem>>, vector<1x16xf32>,
      %swap3A_150 = arith.index_cast %mul3A_86 : i32 to index
      %swap3A_151 = arith.constant 16 : index
      %swap3A_152 = tpu.vector_load %arg20[%swap3A_150, %swap3A_151] {strides = array<i32>} : memref<64x128xf32, #tpu.memory_space<vmem>>, vector<1x16xf32>,
      %swap3A_153 = vector.shape_cast %swap3A_152 : vector<1x16xf32> to vector<16xf32>
      %swap3A_154 = vector.shape_cast %scan3A_144#1 : vector<16xf32> to vector<1x16xf32>
      tpu.vector_store %arg20[%swap3A_150, %swap3A_151], %swap3A_154 {strides = array<i32>} : memref<64x128xf32, #tpu.memory_space<vmem>>, vector<1x16xf32>,
      %swap3A_155 = arith.index_cast %mul3A_86 : i32 to index
      %swap3A_156 = arith.constant 32 : index
      %swap3A_157 = tpu.vector_load %arg20[%swap3A_155, %swap3A_156] {strides = array<i32>} : memref<64x128xf32, #tpu.memory_space<vmem>>, vector<1x16xf32>,
      %swap3A_158 = vector.shape_cast %swap3A_157 : vector<1x16xf32> to vector<16xf32>
      %swap3A_159 = vector.shape_cast %scan3A_144#2 : vector<16xf32> to vector<1x16xf32>
      tpu.vector_store %arg20[%swap3A_155, %swap3A_156], %swap3A_159 {strides = array<i32>} : memref<64x128xf32, #tpu.memory_space<vmem>>, vector<1x16xf32>,
      %swap3A_160 = arith.index_cast %mul3A_86 : i32 to index
      %swap3A_161 = arith.constant 48 : index
      %swap3A_162 = tpu.vector_load %arg20[%swap3A_160, %swap3A_161] {strides = array<i32>} : memref<64x128xf32, #tpu.memory_space<vmem>>, vector<1x16xf32>,
      %swap3A_163 = vector.shape_cast %swap3A_162 : vector<1x16xf32> to vector<16xf32>
      %swap3A_164 = vector.shape_cast %scan3A_144#3 : vector<16xf32> to vector<1x16xf32>
      tpu.vector_store %arg20[%swap3A_160, %swap3A_161], %swap3A_164 {strides = array<i32>} : memref<64x128xf32, #tpu.memory_space<vmem>>, vector<1x16xf32>,
      %swap3A_165 = arith.index_cast %mul3A_86 : i32 to index
      %swap3A_166 = arith.constant 64 : index
      %swap3A_167 = tpu.vector_load %arg20[%swap3A_165, %swap3A_166] {strides = array<i32>} : memref<64x128xf32, #tpu.memory_space<vmem>>, vector<1x16xf32>,
      %swap3A_168 = vector.shape_cast %swap3A_167 : vector<1x16xf32> to vector<16xf32>
      %swap3A_169 = vector.shape_cast %scan3A_144#4 : vector<16xf32> to vector<1x16xf32>
      tpu.vector_store %arg20[%swap3A_165, %swap3A_166], %swap3A_169 {strides = array<i32>} : memref<64x128xf32, #tpu.memory_space<vmem>>, vector<1x16xf32>,
      %swap3A_170 = arith.index_cast %mul3A_86 : i32 to index
      %swap3A_171 = arith.constant 80 : index
      %swap3A_172 = tpu.vector_load %arg20[%swap3A_170, %swap3A_171] {strides = array<i32>} : memref<64x128xf32, #tpu.memory_space<vmem>>, vector<1x16xf32>,
      %swap3A_173 = vector.shape_cast %swap3A_172 : vector<1x16xf32> to vector<16xf32>
      %swap3A_174 = vector.shape_cast %scan3A_144#5 : vector<16xf32> to vector<1x16xf32>
      tpu.vector_store %arg20[%swap3A_170, %swap3A_171], %swap3A_174 {strides = array<i32>} : memref<64x128xf32, #tpu.memory_space<vmem>>, vector<1x16xf32>,
      %swap3A_175 = arith.index_cast %mul3A_86 : i32 to index
      %swap3A_176 = arith.constant 96 : index
      %swap3A_177 = tpu.vector_load %arg20[%swap3A_175, %swap3A_176] {strides = array<i32>} : memref<64x128xf32, #tpu.memory_space<vmem>>, vector<1x16xf32>,
      %swap3A_178 = vector.shape_cast %swap3A_177 : vector<1x16xf32> to vector<16xf32>
      %swap3A_179 = vector.shape_cast %scan3A_144#6 : vector<16xf32> to vector<1x16xf32>
      tpu.vector_store %arg20[%swap3A_175, %swap3A_176], %swap3A_179 {strides = array<i32>} : memref<64x128xf32, #tpu.memory_space<vmem>>, vector<1x16xf32>,
      %swap3A_180 = arith.index_cast %mul3A_86 : i32 to index
      %swap3A_181 = arith.constant 112 : index
      %swap3A_182 = tpu.vector_load %arg20[%swap3A_180, %swap3A_181] {strides = array<i32>} : memref<64x128xf32, #tpu.memory_space<vmem>>, vector<1x16xf32>,
      %swap3A_183 = vector.shape_cast %swap3A_182 : vector<1x16xf32> to vector<16xf32>
      %swap3A_184 = vector.shape_cast %scan3A_144#7 : vector<16xf32> to vector<1x16xf32>
      tpu.vector_store %arg20[%swap3A_180, %swap3A_181], %swap3A_184 {strides = array<i32>} : memref<64x128xf32, #tpu.memory_space<vmem>>, vector<1x16xf32>,
      %dma_wait3A_185 = arith.constant 0 : i32
      %dma_wait3A_186 = tpu.memref_slice %arg12[%add3A_61, %dma_wait3A_185] : memref<28x128xi32, #tpu.memory_space<vmem>> -> memref<1x128xi32, #tpu.memory_space<vmem>>
      %dma_wait3A_187 = tpu.memref_squeeze %dma_wait3A_186 : memref<1x128xi32, #tpu.memory_space<vmem>> -> memref<128xi32, #tpu.memory_space<vmem>>
      %dma_wait3A_188 = arith.constant 0 : i32
      %dma_wait3A_189 = arith.constant 0 : i32
      %dma_wait3A_190 = tpu.memref_slice %arg4[%dma_wait3A_188, %dma_wait3A_189] : memref<100000x128xf32, #tpu.memory_space<hbm>> -> memref<100000x128xf32, #tpu.memory_space<hbm>>
      tpu.wait_indirect_dma semaphore(%arg22 : memref<!tpu.dma_semaphore, #tpu.memory_space<semaphore_mem>>) src(%dma_wait3A_190 : memref<100000x128xf32, #tpu.memory_space<hbm>>) dst(%arg16 : memref<128x128xf32, #tpu.memory_space<vmem>>)
      %mul3A_191 = arith.constant 128 : i32
      %mul3A_192 = arith.muli %add3A_61, %mul3A_191 : i32
      %add3A_193 = arith.addi %mul3A_4, %mul3A_192 : i32
      %dma_start3A_194 = arith.constant 0 : i32
      %dma_start3A_195 = tpu.memref_slice %arg9[%add3A_193, %dma_start3A_194] : memref<114688x128xf32, #tpu.memory_space<hbm>> -> memref<128x128xf32, #tpu.memory_space<hbm>>
      %dma_start3A_196 = arith.constant 0 : i32
      %dma_start3A_197 = tpu.memref_slice %arg9[%add3A_193, %dma_start3A_196] : memref<114688x128xf32, #tpu.memory_space<hbm>> -> memref<128x128xf32, #tpu.memory_space<hbm>>
      tpu.enqueue_dma source(%arg16 : memref<128x128xf32, #tpu.memory_space<vmem>>) target(%dma_start3A_197 : memref<128x128xf32, #tpu.memory_space<hbm>>) target_semaphore(%arg26 : memref<!tpu.dma_semaphore, #tpu.memory_space<semaphore_mem>>)
      %ge3A_198 = arith.constant 1 : i32
      %ge3A_199 = arith.cmpi sge, %scan3A_56, %ge3A_198 : i32
      %convert_element_type3A_200 = arith.extui %ge3A_199 : i1 to i32
      %cond3A_201 = arith.constant 0 : i32
      %cond3A_202 = arith.cmpi ne, %convert_element_type3A_200, %cond3A_201 : i32
      scf.if %cond3A_202 {
        %sub3A_575 = arith.constant 1 : i32
        %sub3A_576 = arith.subi %add3A_61, %sub3A_575 : i32
        %mul3A_577 = arith.constant 128 : i32
        %mul3A_578 = arith.muli %sub3A_576, %mul3A_577 : i32
        %add3A_579 = arith.addi %mul3A_4, %mul3A_578 : i32
        %dma_wait3A_580 = arith.constant 0 : i32
        %dma_wait3A_581 = tpu.memref_slice %arg9[%add3A_579, %dma_wait3A_580] : memref<114688x128xf32, #tpu.memory_space<hbm>> -> memref<128x128xf32, #tpu.memory_space<hbm>>
        %dma_wait3A_582 = arith.constant 0 : i32
        %dma_wait3A_583 = tpu.memref_slice %arg9[%add3A_579, %dma_wait3A_582] : memref<114688x128xf32, #tpu.memory_space<hbm>> -> memref<128x128xf32, #tpu.memory_space<hbm>>
        tpu.wait_dma2 semaphore(%arg27 : memref<!tpu.dma_semaphore, #tpu.memory_space<semaphore_mem>>) src(%arg17 : memref<128x128xf32, #tpu.memory_space<vmem>>) dst(%dma_wait3A_583 : memref<128x128xf32, #tpu.memory_space<hbm>>)
      } else {
      }
      %add3A_203 = arith.constant 1 : i32
      %add3A_204 = arith.addi %add3A_61, %add3A_203 : i32
      %dma_start3A_205 = arith.constant 0 : i32
      %dma_start3A_206 = tpu.memref_slice %arg12[%add3A_204, %dma_start3A_205] : memref<28x128xi32, #tpu.memory_space<vmem>> -> memref<1x128xi32, #tpu.memory_space<vmem>>
      %dma_start3A_207 = tpu.memref_squeeze %dma_start3A_206 : memref<1x128xi32, #tpu.memory_space<vmem>> -> memref<128xi32, #tpu.memory_space<vmem>>
      %dma_start3A_208 = arith.constant 0 : i32
      %dma_start3A_209 = arith.constant 0 : i32
      %dma_start3A_210 = tpu.memref_slice %arg4[%dma_start3A_208, %dma_start3A_209] : memref<100000x128xf32, #tpu.memory_space<hbm>> -> memref<100000x128xf32, #tpu.memory_space<hbm>>
      tpu.enqueue_indirect_dma source(%dma_start3A_210 : memref<100000x128xf32, #tpu.memory_space<hbm>>) target(%arg17 : memref<128x128xf32, #tpu.memory_space<vmem>>) offsets(%dma_start3A_207 : memref<128xi32, #tpu.memory_space<vmem>>) semaphore(%arg22 : memref<!tpu.dma_semaphore, #tpu.memory_space<semaphore_mem>>)
      %add3A_211 = arith.constant 1 : i32
      %add3A_212 = arith.addi %mul3A_86, %add3A_211 : i32
      %dma_wait3A_213 = arith.constant 0 : i32
      %dma_wait3A_214 = tpu.memref_slice %arg13[%add3A_212, %dma_wait3A_213] : memref<64x50xi32, #tpu.memory_space<vmem>> -> memref<1x50xi32, #tpu.memory_space<vmem>>
      %dma_wait3A_215 = tpu.memref_squeeze %dma_wait3A_214 : memref<1x50xi32, #tpu.memory_space<vmem>> -> memref<50xi32, #tpu.memory_space<vmem>>
      %dma_wait3A_216 = arith.constant 0 : i32
      %dma_wait3A_217 = arith.constant 0 : i32
      %dma_wait3A_218 = tpu.memref_slice %arg3[%dma_wait3A_216, %dma_wait3A_217] : memref<100000x128xf32, #tpu.memory_space<hbm>> -> memref<100000x128xf32, #tpu.memory_space<hbm>>
      tpu.wait_indirect_dma semaphore(%arg23 : memref<!tpu.dma_semaphore, #tpu.memory_space<semaphore_mem>>) src(%dma_wait3A_218 : memref<100000x128xf32, #tpu.memory_space<hbm>>) dst(%arg19 : memref<50x128xf32, #tpu.memory_space<vmem>>)
      %add3A_219 = arith.constant 2 : i32
      %add3A_220 = arith.addi %mul3A_86, %add3A_219 : i32
      %dma_start3A_221 = arith.constant 0 : i32
      %dma_start3A_222 = tpu.memref_slice %arg13[%add3A_220, %dma_start3A_221] : memref<64x50xi32, #tpu.memory_space<vmem>> -> memref<1x50xi32, #tpu.memory_space<vmem>>
      %dma_start3A_223 = tpu.memref_squeeze %dma_start3A_222 : memref<1x50xi32, #tpu.memory_space<vmem>> -> memref<50xi32, #tpu.memory_space<vmem>>
      %dma_start3A_224 = arith.constant 0 : i32
      %dma_start3A_225 = arith.constant 0 : i32
      %dma_start3A_226 = tpu.memref_slice %arg3[%dma_start3A_224, %dma_start3A_225] : memref<100000x128xf32, #tpu.memory_space<hbm>> -> memref<100000x128xf32, #tpu.memory_space<hbm>>
      tpu.enqueue_indirect_dma source(%dma_start3A_226 : memref<100000x128xf32, #tpu.memory_space<hbm>>) target(%arg18 : memref<50x128xf32, #tpu.memory_space<vmem>>) offsets(%dma_start3A_223 : memref<50xi32, #tpu.memory_space<vmem>>) semaphore(%arg23 : memref<!tpu.dma_semaphore, #tpu.memory_space<semaphore_mem>>)
      %add3A_227 = arith.constant 1 : i32
      %add3A_228 = arith.addi %mul3A_86, %add3A_227 : i32
      %get3A_229 = arith.constant 0 : i32
      %get3A_230 = arith.index_cast %get3A_229 : i32 to index
      %get3A_231 = arith.constant 0 : index
      %get3A_232 = tpu.vector_load %arg19[%get3A_230, %get3A_231] {strides = array<i32>} : memref<50x128xf32, #tpu.memory_space<vmem>>, vector<1x16xf32>,
      %get3A_233 = vector.shape_cast %get3A_232 : vector<1x16xf32> to vector<16xf32>
      %get3A_234 = arith.constant 0 : i32
      %get3A_235 = arith.index_cast %get3A_234 : i32 to index
      %get3A_236 = arith.constant 16 : index
      %get3A_237 = tpu.vector_load %arg19[%get3A_235, %get3A_236] {strides = array<i32>} : memref<50x128xf32, #tpu.memory_space<vmem>>, vector<1x16xf32>,
      %get3A_238 = vector.shape_cast %get3A_237 : vector<1x16xf32> to vector<16xf32>
      %get3A_239 = arith.constant 0 : i32
      %get3A_240 = arith.index_cast %get3A_239 : i32 to index
      %get3A_241 = arith.constant 32 : index
      %get3A_242 = tpu.vector_load %arg19[%get3A_240, %get3A_241] {strides = array<i32>} : memref<50x128xf32, #tpu.memory_space<vmem>>, vector<1x16xf32>,
      %get3A_243 = vector.shape_cast %get3A_242 : vector<1x16xf32> to vector<16xf32>
      %get3A_244 = arith.constant 0 : i32
      %get3A_245 = arith.index_cast %get3A_244 : i32 to index
      %get3A_246 = arith.constant 48 : index
      %get3A_247 = tpu.vector_load %arg19[%get3A_245, %get3A_246] {strides = array<i32>} : memref<50x128xf32, #tpu.memory_space<vmem>>, vector<1x16xf32>,
      %get3A_248 = vector.shape_cast %get3A_247 : vector<1x16xf32> to vector<16xf32>
      %get3A_249 = arith.constant 0 : i32
      %get3A_250 = arith.index_cast %get3A_249 : i32 to index
      %get3A_251 = arith.constant 64 : index
      %get3A_252 = tpu.vector_load %arg19[%get3A_250, %get3A_251] {strides = array<i32>} : memref<50x128xf32, #tpu.memory_space<vmem>>, vector<1x16xf32>,
      %get3A_253 = vector.shape_cast %get3A_252 : vector<1x16xf32> to vector<16xf32>
      %get3A_254 = arith.constant 0 : i32
      %get3A_255 = arith.index_cast %get3A_254 : i32 to index
      %get3A_256 = arith.constant 80 : index
      %get3A_257 = tpu.vector_load %arg19[%get3A_255, %get3A_256] {strides = array<i32>} : memref<50x128xf32, #tpu.memory_space<vmem>>, vector<1x16xf32>,
      %get3A_258 = vector.shape_cast %get3A_257 : vector<1x16xf32> to vector<16xf32>
      %get3A_259 = arith.constant 0 : i32
      %get3A_260 = arith.index_cast %get3A_259 : i32 to index
      %get3A_261 = arith.constant 96 : index
      %get3A_262 = tpu.vector_load %arg19[%get3A_260, %get3A_261] {strides = array<i32>} : memref<50x128xf32, #tpu.memory_space<vmem>>, vector<1x16xf32>,
      %get3A_263 = vector.shape_cast %get3A_262 : vector<1x16xf32> to vector<16xf32>
      %get3A_264 = arith.constant 0 : i32
      %get3A_265 = arith.index_cast %get3A_264 : i32 to index
      %get3A_266 = arith.constant 112 : index
      %get3A_267 = tpu.vector_load %arg19[%get3A_265, %get3A_266] {strides = array<i32>} : memref<50x128xf32, #tpu.memory_space<vmem>>, vector<1x16xf32>,
      %get3A_268 = vector.shape_cast %get3A_267 : vector<1x16xf32> to vector<16xf32>
      %scan3A_269 = arith.constant 1 : i32
      %scan3A_270 = arith.constant 49 : i32
      %scan3A_271 = arith.addi %scan3A_269, %scan3A_270 : i32
      %scan3A_272 = arith.constant 1 : i32
      %scan3A_273:8 = scf.for %scan3A_575 = %scan3A_269 to %scan3A_271 step %scan3A_272 iter_args(%scan3A_576 = %get3A_233, %scan3A_577 = %get3A_238, %scan3A_578 = %get3A_243, %scan3A_579 = %get3A_248, %scan3A_580 = %get3A_253, %scan3A_581 = %get3A_258, %scan3A_582 = %get3A_263, %scan3A_583 = %get3A_268) -> (vector<16xf32>, vector<16xf32>, vector<16xf32>, vector<16xf32>, vector<16xf32>, vector<16xf32>, vector<16xf32>, vector<16xf32>)  : i32 {
        %get3A_584 = arith.index_cast %scan3A_575 : i32 to index
        %get3A_585 = arith.constant 0 : index
        %get3A_586 = tpu.vector_load %arg19[%get3A_584, %get3A_585] {strides = array<i32>} : memref<50x128xf32, #tpu.memory_space<vmem>>, vector<1x16xf32>,
        %get3A_587 = vector.shape_cast %get3A_586 : vector<1x16xf32> to vector<16xf32>
        %add3A_588 = arith.addf %scan3A_576, %get3A_587 : vector<16xf32>
        %get3A_589 = arith.index_cast %scan3A_575 : i32 to index
        %get3A_590 = arith.constant 16 : index
        %get3A_591 = tpu.vector_load %arg19[%get3A_589, %get3A_590] {strides = array<i32>} : memref<50x128xf32, #tpu.memory_space<vmem>>, vector<1x16xf32>,
        %get3A_592 = vector.shape_cast %get3A_591 : vector<1x16xf32> to vector<16xf32>
        %add3A_593 = arith.addf %scan3A_577, %get3A_592 : vector<16xf32>
        %get3A_594 = arith.index_cast %scan3A_575 : i32 to index
        %get3A_595 = arith.constant 32 : index
        %get3A_596 = tpu.vector_load %arg19[%get3A_594, %get3A_595] {strides = array<i32>} : memref<50x128xf32, #tpu.memory_space<vmem>>, vector<1x16xf32>,
        %get3A_597 = vector.shape_cast %get3A_596 : vector<1x16xf32> to vector<16xf32>
        %add3A_598 = arith.addf %scan3A_578, %get3A_597 : vector<16xf32>
        %get3A_599 = arith.index_cast %scan3A_575 : i32 to index
        %get3A_600 = arith.constant 48 : index
        %get3A_601 = tpu.vector_load %arg19[%get3A_599, %get3A_600] {strides = array<i32>} : memref<50x128xf32, #tpu.memory_space<vmem>>, vector<1x16xf32>,
        %get3A_602 = vector.shape_cast %get3A_601 : vector<1x16xf32> to vector<16xf32>
        %add3A_603 = arith.addf %scan3A_579, %get3A_602 : vector<16xf32>
        %get3A_604 = arith.index_cast %scan3A_575 : i32 to index
        %get3A_605 = arith.constant 64 : index
        %get3A_606 = tpu.vector_load %arg19[%get3A_604, %get3A_605] {strides = array<i32>} : memref<50x128xf32, #tpu.memory_space<vmem>>, vector<1x16xf32>,
        %get3A_607 = vector.shape_cast %get3A_606 : vector<1x16xf32> to vector<16xf32>
        %add3A_608 = arith.addf %scan3A_580, %get3A_607 : vector<16xf32>
        %get3A_609 = arith.index_cast %scan3A_575 : i32 to index
        %get3A_610 = arith.constant 80 : index
        %get3A_611 = tpu.vector_load %arg19[%get3A_609, %get3A_610] {strides = array<i32>} : memref<50x128xf32, #tpu.memory_space<vmem>>, vector<1x16xf32>,
        %get3A_612 = vector.shape_cast %get3A_611 : vector<1x16xf32> to vector<16xf32>
        %add3A_613 = arith.addf %scan3A_581, %get3A_612 : vector<16xf32>
        %get3A_614 = arith.index_cast %scan3A_575 : i32 to index
        %get3A_615 = arith.constant 96 : index
        %get3A_616 = tpu.vector_load %arg19[%get3A_614, %get3A_615] {strides = array<i32>} : memref<50x128xf32, #tpu.memory_space<vmem>>, vector<1x16xf32>,
        %get3A_617 = vector.shape_cast %get3A_616 : vector<1x16xf32> to vector<16xf32>
        %add3A_618 = arith.addf %scan3A_582, %get3A_617 : vector<16xf32>
        %get3A_619 = arith.index_cast %scan3A_575 : i32 to index
        %get3A_620 = arith.constant 112 : index
        %get3A_621 = tpu.vector_load %arg19[%get3A_619, %get3A_620] {strides = array<i32>} : memref<50x128xf32, #tpu.memory_space<vmem>>, vector<1x16xf32>,
        %get3A_622 = vector.shape_cast %get3A_621 : vector<1x16xf32> to vector<16xf32>
        %add3A_623 = arith.addf %scan3A_583, %get3A_622 : vector<16xf32>
        scf.yield %add3A_588, %add3A_593, %add3A_598, %add3A_603, %add3A_608, %add3A_613, %add3A_618, %add3A_623 : vector<16xf32>, vector<16xf32>, vector<16xf32>, vector<16xf32>, vector<16xf32>, vector<16xf32>, vector<16xf32>, vector<16xf32>
      }
      %scan3A_274 = arith.constant 49 : i32
      %swap3A_275 = arith.index_cast %add3A_228 : i32 to index
      %swap3A_276 = arith.constant 0 : index
      %swap3A_277 = tpu.vector_load %arg20[%swap3A_275, %swap3A_276] {strides = array<i32>} : memref<64x128xf32, #tpu.memory_space<vmem>>, vector<1x16xf32>,
      %swap3A_278 = vector.shape_cast %swap3A_277 : vector<1x16xf32> to vector<16xf32>
      %swap3A_279 = vector.shape_cast %scan3A_273#0 : vector<16xf32> to vector<1x16xf32>
      tpu.vector_store %arg20[%swap3A_275, %swap3A_276], %swap3A_279 {strides = array<i32>} : memref<64x128xf32, #tpu.memory_space<vmem>>, vector<1x16xf32>,
      %swap3A_280 = arith.index_cast %add3A_228 : i32 to index
      %swap3A_281 = arith.constant 16 : index
      %swap3A_282 = tpu.vector_load %arg20[%swap3A_280, %swap3A_281] {strides = array<i32>} : memref<64x128xf32, #tpu.memory_space<vmem>>, vector<1x16xf32>,
      %swap3A_283 = vector.shape_cast %swap3A_282 : vector<1x16xf32> to vector<16xf32>
      %swap3A_284 = vector.shape_cast %scan3A_273#1 : vector<16xf32> to vector<1x16xf32>
      tpu.vector_store %arg20[%swap3A_280, %swap3A_281], %swap3A_284 {strides = array<i32>} : memref<64x128xf32, #tpu.memory_space<vmem>>, vector<1x16xf32>,
      %swap3A_285 = arith.index_cast %add3A_228 : i32 to index
      %swap3A_286 = arith.constant 32 : index
      %swap3A_287 = tpu.vector_load %arg20[%swap3A_285, %swap3A_286] {strides = array<i32>} : memref<64x128xf32, #tpu.memory_space<vmem>>, vector<1x16xf32>,
      %swap3A_288 = vector.shape_cast %swap3A_287 : vector<1x16xf32> to vector<16xf32>
      %swap3A_289 = vector.shape_cast %scan3A_273#2 : vector<16xf32> to vector<1x16xf32>
      tpu.vector_store %arg20[%swap3A_285, %swap3A_286], %swap3A_289 {strides = array<i32>} : memref<64x128xf32, #tpu.memory_space<vmem>>, vector<1x16xf32>,
      %swap3A_290 = arith.index_cast %add3A_228 : i32 to index
      %swap3A_291 = arith.constant 48 : index
      %swap3A_292 = tpu.vector_load %arg20[%swap3A_290, %swap3A_291] {strides = array<i32>} : memref<64x128xf32, #tpu.memory_space<vmem>>, vector<1x16xf32>,
      %swap3A_293 = vector.shape_cast %swap3A_292 : vector<1x16xf32> to vector<16xf32>
      %swap3A_294 = vector.shape_cast %scan3A_273#3 : vector<16xf32> to vector<1x16xf32>
      tpu.vector_store %arg20[%swap3A_290, %swap3A_291], %swap3A_294 {strides = array<i32>} : memref<64x128xf32, #tpu.memory_space<vmem>>, vector<1x16xf32>,
      %swap3A_295 = arith.index_cast %add3A_228 : i32 to index
      %swap3A_296 = arith.constant 64 : index
      %swap3A_297 = tpu.vector_load %arg20[%swap3A_295, %swap3A_296] {strides = array<i32>} : memref<64x128xf32, #tpu.memory_space<vmem>>, vector<1x16xf32>,
      %swap3A_298 = vector.shape_cast %swap3A_297 : vector<1x16xf32> to vector<16xf32>
      %swap3A_299 = vector.shape_cast %scan3A_273#4 : vector<16xf32> to vector<1x16xf32>
      tpu.vector_store %arg20[%swap3A_295, %swap3A_296], %swap3A_299 {strides = array<i32>} : memref<64x128xf32, #tpu.memory_space<vmem>>, vector<1x16xf32>,
      %swap3A_300 = arith.index_cast %add3A_228 : i32 to index
      %swap3A_301 = arith.constant 80 : index
      %swap3A_302 = tpu.vector_load %arg20[%swap3A_300, %swap3A_301] {strides = array<i32>} : memref<64x128xf32, #tpu.memory_space<vmem>>, vector<1x16xf32>,
      %swap3A_303 = vector.shape_cast %swap3A_302 : vector<1x16xf32> to vector<16xf32>
      %swap3A_304 = vector.shape_cast %scan3A_273#5 : vector<16xf32> to vector<1x16xf32>
      tpu.vector_store %arg20[%swap3A_300, %swap3A_301], %swap3A_304 {strides = array<i32>} : memref<64x128xf32, #tpu.memory_space<vmem>>, vector<1x16xf32>,
      %swap3A_305 = arith.index_cast %add3A_228 : i32 to index
      %swap3A_306 = arith.constant 96 : index
      %swap3A_307 = tpu.vector_load %arg20[%swap3A_305, %swap3A_306] {strides = array<i32>} : memref<64x128xf32, #tpu.memory_space<vmem>>, vector<1x16xf32>,
      %swap3A_308 = vector.shape_cast %swap3A_307 : vector<1x16xf32> to vector<16xf32>
      %swap3A_309 = vector.shape_cast %scan3A_273#6 : vector<16xf32> to vector<1x16xf32>
      tpu.vector_store %arg20[%swap3A_305, %swap3A_306], %swap3A_309 {strides = array<i32>} : memref<64x128xf32, #tpu.memory_space<vmem>>, vector<1x16xf32>,
      %swap3A_310 = arith.index_cast %add3A_228 : i32 to index
      %swap3A_311 = arith.constant 112 : index
      %swap3A_312 = tpu.vector_load %arg20[%swap3A_310, %swap3A_311] {strides = array<i32>} : memref<64x128xf32, #tpu.memory_space<vmem>>, vector<1x16xf32>,
      %swap3A_313 = vector.shape_cast %swap3A_312 : vector<1x16xf32> to vector<16xf32>
      %swap3A_314 = vector.shape_cast %scan3A_273#7 : vector<16xf32> to vector<1x16xf32>
      tpu.vector_store %arg20[%swap3A_310, %swap3A_311], %swap3A_314 {strides = array<i32>} : memref<64x128xf32, #tpu.memory_space<vmem>>, vector<1x16xf32>,
      %mul3A_315 = arith.constant 2 : i32
      %mul3A_316 = arith.muli %scan3A_56, %mul3A_315 : i32
      %add3A_317 = arith.constant 1 : i32
      %add3A_318 = arith.addi %mul3A_316, %add3A_317 : i32
      %dma_wait3A_319 = arith.constant 0 : i32
      %dma_wait3A_320 = tpu.memref_slice %arg11[%add3A_318, %dma_wait3A_319] : memref<28x128xi32, #tpu.memory_space<vmem>> -> memref<1x128xi32, #tpu.memory_space<vmem>>
      %dma_wait3A_321 = tpu.memref_squeeze %dma_wait3A_320 : memref<1x128xi32, #tpu.memory_space<vmem>> -> memref<128xi32, #tpu.memory_space<vmem>>
      %dma_wait3A_322 = arith.constant 0 : i32
      %dma_wait3A_323 = arith.constant 0 : i32
      %dma_wait3A_324 = tpu.memref_slice %arg2[%dma_wait3A_322, %dma_wait3A_323] : memref<100000x128xf32, #tpu.memory_space<hbm>> -> memref<100000x128xf32, #tpu.memory_space<hbm>>
      tpu.wait_indirect_dma semaphore(%arg21 : memref<!tpu.dma_semaphore, #tpu.memory_space<semaphore_mem>>) src(%dma_wait3A_324 : memref<100000x128xf32, #tpu.memory_space<hbm>>) dst(%arg15 : memref<128x128xf32, #tpu.memory_space<vmem>>)
      %mul3A_325 = arith.constant 128 : i32
      %mul3A_326 = arith.muli %add3A_318, %mul3A_325 : i32
      %add3A_327 = arith.addi %mul3A_4, %mul3A_326 : i32
      %dma_start3A_328 = arith.constant 0 : i32
      %dma_start3A_329 = tpu.memref_slice %arg8[%add3A_327, %dma_start3A_328] : memref<114688x128xf32, #tpu.memory_space<hbm>> -> memref<128x128xf32, #tpu.memory_space<hbm>>
      %dma_start3A_330 = arith.constant 0 : i32
      %dma_start3A_331 = tpu.memref_slice %arg8[%add3A_327, %dma_start3A_330] : memref<114688x128xf32, #tpu.memory_space<hbm>> -> memref<128x128xf32, #tpu.memory_space<hbm>>
      tpu.enqueue_dma source(%arg15 : memref<128x128xf32, #tpu.memory_space<vmem>>) target(%dma_start3A_331 : memref<128x128xf32, #tpu.memory_space<hbm>>) target_semaphore(%arg25 : memref<!tpu.dma_semaphore, #tpu.memory_space<semaphore_mem>>)
      %sub3A = arith.constant 1 : i32
      %sub3A_332 = arith.subi %add3A_318, %sub3A : i32
      %mul3A_333 = arith.constant 128 : i32
      %mul3A_334 = arith.muli %sub3A_332, %mul3A_333 : i32
      %add3A_335 = arith.addi %mul3A_4, %mul3A_334 : i32
      %dma_wait3A_336 = arith.constant 0 : i32
      %dma_wait3A_337 = tpu.memref_slice %arg8[%add3A_335, %dma_wait3A_336] : memref<114688x128xf32, #tpu.memory_space<hbm>> -> memref<128x128xf32, #tpu.memory_space<hbm>>
      %dma_wait3A_338 = arith.constant 0 : i32
      %dma_wait3A_339 = tpu.memref_slice %arg8[%add3A_335, %dma_wait3A_338] : memref<114688x128xf32, #tpu.memory_space<hbm>> -> memref<128x128xf32, #tpu.memory_space<hbm>>
      tpu.wait_dma2 semaphore(%arg24 : memref<!tpu.dma_semaphore, #tpu.memory_space<semaphore_mem>>) src(%arg14 : memref<128x128xf32, #tpu.memory_space<vmem>>) dst(%dma_wait3A_339 : memref<128x128xf32, #tpu.memory_space<hbm>>)
      %lt3A = arith.constant 13 : i32
      %lt3A_340 = arith.cmpi slt, %scan3A_56, %lt3A : i32
      %convert_element_type3A_341 = arith.extui %lt3A_340 : i1 to i32
      %cond3A_342 = arith.constant 0 : i32
      %cond3A_343 = arith.cmpi ne, %convert_element_type3A_341, %cond3A_342 : i32
      scf.if %cond3A_343 {
        %add3A_575 = arith.constant 1 : i32
        %add3A_576 = arith.addi %add3A_318, %add3A_575 : i32
        %dma_start3A_577 = arith.constant 0 : i32
        %dma_start3A_578 = tpu.memref_slice %arg11[%add3A_576, %dma_start3A_577] : memref<28x128xi32, #tpu.memory_space<vmem>> -> memref<1x128xi32, #tpu.memory_space<vmem>>
        %dma_start3A_579 = tpu.memref_squeeze %dma_start3A_578 : memref<1x128xi32, #tpu.memory_space<vmem>> -> memref<128xi32, #tpu.memory_space<vmem>>
        %dma_start3A_580 = arith.constant 0 : i32
        %dma_start3A_581 = arith.constant 0 : i32
        %dma_start3A_582 = tpu.memref_slice %arg2[%dma_start3A_580, %dma_start3A_581] : memref<100000x128xf32, #tpu.memory_space<hbm>> -> memref<100000x128xf32, #tpu.memory_space<hbm>>
        tpu.enqueue_indirect_dma source(%dma_start3A_582 : memref<100000x128xf32, #tpu.memory_space<hbm>>) target(%arg14 : memref<128x128xf32, #tpu.memory_space<vmem>>) offsets(%dma_start3A_579 : memref<128xi32, #tpu.memory_space<vmem>>) semaphore(%arg21 : memref<!tpu.dma_semaphore, #tpu.memory_space<semaphore_mem>>)
      } else {
      }
      %mul3A_344 = arith.constant 2 : i32
      %mul3A_345 = arith.muli %mul3A_344, %add3A_318 : i32
      %dma_wait3A_346 = arith.constant 0 : i32
      %dma_wait3A_347 = tpu.memref_slice %arg13[%mul3A_345, %dma_wait3A_346] : memref<64x50xi32, #tpu.memory_space<vmem>> -> memref<1x50xi32, #tpu.memory_space<vmem>>
      %dma_wait3A_348 = tpu.memref_squeeze %dma_wait3A_347 : memref<1x50xi32, #tpu.memory_space<vmem>> -> memref<50xi32, #tpu.memory_space<vmem>>
      %dma_wait3A_349 = arith.constant 0 : i32
      %dma_wait3A_350 = arith.constant 0 : i32
      %dma_wait3A_351 = tpu.memref_slice %arg3[%dma_wait3A_349, %dma_wait3A_350] : memref<100000x128xf32, #tpu.memory_space<hbm>> -> memref<100000x128xf32, #tpu.memory_space<hbm>>
      tpu.wait_indirect_dma semaphore(%arg23 : memref<!tpu.dma_semaphore, #tpu.memory_space<semaphore_mem>>) src(%dma_wait3A_351 : memref<100000x128xf32, #tpu.memory_space<hbm>>) dst(%arg18 : memref<50x128xf32, #tpu.memory_space<vmem>>)
      %add3A_352 = arith.constant 1 : i32
      %add3A_353 = arith.addi %mul3A_345, %add3A_352 : i32
      %dma_start3A_354 = arith.constant 0 : i32
      %dma_start3A_355 = tpu.memref_slice %arg13[%add3A_353, %dma_start3A_354] : memref<64x50xi32, #tpu.memory_space<vmem>> -> memref<1x50xi32, #tpu.memory_space<vmem>>
      %dma_start3A_356 = tpu.memref_squeeze %dma_start3A_355 : memref<1x50xi32, #tpu.memory_space<vmem>> -> memref<50xi32, #tpu.memory_space<vmem>>
      %dma_start3A_357 = arith.constant 0 : i32
      %dma_start3A_358 = arith.constant 0 : i32
      %dma_start3A_359 = tpu.memref_slice %arg3[%dma_start3A_357, %dma_start3A_358] : memref<100000x128xf32, #tpu.memory_space<hbm>> -> memref<100000x128xf32, #tpu.memory_space<hbm>>
      tpu.enqueue_indirect_dma source(%dma_start3A_359 : memref<100000x128xf32, #tpu.memory_space<hbm>>) target(%arg19 : memref<50x128xf32, #tpu.memory_space<vmem>>) offsets(%dma_start3A_356 : memref<50xi32, #tpu.memory_space<vmem>>) semaphore(%arg23 : memref<!tpu.dma_semaphore, #tpu.memory_space<semaphore_mem>>)
      %get3A_360 = arith.constant 0 : i32
      %get3A_361 = arith.index_cast %get3A_360 : i32 to index
      %get3A_362 = arith.constant 0 : index
      %get3A_363 = tpu.vector_load %arg18[%get3A_361, %get3A_362] {strides = array<i32>} : memref<50x128xf32, #tpu.memory_space<vmem>>, vector<1x16xf32>,
      %get3A_364 = vector.shape_cast %get3A_363 : vector<1x16xf32> to vector<16xf32>
      %get3A_365 = arith.constant 0 : i32
      %get3A_366 = arith.index_cast %get3A_365 : i32 to index
      %get3A_367 = arith.constant 16 : index
      %get3A_368 = tpu.vector_load %arg18[%get3A_366, %get3A_367] {strides = array<i32>} : memref<50x128xf32, #tpu.memory_space<vmem>>, vector<1x16xf32>,
      %get3A_369 = vector.shape_cast %get3A_368 : vector<1x16xf32> to vector<16xf32>
      %get3A_370 = arith.constant 0 : i32
      %get3A_371 = arith.index_cast %get3A_370 : i32 to index
      %get3A_372 = arith.constant 32 : index
      %get3A_373 = tpu.vector_load %arg18[%get3A_371, %get3A_372] {strides = array<i32>} : memref<50x128xf32, #tpu.memory_space<vmem>>, vector<1x16xf32>,
      %get3A_374 = vector.shape_cast %get3A_373 : vector<1x16xf32> to vector<16xf32>
      %get3A_375 = arith.constant 0 : i32
      %get3A_376 = arith.index_cast %get3A_375 : i32 to index
      %get3A_377 = arith.constant 48 : index
      %get3A_378 = tpu.vector_load %arg18[%get3A_376, %get3A_377] {strides = array<i32>} : memref<50x128xf32, #tpu.memory_space<vmem>>, vector<1x16xf32>,
      %get3A_379 = vector.shape_cast %get3A_378 : vector<1x16xf32> to vector<16xf32>
      %get3A_380 = arith.constant 0 : i32
      %get3A_381 = arith.index_cast %get3A_380 : i32 to index
      %get3A_382 = arith.constant 64 : index
      %get3A_383 = tpu.vector_load %arg18[%get3A_381, %get3A_382] {strides = array<i32>} : memref<50x128xf32, #tpu.memory_space<vmem>>, vector<1x16xf32>,
      %get3A_384 = vector.shape_cast %get3A_383 : vector<1x16xf32> to vector<16xf32>
      %get3A_385 = arith.constant 0 : i32
      %get3A_386 = arith.index_cast %get3A_385 : i32 to index
      %get3A_387 = arith.constant 80 : index
      %get3A_388 = tpu.vector_load %arg18[%get3A_386, %get3A_387] {strides = array<i32>} : memref<50x128xf32, #tpu.memory_space<vmem>>, vector<1x16xf32>,
      %get3A_389 = vector.shape_cast %get3A_388 : vector<1x16xf32> to vector<16xf32>
      %get3A_390 = arith.constant 0 : i32
      %get3A_391 = arith.index_cast %get3A_390 : i32 to index
      %get3A_392 = arith.constant 96 : index
      %get3A_393 = tpu.vector_load %arg18[%get3A_391, %get3A_392] {strides = array<i32>} : memref<50x128xf32, #tpu.memory_space<vmem>>, vector<1x16xf32>,
      %get3A_394 = vector.shape_cast %get3A_393 : vector<1x16xf32> to vector<16xf32>
      %get3A_395 = arith.constant 0 : i32
      %get3A_396 = arith.index_cast %get3A_395 : i32 to index
      %get3A_397 = arith.constant 112 : index
      %get3A_398 = tpu.vector_load %arg18[%get3A_396, %get3A_397] {strides = array<i32>} : memref<50x128xf32, #tpu.memory_space<vmem>>, vector<1x16xf32>,
      %get3A_399 = vector.shape_cast %get3A_398 : vector<1x16xf32> to vector<16xf32>
      %scan3A_400 = arith.constant 1 : i32
      %scan3A_401 = arith.constant 49 : i32
      %scan3A_402 = arith.addi %scan3A_400, %scan3A_401 : i32
      %scan3A_403 = arith.constant 1 : i32
      %scan3A_404:8 = scf.for %scan3A_575 = %scan3A_400 to %scan3A_402 step %scan3A_403 iter_args(%scan3A_576 = %get3A_364, %scan3A_577 = %get3A_369, %scan3A_578 = %get3A_374, %scan3A_579 = %get3A_379, %scan3A_580 = %get3A_384, %scan3A_581 = %get3A_389, %scan3A_582 = %get3A_394, %scan3A_583 = %get3A_399) -> (vector<16xf32>, vector<16xf32>, vector<16xf32>, vector<16xf32>, vector<16xf32>, vector<16xf32>, vector<16xf32>, vector<16xf32>)  : i32 {
        %get3A_584 = arith.index_cast %scan3A_575 : i32 to index
        %get3A_585 = arith.constant 0 : index
        %get3A_586 = tpu.vector_load %arg18[%get3A_584, %get3A_585] {strides = array<i32>} : memref<50x128xf32, #tpu.memory_space<vmem>>, vector<1x16xf32>,
        %get3A_587 = vector.shape_cast %get3A_586 : vector<1x16xf32> to vector<16xf32>
        %add3A_588 = arith.addf %scan3A_576, %get3A_587 : vector<16xf32>
        %get3A_589 = arith.index_cast %scan3A_575 : i32 to index
        %get3A_590 = arith.constant 16 : index
        %get3A_591 = tpu.vector_load %arg18[%get3A_589, %get3A_590] {strides = array<i32>} : memref<50x128xf32, #tpu.memory_space<vmem>>, vector<1x16xf32>,
        %get3A_592 = vector.shape_cast %get3A_591 : vector<1x16xf32> to vector<16xf32>
        %add3A_593 = arith.addf %scan3A_577, %get3A_592 : vector<16xf32>
        %get3A_594 = arith.index_cast %scan3A_575 : i32 to index
        %get3A_595 = arith.constant 32 : index
        %get3A_596 = tpu.vector_load %arg18[%get3A_594, %get3A_595] {strides = array<i32>} : memref<50x128xf32, #tpu.memory_space<vmem>>, vector<1x16xf32>,
        %get3A_597 = vector.shape_cast %get3A_596 : vector<1x16xf32> to vector<16xf32>
        %add3A_598 = arith.addf %scan3A_578, %get3A_597 : vector<16xf32>
        %get3A_599 = arith.index_cast %scan3A_575 : i32 to index
        %get3A_600 = arith.constant 48 : index
        %get3A_601 = tpu.vector_load %arg18[%get3A_599, %get3A_600] {strides = array<i32>} : memref<50x128xf32, #tpu.memory_space<vmem>>, vector<1x16xf32>,
        %get3A_602 = vector.shape_cast %get3A_601 : vector<1x16xf32> to vector<16xf32>
        %add3A_603 = arith.addf %scan3A_579, %get3A_602 : vector<16xf32>
        %get3A_604 = arith.index_cast %scan3A_575 : i32 to index
        %get3A_605 = arith.constant 64 : index
        %get3A_606 = tpu.vector_load %arg18[%get3A_604, %get3A_605] {strides = array<i32>} : memref<50x128xf32, #tpu.memory_space<vmem>>, vector<1x16xf32>,
        %get3A_607 = vector.shape_cast %get3A_606 : vector<1x16xf32> to vector<16xf32>
        %add3A_608 = arith.addf %scan3A_580, %get3A_607 : vector<16xf32>
        %get3A_609 = arith.index_cast %scan3A_575 : i32 to index
        %get3A_610 = arith.constant 80 : index
        %get3A_611 = tpu.vector_load %arg18[%get3A_609, %get3A_610] {strides = array<i32>} : memref<50x128xf32, #tpu.memory_space<vmem>>, vector<1x16xf32>,
        %get3A_612 = vector.shape_cast %get3A_611 : vector<1x16xf32> to vector<16xf32>
        %add3A_613 = arith.addf %scan3A_581, %get3A_612 : vector<16xf32>
        %get3A_614 = arith.index_cast %scan3A_575 : i32 to index
        %get3A_615 = arith.constant 96 : index
        %get3A_616 = tpu.vector_load %arg18[%get3A_614, %get3A_615] {strides = array<i32>} : memref<50x128xf32, #tpu.memory_space<vmem>>, vector<1x16xf32>,
        %get3A_617 = vector.shape_cast %get3A_616 : vector<1x16xf32> to vector<16xf32>
        %add3A_618 = arith.addf %scan3A_582, %get3A_617 : vector<16xf32>
        %get3A_619 = arith.index_cast %scan3A_575 : i32 to index
        %get3A_620 = arith.constant 112 : index
        %get3A_621 = tpu.vector_load %arg18[%get3A_619, %get3A_620] {strides = array<i32>} : memref<50x128xf32, #tpu.memory_space<vmem>>, vector<1x16xf32>,
        %get3A_622 = vector.shape_cast %get3A_621 : vector<1x16xf32> to vector<16xf32>
        %add3A_623 = arith.addf %scan3A_583, %get3A_622 : vector<16xf32>
        scf.yield %add3A_588, %add3A_593, %add3A_598, %add3A_603, %add3A_608, %add3A_613, %add3A_618, %add3A_623 : vector<16xf32>, vector<16xf32>, vector<16xf32>, vector<16xf32>, vector<16xf32>, vector<16xf32>, vector<16xf32>, vector<16xf32>
      }
      %scan3A_405 = arith.constant 49 : i32
      %swap3A_406 = arith.index_cast %mul3A_345 : i32 to index
      %swap3A_407 = arith.constant 0 : index
      %swap3A_408 = tpu.vector_load %arg20[%swap3A_406, %swap3A_407] {strides = array<i32>} : memref<64x128xf32, #tpu.memory_space<vmem>>, vector<1x16xf32>,
      %swap3A_409 = vector.shape_cast %swap3A_408 : vector<1x16xf32> to vector<16xf32>
      %swap3A_410 = vector.shape_cast %scan3A_404#0 : vector<16xf32> to vector<1x16xf32>
      tpu.vector_store %arg20[%swap3A_406, %swap3A_407], %swap3A_410 {strides = array<i32>} : memref<64x128xf32, #tpu.memory_space<vmem>>, vector<1x16xf32>,
      %swap3A_411 = arith.index_cast %mul3A_345 : i32 to index
      %swap3A_412 = arith.constant 16 : index
      %swap3A_413 = tpu.vector_load %arg20[%swap3A_411, %swap3A_412] {strides = array<i32>} : memref<64x128xf32, #tpu.memory_space<vmem>>, vector<1x16xf32>,
      %swap3A_414 = vector.shape_cast %swap3A_413 : vector<1x16xf32> to vector<16xf32>
      %swap3A_415 = vector.shape_cast %scan3A_404#1 : vector<16xf32> to vector<1x16xf32>
      tpu.vector_store %arg20[%swap3A_411, %swap3A_412], %swap3A_415 {strides = array<i32>} : memref<64x128xf32, #tpu.memory_space<vmem>>, vector<1x16xf32>,
      %swap3A_416 = arith.index_cast %mul3A_345 : i32 to index
      %swap3A_417 = arith.constant 32 : index
      %swap3A_418 = tpu.vector_load %arg20[%swap3A_416, %swap3A_417] {strides = array<i32>} : memref<64x128xf32, #tpu.memory_space<vmem>>, vector<1x16xf32>,
      %swap3A_419 = vector.shape_cast %swap3A_418 : vector<1x16xf32> to vector<16xf32>
      %swap3A_420 = vector.shape_cast %scan3A_404#2 : vector<16xf32> to vector<1x16xf32>
      tpu.vector_store %arg20[%swap3A_416, %swap3A_417], %swap3A_420 {strides = array<i32>} : memref<64x128xf32, #tpu.memory_space<vmem>>, vector<1x16xf32>,
      %swap3A_421 = arith.index_cast %mul3A_345 : i32 to index
      %swap3A_422 = arith.constant 48 : index
      %swap3A_423 = tpu.vector_load %arg20[%swap3A_421, %swap3A_422] {strides = array<i32>} : memref<64x128xf32, #tpu.memory_space<vmem>>, vector<1x16xf32>,
      %swap3A_424 = vector.shape_cast %swap3A_423 : vector<1x16xf32> to vector<16xf32>
      %swap3A_425 = vector.shape_cast %scan3A_404#3 : vector<16xf32> to vector<1x16xf32>
      tpu.vector_store %arg20[%swap3A_421, %swap3A_422], %swap3A_425 {strides = array<i32>} : memref<64x128xf32, #tpu.memory_space<vmem>>, vector<1x16xf32>,
      %swap3A_426 = arith.index_cast %mul3A_345 : i32 to index
      %swap3A_427 = arith.constant 64 : index
      %swap3A_428 = tpu.vector_load %arg20[%swap3A_426, %swap3A_427] {strides = array<i32>} : memref<64x128xf32, #tpu.memory_space<vmem>>, vector<1x16xf32>,
      %swap3A_429 = vector.shape_cast %swap3A_428 : vector<1x16xf32> to vector<16xf32>
      %swap3A_430 = vector.shape_cast %scan3A_404#4 : vector<16xf32> to vector<1x16xf32>
      tpu.vector_store %arg20[%swap3A_426, %swap3A_427], %swap3A_430 {strides = array<i32>} : memref<64x128xf32, #tpu.memory_space<vmem>>, vector<1x16xf32>,
      %swap3A_431 = arith.index_cast %mul3A_345 : i32 to index
      %swap3A_432 = arith.constant 80 : index
      %swap3A_433 = tpu.vector_load %arg20[%swap3A_431, %swap3A_432] {strides = array<i32>} : memref<64x128xf32, #tpu.memory_space<vmem>>, vector<1x16xf32>,
      %swap3A_434 = vector.shape_cast %swap3A_433 : vector<1x16xf32> to vector<16xf32>
      %swap3A_435 = vector.shape_cast %scan3A_404#5 : vector<16xf32> to vector<1x16xf32>
      tpu.vector_store %arg20[%swap3A_431, %swap3A_432], %swap3A_435 {strides = array<i32>} : memref<64x128xf32, #tpu.memory_space<vmem>>, vector<1x16xf32>,
      %swap3A_436 = arith.index_cast %mul3A_345 : i32 to index
      %swap3A_437 = arith.constant 96 : index
      %swap3A_438 = tpu.vector_load %arg20[%swap3A_436, %swap3A_437] {strides = array<i32>} : memref<64x128xf32, #tpu.memory_space<vmem>>, vector<1x16xf32>,
      %swap3A_439 = vector.shape_cast %swap3A_438 : vector<1x16xf32> to vector<16xf32>
      %swap3A_440 = vector.shape_cast %scan3A_404#6 : vector<16xf32> to vector<1x16xf32>
      tpu.vector_store %arg20[%swap3A_436, %swap3A_437], %swap3A_440 {strides = array<i32>} : memref<64x128xf32, #tpu.memory_space<vmem>>, vector<1x16xf32>,
      %swap3A_441 = arith.index_cast %mul3A_345 : i32 to index
      %swap3A_442 = arith.constant 112 : index
      %swap3A_443 = tpu.vector_load %arg20[%swap3A_441, %swap3A_442] {strides = array<i32>} : memref<64x128xf32, #tpu.memory_space<vmem>>, vector<1x16xf32>,
      %swap3A_444 = vector.shape_cast %swap3A_443 : vector<1x16xf32> to vector<16xf32>
      %swap3A_445 = vector.shape_cast %scan3A_404#7 : vector<16xf32> to vector<1x16xf32>
      tpu.vector_store %arg20[%swap3A_441, %swap3A_442], %swap3A_445 {strides = array<i32>} : memref<64x128xf32, #tpu.memory_space<vmem>>, vector<1x16xf32>,
      %dma_wait3A_446 = arith.constant 0 : i32
      %dma_wait3A_447 = tpu.memref_slice %arg12[%add3A_318, %dma_wait3A_446] : memref<28x128xi32, #tpu.memory_space<vmem>> -> memref<1x128xi32, #tpu.memory_space<vmem>>
      %dma_wait3A_448 = tpu.memref_squeeze %dma_wait3A_447 : memref<1x128xi32, #tpu.memory_space<vmem>> -> memref<128xi32, #tpu.memory_space<vmem>>
      %dma_wait3A_449 = arith.constant 0 : i32
      %dma_wait3A_450 = arith.constant 0 : i32
      %dma_wait3A_451 = tpu.memref_slice %arg4[%dma_wait3A_449, %dma_wait3A_450] : memref<100000x128xf32, #tpu.memory_space<hbm>> -> memref<100000x128xf32, #tpu.memory_space<hbm>>
      tpu.wait_indirect_dma semaphore(%arg22 : memref<!tpu.dma_semaphore, #tpu.memory_space<semaphore_mem>>) src(%dma_wait3A_451 : memref<100000x128xf32, #tpu.memory_space<hbm>>) dst(%arg17 : memref<128x128xf32, #tpu.memory_space<vmem>>)
      %mul3A_452 = arith.constant 128 : i32
      %mul3A_453 = arith.muli %add3A_318, %mul3A_452 : i32
      %add3A_454 = arith.addi %mul3A_4, %mul3A_453 : i32
      %dma_start3A_455 = arith.constant 0 : i32
      %dma_start3A_456 = tpu.memref_slice %arg9[%add3A_454, %dma_start3A_455] : memref<114688x128xf32, #tpu.memory_space<hbm>> -> memref<128x128xf32, #tpu.memory_space<hbm>>
      %dma_start3A_457 = arith.constant 0 : i32
      %dma_start3A_458 = tpu.memref_slice %arg9[%add3A_454, %dma_start3A_457] : memref<114688x128xf32, #tpu.memory_space<hbm>> -> memref<128x128xf32, #tpu.memory_space<hbm>>
      tpu.enqueue_dma source(%arg17 : memref<128x128xf32, #tpu.memory_space<vmem>>) target(%dma_start3A_458 : memref<128x128xf32, #tpu.memory_space<hbm>>) target_semaphore(%arg27 : memref<!tpu.dma_semaphore, #tpu.memory_space<semaphore_mem>>)
      %sub3A_459 = arith.constant 1 : i32
      %sub3A_460 = arith.subi %add3A_318, %sub3A_459 : i32
      %mul3A_461 = arith.constant 128 : i32
      %mul3A_462 = arith.muli %sub3A_460, %mul3A_461 : i32
      %add3A_463 = arith.addi %mul3A_4, %mul3A_462 : i32
      %dma_wait3A_464 = arith.constant 0 : i32
      %dma_wait3A_465 = tpu.memref_slice %arg9[%add3A_463, %dma_wait3A_464] : memref<114688x128xf32, #tpu.memory_space<hbm>> -> memref<128x128xf32, #tpu.memory_space<hbm>>
      %dma_wait3A_466 = arith.constant 0 : i32
      %dma_wait3A_467 = tpu.memref_slice %arg9[%add3A_463, %dma_wait3A_466] : memref<114688x128xf32, #tpu.memory_space<hbm>> -> memref<128x128xf32, #tpu.memory_space<hbm>>
      tpu.wait_dma2 semaphore(%arg26 : memref<!tpu.dma_semaphore, #tpu.memory_space<semaphore_mem>>) src(%arg16 : memref<128x128xf32, #tpu.memory_space<vmem>>) dst(%dma_wait3A_467 : memref<128x128xf32, #tpu.memory_space<hbm>>)
      %lt3A_468 = arith.constant 13 : i32
      %lt3A_469 = arith.cmpi slt, %scan3A_56, %lt3A_468 : i32
      %convert_element_type3A_470 = arith.extui %lt3A_469 : i1 to i32
      %cond3A_471 = arith.constant 0 : i32
      %cond3A_472 = arith.cmpi ne, %convert_element_type3A_470, %cond3A_471 : i32
      scf.if %cond3A_472 {
        %add3A_575 = arith.constant 1 : i32
        %add3A_576 = arith.addi %add3A_318, %add3A_575 : i32
        %dma_start3A_577 = arith.constant 0 : i32
        %dma_start3A_578 = tpu.memref_slice %arg12[%add3A_576, %dma_start3A_577] : memref<28x128xi32, #tpu.memory_space<vmem>> -> memref<1x128xi32, #tpu.memory_space<vmem>>
        %dma_start3A_579 = tpu.memref_squeeze %dma_start3A_578 : memref<1x128xi32, #tpu.memory_space<vmem>> -> memref<128xi32, #tpu.memory_space<vmem>>
        %dma_start3A_580 = arith.constant 0 : i32
        %dma_start3A_581 = arith.constant 0 : i32
        %dma_start3A_582 = tpu.memref_slice %arg4[%dma_start3A_580, %dma_start3A_581] : memref<100000x128xf32, #tpu.memory_space<hbm>> -> memref<100000x128xf32, #tpu.memory_space<hbm>>
        tpu.enqueue_indirect_dma source(%dma_start3A_582 : memref<100000x128xf32, #tpu.memory_space<hbm>>) target(%arg16 : memref<128x128xf32, #tpu.memory_space<vmem>>) offsets(%dma_start3A_579 : memref<128xi32, #tpu.memory_space<vmem>>) semaphore(%arg22 : memref<!tpu.dma_semaphore, #tpu.memory_space<semaphore_mem>>)
      } else {
      }
      %add3A_473 = arith.constant 1 : i32
      %add3A_474 = arith.addi %mul3A_345, %add3A_473 : i32
      %dma_wait3A_475 = arith.constant 0 : i32
      %dma_wait3A_476 = tpu.memref_slice %arg13[%add3A_474, %dma_wait3A_475] : memref<64x50xi32, #tpu.memory_space<vmem>> -> memref<1x50xi32, #tpu.memory_space<vmem>>
      %dma_wait3A_477 = tpu.memref_squeeze %dma_wait3A_476 : memref<1x50xi32, #tpu.memory_space<vmem>> -> memref<50xi32, #tpu.memory_space<vmem>>
      %dma_wait3A_478 = arith.constant 0 : i32
      %dma_wait3A_479 = arith.constant 0 : i32
      %dma_wait3A_480 = tpu.memref_slice %arg3[%dma_wait3A_478, %dma_wait3A_479] : memref<100000x128xf32, #tpu.memory_space<hbm>> -> memref<100000x128xf32, #tpu.memory_space<hbm>>
      tpu.wait_indirect_dma semaphore(%arg23 : memref<!tpu.dma_semaphore, #tpu.memory_space<semaphore_mem>>) src(%dma_wait3A_480 : memref<100000x128xf32, #tpu.memory_space<hbm>>) dst(%arg19 : memref<50x128xf32, #tpu.memory_space<vmem>>)
      %lt3A_481 = arith.constant 13 : i32
      %lt3A_482 = arith.cmpi slt, %scan3A_56, %lt3A_481 : i32
      %convert_element_type3A_483 = arith.extui %lt3A_482 : i1 to i32
      %cond3A_484 = arith.constant 0 : i32
      %cond3A_485 = arith.cmpi ne, %convert_element_type3A_483, %cond3A_484 : i32
      scf.if %cond3A_485 {
        %add3A_575 = arith.constant 2 : i32
        %add3A_576 = arith.addi %mul3A_345, %add3A_575 : i32
        %dma_start3A_577 = arith.constant 0 : i32
        %dma_start3A_578 = tpu.memref_slice %arg13[%add3A_576, %dma_start3A_577] : memref<64x50xi32, #tpu.memory_space<vmem>> -> memref<1x50xi32, #tpu.memory_space<vmem>>
        %dma_start3A_579 = tpu.memref_squeeze %dma_start3A_578 : memref<1x50xi32, #tpu.memory_space<vmem>> -> memref<50xi32, #tpu.memory_space<vmem>>
        %dma_start3A_580 = arith.constant 0 : i32
        %dma_start3A_581 = arith.constant 0 : i32
        %dma_start3A_582 = tpu.memref_slice %arg3[%dma_start3A_580, %dma_start3A_581] : memref<100000x128xf32, #tpu.memory_space<hbm>> -> memref<100000x128xf32, #tpu.memory_space<hbm>>
        tpu.enqueue_indirect_dma source(%dma_start3A_582 : memref<100000x128xf32, #tpu.memory_space<hbm>>) target(%arg18 : memref<50x128xf32, #tpu.memory_space<vmem>>) offsets(%dma_start3A_579 : memref<50xi32, #tpu.memory_space<vmem>>) semaphore(%arg23 : memref<!tpu.dma_semaphore, #tpu.memory_space<semaphore_mem>>)
      } else {
      }
      %add3A_486 = arith.constant 1 : i32
      %add3A_487 = arith.addi %mul3A_345, %add3A_486 : i32
      %get3A_488 = arith.constant 0 : i32
      %get3A_489 = arith.index_cast %get3A_488 : i32 to index
      %get3A_490 = arith.constant 0 : index
      %get3A_491 = tpu.vector_load %arg19[%get3A_489, %get3A_490] {strides = array<i32>} : memref<50x128xf32, #tpu.memory_space<vmem>>, vector<1x16xf32>,
      %get3A_492 = vector.shape_cast %get3A_491 : vector<1x16xf32> to vector<16xf32>
      %get3A_493 = arith.constant 0 : i32
      %get3A_494 = arith.index_cast %get3A_493 : i32 to index
      %get3A_495 = arith.constant 16 : index
      %get3A_496 = tpu.vector_load %arg19[%get3A_494, %get3A_495] {strides = array<i32>} : memref<50x128xf32, #tpu.memory_space<vmem>>, vector<1x16xf32>,
      %get3A_497 = vector.shape_cast %get3A_496 : vector<1x16xf32> to vector<16xf32>
      %get3A_498 = arith.constant 0 : i32
      %get3A_499 = arith.index_cast %get3A_498 : i32 to index
      %get3A_500 = arith.constant 32 : index
      %get3A_501 = tpu.vector_load %arg19[%get3A_499, %get3A_500] {strides = array<i32>} : memref<50x128xf32, #tpu.memory_space<vmem>>, vector<1x16xf32>,
      %get3A_502 = vector.shape_cast %get3A_501 : vector<1x16xf32> to vector<16xf32>
      %get3A_503 = arith.constant 0 : i32
      %get3A_504 = arith.index_cast %get3A_503 : i32 to index
      %get3A_505 = arith.constant 48 : index
      %get3A_506 = tpu.vector_load %arg19[%get3A_504, %get3A_505] {strides = array<i32>} : memref<50x128xf32, #tpu.memory_space<vmem>>, vector<1x16xf32>,
      %get3A_507 = vector.shape_cast %get3A_506 : vector<1x16xf32> to vector<16xf32>
      %get3A_508 = arith.constant 0 : i32
      %get3A_509 = arith.index_cast %get3A_508 : i32 to index
      %get3A_510 = arith.constant 64 : index
      %get3A_511 = tpu.vector_load %arg19[%get3A_509, %get3A_510] {strides = array<i32>} : memref<50x128xf32, #tpu.memory_space<vmem>>, vector<1x16xf32>,
      %get3A_512 = vector.shape_cast %get3A_511 : vector<1x16xf32> to vector<16xf32>
      %get3A_513 = arith.constant 0 : i32
      %get3A_514 = arith.index_cast %get3A_513 : i32 to index
      %get3A_515 = arith.constant 80 : index
      %get3A_516 = tpu.vector_load %arg19[%get3A_514, %get3A_515] {strides = array<i32>} : memref<50x128xf32, #tpu.memory_space<vmem>>, vector<1x16xf32>,
      %get3A_517 = vector.shape_cast %get3A_516 : vector<1x16xf32> to vector<16xf32>
      %get3A_518 = arith.constant 0 : i32
      %get3A_519 = arith.index_cast %get3A_518 : i32 to index
      %get3A_520 = arith.constant 96 : index
      %get3A_521 = tpu.vector_load %arg19[%get3A_519, %get3A_520] {strides = array<i32>} : memref<50x128xf32, #tpu.memory_space<vmem>>, vector<1x16xf32>,
      %get3A_522 = vector.shape_cast %get3A_521 : vector<1x16xf32> to vector<16xf32>
      %get3A_523 = arith.constant 0 : i32
      %get3A_524 = arith.index_cast %get3A_523 : i32 to index
      %get3A_525 = arith.constant 112 : index
      %get3A_526 = tpu.vector_load %arg19[%get3A_524, %get3A_525] {strides = array<i32>} : memref<50x128xf32, #tpu.memory_space<vmem>>, vector<1x16xf32>,
      %get3A_527 = vector.shape_cast %get3A_526 : vector<1x16xf32> to vector<16xf32>
      %scan3A_528 = arith.constant 1 : i32
      %scan3A_529 = arith.constant 49 : i32
      %scan3A_530 = arith.addi %scan3A_528, %scan3A_529 : i32
      %scan3A_531 = arith.constant 1 : i32
      %scan3A_532:8 = scf.for %scan3A_575 = %scan3A_528 to %scan3A_530 step %scan3A_531 iter_args(%scan3A_576 = %get3A_492, %scan3A_577 = %get3A_497, %scan3A_578 = %get3A_502, %scan3A_579 = %get3A_507, %scan3A_580 = %get3A_512, %scan3A_581 = %get3A_517, %scan3A_582 = %get3A_522, %scan3A_583 = %get3A_527) -> (vector<16xf32>, vector<16xf32>, vector<16xf32>, vector<16xf32>, vector<16xf32>, vector<16xf32>, vector<16xf32>, vector<16xf32>)  : i32 {
        %get3A_584 = arith.index_cast %scan3A_575 : i32 to index
        %get3A_585 = arith.constant 0 : index
        %get3A_586 = tpu.vector_load %arg19[%get3A_584, %get3A_585] {strides = array<i32>} : memref<50x128xf32, #tpu.memory_space<vmem>>, vector<1x16xf32>,
        %get3A_587 = vector.shape_cast %get3A_586 : vector<1x16xf32> to vector<16xf32>
        %add3A_588 = arith.addf %scan3A_576, %get3A_587 : vector<16xf32>
        %get3A_589 = arith.index_cast %scan3A_575 : i32 to index
        %get3A_590 = arith.constant 16 : index
        %get3A_591 = tpu.vector_load %arg19[%get3A_589, %get3A_590] {strides = array<i32>} : memref<50x128xf32, #tpu.memory_space<vmem>>, vector<1x16xf32>,
        %get3A_592 = vector.shape_cast %get3A_591 : vector<1x16xf32> to vector<16xf32>
        %add3A_593 = arith.addf %scan3A_577, %get3A_592 : vector<16xf32>
        %get3A_594 = arith.index_cast %scan3A_575 : i32 to index
        %get3A_595 = arith.constant 32 : index
        %get3A_596 = tpu.vector_load %arg19[%get3A_594, %get3A_595] {strides = array<i32>} : memref<50x128xf32, #tpu.memory_space<vmem>>, vector<1x16xf32>,
        %get3A_597 = vector.shape_cast %get3A_596 : vector<1x16xf32> to vector<16xf32>
        %add3A_598 = arith.addf %scan3A_578, %get3A_597 : vector<16xf32>
        %get3A_599 = arith.index_cast %scan3A_575 : i32 to index
        %get3A_600 = arith.constant 48 : index
        %get3A_601 = tpu.vector_load %arg19[%get3A_599, %get3A_600] {strides = array<i32>} : memref<50x128xf32, #tpu.memory_space<vmem>>, vector<1x16xf32>,
        %get3A_602 = vector.shape_cast %get3A_601 : vector<1x16xf32> to vector<16xf32>
        %add3A_603 = arith.addf %scan3A_579, %get3A_602 : vector<16xf32>
        %get3A_604 = arith.index_cast %scan3A_575 : i32 to index
        %get3A_605 = arith.constant 64 : index
        %get3A_606 = tpu.vector_load %arg19[%get3A_604, %get3A_605] {strides = array<i32>} : memref<50x128xf32, #tpu.memory_space<vmem>>, vector<1x16xf32>,
        %get3A_607 = vector.shape_cast %get3A_606 : vector<1x16xf32> to vector<16xf32>
        %add3A_608 = arith.addf %scan3A_580, %get3A_607 : vector<16xf32>
        %get3A_609 = arith.index_cast %scan3A_575 : i32 to index
        %get3A_610 = arith.constant 80 : index
        %get3A_611 = tpu.vector_load %arg19[%get3A_609, %get3A_610] {strides = array<i32>} : memref<50x128xf32, #tpu.memory_space<vmem>>, vector<1x16xf32>,
        %get3A_612 = vector.shape_cast %get3A_611 : vector<1x16xf32> to vector<16xf32>
        %add3A_613 = arith.addf %scan3A_581, %get3A_612 : vector<16xf32>
        %get3A_614 = arith.index_cast %scan3A_575 : i32 to index
        %get3A_615 = arith.constant 96 : index
        %get3A_616 = tpu.vector_load %arg19[%get3A_614, %get3A_615] {strides = array<i32>} : memref<50x128xf32, #tpu.memory_space<vmem>>, vector<1x16xf32>,
        %get3A_617 = vector.shape_cast %get3A_616 : vector<1x16xf32> to vector<16xf32>
        %add3A_618 = arith.addf %scan3A_582, %get3A_617 : vector<16xf32>
        %get3A_619 = arith.index_cast %scan3A_575 : i32 to index
        %get3A_620 = arith.constant 112 : index
        %get3A_621 = tpu.vector_load %arg19[%get3A_619, %get3A_620] {strides = array<i32>} : memref<50x128xf32, #tpu.memory_space<vmem>>, vector<1x16xf32>,
        %get3A_622 = vector.shape_cast %get3A_621 : vector<1x16xf32> to vector<16xf32>
        %add3A_623 = arith.addf %scan3A_583, %get3A_622 : vector<16xf32>
        scf.yield %add3A_588, %add3A_593, %add3A_598, %add3A_603, %add3A_608, %add3A_613, %add3A_618, %add3A_623 : vector<16xf32>, vector<16xf32>, vector<16xf32>, vector<16xf32>, vector<16xf32>, vector<16xf32>, vector<16xf32>, vector<16xf32>
      }
      %scan3A_533 = arith.constant 49 : i32
      %swap3A_534 = arith.index_cast %add3A_487 : i32 to index
      %swap3A_535 = arith.constant 0 : index
      %swap3A_536 = tpu.vector_load %arg20[%swap3A_534, %swap3A_535] {strides = array<i32>} : memref<64x128xf32, #tpu.memory_space<vmem>>, vector<1x16xf32>,
      %swap3A_537 = vector.shape_cast %swap3A_536 : vector<1x16xf32> to vector<16xf32>
      %swap3A_538 = vector.shape_cast %scan3A_532#0 : vector<16xf32> to vector<1x16xf32>
      tpu.vector_store %arg20[%swap3A_534, %swap3A_535], %swap3A_538 {strides = array<i32>} : memref<64x128xf32, #tpu.memory_space<vmem>>, vector<1x16xf32>,
      %swap3A_539 = arith.index_cast %add3A_487 : i32 to index
      %swap3A_540 = arith.constant 16 : index
      %swap3A_541 = tpu.vector_load %arg20[%swap3A_539, %swap3A_540] {strides = array<i32>} : memref<64x128xf32, #tpu.memory_space<vmem>>, vector<1x16xf32>,
      %swap3A_542 = vector.shape_cast %swap3A_541 : vector<1x16xf32> to vector<16xf32>
      %swap3A_543 = vector.shape_cast %scan3A_532#1 : vector<16xf32> to vector<1x16xf32>
      tpu.vector_store %arg20[%swap3A_539, %swap3A_540], %swap3A_543 {strides = array<i32>} : memref<64x128xf32, #tpu.memory_space<vmem>>, vector<1x16xf32>,
      %swap3A_544 = arith.index_cast %add3A_487 : i32 to index
      %swap3A_545 = arith.constant 32 : index
      %swap3A_546 = tpu.vector_load %arg20[%swap3A_544, %swap3A_545] {strides = array<i32>} : memref<64x128xf32, #tpu.memory_space<vmem>>, vector<1x16xf32>,
      %swap3A_547 = vector.shape_cast %swap3A_546 : vector<1x16xf32> to vector<16xf32>
      %swap3A_548 = vector.shape_cast %scan3A_532#2 : vector<16xf32> to vector<1x16xf32>
      tpu.vector_store %arg20[%swap3A_544, %swap3A_545], %swap3A_548 {strides = array<i32>} : memref<64x128xf32, #tpu.memory_space<vmem>>, vector<1x16xf32>,
      %swap3A_549 = arith.index_cast %add3A_487 : i32 to index
      %swap3A_550 = arith.constant 48 : index
      %swap3A_551 = tpu.vector_load %arg20[%swap3A_549, %swap3A_550] {strides = array<i32>} : memref<64x128xf32, #tpu.memory_space<vmem>>, vector<1x16xf32>,
      %swap3A_552 = vector.shape_cast %swap3A_551 : vector<1x16xf32> to vector<16xf32>
      %swap3A_553 = vector.shape_cast %scan3A_532#3 : vector<16xf32> to vector<1x16xf32>
      tpu.vector_store %arg20[%swap3A_549, %swap3A_550], %swap3A_553 {strides = array<i32>} : memref<64x128xf32, #tpu.memory_space<vmem>>, vector<1x16xf32>,
      %swap3A_554 = arith.index_cast %add3A_487 : i32 to index
      %swap3A_555 = arith.constant 64 : index
      %swap3A_556 = tpu.vector_load %arg20[%swap3A_554, %swap3A_555] {strides = array<i32>} : memref<64x128xf32, #tpu.memory_space<vmem>>, vector<1x16xf32>,
      %swap3A_557 = vector.shape_cast %swap3A_556 : vector<1x16xf32> to vector<16xf32>
      %swap3A_558 = vector.shape_cast %scan3A_532#4 : vector<16xf32> to vector<1x16xf32>
      tpu.vector_store %arg20[%swap3A_554, %swap3A_555], %swap3A_558 {strides = array<i32>} : memref<64x128xf32, #tpu.memory_space<vmem>>, vector<1x16xf32>,
      %swap3A_559 = arith.index_cast %add3A_487 : i32 to index
      %swap3A_560 = arith.constant 80 : index
      %swap3A_561 = tpu.vector_load %arg20[%swap3A_559, %swap3A_560] {strides = array<i32>} : memref<64x128xf32, #tpu.memory_space<vmem>>, vector<1x16xf32>,
      %swap3A_562 = vector.shape_cast %swap3A_561 : vector<1x16xf32> to vector<16xf32>
      %swap3A_563 = vector.shape_cast %scan3A_532#5 : vector<16xf32> to vector<1x16xf32>
      tpu.vector_store %arg20[%swap3A_559, %swap3A_560], %swap3A_563 {strides = array<i32>} : memref<64x128xf32, #tpu.memory_space<vmem>>, vector<1x16xf32>,
      %swap3A_564 = arith.index_cast %add3A_487 : i32 to index
      %swap3A_565 = arith.constant 96 : index
      %swap3A_566 = tpu.vector_load %arg20[%swap3A_564, %swap3A_565] {strides = array<i32>} : memref<64x128xf32, #tpu.memory_space<vmem>>, vector<1x16xf32>,
      %swap3A_567 = vector.shape_cast %swap3A_566 : vector<1x16xf32> to vector<16xf32>
      %swap3A_568 = vector.shape_cast %scan3A_532#6 : vector<16xf32> to vector<1x16xf32>
      tpu.vector_store %arg20[%swap3A_564, %swap3A_565], %swap3A_568 {strides = array<i32>} : memref<64x128xf32, #tpu.memory_space<vmem>>, vector<1x16xf32>,
      %swap3A_569 = arith.index_cast %add3A_487 : i32 to index
      %swap3A_570 = arith.constant 112 : index
      %swap3A_571 = tpu.vector_load %arg20[%swap3A_569, %swap3A_570] {strides = array<i32>} : memref<64x128xf32, #tpu.memory_space<vmem>>, vector<1x16xf32>,
      %swap3A_572 = vector.shape_cast %swap3A_571 : vector<1x16xf32> to vector<16xf32>
      %swap3A_573 = vector.shape_cast %scan3A_532#7 : vector<16xf32> to vector<1x16xf32>
      tpu.vector_store %arg20[%swap3A_569, %swap3A_570], %swap3A_573 {strides = array<i32>} : memref<64x128xf32, #tpu.memory_space<vmem>>, vector<1x16xf32>,
      %scan3A_574 = arith.constant 0 : i32
      scf.yield %scan3A_574 : i32
    }
    %scan3A_30 = arith.constant 14 : i32
    %add3A_31 = arith.constant 3456 : i32
    %add3A_32 = arith.addi %mul3A_4, %add3A_31 : i32
    %dma_wait3A = arith.constant 0 : i32
    %dma_wait3A_33 = tpu.memref_slice %arg8[%add3A_32, %dma_wait3A] : memref<114688x128xf32, #tpu.memory_space<hbm>> -> memref<128x128xf32, #tpu.memory_space<hbm>>
    %dma_wait3A_34 = arith.constant 0 : i32
    %dma_wait3A_35 = tpu.memref_slice %arg8[%add3A_32, %dma_wait3A_34] : memref<114688x128xf32, #tpu.memory_space<hbm>> -> memref<128x128xf32, #tpu.memory_space<hbm>>
    tpu.wait_dma2 semaphore(%arg25 : memref<!tpu.dma_semaphore, #tpu.memory_space<semaphore_mem>>) src(%arg15 : memref<128x128xf32, #tpu.memory_space<vmem>>) dst(%dma_wait3A_35 : memref<128x128xf32, #tpu.memory_space<hbm>>)
    %add3A_36 = arith.constant 3456 : i32
    %add3A_37 = arith.addi %mul3A_4, %add3A_36 : i32
    %dma_wait3A_38 = arith.constant 0 : i32
    %dma_wait3A_39 = tpu.memref_slice %arg9[%add3A_37, %dma_wait3A_38] : memref<114688x128xf32, #tpu.memory_space<hbm>> -> memref<128x128xf32, #tpu.memory_space<hbm>>
    %dma_wait3A_40 = arith.constant 0 : i32
    %dma_wait3A_41 = tpu.memref_slice %arg9[%add3A_37, %dma_wait3A_40] : memref<114688x128xf32, #tpu.memory_space<hbm>> -> memref<128x128xf32, #tpu.memory_space<hbm>>
    tpu.wait_dma2 semaphore(%arg27 : memref<!tpu.dma_semaphore, #tpu.memory_space<semaphore_mem>>) src(%arg17 : memref<128x128xf32, #tpu.memory_space<vmem>>) dst(%dma_wait3A_41 : memref<128x128xf32, #tpu.memory_space<hbm>>)
    %dma_start3A_42 = arith.constant 56 : i32
    %dma_start3A_43 = arith.constant 0 : i32
    %dma_start3A_44 = tpu.memref_slice %arg13[%dma_start3A_42, %dma_start3A_43] : memref<64x50xi32, #tpu.memory_space<vmem>> -> memref<1x50xi32, #tpu.memory_space<vmem>>
    %dma_start3A_45 = tpu.memref_squeeze %dma_start3A_44 : memref<1x50xi32, #tpu.memory_space<vmem>> -> memref<50xi32, #tpu.memory_space<vmem>>
    %dma_start3A_46 = arith.constant 0 : i32
    %dma_start3A_47 = arith.constant 0 : i32
    %dma_start3A_48 = tpu.memref_slice %arg3[%dma_start3A_46, %dma_start3A_47] : memref<100000x128xf32, #tpu.memory_space<hbm>> -> memref<100000x128xf32, #tpu.memory_space<hbm>>
    tpu.enqueue_indirect_dma source(%dma_start3A_48 : memref<100000x128xf32, #tpu.memory_space<hbm>>) target(%arg18 : memref<50x128xf32, #tpu.memory_space<vmem>>) offsets(%dma_start3A_45 : memref<50xi32, #tpu.memory_space<vmem>>) semaphore(%arg23 : memref<!tpu.dma_semaphore, #tpu.memory_space<semaphore_mem>>)
    %scan3A_49 = arith.constant 0 : i32
    %scan3A_50 = arith.constant 28 : i32
    %scan3A_51 = arith.constant 4 : i32
    %scan3A_52 = arith.addi %scan3A_50, %scan3A_51 : i32
    %scan3A_53 = arith.constant 1 : i32
    %scan3A_54 = scf.for %scan3A_56 = %scan3A_50 to %scan3A_52 step %scan3A_53 iter_args(%scan3A_57 = %scan3A_49) -> (i32)  : i32 {
      %mul3A_58 = arith.constant 2 : i32
      %mul3A_59 = arith.muli %scan3A_56, %mul3A_58 : i32
      %add3A_60 = arith.constant 0 : i32
      %add3A_61 = arith.addi %mul3A_59, %add3A_60 : i32
      %dma_wait3A_62 = arith.constant 0 : i32
      %dma_wait3A_63 = tpu.memref_slice %arg13[%add3A_61, %dma_wait3A_62] : memref<64x50xi32, #tpu.memory_space<vmem>> -> memref<1x50xi32, #tpu.memory_space<vmem>>
      %dma_wait3A_64 = tpu.memref_squeeze %dma_wait3A_63 : memref<1x50xi32, #tpu.memory_space<vmem>> -> memref<50xi32, #tpu.memory_space<vmem>>
      %dma_wait3A_65 = arith.constant 0 : i32
      %dma_wait3A_66 = arith.constant 0 : i32
      %dma_wait3A_67 = tpu.memref_slice %arg3[%dma_wait3A_65, %dma_wait3A_66] : memref<100000x128xf32, #tpu.memory_space<hbm>> -> memref<100000x128xf32, #tpu.memory_space<hbm>>
      tpu.wait_indirect_dma semaphore(%arg23 : memref<!tpu.dma_semaphore, #tpu.memory_space<semaphore_mem>>) src(%dma_wait3A_67 : memref<100000x128xf32, #tpu.memory_space<hbm>>) dst(%arg18 : memref<50x128xf32, #tpu.memory_space<vmem>>)
      %add3A_68 = arith.constant 1 : i32
      %add3A_69 = arith.addi %add3A_61, %add3A_68 : i32
      %dma_start3A_70 = arith.constant 0 : i32
      %dma_start3A_71 = tpu.memref_slice %arg13[%add3A_69, %dma_start3A_70] : memref<64x50xi32, #tpu.memory_space<vmem>> -> memref<1x50xi32, #tpu.memory_space<vmem>>
      %dma_start3A_72 = tpu.memref_squeeze %dma_start3A_71 : memref<1x50xi32, #tpu.memory_space<vmem>> -> memref<50xi32, #tpu.memory_space<vmem>>
      %dma_start3A_73 = arith.constant 0 : i32
      %dma_start3A_74 = arith.constant 0 : i32
      %dma_start3A_75 = tpu.memref_slice %arg3[%dma_start3A_73, %dma_start3A_74] : memref<100000x128xf32, #tpu.memory_space<hbm>> -> memref<100000x128xf32, #tpu.memory_space<hbm>>
      tpu.enqueue_indirect_dma source(%dma_start3A_75 : memref<100000x128xf32, #tpu.memory_space<hbm>>) target(%arg19 : memref<50x128xf32, #tpu.memory_space<vmem>>) offsets(%dma_start3A_72 : memref<50xi32, #tpu.memory_space<vmem>>) semaphore(%arg23 : memref<!tpu.dma_semaphore, #tpu.memory_space<semaphore_mem>>)
      %get3A = arith.constant 0 : i32
      %get3A_76 = arith.index_cast %get3A : i32 to index
      %get3A_77 = arith.constant 0 : index
      %get3A_78 = tpu.vector_load %arg18[%get3A_76, %get3A_77] {strides = array<i32>} : memref<50x128xf32, #tpu.memory_space<vmem>>, vector<1x16xf32>,
      %get3A_79 = vector.shape_cast %get3A_78 : vector<1x16xf32> to vector<16xf32>
      %get3A_80 = arith.constant 0 : i32
      %get3A_81 = arith.index_cast %get3A_80 : i32 to index
      %get3A_82 = arith.constant 16 : index
      %get3A_83 = tpu.vector_load %arg18[%get3A_81, %get3A_82] {strides = array<i32>} : memref<50x128xf32, #tpu.memory_space<vmem>>, vector<1x16xf32>,
      %get3A_84 = vector.shape_cast %get3A_83 : vector<1x16xf32> to vector<16xf32>
      %get3A_85 = arith.constant 0 : i32
      %get3A_86 = arith.index_cast %get3A_85 : i32 to index
      %get3A_87 = arith.constant 32 : index
      %get3A_88 = tpu.vector_load %arg18[%get3A_86, %get3A_87] {strides = array<i32>} : memref<50x128xf32, #tpu.memory_space<vmem>>, vector<1x16xf32>,
      %get3A_89 = vector.shape_cast %get3A_88 : vector<1x16xf32> to vector<16xf32>
      %get3A_90 = arith.constant 0 : i32
      %get3A_91 = arith.index_cast %get3A_90 : i32 to index
      %get3A_92 = arith.constant 48 : index
      %get3A_93 = tpu.vector_load %arg18[%get3A_91, %get3A_92] {strides = array<i32>} : memref<50x128xf32, #tpu.memory_space<vmem>>, vector<1x16xf32>,
      %get3A_94 = vector.shape_cast %get3A_93 : vector<1x16xf32> to vector<16xf32>
      %get3A_95 = arith.constant 0 : i32
      %get3A_96 = arith.index_cast %get3A_95 : i32 to index
      %get3A_97 = arith.constant 64 : index
      %get3A_98 = tpu.vector_load %arg18[%get3A_96, %get3A_97] {strides = array<i32>} : memref<50x128xf32, #tpu.memory_space<vmem>>, vector<1x16xf32>,
      %get3A_99 = vector.shape_cast %get3A_98 : vector<1x16xf32> to vector<16xf32>
      %get3A_100 = arith.constant 0 : i32
      %get3A_101 = arith.index_cast %get3A_100 : i32 to index
      %get3A_102 = arith.constant 80 : index
      %get3A_103 = tpu.vector_load %arg18[%get3A_101, %get3A_102] {strides = array<i32>} : memref<50x128xf32, #tpu.memory_space<vmem>>, vector<1x16xf32>,
      %get3A_104 = vector.shape_cast %get3A_103 : vector<1x16xf32> to vector<16xf32>
      %get3A_105 = arith.constant 0 : i32
      %get3A_106 = arith.index_cast %get3A_105 : i32 to index
      %get3A_107 = arith.constant 96 : index
      %get3A_108 = tpu.vector_load %arg18[%get3A_106, %get3A_107] {strides = array<i32>} : memref<50x128xf32, #tpu.memory_space<vmem>>, vector<1x16xf32>,
      %get3A_109 = vector.shape_cast %get3A_108 : vector<1x16xf32> to vector<16xf32>
      %get3A_110 = arith.constant 0 : i32
      %get3A_111 = arith.index_cast %get3A_110 : i32 to index
      %get3A_112 = arith.constant 112 : index
      %get3A_113 = tpu.vector_load %arg18[%get3A_111, %get3A_112] {strides = array<i32>} : memref<50x128xf32, #tpu.memory_space<vmem>>, vector<1x16xf32>,
      %get3A_114 = vector.shape_cast %get3A_113 : vector<1x16xf32> to vector<16xf32>
      %scan3A_115 = arith.constant 1 : i32
      %scan3A_116 = arith.constant 49 : i32
      %scan3A_117 = arith.addi %scan3A_115, %scan3A_116 : i32
      %scan3A_118 = arith.constant 1 : i32
      %scan3A_119:8 = scf.for %scan3A_259 = %scan3A_115 to %scan3A_117 step %scan3A_118 iter_args(%scan3A_260 = %get3A_79, %scan3A_261 = %get3A_84, %scan3A_262 = %get3A_89, %scan3A_263 = %get3A_94, %scan3A_264 = %get3A_99, %scan3A_265 = %get3A_104, %scan3A_266 = %get3A_109, %scan3A_267 = %get3A_114) -> (vector<16xf32>, vector<16xf32>, vector<16xf32>, vector<16xf32>, vector<16xf32>, vector<16xf32>, vector<16xf32>, vector<16xf32>)  : i32 {
        %get3A_268 = arith.index_cast %scan3A_259 : i32 to index
        %get3A_269 = arith.constant 0 : index
        %get3A_270 = tpu.vector_load %arg18[%get3A_268, %get3A_269] {strides = array<i32>} : memref<50x128xf32, #tpu.memory_space<vmem>>, vector<1x16xf32>,
        %get3A_271 = vector.shape_cast %get3A_270 : vector<1x16xf32> to vector<16xf32>
        %add3A_272 = arith.addf %scan3A_260, %get3A_271 : vector<16xf32>
        %get3A_273 = arith.index_cast %scan3A_259 : i32 to index
        %get3A_274 = arith.constant 16 : index
        %get3A_275 = tpu.vector_load %arg18[%get3A_273, %get3A_274] {strides = array<i32>} : memref<50x128xf32, #tpu.memory_space<vmem>>, vector<1x16xf32>,
        %get3A_276 = vector.shape_cast %get3A_275 : vector<1x16xf32> to vector<16xf32>
        %add3A_277 = arith.addf %scan3A_261, %get3A_276 : vector<16xf32>
        %get3A_278 = arith.index_cast %scan3A_259 : i32 to index
        %get3A_279 = arith.constant 32 : index
        %get3A_280 = tpu.vector_load %arg18[%get3A_278, %get3A_279] {strides = array<i32>} : memref<50x128xf32, #tpu.memory_space<vmem>>, vector<1x16xf32>,
        %get3A_281 = vector.shape_cast %get3A_280 : vector<1x16xf32> to vector<16xf32>
        %add3A_282 = arith.addf %scan3A_262, %get3A_281 : vector<16xf32>
        %get3A_283 = arith.index_cast %scan3A_259 : i32 to index
        %get3A_284 = arith.constant 48 : index
        %get3A_285 = tpu.vector_load %arg18[%get3A_283, %get3A_284] {strides = array<i32>} : memref<50x128xf32, #tpu.memory_space<vmem>>, vector<1x16xf32>,
        %get3A_286 = vector.shape_cast %get3A_285 : vector<1x16xf32> to vector<16xf32>
        %add3A_287 = arith.addf %scan3A_263, %get3A_286 : vector<16xf32>
        %get3A_288 = arith.index_cast %scan3A_259 : i32 to index
        %get3A_289 = arith.constant 64 : index
        %get3A_290 = tpu.vector_load %arg18[%get3A_288, %get3A_289] {strides = array<i32>} : memref<50x128xf32, #tpu.memory_space<vmem>>, vector<1x16xf32>,
        %get3A_291 = vector.shape_cast %get3A_290 : vector<1x16xf32> to vector<16xf32>
        %add3A_292 = arith.addf %scan3A_264, %get3A_291 : vector<16xf32>
        %get3A_293 = arith.index_cast %scan3A_259 : i32 to index
        %get3A_294 = arith.constant 80 : index
        %get3A_295 = tpu.vector_load %arg18[%get3A_293, %get3A_294] {strides = array<i32>} : memref<50x128xf32, #tpu.memory_space<vmem>>, vector<1x16xf32>,
        %get3A_296 = vector.shape_cast %get3A_295 : vector<1x16xf32> to vector<16xf32>
        %add3A_297 = arith.addf %scan3A_265, %get3A_296 : vector<16xf32>
        %get3A_298 = arith.index_cast %scan3A_259 : i32 to index
        %get3A_299 = arith.constant 96 : index
        %get3A_300 = tpu.vector_load %arg18[%get3A_298, %get3A_299] {strides = array<i32>} : memref<50x128xf32, #tpu.memory_space<vmem>>, vector<1x16xf32>,
        %get3A_301 = vector.shape_cast %get3A_300 : vector<1x16xf32> to vector<16xf32>
        %add3A_302 = arith.addf %scan3A_266, %get3A_301 : vector<16xf32>
        %get3A_303 = arith.index_cast %scan3A_259 : i32 to index
        %get3A_304 = arith.constant 112 : index
        %get3A_305 = tpu.vector_load %arg18[%get3A_303, %get3A_304] {strides = array<i32>} : memref<50x128xf32, #tpu.memory_space<vmem>>, vector<1x16xf32>,
        %get3A_306 = vector.shape_cast %get3A_305 : vector<1x16xf32> to vector<16xf32>
        %add3A_307 = arith.addf %scan3A_267, %get3A_306 : vector<16xf32>
        scf.yield %add3A_272, %add3A_277, %add3A_282, %add3A_287, %add3A_292, %add3A_297, %add3A_302, %add3A_307 : vector<16xf32>, vector<16xf32>, vector<16xf32>, vector<16xf32>, vector<16xf32>, vector<16xf32>, vector<16xf32>, vector<16xf32>
      }
      %scan3A_120 = arith.constant 49 : i32
      %swap3A = arith.index_cast %add3A_61 : i32 to index
      %swap3A_121 = arith.constant 0 : index
      %swap3A_122 = tpu.vector_load %arg20[%swap3A, %swap3A_121] {strides = array<i32>} : memref<64x128xf32, #tpu.memory_space<vmem>>, vector<1x16xf32>,
      %swap3A_123 = vector.shape_cast %swap3A_122 : vector<1x16xf32> to vector<16xf32>
      %swap3A_124 = vector.shape_cast %scan3A_119#0 : vector<16xf32> to vector<1x16xf32>
      tpu.vector_store %arg20[%swap3A, %swap3A_121], %swap3A_124 {strides = array<i32>} : memref<64x128xf32, #tpu.memory_space<vmem>>, vector<1x16xf32>,
      %swap3A_125 = arith.index_cast %add3A_61 : i32 to index
      %swap3A_126 = arith.constant 16 : index
      %swap3A_127 = tpu.vector_load %arg20[%swap3A_125, %swap3A_126] {strides = array<i32>} : memref<64x128xf32, #tpu.memory_space<vmem>>, vector<1x16xf32>,
      %swap3A_128 = vector.shape_cast %swap3A_127 : vector<1x16xf32> to vector<16xf32>
      %swap3A_129 = vector.shape_cast %scan3A_119#1 : vector<16xf32> to vector<1x16xf32>
      tpu.vector_store %arg20[%swap3A_125, %swap3A_126], %swap3A_129 {strides = array<i32>} : memref<64x128xf32, #tpu.memory_space<vmem>>, vector<1x16xf32>,
      %swap3A_130 = arith.index_cast %add3A_61 : i32 to index
      %swap3A_131 = arith.constant 32 : index
      %swap3A_132 = tpu.vector_load %arg20[%swap3A_130, %swap3A_131] {strides = array<i32>} : memref<64x128xf32, #tpu.memory_space<vmem>>, vector<1x16xf32>,
      %swap3A_133 = vector.shape_cast %swap3A_132 : vector<1x16xf32> to vector<16xf32>
      %swap3A_134 = vector.shape_cast %scan3A_119#2 : vector<16xf32> to vector<1x16xf32>
      tpu.vector_store %arg20[%swap3A_130, %swap3A_131], %swap3A_134 {strides = array<i32>} : memref<64x128xf32, #tpu.memory_space<vmem>>, vector<1x16xf32>,
      %swap3A_135 = arith.index_cast %add3A_61 : i32 to index
      %swap3A_136 = arith.constant 48 : index
      %swap3A_137 = tpu.vector_load %arg20[%swap3A_135, %swap3A_136] {strides = array<i32>} : memref<64x128xf32, #tpu.memory_space<vmem>>, vector<1x16xf32>,
      %swap3A_138 = vector.shape_cast %swap3A_137 : vector<1x16xf32> to vector<16xf32>
      %swap3A_139 = vector.shape_cast %scan3A_119#3 : vector<16xf32> to vector<1x16xf32>
      tpu.vector_store %arg20[%swap3A_135, %swap3A_136], %swap3A_139 {strides = array<i32>} : memref<64x128xf32, #tpu.memory_space<vmem>>, vector<1x16xf32>,
      %swap3A_140 = arith.index_cast %add3A_61 : i32 to index
      %swap3A_141 = arith.constant 64 : index
      %swap3A_142 = tpu.vector_load %arg20[%swap3A_140, %swap3A_141] {strides = array<i32>} : memref<64x128xf32, #tpu.memory_space<vmem>>, vector<1x16xf32>,
      %swap3A_143 = vector.shape_cast %swap3A_142 : vector<1x16xf32> to vector<16xf32>
      %swap3A_144 = vector.shape_cast %scan3A_119#4 : vector<16xf32> to vector<1x16xf32>
      tpu.vector_store %arg20[%swap3A_140, %swap3A_141], %swap3A_144 {strides = array<i32>} : memref<64x128xf32, #tpu.memory_space<vmem>>, vector<1x16xf32>,
      %swap3A_145 = arith.index_cast %add3A_61 : i32 to index
      %swap3A_146 = arith.constant 80 : index
      %swap3A_147 = tpu.vector_load %arg20[%swap3A_145, %swap3A_146] {strides = array<i32>} : memref<64x128xf32, #tpu.memory_space<vmem>>, vector<1x16xf32>,
      %swap3A_148 = vector.shape_cast %swap3A_147 : vector<1x16xf32> to vector<16xf32>
      %swap3A_149 = vector.shape_cast %scan3A_119#5 : vector<16xf32> to vector<1x16xf32>
      tpu.vector_store %arg20[%swap3A_145, %swap3A_146], %swap3A_149 {strides = array<i32>} : memref<64x128xf32, #tpu.memory_space<vmem>>, vector<1x16xf32>,
      %swap3A_150 = arith.index_cast %add3A_61 : i32 to index
      %swap3A_151 = arith.constant 96 : index
      %swap3A_152 = tpu.vector_load %arg20[%swap3A_150, %swap3A_151] {strides = array<i32>} : memref<64x128xf32, #tpu.memory_space<vmem>>, vector<1x16xf32>,
      %swap3A_153 = vector.shape_cast %swap3A_152 : vector<1x16xf32> to vector<16xf32>
      %swap3A_154 = vector.shape_cast %scan3A_119#6 : vector<16xf32> to vector<1x16xf32>
      tpu.vector_store %arg20[%swap3A_150, %swap3A_151], %swap3A_154 {strides = array<i32>} : memref<64x128xf32, #tpu.memory_space<vmem>>, vector<1x16xf32>,
      %swap3A_155 = arith.index_cast %add3A_61 : i32 to index
      %swap3A_156 = arith.constant 112 : index
      %swap3A_157 = tpu.vector_load %arg20[%swap3A_155, %swap3A_156] {strides = array<i32>} : memref<64x128xf32, #tpu.memory_space<vmem>>, vector<1x16xf32>,
      %swap3A_158 = vector.shape_cast %swap3A_157 : vector<1x16xf32> to vector<16xf32>
      %swap3A_159 = vector.shape_cast %scan3A_119#7 : vector<16xf32> to vector<1x16xf32>
      tpu.vector_store %arg20[%swap3A_155, %swap3A_156], %swap3A_159 {strides = array<i32>} : memref<64x128xf32, #tpu.memory_space<vmem>>, vector<1x16xf32>,
      %mul3A_160 = arith.constant 2 : i32
      %mul3A_161 = arith.muli %scan3A_56, %mul3A_160 : i32
      %add3A_162 = arith.constant 1 : i32
      %add3A_163 = arith.addi %mul3A_161, %add3A_162 : i32
      %dma_wait3A_164 = arith.constant 0 : i32
      %dma_wait3A_165 = tpu.memref_slice %arg13[%add3A_163, %dma_wait3A_164] : memref<64x50xi32, #tpu.memory_space<vmem>> -> memref<1x50xi32, #tpu.memory_space<vmem>>
      %dma_wait3A_166 = tpu.memref_squeeze %dma_wait3A_165 : memref<1x50xi32, #tpu.memory_space<vmem>> -> memref<50xi32, #tpu.memory_space<vmem>>
      %dma_wait3A_167 = arith.constant 0 : i32
      %dma_wait3A_168 = arith.constant 0 : i32
      %dma_wait3A_169 = tpu.memref_slice %arg3[%dma_wait3A_167, %dma_wait3A_168] : memref<100000x128xf32, #tpu.memory_space<hbm>> -> memref<100000x128xf32, #tpu.memory_space<hbm>>
      tpu.wait_indirect_dma semaphore(%arg23 : memref<!tpu.dma_semaphore, #tpu.memory_space<semaphore_mem>>) src(%dma_wait3A_169 : memref<100000x128xf32, #tpu.memory_space<hbm>>) dst(%arg19 : memref<50x128xf32, #tpu.memory_space<vmem>>)
      %lt3A = arith.constant 31 : i32
      %lt3A_170 = arith.cmpi slt, %scan3A_56, %lt3A : i32
      %convert_element_type3A = arith.extui %lt3A_170 : i1 to i32
      %cond3A = arith.constant 0 : i32
      %cond3A_171 = arith.cmpi ne, %convert_element_type3A, %cond3A : i32
      scf.if %cond3A_171 {
        %add3A_259 = arith.constant 1 : i32
        %add3A_260 = arith.addi %add3A_163, %add3A_259 : i32
        %dma_start3A_261 = arith.constant 0 : i32
        %dma_start3A_262 = tpu.memref_slice %arg13[%add3A_260, %dma_start3A_261] : memref<64x50xi32, #tpu.memory_space<vmem>> -> memref<1x50xi32, #tpu.memory_space<vmem>>
        %dma_start3A_263 = tpu.memref_squeeze %dma_start3A_262 : memref<1x50xi32, #tpu.memory_space<vmem>> -> memref<50xi32, #tpu.memory_space<vmem>>
        %dma_start3A_264 = arith.constant 0 : i32
        %dma_start3A_265 = arith.constant 0 : i32
        %dma_start3A_266 = tpu.memref_slice %arg3[%dma_start3A_264, %dma_start3A_265] : memref<100000x128xf32, #tpu.memory_space<hbm>> -> memref<100000x128xf32, #tpu.memory_space<hbm>>
        tpu.enqueue_indirect_dma source(%dma_start3A_266 : memref<100000x128xf32, #tpu.memory_space<hbm>>) target(%arg18 : memref<50x128xf32, #tpu.memory_space<vmem>>) offsets(%dma_start3A_263 : memref<50xi32, #tpu.memory_space<vmem>>) semaphore(%arg23 : memref<!tpu.dma_semaphore, #tpu.memory_space<semaphore_mem>>)
      } else {
      }
      %get3A_172 = arith.constant 0 : i32
      %get3A_173 = arith.index_cast %get3A_172 : i32 to index
      %get3A_174 = arith.constant 0 : index
      %get3A_175 = tpu.vector_load %arg19[%get3A_173, %get3A_174] {strides = array<i32>} : memref<50x128xf32, #tpu.memory_space<vmem>>, vector<1x16xf32>,
      %get3A_176 = vector.shape_cast %get3A_175 : vector<1x16xf32> to vector<16xf32>
      %get3A_177 = arith.constant 0 : i32
      %get3A_178 = arith.index_cast %get3A_177 : i32 to index
      %get3A_179 = arith.constant 16 : index
      %get3A_180 = tpu.vector_load %arg19[%get3A_178, %get3A_179] {strides = array<i32>} : memref<50x128xf32, #tpu.memory_space<vmem>>, vector<1x16xf32>,
      %get3A_181 = vector.shape_cast %get3A_180 : vector<1x16xf32> to vector<16xf32>
      %get3A_182 = arith.constant 0 : i32
      %get3A_183 = arith.index_cast %get3A_182 : i32 to index
      %get3A_184 = arith.constant 32 : index
      %get3A_185 = tpu.vector_load %arg19[%get3A_183, %get3A_184] {strides = array<i32>} : memref<50x128xf32, #tpu.memory_space<vmem>>, vector<1x16xf32>,
      %get3A_186 = vector.shape_cast %get3A_185 : vector<1x16xf32> to vector<16xf32>
      %get3A_187 = arith.constant 0 : i32
      %get3A_188 = arith.index_cast %get3A_187 : i32 to index
      %get3A_189 = arith.constant 48 : index
      %get3A_190 = tpu.vector_load %arg19[%get3A_188, %get3A_189] {strides = array<i32>} : memref<50x128xf32, #tpu.memory_space<vmem>>, vector<1x16xf32>,
      %get3A_191 = vector.shape_cast %get3A_190 : vector<1x16xf32> to vector<16xf32>
      %get3A_192 = arith.constant 0 : i32
      %get3A_193 = arith.index_cast %get3A_192 : i32 to index
      %get3A_194 = arith.constant 64 : index
      %get3A_195 = tpu.vector_load %arg19[%get3A_193, %get3A_194] {strides = array<i32>} : memref<50x128xf32, #tpu.memory_space<vmem>>, vector<1x16xf32>,
      %get3A_196 = vector.shape_cast %get3A_195 : vector<1x16xf32> to vector<16xf32>
      %get3A_197 = arith.constant 0 : i32
      %get3A_198 = arith.index_cast %get3A_197 : i32 to index
      %get3A_199 = arith.constant 80 : index
      %get3A_200 = tpu.vector_load %arg19[%get3A_198, %get3A_199] {strides = array<i32>} : memref<50x128xf32, #tpu.memory_space<vmem>>, vector<1x16xf32>,
      %get3A_201 = vector.shape_cast %get3A_200 : vector<1x16xf32> to vector<16xf32>
      %get3A_202 = arith.constant 0 : i32
      %get3A_203 = arith.index_cast %get3A_202 : i32 to index
      %get3A_204 = arith.constant 96 : index
      %get3A_205 = tpu.vector_load %arg19[%get3A_203, %get3A_204] {strides = array<i32>} : memref<50x128xf32, #tpu.memory_space<vmem>>, vector<1x16xf32>,
      %get3A_206 = vector.shape_cast %get3A_205 : vector<1x16xf32> to vector<16xf32>
      %get3A_207 = arith.constant 0 : i32
      %get3A_208 = arith.index_cast %get3A_207 : i32 to index
      %get3A_209 = arith.constant 112 : index
      %get3A_210 = tpu.vector_load %arg19[%get3A_208, %get3A_209] {strides = array<i32>} : memref<50x128xf32, #tpu.memory_space<vmem>>, vector<1x16xf32>,
      %get3A_211 = vector.shape_cast %get3A_210 : vector<1x16xf32> to vector<16xf32>
      %scan3A_212 = arith.constant 1 : i32
      %scan3A_213 = arith.constant 49 : i32
      %scan3A_214 = arith.addi %scan3A_212, %scan3A_213 : i32
      %scan3A_215 = arith.constant 1 : i32
      %scan3A_216:8 = scf.for %scan3A_259 = %scan3A_212 to %scan3A_214 step %scan3A_215 iter_args(%scan3A_260 = %get3A_176, %scan3A_261 = %get3A_181, %scan3A_262 = %get3A_186, %scan3A_263 = %get3A_191, %scan3A_264 = %get3A_196, %scan3A_265 = %get3A_201, %scan3A_266 = %get3A_206, %scan3A_267 = %get3A_211) -> (vector<16xf32>, vector<16xf32>, vector<16xf32>, vector<16xf32>, vector<16xf32>, vector<16xf32>, vector<16xf32>, vector<16xf32>)  : i32 {
        %get3A_268 = arith.index_cast %scan3A_259 : i32 to index
        %get3A_269 = arith.constant 0 : index
        %get3A_270 = tpu.vector_load %arg19[%get3A_268, %get3A_269] {strides = array<i32>} : memref<50x128xf32, #tpu.memory_space<vmem>>, vector<1x16xf32>,
        %get3A_271 = vector.shape_cast %get3A_270 : vector<1x16xf32> to vector<16xf32>
        %add3A_272 = arith.addf %scan3A_260, %get3A_271 : vector<16xf32>
        %get3A_273 = arith.index_cast %scan3A_259 : i32 to index
        %get3A_274 = arith.constant 16 : index
        %get3A_275 = tpu.vector_load %arg19[%get3A_273, %get3A_274] {strides = array<i32>} : memref<50x128xf32, #tpu.memory_space<vmem>>, vector<1x16xf32>,
        %get3A_276 = vector.shape_cast %get3A_275 : vector<1x16xf32> to vector<16xf32>
        %add3A_277 = arith.addf %scan3A_261, %get3A_276 : vector<16xf32>
        %get3A_278 = arith.index_cast %scan3A_259 : i32 to index
        %get3A_279 = arith.constant 32 : index
        %get3A_280 = tpu.vector_load %arg19[%get3A_278, %get3A_279] {strides = array<i32>} : memref<50x128xf32, #tpu.memory_space<vmem>>, vector<1x16xf32>,
        %get3A_281 = vector.shape_cast %get3A_280 : vector<1x16xf32> to vector<16xf32>
        %add3A_282 = arith.addf %scan3A_262, %get3A_281 : vector<16xf32>
        %get3A_283 = arith.index_cast %scan3A_259 : i32 to index
        %get3A_284 = arith.constant 48 : index
        %get3A_285 = tpu.vector_load %arg19[%get3A_283, %get3A_284] {strides = array<i32>} : memref<50x128xf32, #tpu.memory_space<vmem>>, vector<1x16xf32>,
        %get3A_286 = vector.shape_cast %get3A_285 : vector<1x16xf32> to vector<16xf32>
        %add3A_287 = arith.addf %scan3A_263, %get3A_286 : vector<16xf32>
        %get3A_288 = arith.index_cast %scan3A_259 : i32 to index
        %get3A_289 = arith.constant 64 : index
        %get3A_290 = tpu.vector_load %arg19[%get3A_288, %get3A_289] {strides = array<i32>} : memref<50x128xf32, #tpu.memory_space<vmem>>, vector<1x16xf32>,
        %get3A_291 = vector.shape_cast %get3A_290 : vector<1x16xf32> to vector<16xf32>
        %add3A_292 = arith.addf %scan3A_264, %get3A_291 : vector<16xf32>
        %get3A_293 = arith.index_cast %scan3A_259 : i32 to index
        %get3A_294 = arith.constant 80 : index
        %get3A_295 = tpu.vector_load %arg19[%get3A_293, %get3A_294] {strides = array<i32>} : memref<50x128xf32, #tpu.memory_space<vmem>>, vector<1x16xf32>,
        %get3A_296 = vector.shape_cast %get3A_295 : vector<1x16xf32> to vector<16xf32>
        %add3A_297 = arith.addf %scan3A_265, %get3A_296 : vector<16xf32>
        %get3A_298 = arith.index_cast %scan3A_259 : i32 to index
        %get3A_299 = arith.constant 96 : index
        %get3A_300 = tpu.vector_load %arg19[%get3A_298, %get3A_299] {strides = array<i32>} : memref<50x128xf32, #tpu.memory_space<vmem>>, vector<1x16xf32>,
        %get3A_301 = vector.shape_cast %get3A_300 : vector<1x16xf32> to vector<16xf32>
        %add3A_302 = arith.addf %scan3A_266, %get3A_301 : vector<16xf32>
        %get3A_303 = arith.index_cast %scan3A_259 : i32 to index
        %get3A_304 = arith.constant 112 : index
        %get3A_305 = tpu.vector_load %arg19[%get3A_303, %get3A_304] {strides = array<i32>} : memref<50x128xf32, #tpu.memory_space<vmem>>, vector<1x16xf32>,
        %get3A_306 = vector.shape_cast %get3A_305 : vector<1x16xf32> to vector<16xf32>
        %add3A_307 = arith.addf %scan3A_267, %get3A_306 : vector<16xf32>
        scf.yield %add3A_272, %add3A_277, %add3A_282, %add3A_287, %add3A_292, %add3A_297, %add3A_302, %add3A_307 : vector<16xf32>, vector<16xf32>, vector<16xf32>, vector<16xf32>, vector<16xf32>, vector<16xf32>, vector<16xf32>, vector<16xf32>
      }
      %scan3A_217 = arith.constant 49 : i32
      %swap3A_218 = arith.index_cast %add3A_163 : i32 to index
      %swap3A_219 = arith.constant 0 : index
      %swap3A_220 = tpu.vector_load %arg20[%swap3A_218, %swap3A_219] {strides = array<i32>} : memref<64x128xf32, #tpu.memory_space<vmem>>, vector<1x16xf32>,
      %swap3A_221 = vector.shape_cast %swap3A_220 : vector<1x16xf32> to vector<16xf32>
      %swap3A_222 = vector.shape_cast %scan3A_216#0 : vector<16xf32> to vector<1x16xf32>
      tpu.vector_store %arg20[%swap3A_218, %swap3A_219], %swap3A_222 {strides = array<i32>} : memref<64x128xf32, #tpu.memory_space<vmem>>, vector<1x16xf32>,
      %swap3A_223 = arith.index_cast %add3A_163 : i32 to index
      %swap3A_224 = arith.constant 16 : index
      %swap3A_225 = tpu.vector_load %arg20[%swap3A_223, %swap3A_224] {strides = array<i32>} : memref<64x128xf32, #tpu.memory_space<vmem>>, vector<1x16xf32>,
      %swap3A_226 = vector.shape_cast %swap3A_225 : vector<1x16xf32> to vector<16xf32>
      %swap3A_227 = vector.shape_cast %scan3A_216#1 : vector<16xf32> to vector<1x16xf32>
      tpu.vector_store %arg20[%swap3A_223, %swap3A_224], %swap3A_227 {strides = array<i32>} : memref<64x128xf32, #tpu.memory_space<vmem>>, vector<1x16xf32>,
      %swap3A_228 = arith.index_cast %add3A_163 : i32 to index
      %swap3A_229 = arith.constant 32 : index
      %swap3A_230 = tpu.vector_load %arg20[%swap3A_228, %swap3A_229] {strides = array<i32>} : memref<64x128xf32, #tpu.memory_space<vmem>>, vector<1x16xf32>,
      %swap3A_231 = vector.shape_cast %swap3A_230 : vector<1x16xf32> to vector<16xf32>
      %swap3A_232 = vector.shape_cast %scan3A_216#2 : vector<16xf32> to vector<1x16xf32>
      tpu.vector_store %arg20[%swap3A_228, %swap3A_229], %swap3A_232 {strides = array<i32>} : memref<64x128xf32, #tpu.memory_space<vmem>>, vector<1x16xf32>,
      %swap3A_233 = arith.index_cast %add3A_163 : i32 to index
      %swap3A_234 = arith.constant 48 : index
      %swap3A_235 = tpu.vector_load %arg20[%swap3A_233, %swap3A_234] {strides = array<i32>} : memref<64x128xf32, #tpu.memory_space<vmem>>, vector<1x16xf32>,
      %swap3A_236 = vector.shape_cast %swap3A_235 : vector<1x16xf32> to vector<16xf32>
      %swap3A_237 = vector.shape_cast %scan3A_216#3 : vector<16xf32> to vector<1x16xf32>
      tpu.vector_store %arg20[%swap3A_233, %swap3A_234], %swap3A_237 {strides = array<i32>} : memref<64x128xf32, #tpu.memory_space<vmem>>, vector<1x16xf32>,
      %swap3A_238 = arith.index_cast %add3A_163 : i32 to index
      %swap3A_239 = arith.constant 64 : index
      %swap3A_240 = tpu.vector_load %arg20[%swap3A_238, %swap3A_239] {strides = array<i32>} : memref<64x128xf32, #tpu.memory_space<vmem>>, vector<1x16xf32>,
      %swap3A_241 = vector.shape_cast %swap3A_240 : vector<1x16xf32> to vector<16xf32>
      %swap3A_242 = vector.shape_cast %scan3A_216#4 : vector<16xf32> to vector<1x16xf32>
      tpu.vector_store %arg20[%swap3A_238, %swap3A_239], %swap3A_242 {strides = array<i32>} : memref<64x128xf32, #tpu.memory_space<vmem>>, vector<1x16xf32>,
      %swap3A_243 = arith.index_cast %add3A_163 : i32 to index
      %swap3A_244 = arith.constant 80 : index
      %swap3A_245 = tpu.vector_load %arg20[%swap3A_243, %swap3A_244] {strides = array<i32>} : memref<64x128xf32, #tpu.memory_space<vmem>>, vector<1x16xf32>,
      %swap3A_246 = vector.shape_cast %swap3A_245 : vector<1x16xf32> to vector<16xf32>
      %swap3A_247 = vector.shape_cast %scan3A_216#5 : vector<16xf32> to vector<1x16xf32>
      tpu.vector_store %arg20[%swap3A_243, %swap3A_244], %swap3A_247 {strides = array<i32>} : memref<64x128xf32, #tpu.memory_space<vmem>>, vector<1x16xf32>,
      %swap3A_248 = arith.index_cast %add3A_163 : i32 to index
      %swap3A_249 = arith.constant 96 : index
      %swap3A_250 = tpu.vector_load %arg20[%swap3A_248, %swap3A_249] {strides = array<i32>} : memref<64x128xf32, #tpu.memory_space<vmem>>, vector<1x16xf32>,
      %swap3A_251 = vector.shape_cast %swap3A_250 : vector<1x16xf32> to vector<16xf32>
      %swap3A_252 = vector.shape_cast %scan3A_216#6 : vector<16xf32> to vector<1x16xf32>
      tpu.vector_store %arg20[%swap3A_248, %swap3A_249], %swap3A_252 {strides = array<i32>} : memref<64x128xf32, #tpu.memory_space<vmem>>, vector<1x16xf32>,
      %swap3A_253 = arith.index_cast %add3A_163 : i32 to index
      %swap3A_254 = arith.constant 112 : index
      %swap3A_255 = tpu.vector_load %arg20[%swap3A_253, %swap3A_254] {strides = array<i32>} : memref<64x128xf32, #tpu.memory_space<vmem>>, vector<1x16xf32>,
      %swap3A_256 = vector.shape_cast %swap3A_255 : vector<1x16xf32> to vector<16xf32>
      %swap3A_257 = vector.shape_cast %scan3A_216#7 : vector<16xf32> to vector<1x16xf32>
      tpu.vector_store %arg20[%swap3A_253, %swap3A_254], %swap3A_257 {strides = array<i32>} : memref<64x128xf32, #tpu.memory_space<vmem>>, vector<1x16xf32>,
      %scan3A_258 = arith.constant 0 : i32
      scf.yield %scan3A_258 : i32
    }
    %scan3A_55 = arith.constant 4 : i32
    "tpu.region"() ({
      %run_scoped3A = tpu.sem_alloc : memref<!tpu.dma_semaphore, #tpu.memory_space<semaphore_mem>>
      %dma_start3A_56 = arith.constant 0 : i32
      %dma_start3A_57 = tpu.memref_slice %arg10[%mul3A_2, %dma_start3A_56] : memref<2048x128xf32, #tpu.memory_space<hbm>> -> memref<64x128xf32, #tpu.memory_space<hbm>>
      %dma_start3A_58 = arith.constant 0 : i32
      %dma_start3A_59 = tpu.memref_slice %arg10[%mul3A_2, %dma_start3A_58] : memref<2048x128xf32, #tpu.memory_space<hbm>> -> memref<64x128xf32, #tpu.memory_space<hbm>>
      tpu.enqueue_dma source(%arg20 : memref<64x128xf32, #tpu.memory_space<vmem>>) target(%dma_start3A_59 : memref<64x128xf32, #tpu.memory_space<hbm>>) target_semaphore(%run_scoped3A : memref<!tpu.dma_semaphore, #tpu.memory_space<semaphore_mem>>)
      %dma_wait3A_60 = arith.constant 0 : i32
      %dma_wait3A_61 = tpu.memref_slice %arg10[%mul3A_2, %dma_wait3A_60] : memref<2048x128xf32, #tpu.memory_space<hbm>> -> memref<64x128xf32, #tpu.memory_space<hbm>>
      %dma_wait3A_62 = arith.constant 0 : i32
      %dma_wait3A_63 = tpu.memref_slice %arg10[%mul3A_2, %dma_wait3A_62] : memref<2048x128xf32, #tpu.memory_space<hbm>> -> memref<64x128xf32, #tpu.memory_space<hbm>>
      tpu.wait_dma2 semaphore(%run_scoped3A : memref<!tpu.dma_semaphore, #tpu.memory_space<semaphore_mem>>) src(%arg20 : memref<64x128xf32, #tpu.memory_space<vmem>>) dst(%dma_wait3A_63 : memref<64x128xf32, #tpu.memory_space<hbm>>)
      tpu.yield
    }) : () -> ()
    return
  }
}

module attributes {stable_mosaic.version = 14 : i64} {
  func.func @_tc_body(%arg0: i32, %arg1: memref<256x56x128xf32, #tpu.memory_space<vmem>>, %arg2: memref<256x56x128xf32, #tpu.memory_space<vmem>>, %arg3: memref<256x128xf32, #tpu.memory_space<vmem>>, %arg4: memref<256x128xf32, #tpu.memory_space<vmem>>, %arg5: memref<256x1xf32, #tpu.memory_space<vmem>>, %arg6: memref<256x1xf32, #tpu.memory_space<vmem>>) attributes {dimension_semantics = [#tpu.dimension_semantics<arbitrary>], iteration_bounds = array<i64: 8>, scalar_prefetch = 0 : i64, scratch_operands = 0 : i64, tpu.core_type = #tpu.core_type<tc>, window_params = [{transform_indices = @transform_0, window_bounds = array<i64: 256, 56, 128>}, {transform_indices = @transform_1, window_bounds = array<i64: 256, 56, 128>}, {transform_indices = @transform_2, window_bounds = array<i64: 256, 128>}, {transform_indices = @transform_3, window_bounds = array<i64: 256, 128>}, {transform_indices = @transform_4, window_bounds = array<i64: 256, 1>}, {transform_indices = @transform_5, window_bounds = array<i64: 256, 1>}]} {
    %get3A = arith.constant 0 : index
    %get3A_0 = arith.constant 0 : index
    %get3A_1 = arith.constant 0 : index
    %get3A_2 = vector.load %arg1[%get3A, %get3A_0, %get3A_1] : memref<256x56x128xf32, #tpu.memory_space<vmem>>, vector<256x56x128xf32>
    %get3A_3 = arith.constant 0 : index
    %get3A_4 = arith.constant 0 : index
    %get3A_5 = arith.constant 0 : index
    %get3A_6 = vector.load %arg2[%get3A_3, %get3A_4, %get3A_5] : memref<256x56x128xf32, #tpu.memory_space<vmem>>, vector<256x56x128xf32>
    %iota3A = tpu.iota {dimensions = array<i32: 1>} : vector<256x56x128xi32>
    %lt3A = arith.constant 50 : i32
    %lt3A_7 = vector.broadcast %lt3A : i32 to vector<256x56x128xi32>
    %lt3A_8 = arith.cmpi slt, %iota3A, %lt3A_7 : vector<256x56x128xi32>
    %get3A_9 = arith.constant 0 : index
    %get3A_10 = arith.constant 0 : index
    %get3A_11 = vector.load %arg3[%get3A_9, %get3A_10] : memref<256x128xf32, #tpu.memory_space<vmem>>, vector<256x128xf32>
    %mul3A = arith.constant 11.3137083 : f32
    %mul3A_12 = vector.broadcast %mul3A : f32 to vector<256x128xf32>
    %mul3A_13 = arith.mulf %get3A_11, %mul3A_12 : vector<256x128xf32>
    %broadcast_in_dim3A = vector.shape_cast %mul3A_13 : vector<256x128xf32> to vector<256x1x128xf32>
    %mul3A_14 = vector.broadcast %broadcast_in_dim3A : vector<256x1x128xf32> to vector<256x56x128xf32>
    %mul3A_15 = arith.mulf %mul3A_14, %get3A_2 : vector<256x56x128xf32>
    %jit3A = arith.constant -1.000000e+30 : f32
    %broadcast_in_dim3A_16 = vector.broadcast %jit3A : f32 to vector<256x56x128xf32>
    %select_n3A = arith.select %lt3A_8, %mul3A_15, %broadcast_in_dim3A_16 : vector<256x56x128xi1>, vector<256x56x128xf32>
    %reduce_max3A = arith.constant dense<0xFF800000> : vector<256x128xf32>
    %reduce_max3A_17 = vector.multi_reduction <maximumf>, %select_n3A, %reduce_max3A [1] : vector<256x56x128xf32> to vector<256x128xf32>
    %broadcast_in_dim3A_18 = vector.shape_cast %reduce_max3A_17 : vector<256x128xf32> to vector<256x1x128xf32>
    %sub3A = vector.broadcast %broadcast_in_dim3A_18 : vector<256x1x128xf32> to vector<256x56x128xf32>
    %sub3A_19 = arith.subf %select_n3A, %sub3A : vector<256x56x128xf32>
    %exp3A = math.exp %sub3A_19 : vector<256x56x128xf32>
    %reduce_sum3A = arith.constant dense<0.000000e+00> : vector<256x128xf32>
    %reduce_sum3A_20 = vector.multi_reduction <add>, %exp3A, %reduce_sum3A [1] : vector<256x56x128xf32> to vector<256x128xf32>
    %jit3A_21 = arith.constant 0.000000e+00 : f32
    %broadcast_in_dim3A_22 = vector.broadcast %jit3A_21 : f32 to vector<256x56x128xf32>
    %select_n3A_23 = arith.select %lt3A_8, %get3A_6, %broadcast_in_dim3A_22 : vector<256x56x128xi1>, vector<256x56x128xf32>
    %mul3A_24 = arith.mulf %exp3A, %select_n3A_23 : vector<256x56x128xf32>
    %reduce_sum3A_25 = arith.constant dense<0.000000e+00> : vector<256x128xf32>
    %reduce_sum3A_26 = vector.multi_reduction <add>, %mul3A_24, %reduce_sum3A_25 [1] : vector<256x56x128xf32> to vector<256x128xf32>
    %div3A = arith.divf %reduce_sum3A_26, %reduce_sum3A_20 : vector<256x128xf32>
    %mul3A_27 = arith.mulf %div3A, %div3A : vector<256x128xf32>
    %reduce_sum3A_28 = arith.constant dense<0.000000e+00> : vector<256xf32>
    %reduce_sum3A_29 = vector.multi_reduction <add>, %mul3A_27, %reduce_sum3A_28 [1] : vector<256x128xf32> to vector<256xf32>
    %broadcast_in_dim3A_30 = vector.shape_cast %reduce_sum3A_29 : vector<256xf32> to vector<256x1xf32>
    %sqrt3A = math.sqrt %broadcast_in_dim3A_30 : vector<256x1xf32>
    %max3A = arith.constant 9.99999996E-13 : f32
    %max3A_31 = vector.broadcast %max3A : f32 to vector<256x1xf32>
    %max3A_32 = arith.maximumf %sqrt3A, %max3A_31 : vector<256x1xf32>
    %div3A_33 = vector.broadcast %max3A_32 : vector<256x1xf32> to vector<256x128xf32>
    %div3A_34 = arith.divf %div3A, %div3A_33 : vector<256x128xf32>
    %get3A_35 = arith.constant 0 : index
    %get3A_36 = arith.constant 0 : index
    %get3A_37 = vector.load %arg4[%get3A_35, %get3A_36] : memref<256x128xf32, #tpu.memory_space<vmem>>, vector<256x128xf32>
    %mul3A_38 = arith.mulf %get3A_37, %get3A_37 : vector<256x128xf32>
    %reduce_sum3A_39 = arith.constant dense<0.000000e+00> : vector<256xf32>
    %reduce_sum3A_40 = vector.multi_reduction <add>, %mul3A_38, %reduce_sum3A_39 [1] : vector<256x128xf32> to vector<256xf32>
    %broadcast_in_dim3A_41 = vector.shape_cast %reduce_sum3A_40 : vector<256xf32> to vector<256x1xf32>
    %sqrt3A_42 = math.sqrt %broadcast_in_dim3A_41 : vector<256x1xf32>
    %max3A_43 = arith.constant 9.99999996E-13 : f32
    %max3A_44 = vector.broadcast %max3A_43 : f32 to vector<256x1xf32>
    %max3A_45 = arith.maximumf %sqrt3A_42, %max3A_44 : vector<256x1xf32>
    %div3A_46 = vector.broadcast %max3A_45 : vector<256x1xf32> to vector<256x128xf32>
    %div3A_47 = arith.divf %get3A_37, %div3A_46 : vector<256x128xf32>
    %sub3A_48 = arith.subf %div3A_34, %div3A_47 : vector<256x128xf32>
    %integer_pow3A = arith.mulf %sub3A_48, %sub3A_48 : vector<256x128xf32>
    %reduce_sum3A_49 = arith.constant dense<0.000000e+00> : vector<256xf32>
    %reduce_sum3A_50 = vector.multi_reduction <add>, %integer_pow3A, %reduce_sum3A_49 [1] : vector<256x128xf32> to vector<256xf32>
    %broadcast_in_dim3A_51 = vector.shape_cast %reduce_sum3A_50 : vector<256xf32> to vector<256x1xf32>
    %div3A_52 = arith.constant 1.280000e+02 : f32
    %div3A_53 = vector.broadcast %div3A_52 : f32 to vector<256x1xf32>
    %div3A_54 = arith.divf %broadcast_in_dim3A_51, %div3A_53 : vector<256x1xf32>
    %get3A_55 = arith.constant 0 : index
    %get3A_56 = arith.constant 0 : index
    %get3A_57 = vector.load %arg5[%get3A_55, %get3A_56] : memref<256x1xf32, #tpu.memory_space<vmem>>, vector<256x1xf32>
    %log3A = math.log %get3A_57 : vector<256x1xf32>
    %mul3A_58 = arith.mulf %div3A_54, %log3A : vector<256x1xf32>
    %sub3A_59 = arith.constant 1.000000e+00 : f32
    %sub3A_60 = vector.broadcast %sub3A_59 : f32 to vector<256x1xf32>
    %sub3A_61 = arith.subf %sub3A_60, %mul3A_58 : vector<256x1xf32>
    %swap3A = arith.constant 0 : index
    %swap3A_62 = arith.constant 0 : index
    %swap3A_63 = vector.load %arg6[%swap3A, %swap3A_62] : memref<256x1xf32, #tpu.memory_space<vmem>>, vector<256x1xf32>
    tpu.vector_store %arg6[%swap3A, %swap3A_62], %sub3A_61 {strides = array<i32>} : memref<256x1xf32, #tpu.memory_space<vmem>>, vector<256x1xf32>,
    return
  }
  func.func @transform_0(%arg0: i32) -> (i32, i32, i32) {
    %c0_i32 = arith.constant 0 : i32
    %c0_i32_0 = arith.constant 0 : i32
    %c0_i32_1 = arith.constant 0 : i32
    return %arg0, %c0_i32, %c0_i32_0 : i32, i32, i32
  }
  func.func @transform_1(%arg0: i32) -> (i32, i32, i32) {
    %c0_i32 = arith.constant 0 : i32
    %c0_i32_0 = arith.constant 0 : i32
    %c0_i32_1 = arith.constant 0 : i32
    return %arg0, %c0_i32, %c0_i32_0 : i32, i32, i32
  }
  func.func @transform_2(%arg0: i32) -> (i32, i32) {
    %c0_i32 = arith.constant 0 : i32
    %c0_i32_0 = arith.constant 0 : i32
    return %arg0, %c0_i32 : i32, i32
  }
  func.func @transform_3(%arg0: i32) -> (i32, i32) {
    %c0_i32 = arith.constant 0 : i32
    %c0_i32_0 = arith.constant 0 : i32
    return %arg0, %c0_i32 : i32, i32
  }
  func.func @transform_4(%arg0: i32) -> (i32, i32) {
    %c0_i32 = arith.constant 0 : i32
    %c0_i32_0 = arith.constant 0 : i32
    return %arg0, %c0_i32 : i32, i32
  }
  func.func @transform_5(%arg0: i32) -> (i32, i32) {
    %c0_i32 = arith.constant 0 : i32
    %c0_i32_0 = arith.constant 0 : i32
    return %arg0, %c0_i32 : i32, i32
  }
}

</mosaic_0001>

<sc_bundles>
// kernel: kernel.6.cloned.1.call-start
scs
__scs_entry_jumppad:
0x0: {  	(pc) =	sbr.rel $0x88, $3  }
0x1: {  	(tag) =	ssettag $0x0;
	lr =	simm.s32 $0x1  }
0x2: {  	[smem:$0x3F99] =	sst lr;
	_ =	strace $0xD0000000  }
0x3: {  	_ = 	snop  }
0x4: {  	_ = 	snop  }
0x5: {  	_ = 	snop  }
0x6: {  	_ = 	snop  }
0x7: {  	_ = 	snop  }
__scs_overlays_trampoline_lowered:
0x8: {  	[smem:$0x3FA8] =	sst s0  }
0x9: {  	[smem:$0x3FA9] =	sst s1  }
0xa: {  	[smem:$0x3FAA] =	sst s2  }
0xb: {  	[smem:$0x3FAB] =	sst s3  }
0xc: {  	[smem:$0x3FAC] =	sst s4  }
0xd: {  	[smem:$0x3FAD] =	sst s5  }
0xe: {  	[smem:$0x3FAE] =	sst s6  }
0xf: {  	[smem:$0x3FAF] =	sst s7  }
0x10: {  	[smem:$0x3FB0] =	sst s8  }
0x11: {  	[smem:$0x3FB1] =	sst s9;
	s0 =	simm.s32 @!p0 $0x0  }
0x12: {  	s1 =	sld [smem:$0x3F97];
	s0 =	simm.s32 @p0 $0x1  }
0x13: {  	[smem:$0x3FB2] =	sst s0;
	s0 =	simm.s32 @!p1 $0x0  }
0x14: {  	s2 =	sld [smem:$0x3F96];
	s0 =	simm.s32 @p1 $0x1  }
0x15: {  	[smem:$0x3FB3] =	sst s0;
	s0 =	simm.s32 @!p2 $0x0  }
0x16: {  	s3 =	sld [smem:$0x3FDB];
	s0 =	simm.s32 @p2 $0x1  }
0x17: {  	s4 =	simm.s32 $0x1BF5;
	[smem:$0x3FB5] =	sst s0  }
0x18: {  	s0 =	sld [smem:$0x3F98];
	_ =	swait.ge [sflag:s4], $0x0  }
0x19: {  	s7 =	sld [smem:$0x3F99]  }
0x1a: {  	s8 =	sadd.s32 $0xFFFFE003, lr  }
0x1b: {  	s9 =	sadd.s32 $0xFFFFFEF7, lr;
	s5 =	simm.s32 $0xFFFFFFFF;
	p2 =	slt.u32 s8, $0xFFFFF086  }
0x1c: {  	p1 =	slt.u32 s9, $0xF7A;
	s5 =	simm.s32 @!p2 $0x0  }
0x1d: {  	s5 =	simm.s32 @p1 $0x1;
	p0 =	seq.s32 s7, s2  }
0x1e: {  	s7 =	smul.u32 @!p0 $0xF7A, s2;
	p2 =	seq.s32 @!p0 s5, $0x0  }
0x1f: {  	s9 =	smul.u32 $0xF7A, s1;
	s8 =	simm.s32 @!p0 $0x1BF5;
	p2 =	por !p2, p0  }
0x20: {  	[sflag:s8] =	ssyncset.s32 @!p0 $0xFFFFF086;
	s6 =	sadd.s32 @!p0 s3, s7;
	s7 =	simm.s32 @!p0 $0x108  }
0x21: {  	s3 =	sadd.s32 s3, s9;
	s6 =	sadd.s32 @!p0 $0x88, s6;
	s7 =	simm.s32 @p2 $0x1082  }
0x22: {  	[simem:s7], [sflag:s8] =	dma.local @!p0 [hbm:s6], $0xF7A  }
0x23: {  	s9 =	sor.u32 $0xD0000000, s2;
	s6 =	simm.s32 $0x108;
	_ =	swait.ge @!p0 [sflag:s8], $0x0  }
0x24: {  	s3 =	sadd.s32 $0x88, s3;
	s6 =	simm.s32 @!p1 $0x1082;
	[sflag:s4] =	ssyncset.s32 $0xFFFFF086  }
0x25: {  	[simem:s6], [sflag:s4] =	dma.local [hbm:s3], $0xF7A  }
0x26: {  	[smem:$0x3F99] =	sst s1;
	(tag) =	ssettag s2;
	_ =	strace s9  }
0x27: {  	s1 =	sld [smem:$0x3FA9]  }
0x28: {  	s2 =	sld [smem:$0x3FAA]  }
0x29: {  	s4 =	sld [smem:$0x3FAC]  }
0x2a: {  	p0 =	seq.s32 s5, $0x0;
	s5 =	sld [smem:$0x3FAD]  }
0x2b: {  	s6 =	sld [smem:$0x3FAE]  }
0x2c: {  	s7 =	sld [smem:$0x3FAF]  }
0x2d: {  	s3 =	simm.s32 $0x108;
	s8 =	sld [smem:$0x3FB0]  }
0x2e: {  	s3 =	simm.s32 @!p0 $0x1082;
	s9 =	sld [smem:$0x3FB1]  }
0x2f: {  	lr =	sadd.s32 s0, s3;
	s0 =	sld [smem:$0x3FA8]  }
0x30: {  	s3 =	sld [smem:$0x3FAB]  }
0x31: {  	[smem:$0x3FB4] =	sst s10  }
0x32: {  	s10 =	sld [smem:$0x3FB2];
	_ =	sdelay $0x3  }
0x33: {  	p0 =	seq.s32 s10, $0x1;
	s10 =	sld [smem:$0x3FB4];
	_ =	sdelay $0x3  }
0x34: {  	[smem:$0x3FB4] =	sst s10  }
0x35: {  	s10 =	sld [smem:$0x3FB3];
	_ =	sdelay $0x3  }
0x36: {  	p1 =	seq.s32 s10, $0x1;
	s10 =	sld [smem:$0x3FB4];
	_ =	sdelay $0x3  }
0x37: {  	[smem:$0x3FB4] =	sst s10  }
0x38: {  	s10 =	sld [smem:$0x3FB5]  }
0x39: {  	_ = 	snop;
	(pc) =	sbr.ind lr, $3  }
0x3a: {  	_ = 	snop  }
0x3b: {  	_ = 	snop  }
0x3c: {  	p2 =	seq.s32 s10, $0x1;
	s10 =	sld [smem:$0x3FB4]  }
0x3d: {  	_ =	shalt  }
0x3e: {  	_ =	shalt  }
0x3f: {  	_ =	shalt  }
0x40: {  	_ =	shalt  }
0x41: {  	_ =	shalt  }
0x42: {  	_ =	shalt  }
0x43: {  	_ =	shalt  }
0x44: {  	_ =	shalt  }
0x45: {  	_ =	shalt  }
0x46: {  	_ =	shalt  }
0x47: {  	_ =	shalt  }
0x48: {  	_ =	shalt  }
0x49: {  	_ =	shalt  }
0x4a: {  	_ =	shalt  }
0x4b: {  	_ =	shalt  }
0x4c: {  	_ =	shalt  }
0x4d: {  	_ =	shalt  }
0x4e: {  	_ =	shalt  }
0x4f: {  	_ =	shalt  }
0x50: {  	_ =	shalt  }
0x51: {  	_ =	shalt  }
0x52: {  	_ =	shalt  }
0x53: {  	_ =	shalt  }
0x54: {  	_ =	shalt  }
0x55: {  	_ =	shalt  }
0x56: {  	_ =	shalt  }
0x57: {  	_ =	shalt  }
0x58: {  	_ =	shalt  }
0x59: {  	_ =	shalt  }
0x5a: {  	_ =	shalt  }
0x5b: {  	_ =	shalt  }
0x5c: {  	_ =	shalt  }
0x5d: {  	_ =	shalt  }
0x5e: {  	_ =	shalt  }
0x5f: {  	_ =	shalt  }
0x60: {  	_ =	shalt  }
0x61: {  	_ =	shalt  }
0x62: {  	_ =	shalt  }
0x63: {  	_ =	shalt  }
0x64: {  	_ =	shalt  }
0x65: {  	_ =	shalt  }
0x66: {  	_ =	shalt  }
0x67: {  	_ =	shalt  }
0x68: {  	_ =	shalt  }
0x69: {  	_ =	shalt  }
0x6a: {  	_ =	shalt  }
0x6b: {  	_ =	shalt  }
0x6c: {  	_ =	shalt  }
0x6d: {  	_ =	shalt  }
0x6e: {  	_ =	shalt  }
0x6f: {  	_ =	shalt  }
0x70: {  	_ =	shalt  }
0x71: {  	_ =	shalt  }
0x72: {  	_ =	shalt  }
0x73: {  	_ =	shalt  }
0x74: {  	_ =	shalt  }
0x75: {  	_ =	shalt  }
0x76: {  	_ =	shalt  }
0x77: {  	_ =	shalt  }
0x78: {  	_ =	shalt  }
0x79: {  	_ =	shalt  }
0x7a: {  	_ =	shalt  }
0x7b: {  	_ =	shalt  }
0x7c: {  	_ =	shalt  }
0x7d: {  	_ =	shalt  }
0x7e: {  	_ =	shalt  }
0x7f: {  	_ =	shalt  }
0x80: {  	_ =	shalt  }
0x81: {  	_ =	shalt  }
0x82: {  	_ =	shalt  }
0x83: {  	_ =	shalt  }
0x84: {  	_ =	shalt  }
0x85: {  	_ =	shalt  }
0x86: {  	_ =	shalt  }
0x87: {  	_ =	shalt  }
.Lfunc_end0:
.L_simem_size_0:
called_computation_lowered:
.L_overlay_start_0:
0x88: {  	s2 =	sld [smem:$0x3FD9]  }
0x89: {  	s3 =	sld [smem:$0x3FFE];
	_ =	sdelay $0x1  }
0x8a: {  	s1 =	srdreg.scid  }
0x8b: {  	s0 =	sand.u32 $0x1, s1  }
0x8c: {  	s17 =	sshll.u32 s0, $0xA;
	s2 =	sadd.s32 s3, s2  }
0x8d: {  	s2 =	sadd.s32 s2, s17  }
0x8e: {  	[smem:$0x3FC0] =	sst s2  }
0x8f: {  	_ = 	snop  }
0x90: {  	s2 =	sld [smem:$0x3FC4]  }
0x91: {  	s18 =	sld [smem:$0x3FC3]  }
0x92: {  	s4 =	sld [smem:$0x3FC2];
	(tm) =	ssettm $0x1  }
0x93: {  	s5 =	sld [smem:$0x3FFB];
	_ =	sdelay $0x3  }
0x94: {  	_ =	strace s5  }
0x95: {  	s5 =	sld [smem:$0x3FFC];
	_ =	sdelay $0x3  }
0x96: {  	_ =	strace s5  }
0x97: {  	s5 =	sld [smem:$0x3FFD];
	_ =	sdelay $0x3  }
0x98: {  	_ =	strace s5  }
0x99: {  	_ =	strace $0x8FFFFFFF  }
0x9a: {  	s19 =	sld [smem:$0x3FDB];
	_ =	sdelay $0x1  }
0x9b: {  	s6 =	simm.s32 $_scs_section_size  }
0x9c: {  	s7 =	simm.s32 $_size__tile_overlayer_lowered;
	s8 =	simm.s32 $_tile_overlayer_lowered  }
0x9d: {  	s22 =	simm.s32 $0x1BFF;
	s21 =	sshll.u32 s8, $0x1;
	s5 =	sadd.s32 s6, s19  }
0x9e: {  	s9 =	simm.s32 $0x0;
	s20 =	sshll.u32 s7, $0x1;
	s7 =	sadd.s32 s21, s5  }
0x9f: {  	[timem:s9], [sflag:s22] =	dma.local [hbm:s7], s20  }
0xa0: {  	_ =	swait.ge [sflag:s22], s20  }
0xa1: {  	s6 =	ssub.s32 $0x0, s20;
	[sflag:s22] =	ssyncset.done $0x0  }
0xa2: {  	[sflag:s22] =	ssyncadd.s32 s6;
	_ =	sdelay $0x1  }
0xa3: {  	s23 =	simm.s32 $0x1B8B  }
0xa4: {  	_ =	swait.ge [sflag:s23], $0x1  }
0xa5: {  	[sflag:s23] =	ssyncset.done $0x0  }
0xa6: {  	s25 =	simm.s32 $0x1B8E;
	s24 =	sld [smem:$0x3FFE];
	[sflag:s23] =	ssyncadd.s32 $0xFFFFFFFF  }
0xa7: {  	s26 =	simm.s32 $execute0_lowered;
	[smem:$0x3FD2] =	sst s25  }
0xa8: {  	s7 =	sshll.u32 s26, $0x1;
	_ =	strace $0x80000046;
	[dreg:$0x1] =	wrdreg $0xFFFFFFFF  }
0xa9: {  	s28 =	simm.s32 $_size_execute0_lowered;
	s5 =	sadd.s32 s5, s7;
	[dreg:$0x0] =	wrdreg $0x0  }
0xaa: {  	s7 =	sshll.u32 s28, $0x1;
	[dreg:$0x2] =	wrdreg s5  }
0xab: {  	[dreg:$0x3] =	wrdreg s7  }
0xac: {  	[dreg:$0x4] =	wrdreg $0xC0  }
0xad: {  	_ =	task [dreg:s9], $0x5FFFF  }
0xae: {  	[dreg:$0x1] =	wrdreg $0xFFFFFFFF  }
0xaf: {  	[dreg:$0x0] =	wrdreg $0x60  }
0xb0: {  	[dreg:$0x2] =	wrdreg s18  }
0xb1: {  	[dreg:$0x3] =	wrdreg s2  }
0xb2: {  	[dreg:$0x4] =	wrdreg s4  }
0xb3: {  	[dreg:$0x5] =	wrdreg s24  }
0xb4: {  	[dreg:$0x6] =	wrdreg $0x9  }
0xb5: {  	_ =	task.clear_ibuf [dreg:s9], $0x7FFFF;
	_ =	strace $0x90000046  }
0xb6: {  	s29 =	simm.s32 $0x9;
	_ =	strace $0x80000048  }
0xb7: {  	_ =	swait.ge [sflag:s29], $0x1  }
0xb8: {  	[sflag:s29] =	ssyncadd.s32 $0xFFFFFFFF  }
0xb9: {  	_ =	strace $0x90000048  }
0xba: {  	_ =	sfence  }
0xbb: {  	s30 =	sld [smem:$0x0];
	_ =	sdelay $0x2  }
0xbc: {  	s31 =	sshll.u32 s1, $0xD;
	s1 =	sshrl.u32 s1, $0x2  }
0xbd: {  	s3 =	sand.u32 $0x4000, s31;
	s1 =	sadd.s32 s1, s30  }
0xbe: {  	s0 =	sor.u32 s3, s0;
	s1 =	sshll.u32 s1, $0x11  }
0xbf: {  	s0 =	sor.u32 s1, s0  }
0xc0: {  	s0 =	sadd.s32 $0x8F2B, s0  }
0xc1: {  	[sflag:s0] =	ssyncadd.remote.s32 $0x1  }
0xc2: {  	_ =	sfence.sel $0xFFFF  }
0xc3: {  	[dreg:$0x0] =	wrdreg $0xFFFFFFFF;
	(pc) =	sbr.abs _section_cstart, $3  }
0xc4: {  	[dreg:$0x1] =	wrdreg $0xFFFFFFFF  }
0xc5: {  	_ =	task.clear_ibuf [dreg:s9], $0x2FFFF;
	_ =	strace $0x9FFFFFFF  }
0xc6: {  	(tm) =	ssettm $0x7FFFFFFF  }
0xc7: {  	_ =	shalt  }
tec
execute0_lowered:
.L_overlay_start_1:
0x0: {  	(tag) =	ssettag $0x1  }
0x1: {  	s1 =	rddreg [dreg:$0x0]  }
0x2: {  	s2 =	rddreg [dreg:$0x1]  }
0x3: {  	s3 =	rddreg [dreg:$0x2]  }
0x4: {  	s0 =	rddreg [dreg:$0x3];
	s4 =	srdreg.scid;
	s5 =	simm.s32 $0x0  }
0x5: {  	s7 =	stileid.u32;
	s18 =	simm.s32 $0x80;
	s19 =	simm.s32 $0x4000  }
0x6: {  	s20 =	simm.s32 $0xC000;
	s21 =	simm.s32 $0x32;
	s22 =	simm.s32 $0x14000  }
0x7: {  	s23 =	simm.s32 $0x1;
	s28 =	simm.s32 $0x2;
	s29 =	simm.s32 $0x10000  }
0x8: {  	s30 =	simm.s32 $0x4;
	s31 =	simm.s32 $0x6;
	s4 =	sand.u32 $0x1, s4  }
0x9: {  	s16 =	simm.s32 $0x0;
	[smem:$0x7FF] =	sst s5;
	s6 =	sshll.u32 s4, $0x4  }
0xa: {  	_ =	strace $0x80000047;
	s4 =	ssub.s32 $0x2, s4;
	s9 =	sor.u32 s7, s6  }
0xb: {  	s7 =	sadd.s32 $0x1DA200, s0;
	s11 =	sshrl.u32 s4, $0x1;
	s6 =	sshll.u32 s9, $0x9  }
0xc: {  	s8 =	sshll.u32 s9, $0xA;
	s4 =	ssub.s32 s4, s11;
	s12 =	smul.u32 $0x70000, s9  }
0xd: {  	s10 =	sadd.s32 s6, s0;
	s6 =	sadd.s32 $0x1A200, s0;
	s26 =	smax.u32 s4, $0x1  }
0xe: {  	s0 =	sadd.s32 s8, s0;
	s24 =	sadd.s32 $0x2200, s10;
	[dreg:$0x9] =	wrdreg s26  }
0xf: {  	s8 =	smul.u32 $0xE00, s9;
	s10 =	sadd.s32 $0x6200, s10;
	[dreg:$0x5] =	wrdreg s24  }
0x10: {  	s4 =	simm.s32 $0x8;
	s25 =	sadd.s32 $0xA200, s0;
	[dreg:$0x6] =	wrdreg s10  }
0x11: {  	s0 =	sadd.s32 $0x12200, s0;
	s26 =	simm.s32 $0x15C00;
	[dreg:$0x7] =	wrdreg s25  }
0x12: {  	[dreg:$0x8] =	wrdreg s0;
	s24 =	simm.s32 $0x8000;
	s25 =	simm.s32 $0x3  }
.LBB2_1:
0x13: {  	s0 =	rddreg [dreg:$0x5]  }
0x14: {  	[tilespmem:s5], [sflag:$0x8] =	stream.linear.gather [hbm4b:s0+s5], $0xE00, $0x38;
	[tilespmem:$0x19800] =	vst v63  }
0x15: {  	_ =	swait.ge [sflag:s4], $0xE00  }
0x16: {  	[sflag:s4] =	ssyncset.done $0x0  }
0x17: {  	s9 =	simm.s32 $0x1000;
	s15 =	rddreg [dreg:$0x6];
	[sflag:s4] =	ssyncadd.s32 $0xFFFFF200  }
0x18: {  	[tilespmem:s9], [sflag:$0x8] =	stream.linear.gather [hbm4b:s15+s5], $0xE00, $0x38;
	[tilespmem:$0x19800] =	vst v63  }
0x19: {  	_ =	swait.ge [sflag:s4], $0xE00  }
0x1a: {  	[sflag:s4] =	ssyncset.done $0x0  }
0x1b: {  	s10 =	simm.s32 $0x2000;
	s17 =	rddreg [dreg:$0x7];
	[sflag:s4] =	ssyncadd.s32 $0xFFFFF200  }
0x1c: {  	[tilespmem:s10], [sflag:$0x8] =	stream.linear.gather [hbm4b:s17+s5], $0x2000, $0x38;
	[tilespmem:$0x19800] =	vst v63  }
0x1d: {  	_ =	swait.ge [sflag:s4], $0x2000  }
0x1e: {  	[sflag:s4] =	ssyncset.done $0x0  }
0x1f: {  	[sflag:s4] =	ssyncadd.s32 $0xFFFFE000  }
0x20: {  	[tilespmem:s19], [sflag:$0x1] =	stream.indirect.gather [hbm4b:s1+s18], $0x80, s5, s18, $0xb8;
	[tilespmem:$0x19800] =	vst v63  }
0x21: {  	_ = 	snop  }
0x22: {  	[tilespmem:s20], [sflag:$0x2] =	stream.indirect.gather [hbm4b:s3+s18], $0x80, s9, s18, $0xb8;
	[tilespmem:$0x19800] =	vst v63  }
0x23: {  	s17 =	simm.s32 $0x0  }
0x24: {  	[tilespmem:s22], [sflag:$0x3] =	stream.indirect.gather [hbm4b:s2+s21], $0x80, s10, s21, $0xb8;
	[tilespmem:$0x19800] =	vst v63  }
.LBB2_2:
0x25: {  	s0 =	sshll.u32 s17, $0xF  }
0x26: {  	_ =	swait.ge [sflag:s23], $0x4000;
	s0 =	sadd.s32 s12, s0  }
0x27: {  	[sflag:s23] =	ssyncset.done $0x0;
	s14 =	sshrl.u32 s0, $0x3  }
0x28: {  	p0 =	seq.s32 s17, $0x0;
	[sflag:s23] =	ssyncadd.s32 $0xFFFFC000;
	s0 =	sadd.s32 s6, s14  }
0x29: {  	[hbm4b:s0+s5] =	stream.linear.scatter [tilespmem:s19], [sflag:$0x4], $0x4000, $0x38;
	[tilespmem:$0x19800] =	vst v63  }
0x2a: {  	s0 =	simm.s32 @!p0 $0x5  }
0x2b: {  	s4 =	sshll.u32 s17, $0x1;
	_ =	swait.ge @!p0 [sflag:s0], $0x4000  }
0x2c: {  	s9 =	sor.u32 $0x1, s4;
	[sflag:s0] =	ssyncset.done @!p0 $0x0  }
0x2d: {  	s10 =	sshll.u32 s9, $0x7;
	[sflag:s0] =	ssyncadd.s32 @!p0 $0xFFFFC000  }
0x2e: {  	[tilespmem:s24], [sflag:$0x1] =	stream.indirect.gather [hbm4b:s1+s18], $0x80, s10, s18, $0xb8;
	[tilespmem:$0x19800] =	vst v63  }
0x2f: {  	_ =	swait.ge [sflag:s25], $0x1900  }
0x30: {  	s11 =	sshll.u32 s17, $0x9;
	[sflag:s25] =	ssyncset.done $0x0  }
0x31: {  	s15 =	sadd.s32 $0x2080, s11;
	[sflag:s25] =	ssyncadd.s32 $0xFFFFE700  }
0x32: {  	[tilespmem:s26], [sflag:$0x3] =	stream.indirect.gather [hbm4b:s2+s21], $0x80, s15, s21, $0xb8;
	[tilespmem:$0x19800] =	vst v63  }
0x33: {  	v8 =	vld [tilespmem:$0x14000]  }
0x34: {  	v9 =	vld [tilespmem:$0x14010]  }
0x35: {  	v5 =	vld [tilespmem:$0x14020]  }
0x36: {  	v4 =	vld [tilespmem:$0x14030]  }
0x37: {  	v3 =	vld [tilespmem:$0x14040]  }
0x38: {  	v1 =	vld [tilespmem:$0x14050]  }
0x39: {  	v0 =	vld [tilespmem:$0x14060]  }
0x3a: {  	s15 =	simm.s32 $0xF0;
	v2 =	vld [tilespmem:$0x14070]  }
0x3b: {  	v7 =	vld [tilespmem:s15+$0x14000]  }
0x3c: {  	v11 =	vld [tilespmem:s15+$0x13F90]  }
0x3d: {  	v13 =	vld [tilespmem:s15+$0x13FA0]  }
0x3e: {  	v12 =	vld [tilespmem:s15+$0x13FB0]  }
0x3f: {  	v10 =	vld [tilespmem:s15+$0x13FC0]  }
0x40: {  	v6 =	vld [tilespmem:s15+$0x13FD0]  }
0x41: {  	v2 =	vadd.f32 v7, v2;
	v7 =	vld [tilespmem:s15+$0x13FE0]  }
0x42: {  	s13 =	sor.u32 $0x80, s11;
	s4 =	simm.s32 $0x7C0;
	s0 =	simm.s32 $0x170;
	v8 =	vadd.f32 v11, v8;
	v9 =	vadd.f32 v13, v9;
	v11 =	vld [tilespmem:s15+$0x13FF0]  }
.LBB2_3:
0x43: {  	p1 =	sne.s32 s4, $0x63C0;
	v13 =	vld [tilespmem:s0+$0x14000];
	v5 =	vadd.f32 v12, v5  }
0x44: {  	v14 =	vld [tilespmem:s0+$0x13F90];
	v4 =	vadd.f32 v10, v4  }
0x45: {  	v15 =	vld [tilespmem:s0+$0x13FA0];
	v3 =	vadd.f32 v6, v3  }
.Ltmp0:
0x46: {  	v12 =	vld [tilespmem:s0+$0x13FB0];
	v1 =	vadd.f32 v7, v1;
	(pc) =	sbr.rel @p1 .LBB2_3-.Ltmp0, $4  }
0x47: {  	v10 =	vld [tilespmem:s0+$0x13FC0];
	v0 =	vadd.f32 v11, v0  }
0x48: {  	v6 =	vld [tilespmem:s0+$0x13FD0];
	v2 =	vadd.f32 v13, v2  }
0x49: {  	v8 =	vadd.f32 v14, v8;
	v7 =	vld [tilespmem:s0+$0x13FE0]  }
0x4a: {  	v9 =	vadd.f32 v15, v9;
	v11 =	vld [tilespmem:s0+$0x13FF0];
	s0 =	sshra.s32 s4, $0x2;
	s4 =	sadd.s32 $0x200, s4  }
0x4b: {  	v14 =	vld [tilespmem:s0+$0x13F90]  }
0x4c: {  	v15 =	vld [tilespmem:s0+$0x13FA0]  }
0x4d: {  	v16 =	vld [tilespmem:s0+$0x13FB0]  }
0x4e: {  	v17 =	vld [tilespmem:s0+$0x13FC0]  }
0x4f: {  	v18 =	vld [tilespmem:s0+$0x13FD0]  }
0x50: {  	v5 =	vadd.f32 v12, v5;
	v12 =	vld [tilespmem:s0+$0x13FE0];
	v8 =	vadd.f32 v14, v8  }
0x51: {  	v13 =	vld [tilespmem:s0+$0x14000];
	v4 =	vadd.f32 v10, v4;
	v9 =	vadd.f32 v15, v9  }
0x52: {  	v10 =	vld [tilespmem:s0+$0x13FF0];
	v3 =	vadd.f32 v6, v3;
	v5 =	vadd.f32 v16, v5;
	[tilespmem:s11+$0x17800] =	vst v8  }
0x53: {  	v1 =	vadd.f32 v7, v1;
	v4 =	vadd.f32 v17, v4;
	[tilespmem:s11+$0x17810] =	vst v9  }
0x54: {  	v3 =	vadd.f32 v18, v3;
	[tilespmem:s11+$0x17820] =	vst v5  }
0x55: {  	v0 =	vadd.f32 v11, v0;
	v1 =	vadd.f32 v12, v1;
	[tilespmem:s11+$0x17830] =	vst v4  }
0x56: {  	v2 =	vadd.f32 v13, v2;
	[tilespmem:s11+$0x17840] =	vst v3  }
0x57: {  	v0 =	vadd.f32 v10, v0;
	[tilespmem:s11+$0x17850] =	vst v1  }
0x58: {  	[tilespmem:s11+$0x17870] =	vst v2  }
0x59: {  	[tilespmem:s11+$0x17860] =	vst v0  }
0x5a: {  	_ =	swait.ge [sflag:s28], $0x4000  }
0x5b: {  	[sflag:s28] =	ssyncset.done $0x0  }
0x5c: {  	s15 =	sadd.s32 s7, s14;
	s0 =	simm.s32 @!p0 $0x7;
	[sflag:s28] =	ssyncadd.s32 $0xFFFFC000  }
0x5d: {  	[hbm4b:s15+s5] =	stream.linear.scatter [tilespmem:s20], [sflag:$0x6], $0x4000, $0x38;
	[tilespmem:$0x19800] =	vst v63  }
0x5e: {  	_ =	swait.ge @!p0 [sflag:s0], $0x4000  }
0x5f: {  	[sflag:s0] =	ssyncset.done @!p0 $0x0  }
0x60: {  	s4 =	sadd.s32 $0x1000, s10;
	[sflag:s0] =	ssyncadd.s32 @!p0 $0xFFFFC000  }
0x61: {  	[tilespmem:s29], [sflag:$0x2] =	stream.indirect.gather [hbm4b:s3+s18], $0x80, s4, s18, $0xb8;
	[tilespmem:$0x19800] =	vst v63  }
0x62: {  	_ =	swait.ge [sflag:s25], $0x1900  }
0x63: {  	s14 =	sand.u32 $0x3FFFFE00, s11;
	[sflag:s25] =	ssyncset.done $0x0  }
0x64: {  	s0 =	sadd.s32 $0x2100, s14;
	[sflag:s25] =	ssyncadd.s32 $0xFFFFE700  }
0x65: {  	[tilespmem:s22], [sflag:$0x3] =	stream.indirect.gather [hbm4b:s2+s21], $0x80, s0, s21, $0xb8;
	[tilespmem:$0x19800] =	vst v63  }
0x66: {  	v8 =	vld [tilespmem:$0x15C00]  }
0x67: {  	v9 =	vld [tilespmem:$0x15C10]  }
0x68: {  	v5 =	vld [tilespmem:$0x15C20]  }
0x69: {  	v4 =	vld [tilespmem:$0x15C30]  }
0x6a: {  	v3 =	vld [tilespmem:$0x15C40]  }
0x6b: {  	v1 =	vld [tilespmem:$0x15C50]  }
0x6c: {  	v0 =	vld [tilespmem:$0x15C60]  }
0x6d: {  	s15 =	simm.s32 $0xF0;
	v2 =	vld [tilespmem:$0x15C70]  }
0x6e: {  	v7 =	vld [tilespmem:s15+$0x15C00]  }
0x6f: {  	v11 =	vld [tilespmem:s15+$0x15B90]  }
0x70: {  	v13 =	vld [tilespmem:s15+$0x15BA0]  }
0x71: {  	v12 =	vld [tilespmem:s15+$0x15BB0]  }
0x72: {  	v10 =	vld [tilespmem:s15+$0x15BC0]  }
0x73: {  	v6 =	vld [tilespmem:s15+$0x15BD0]  }
0x74: {  	v2 =	vadd.f32 v7, v2;
	v7 =	vld [tilespmem:s15+$0x15BE0]  }
0x75: {  	s4 =	simm.s32 $0x7C0;
	s0 =	simm.s32 $0x170;
	v8 =	vadd.f32 v11, v8;
	v9 =	vadd.f32 v13, v9;
	v11 =	vld [tilespmem:s15+$0x15BF0]  }
.LBB2_5:
0x76: {  	p0 =	sne.s32 s4, $0x63C0;
	v13 =	vld [tilespmem:s0+$0x15C00];
	v5 =	vadd.f32 v12, v5  }
0x77: {  	v14 =	vld [tilespmem:s0+$0x15B90];
	v4 =	vadd.f32 v10, v4  }
0x78: {  	v15 =	vld [tilespmem:s0+$0x15BA0];
	v3 =	vadd.f32 v6, v3  }
.Ltmp1:
0x79: {  	v12 =	vld [tilespmem:s0+$0x15BB0];
	v1 =	vadd.f32 v7, v1;
	(pc) =	sbr.rel @p0 .LBB2_5-.Ltmp1, $4  }
0x7a: {  	v10 =	vld [tilespmem:s0+$0x15BC0];
	v0 =	vadd.f32 v11, v0  }
0x7b: {  	v6 =	vld [tilespmem:s0+$0x15BD0];
	v2 =	vadd.f32 v13, v2  }
0x7c: {  	v8 =	vadd.f32 v14, v8;
	v7 =	vld [tilespmem:s0+$0x15BE0]  }
0x7d: {  	v9 =	vadd.f32 v15, v9;
	v11 =	vld [tilespmem:s0+$0x15BF0];
	s0 =	sshra.s32 s4, $0x2;
	s4 =	sadd.s32 $0x200, s4  }
0x7e: {  	v14 =	vld [tilespmem:s0+$0x15B90]  }
0x7f: {  	v15 =	vld [tilespmem:s0+$0x15BA0]  }
0x80: {  	v16 =	vld [tilespmem:s0+$0x15BB0]  }
0x81: {  	v17 =	vld [tilespmem:s0+$0x15BC0]  }
0x82: {  	v18 =	vld [tilespmem:s0+$0x15BD0]  }
0x83: {  	v5 =	vadd.f32 v12, v5;
	v12 =	vld [tilespmem:s0+$0x15BE0];
	v8 =	vadd.f32 v14, v8  }
0x84: {  	v4 =	vadd.f32 v10, v4;
	v10 =	vld [tilespmem:s0+$0x15BF0];
	v9 =	vadd.f32 v15, v9  }
0x85: {  	v13 =	vld [tilespmem:s0+$0x15C00];
	v3 =	vadd.f32 v6, v3;
	v5 =	vadd.f32 v16, v5;
	[tilespmem:s13+$0x17800] =	vst v8  }
0x86: {  	v1 =	vadd.f32 v7, v1;
	v4 =	vadd.f32 v17, v4;
	[tilespmem:s11+$0x17890] =	vst v9  }
0x87: {  	v0 =	vadd.f32 v11, v0;
	v3 =	vadd.f32 v18, v3;
	[tilespmem:s11+$0x178A0] =	vst v5  }
0x88: {  	v1 =	vadd.f32 v12, v1;
	[tilespmem:s11+$0x178B0] =	vst v4  }
0x89: {  	v0 =	vadd.f32 v10, v0;
	[tilespmem:s11+$0x178C0] =	vst v3  }
0x8a: {  	v2 =	vadd.f32 v13, v2;
	[tilespmem:s11+$0x178D0] =	vst v1  }
0x8b: {  	[tilespmem:s11+$0x178E0] =	vst v0  }
0x8c: {  	[tilespmem:s11+$0x178F0] =	vst v2  }
0x8d: {  	s14 =	sadd.s32 s8, s10;
	_ =	swait.ge [sflag:s23], $0x4000  }
0x8e: {  	s13 =	sshll.u32 s14, $0x4;
	[sflag:s23] =	ssyncset.done $0x0  }
0x8f: {  	p0 =	seq.s32 s17, $0xD;
	s0 =	sadd.s32 s6, s13;
	[sflag:s23] =	ssyncadd.s32 $0xFFFFC000  }
0x90: {  	[hbm4b:s0+s5] =	stream.linear.scatter [tilespmem:s24], [sflag:$0x5], $0x4000, $0x38;
	[tilespmem:$0x19800] =	vst v63  }
0x91: {  	s0 =	sshll.u32 @!p0 s17, $0x8;
	_ =	swait.ge [sflag:s30], $0x4000  }
0x92: {  	s4 =	simm.s32 @!p0 $0x80;
	s14 =	sand.u32 @!p0 $0x3FFFFF00, s0;
	[sflag:s30] =	ssyncset.done $0x0  }
0x93: {  	s10 =	simm.s32 @!p0 $0x4000;
	s0 =	sadd.s32 @!p0 $0x100, s14;
	[sflag:s30] =	ssyncadd.s32 $0xFFFFC000  }
0x94: {  	[tilespmem:s10], [sflag:$0x1] =	stream.indirect.gather @!p0 [hbm4b:s1+s4], $0x80, s0, s4, $0xb8;
	[tilespmem:$0x19800] =	vst v63  }
0x95: {  	_ =	swait.ge [sflag:s25], $0x1900  }
0x96: {  	s10 =	sshll.u32 s9, $0x8;
	[sflag:s25] =	ssyncset.done $0x0  }
0x97: {  	s15 =	sadd.s32 $0x2080, s10;
	[sflag:s25] =	ssyncadd.s32 $0xFFFFE700  }
0x98: {  	[tilespmem:s26], [sflag:$0x3] =	stream.indirect.gather [hbm4b:s2+s21], $0x80, s15, s21, $0xb8;
	[tilespmem:$0x19800] =	vst v63  }
0x99: {  	v8 =	vld [tilespmem:$0x14000]  }
0x9a: {  	v9 =	vld [tilespmem:$0x14010]  }
0x9b: {  	v5 =	vld [tilespmem:$0x14020]  }
0x9c: {  	v4 =	vld [tilespmem:$0x14030]  }
0x9d: {  	v3 =	vld [tilespmem:$0x14040]  }
0x9e: {  	v1 =	vld [tilespmem:$0x14050]  }
0x9f: {  	v0 =	vld [tilespmem:$0x14060]  }
0xa0: {  	s15 =	simm.s32 $0xF0;
	v2 =	vld [tilespmem:$0x14070]  }
0xa1: {  	v7 =	vld [tilespmem:s15+$0x14000]  }
0xa2: {  	v11 =	vld [tilespmem:s15+$0x13F90]  }
0xa3: {  	v13 =	vld [tilespmem:s15+$0x13FA0]  }
0xa4: {  	v12 =	vld [tilespmem:s15+$0x13FB0]  }
0xa5: {  	v10 =	vld [tilespmem:s15+$0x13FC0]  }
0xa6: {  	v6 =	vld [tilespmem:s15+$0x13FD0]  }
0xa7: {  	v2 =	vadd.f32 v7, v2;
	v7 =	vld [tilespmem:s15+$0x13FE0]  }
0xa8: {  	s0 =	simm.s32 $0x170;
	s4 =	simm.s32 $0x7C0;
	s11 =	sor.u32 $0x80, s10;
	v8 =	vadd.f32 v11, v8;
	v9 =	vadd.f32 v13, v9;
	v11 =	vld [tilespmem:s15+$0x13FF0]  }
.LBB2_7:
0xa9: {  	p1 =	sne.s32 s4, $0x63C0;
	v13 =	vld [tilespmem:s0+$0x14000];
	v5 =	vadd.f32 v12, v5  }
0xaa: {  	v14 =	vld [tilespmem:s0+$0x13F90];
	v4 =	vadd.f32 v10, v4  }
0xab: {  	v15 =	vld [tilespmem:s0+$0x13FA0];
	v3 =	vadd.f32 v6, v3  }
.Ltmp2:
0xac: {  	v12 =	vld [tilespmem:s0+$0x13FB0];
	v1 =	vadd.f32 v7, v1;
	(pc) =	sbr.rel @p1 .LBB2_7-.Ltmp2, $4  }
0xad: {  	v10 =	vld [tilespmem:s0+$0x13FC0];
	v0 =	vadd.f32 v11, v0  }
0xae: {  	v6 =	vld [tilespmem:s0+$0x13FD0];
	v2 =	vadd.f32 v13, v2  }
0xaf: {  	v8 =	vadd.f32 v14, v8;
	v7 =	vld [tilespmem:s0+$0x13FE0]  }
0xb0: {  	v9 =	vadd.f32 v15, v9;
	v11 =	vld [tilespmem:s0+$0x13FF0];
	s0 =	sshra.s32 s4, $0x2;
	s4 =	sadd.s32 $0x200, s4  }
0xb1: {  	v14 =	vld [tilespmem:s0+$0x13F90]  }
0xb2: {  	v15 =	vld [tilespmem:s0+$0x13FA0]  }
0xb3: {  	v16 =	vld [tilespmem:s0+$0x13FB0]  }
0xb4: {  	v17 =	vld [tilespmem:s0+$0x13FC0]  }
0xb5: {  	v18 =	vld [tilespmem:s0+$0x13FD0]  }
0xb6: {  	v5 =	vadd.f32 v12, v5;
	v12 =	vld [tilespmem:s0+$0x13FE0];
	v8 =	vadd.f32 v14, v8  }
0xb7: {  	v13 =	vld [tilespmem:s0+$0x14000];
	v4 =	vadd.f32 v10, v4;
	v9 =	vadd.f32 v15, v9  }
0xb8: {  	v10 =	vld [tilespmem:s0+$0x13FF0];
	v3 =	vadd.f32 v6, v3;
	v5 =	vadd.f32 v16, v5;
	[tilespmem:s10+$0x17800] =	vst v8  }
0xb9: {  	v1 =	vadd.f32 v7, v1;
	v4 =	vadd.f32 v17, v4;
	[tilespmem:s10+$0x17810] =	vst v9  }
0xba: {  	v3 =	vadd.f32 v18, v3;
	[tilespmem:s10+$0x17820] =	vst v5  }
0xbb: {  	v0 =	vadd.f32 v11, v0;
	v1 =	vadd.f32 v12, v1;
	[tilespmem:s10+$0x17830] =	vst v4  }
0xbc: {  	v2 =	vadd.f32 v13, v2;
	[tilespmem:s10+$0x17840] =	vst v3  }
0xbd: {  	v0 =	vadd.f32 v10, v0;
	[tilespmem:s10+$0x17850] =	vst v1  }
0xbe: {  	[tilespmem:s10+$0x17870] =	vst v2  }
0xbf: {  	[tilespmem:s10+$0x17860] =	vst v0  }
0xc0: {  	_ =	swait.ge [sflag:s28], $0x4000  }
0xc1: {  	[sflag:s28] =	ssyncset.done $0x0  }
0xc2: {  	s13 =	sadd.s32 s7, s13;
	[sflag:s28] =	ssyncadd.s32 $0xFFFFC000  }
0xc3: {  	[hbm4b:s13+s5] =	stream.linear.scatter [tilespmem:s29], [sflag:$0x7], $0x4000, $0x38;
	[tilespmem:$0x19800] =	vst v63  }
0xc4: {  	_ =	swait.ge [sflag:s31], $0x4000  }
0xc5: {  	[sflag:s31] =	ssyncset.done $0x0  }
0xc6: {  	s0 =	simm.s32 @p0 $0x3;
	[sflag:s31] =	ssyncadd.s32 $0xFFFFC000  }
0xc7: {  	_ =	swait.ge @p0 [sflag:s0], $0x1900  }
0xc8: {  	s4 =	simm.s32 @!p0 $0x80;
	[sflag:s0] =	ssyncset.done @p0 $0x0  }
0xc9: {  	s13 =	simm.s32 @!p0 $0xC000;
	[sflag:s0] =	ssyncadd.s32 @p0 $0xFFFFE700;
	s0 =	sadd.s32 @!p0 $0x1100, s14  }
0xca: {  	[tilespmem:s13], [sflag:$0x2] =	stream.indirect.gather @!p0 [hbm4b:s3+s4], $0x80, s0, s4, $0xb8;
	[tilespmem:$0x19800] =	vst v63  }
0xcb: {  	s0 =	simm.s32 @!p0 $0x3  }
0xcc: {  	_ =	swait.ge @!p0 [sflag:s0], $0x1900  }
0xcd: {  	s4 =	sshll.u32 @!p0 s9, $0x8;
	[sflag:s0] =	ssyncset.done @!p0 $0x0  }
0xce: {  	[sflag:s0] =	ssyncadd.s32 @!p0 $0xFFFFE700;
	s0 =	sand.u32 @!p0 $0x3FFFFF00, s4  }
0xcf: {  	s9 =	simm.s32 @!p0 $0x14000;
	s4 =	simm.s32 @!p0 $0x32;
	s0 =	sadd.s32 @!p0 $0x2100, s0  }
0xd0: {  	[tilespmem:s9], [sflag:$0x3] =	stream.indirect.gather @!p0 [hbm4b:s2+s4], $0x80, s0, s4, $0xb8;
	[tilespmem:$0x19800] =	vst v63  }
0xd1: {  	v8 =	vld [tilespmem:$0x15C00]  }
0xd2: {  	v9 =	vld [tilespmem:$0x15C10]  }
0xd3: {  	v5 =	vld [tilespmem:$0x15C20]  }
0xd4: {  	v4 =	vld [tilespmem:$0x15C30]  }
0xd5: {  	v3 =	vld [tilespmem:$0x15C40]  }
0xd6: {  	v1 =	vld [tilespmem:$0x15C50]  }
0xd7: {  	v0 =	vld [tilespmem:$0x15C60]  }
0xd8: {  	s15 =	simm.s32 $0xF0;
	v2 =	vld [tilespmem:$0x15C70]  }
0xd9: {  	v7 =	vld [tilespmem:s15+$0x15C00]  }
0xda: {  	v11 =	vld [tilespmem:s15+$0x15B90]  }
0xdb: {  	v13 =	vld [tilespmem:s15+$0x15BA0]  }
0xdc: {  	v12 =	vld [tilespmem:s15+$0x15BB0]  }
0xdd: {  	v10 =	vld [tilespmem:s15+$0x15BC0]  }
0xde: {  	v6 =	vld [tilespmem:s15+$0x15BD0]  }
0xdf: {  	v2 =	vadd.f32 v7, v2;
	v7 =	vld [tilespmem:s15+$0x15BE0]  }
0xe0: {  	s0 =	simm.s32 $0x170;
	s4 =	simm.s32 $0x7C0;
	v8 =	vadd.f32 v11, v8;
	v9 =	vadd.f32 v13, v9;
	v11 =	vld [tilespmem:s15+$0x15BF0]  }
.LBB2_9:
0xe1: {  	p0 =	sne.s32 s4, $0x63C0;
	v13 =	vld [tilespmem:s0+$0x15C00];
	v5 =	vadd.f32 v12, v5  }
0xe2: {  	v14 =	vld [tilespmem:s0+$0x15B90];
	v4 =	vadd.f32 v10, v4  }
0xe3: {  	v15 =	vld [tilespmem:s0+$0x15BA0];
	v3 =	vadd.f32 v6, v3  }
.Ltmp3:
0xe4: {  	v12 =	vld [tilespmem:s0+$0x15BB0];
	v1 =	vadd.f32 v7, v1;
	(pc) =	sbr.rel @p0 .LBB2_9-.Ltmp3, $4  }
0xe5: {  	v10 =	vld [tilespmem:s0+$0x15BC0];
	v0 =	vadd.f32 v11, v0  }
0xe6: {  	v6 =	vld [tilespmem:s0+$0x15BD0];
	v2 =	vadd.f32 v13, v2  }
0xe7: {  	v8 =	vadd.f32 v14, v8;
	v7 =	vld [tilespmem:s0+$0x15BE0]  }
0xe8: {  	v9 =	vadd.f32 v15, v9;
	v11 =	vld [tilespmem:s0+$0x15BF0];
	s0 =	sshra.s32 s4, $0x2;
	s4 =	sadd.s32 $0x200, s4  }
0xe9: {  	v14 =	vld [tilespmem:s0+$0x15B90]  }
0xea: {  	v15 =	vld [tilespmem:s0+$0x15BA0]  }
0xeb: {  	v16 =	vld [tilespmem:s0+$0x15BB0]  }
0xec: {  	v17 =	vld [tilespmem:s0+$0x15BC0]  }
0xed: {  	v18 =	vld [tilespmem:s0+$0x15BD0]  }
0xee: {  	v5 =	vadd.f32 v12, v5;
	v62 =	vld [tilespmem:s0+$0x15BE0];
	v8 =	vadd.f32 v14, v8  }
0xef: {  	v63 =	vld [tilespmem:s0+$0x15BF0];
	v4 =	vadd.f32 v10, v4;
	v9 =	vadd.f32 v15, v9  }
0xf0: {  	v13 =	vld [tilespmem:s0+$0x15C00];
	v3 =	vadd.f32 v6, v3;
	v5 =	vadd.f32 v16, v5;
	[tilespmem:s11+$0x17800] =	vst v8  }
0xf1: {  	s17 =	sadd.s32 $0x1, s17;
	v1 =	vadd.f32 v7, v1;
	v4 =	vadd.f32 v17, v4;
	[tilespmem:s10+$0x17890] =	vst v9  }
0xf2: {  	p0 =	sne.s32 s17, $0xE;
	v0 =	vadd.f32 v11, v0;
	v3 =	vadd.f32 v18, v3;
	[tilespmem:s10+$0x178A0] =	vst v5  }
.Ltmp4:
0xf3: {  	v1 =	vadd.f32 v62, v1;
	[tilespmem:s10+$0x178B0] =	vst v4;
	(pc) =	sbr.rel @p0 .LBB2_2-.Ltmp4, $4  }
0xf4: {  	v0 =	vadd.f32 v63, v0;
	[tilespmem:s10+$0x178C0] =	vst v3  }
0xf5: {  	v2 =	vadd.f32 v13, v2;
	[tilespmem:s10+$0x178D0] =	vst v1  }
0xf6: {  	[tilespmem:s10+$0x178E0] =	vst v0  }
0xf7: {  	[tilespmem:s10+$0x178F0] =	vst v2  }
0xf8: {  	s0 =	simm.s32 $0x5  }
0xf9: {  	_ =	swait.ge [sflag:s0], $0x4000  }
0xfa: {  	[sflag:s0] =	ssyncset.done $0x0  }
0xfb: {  	s15 =	simm.s32 $0x7;
	[sflag:s0] =	ssyncadd.s32 $0xFFFFC000  }
0xfc: {  	_ =	swait.ge [sflag:s15], $0x4000  }
0xfd: {  	[sflag:s15] =	ssyncset.done $0x0  }
0xfe: {  	s17 =	simm.s32 $0x3C00;
	s9 =	simm.s32 $0x1C;
	[sflag:s15] =	ssyncadd.s32 $0xFFFFC000  }
0xff: {  	[tilespmem:s22], [sflag:$0x3] =	stream.indirect.gather [hbm4b:s2+s21], $0x80, s17, s21, $0xb8;
	[tilespmem:$0x19800] =	vst v63  }
.LBB2_12:
0x100: {  	_ =	swait.ge [sflag:s25], $0x1900  }
0x101: {  	s10 =	sshll.u32 s9, $0x8;
	[sflag:s25] =	ssyncset.done $0x0  }
0x102: {  	s0 =	sadd.s32 $0x2080, s10;
	[sflag:s25] =	ssyncadd.s32 $0xFFFFE700  }
0x103: {  	[tilespmem:s26], [sflag:$0x3] =	stream.indirect.gather [hbm4b:s2+s21], $0x80, s0, s21, $0xb8;
	[tilespmem:$0x19800] =	vst v63  }
0x104: {  	v8 =	vld [tilespmem:$0x14000]  }
0x105: {  	v9 =	vld [tilespmem:$0x14010]  }
0x106: {  	v5 =	vld [tilespmem:$0x14020]  }
0x107: {  	v4 =	vld [tilespmem:$0x14030]  }
0x108: {  	v3 =	vld [tilespmem:$0x14040]  }
0x109: {  	v1 =	vld [tilespmem:$0x14050]  }
0x10a: {  	v0 =	vld [tilespmem:$0x14060]  }
0x10b: {  	s13 =	simm.s32 $0xF0;
	v2 =	vld [tilespmem:$0x14070]  }
0x10c: {  	v7 =	vld [tilespmem:s13+$0x14000]  }
0x10d: {  	v11 =	vld [tilespmem:s13+$0x13F90]  }
0x10e: {  	v13 =	vld [tilespmem:s13+$0x13FA0]  }
0x10f: {  	v12 =	vld [tilespmem:s13+$0x13FB0]  }
0x110: {  	v10 =	vld [tilespmem:s13+$0x13FC0]  }
0x111: {  	v6 =	vld [tilespmem:s13+$0x13FD0]  }
0x112: {  	v2 =	vadd.f32 v7, v2;
	v7 =	vld [tilespmem:s13+$0x13FE0]  }
0x113: {  	s4 =	simm.s32 $0x7C0;
	s11 =	sor.u32 $0x80, s10;
	s0 =	simm.s32 $0x170;
	v8 =	vadd.f32 v11, v8;
	v9 =	vadd.f32 v13, v9;
	v11 =	vld [tilespmem:s13+$0x13FF0]  }
.LBB2_13:
0x114: {  	p0 =	sne.s32 s4, $0x63C0;
	v13 =	vld [tilespmem:s0+$0x14000];
	v5 =	vadd.f32 v12, v5  }
0x115: {  	v14 =	vld [tilespmem:s0+$0x13F90];
	v4 =	vadd.f32 v10, v4  }
0x116: {  	v15 =	vld [tilespmem:s0+$0x13FA0];
	v3 =	vadd.f32 v6, v3  }
.Ltmp5:
0x117: {  	v12 =	vld [tilespmem:s0+$0x13FB0];
	v1 =	vadd.f32 v7, v1;
	(pc) =	sbr.rel @p0 .LBB2_13-.Ltmp5, $4  }
0x118: {  	v10 =	vld [tilespmem:s0+$0x13FC0];
	v0 =	vadd.f32 v11, v0  }
0x119: {  	v6 =	vld [tilespmem:s0+$0x13FD0];
	v2 =	vadd.f32 v13, v2  }
0x11a: {  	v8 =	vadd.f32 v14, v8;
	v7 =	vld [tilespmem:s0+$0x13FE0]  }
0x11b: {  	v9 =	vadd.f32 v15, v9;
	v11 =	vld [tilespmem:s0+$0x13FF0];
	s0 =	sshra.s32 s4, $0x2;
	s4 =	sadd.s32 $0x200, s4  }
0x11c: {  	v14 =	vld [tilespmem:s0+$0x13F90]  }
0x11d: {  	v15 =	vld [tilespmem:s0+$0x13FA0]  }
0x11e: {  	v16 =	vld [tilespmem:s0+$0x13FB0]  }
0x11f: {  	v17 =	vld [tilespmem:s0+$0x13FC0]  }
0x120: {  	v18 =	vld [tilespmem:s0+$0x13FD0]  }
0x121: {  	v5 =	vadd.f32 v12, v5;
	v12 =	vld [tilespmem:s0+$0x13FE0];
	v8 =	vadd.f32 v14, v8  }
0x122: {  	v13 =	vld [tilespmem:s0+$0x14000];
	v4 =	vadd.f32 v10, v4;
	v9 =	vadd.f32 v15, v9  }
0x123: {  	v10 =	vld [tilespmem:s0+$0x13FF0];
	v3 =	vadd.f32 v6, v3;
	v5 =	vadd.f32 v16, v5;
	[tilespmem:s10+$0x17800] =	vst v8  }
0x124: {  	v1 =	vadd.f32 v7, v1;
	v4 =	vadd.f32 v17, v4;
	[tilespmem:s10+$0x17810] =	vst v9  }
0x125: {  	v3 =	vadd.f32 v18, v3;
	[tilespmem:s10+$0x17820] =	vst v5  }
0x126: {  	v0 =	vadd.f32 v11, v0;
	v1 =	vadd.f32 v12, v1;
	[tilespmem:s10+$0x17830] =	vst v4  }
0x127: {  	v2 =	vadd.f32 v13, v2;
	[tilespmem:s10+$0x17840] =	vst v3  }
0x128: {  	v0 =	vadd.f32 v10, v0;
	[tilespmem:s10+$0x17850] =	vst v1  }
0x129: {  	[tilespmem:s10+$0x17870] =	vst v2  }
0x12a: {  	p0 =	seq.s32 s9, $0x1F;
	[tilespmem:s10+$0x17860] =	vst v0  }
0x12b: {  	s0 =	sshll.u32 @!p0 s9, $0x8;
	_ =	swait.ge [sflag:s25], $0x1900  }
0x12c: {  	s4 =	simm.s32 @!p0 $0x32;
	s0 =	sand.u32 @!p0 $0x3FFFFF00, s0;
	[sflag:s25] =	ssyncset.done $0x0  }
0x12d: {  	s13 =	simm.s32 @!p0 $0x14000;
	s0 =	sadd.s32 @!p0 $0x2100, s0;
	[sflag:s25] =	ssyncadd.s32 $0xFFFFE700  }
0x12e: {  	[tilespmem:s13], [sflag:$0x3] =	stream.indirect.gather @!p0 [hbm4b:s2+s4], $0x80, s0, s4, $0xb8;
	[tilespmem:$0x19800] =	vst v63  }
0x12f: {  	v8 =	vld [tilespmem:$0x15C00]  }
0x130: {  	v9 =	vld [tilespmem:$0x15C10]  }
0x131: {  	v5 =	vld [tilespmem:$0x15C20]  }
0x132: {  	v4 =	vld [tilespmem:$0x15C30]  }
0x133: {  	v3 =	vld [tilespmem:$0x15C40]  }
0x134: {  	v1 =	vld [tilespmem:$0x15C50]  }
0x135: {  	v0 =	vld [tilespmem:$0x15C60]  }
0x136: {  	s17 =	simm.s32 $0xF0;
	v2 =	vld [tilespmem:$0x15C70]  }
0x137: {  	v7 =	vld [tilespmem:s17+$0x15C00]  }
0x138: {  	v11 =	vld [tilespmem:s17+$0x15B90]  }
0x139: {  	v13 =	vld [tilespmem:s17+$0x15BA0]  }
0x13a: {  	v12 =	vld [tilespmem:s17+$0x15BB0]  }
0x13b: {  	v10 =	vld [tilespmem:s17+$0x15BC0]  }
0x13c: {  	v6 =	vld [tilespmem:s17+$0x15BD0]  }
0x13d: {  	v2 =	vadd.f32 v7, v2;
	v7 =	vld [tilespmem:s17+$0x15BE0]  }
0x13e: {  	s0 =	simm.s32 $0x170;
	s4 =	simm.s32 $0x7C0;
	v8 =	vadd.f32 v11, v8;
	v9 =	vadd.f32 v13, v9;
	v11 =	vld [tilespmem:s17+$0x15BF0]  }
.LBB2_15:
0x13f: {  	p0 =	sne.s32 s4, $0x63C0;
	v13 =	vld [tilespmem:s0+$0x15C00];
	v5 =	vadd.f32 v12, v5  }
0x140: {  	v14 =	vld [tilespmem:s0+$0x15B90];
	v4 =	vadd.f32 v10, v4  }
0x141: {  	v15 =	vld [tilespmem:s0+$0x15BA0];
	v3 =	vadd.f32 v6, v3  }
.Ltmp6:
0x142: {  	v12 =	vld [tilespmem:s0+$0x15BB0];
	v1 =	vadd.f32 v7, v1;
	(pc) =	sbr.rel @p0 .LBB2_15-.Ltmp6, $4  }
0x143: {  	v10 =	vld [tilespmem:s0+$0x15BC0];
	v0 =	vadd.f32 v11, v0  }
0x144: {  	v6 =	vld [tilespmem:s0+$0x15BD0];
	v2 =	vadd.f32 v13, v2  }
0x145: {  	v8 =	vadd.f32 v14, v8;
	v7 =	vld [tilespmem:s0+$0x15BE0]  }
0x146: {  	v9 =	vadd.f32 v15, v9;
	v11 =	vld [tilespmem:s0+$0x15BF0];
	s0 =	sshra.s32 s4, $0x2;
	s4 =	sadd.s32 $0x200, s4  }
0x147: {  	v14 =	vld [tilespmem:s0+$0x15B90]  }
0x148: {  	v15 =	vld [tilespmem:s0+$0x15BA0]  }
0x149: {  	v16 =	vld [tilespmem:s0+$0x15BB0]  }
0x14a: {  	v17 =	vld [tilespmem:s0+$0x15BC0]  }
0x14b: {  	v18 =	vld [tilespmem:s0+$0x15BD0]  }
0x14c: {  	v5 =	vadd.f32 v12, v5;
	v62 =	vld [tilespmem:s0+$0x15BE0];
	v8 =	vadd.f32 v14, v8  }
0x14d: {  	v63 =	vld [tilespmem:s0+$0x15BF0];
	v4 =	vadd.f32 v10, v4;
	v9 =	vadd.f32 v15, v9  }
0x14e: {  	v13 =	vld [tilespmem:s0+$0x15C00];
	v3 =	vadd.f32 v6, v3;
	v5 =	vadd.f32 v16, v5;
	[tilespmem:s11+$0x17800] =	vst v8  }
0x14f: {  	s9 =	sadd.s32 $0x1, s9;
	v1 =	vadd.f32 v7, v1;
	v4 =	vadd.f32 v17, v4;
	[tilespmem:s10+$0x17890] =	vst v9  }
0x150: {  	p0 =	sne.s32 s9, $0x20;
	v0 =	vadd.f32 v11, v0;
	v3 =	vadd.f32 v18, v3;
	[tilespmem:s10+$0x178A0] =	vst v5  }
.Ltmp7:
0x151: {  	v1 =	vadd.f32 v62, v1;
	[tilespmem:s10+$0x178B0] =	vst v4;
	(pc) =	sbr.rel @p0 .LBB2_12-.Ltmp7, $4  }
0x152: {  	v0 =	vadd.f32 v63, v0;
	[tilespmem:s10+$0x178C0] =	vst v3  }
0x153: {  	v2 =	vadd.f32 v13, v2;
	[tilespmem:s10+$0x178D0] =	vst v1  }
0x154: {  	[tilespmem:s10+$0x178E0] =	vst v0  }
0x155: {  	[tilespmem:s10+$0x178F0] =	vst v2  }
0x156: {  	s0 =	rddreg [dreg:$0x8];
	s4 =	simm.s32 $0x17800  }
0x157: {  	[hbm4b:s0+s5] =	stream.linear.scatter [tilespmem:s4], [sflag:$0x8], $0x2000, $0x38;
	[tilespmem:$0x19800] =	vst v63  }
0x158: {  	s4 =	simm.s32 $0x8  }
0x159: {  	_ =	swait.ge [sflag:s4], $0x2000  }
0x15a: {  	s16 =	sadd.s32 $0x1, s16;
	s17 =	rddreg [dreg:$0x9]  }
0x15b: {  	p0 =	sne.s32 s16, s17  }
.Ltmp8:
0x15c: {  	_ = 	snop;
	(pc) =	sbr.rel @p0 .LBB2_1-.Ltmp8, $3  }
0x15d: {  	_ =	sdelay $0x1  }
0x15e: {  	[sflag:s4] =	ssyncset.done $0x0  }
0x15f: {  	[sflag:s4] =	ssyncadd.s32 $0xFFFFE000  }
0x160: {  	_ =	sfence.sel $0x180000  }
0x161: {  	[bflag:$0x0] =	sbarrier.arrive $0xFFFF  }
0x162: {  	_ =	strace $0x90000047  }
0x163: {  	s0 =	stileid.u32;
	[bflag:$0x2] =	sbarrier.arrive $0xFFFF  }
0x164: {  	p0 =	sne.s32 s0, $0x0;
	s0 =	rddreg [dreg:$0x4]  }
0x165: {  	s0 =	sadd.s32 @!p0 $0x100000, s0  }
0x166: {  	[sflag:s0] =	ssyncadd.tile.s32 @!p0 $0x1;
	_ =	shalt  }
.Lfunc_end2:
_tile_overlayer_lowered:
.L_overlay_start_2:
0x167: {  	(tag) =	ssettag $0x2  }
0x168: {  	s0 =	rddreg [dreg:$0x0];
	s2 =	stileid.u32  }
0x169: {  	s1 =	rddreg [dreg:$0x1];
	p0 =	sne.s32 s2, $0x0  }
0x16a: {  	s3 =	rddreg [dreg:$0x2];
	[bflag:$0x3] =	sbarrier.arrive $0xFFFF;
	s2 =	simm.s32 @!p0 $0x1C08  }
0x16b: {  	[timem:s3], [sflag:s2] =	dma.local @!p0 [hbm:s0], s1  }
0x16c: {  	s0 =	simm.s32 @!p0 $0x8  }
0x16d: {  	_ =	swait.ge @!p0 [sflag:s0], s1  }
0x16e: {  	s1 =	ssub.s32 @!p0 $0x0, s1;
	[sflag:s0] =	ssyncset.done @!p0 $0x0  }
0x16f: {  	[sflag:s0] =	ssyncadd.s32 @!p0 s1  }
0x170: {  	[bflag:$0x3] =	sbarrier.arrive $0xFFFF  }
0x171: {  	_ =	shalt  }

// kernel: kernel.9.cloned.1.call-start
scs
__scs_entry_jumppad:
0x0: {  	(pc) =	sbr.rel $0x88, $3  }
0x1: {  	(tag) =	ssettag $0x0;
	lr =	simm.s32 $0x1  }
0x2: {  	[smem:$0x3F99] =	sst lr;
	_ =	strace $0xD0000000  }
0x3: {  	_ = 	snop  }
0x4: {  	_ = 	snop  }
0x5: {  	_ = 	snop  }
0x6: {  	_ = 	snop  }
0x7: {  	_ = 	snop  }
__scs_overlays_trampoline_lowered:
0x8: {  	[smem:$0x3FA8] =	sst s0  }
0x9: {  	[smem:$0x3FA9] =	sst s1  }
0xa: {  	[smem:$0x3FAA] =	sst s2  }
0xb: {  	[smem:$0x3FAB] =	sst s3  }
0xc: {  	[smem:$0x3FAC] =	sst s4  }
0xd: {  	[smem:$0x3FAD] =	sst s5  }
0xe: {  	[smem:$0x3FAE] =	sst s6  }
0xf: {  	[smem:$0x3FAF] =	sst s7  }
0x10: {  	[smem:$0x3FB0] =	sst s8  }
0x11: {  	[smem:$0x3FB1] =	sst s9;
	s0 =	simm.s32 @!p0 $0x0  }
0x12: {  	s1 =	sld [smem:$0x3F97];
	s0 =	simm.s32 @p0 $0x1  }
0x13: {  	[smem:$0x3FB2] =	sst s0;
	s0 =	simm.s32 @!p1 $0x0  }
0x14: {  	s2 =	sld [smem:$0x3F96];
	s0 =	simm.s32 @p1 $0x1  }
0x15: {  	[smem:$0x3FB3] =	sst s0;
	s0 =	simm.s32 @!p2 $0x0  }
0x16: {  	s3 =	sld [smem:$0x3FDB];
	s0 =	simm.s32 @p2 $0x1  }
0x17: {  	s4 =	simm.s32 $0x1BF5;
	[smem:$0x3FB5] =	sst s0  }
0x18: {  	s0 =	sld [smem:$0x3F98];
	_ =	swait.ge [sflag:s4], $0x0  }
0x19: {  	s7 =	sld [smem:$0x3F99]  }
0x1a: {  	s8 =	sadd.s32 $0xFFFFE003, lr  }
0x1b: {  	s9 =	sadd.s32 $0xFFFFFEF7, lr;
	s5 =	simm.s32 $0xFFFFFFFF;
	p2 =	slt.u32 s8, $0xFFFFF086  }
0x1c: {  	p1 =	slt.u32 s9, $0xF7A;
	s5 =	simm.s32 @!p2 $0x0  }
0x1d: {  	s5 =	simm.s32 @p1 $0x1;
	p0 =	seq.s32 s7, s2  }
0x1e: {  	s7 =	smul.u32 @!p0 $0xF7A, s2;
	p2 =	seq.s32 @!p0 s5, $0x0  }
0x1f: {  	s9 =	smul.u32 $0xF7A, s1;
	s8 =	simm.s32 @!p0 $0x1BF5;
	p2 =	por !p2, p0  }
0x20: {  	[sflag:s8] =	ssyncset.s32 @!p0 $0xFFFFF086;
	s6 =	sadd.s32 @!p0 s3, s7;
	s7 =	simm.s32 @!p0 $0x108  }
0x21: {  	s3 =	sadd.s32 s3, s9;
	s6 =	sadd.s32 @!p0 $0x88, s6;
	s7 =	simm.s32 @p2 $0x1082  }
0x22: {  	[simem:s7], [sflag:s8] =	dma.local @!p0 [hbm:s6], $0xF7A  }
0x23: {  	s9 =	sor.u32 $0xD0000000, s2;
	s6 =	simm.s32 $0x108;
	_ =	swait.ge @!p0 [sflag:s8], $0x0  }
0x24: {  	s3 =	sadd.s32 $0x88, s3;
	s6 =	simm.s32 @!p1 $0x1082;
	[sflag:s4] =	ssyncset.s32 $0xFFFFF086  }
0x25: {  	[simem:s6], [sflag:s4] =	dma.local [hbm:s3], $0xF7A  }
0x26: {  	[smem:$0x3F99] =	sst s1;
	(tag) =	ssettag s2;
	_ =	strace s9  }
0x27: {  	s1 =	sld [smem:$0x3FA9]  }
0x28: {  	s2 =	sld [smem:$0x3FAA]  }
0x29: {  	s4 =	sld [smem:$0x3FAC]  }
0x2a: {  	p0 =	seq.s32 s5, $0x0;
	s5 =	sld [smem:$0x3FAD]  }
0x2b: {  	s6 =	sld [smem:$0x3FAE]  }
0x2c: {  	s7 =	sld [smem:$0x3FAF]  }
0x2d: {  	s3 =	simm.s32 $0x108;
	s8 =	sld [smem:$0x3FB0]  }
0x2e: {  	s3 =	simm.s32 @!p0 $0x1082;
	s9 =	sld [smem:$0x3FB1]  }
0x2f: {  	lr =	sadd.s32 s0, s3;
	s0 =	sld [smem:$0x3FA8]  }
0x30: {  	s3 =	sld [smem:$0x3FAB]  }
0x31: {  	[smem:$0x3FB4] =	sst s10  }
0x32: {  	s10 =	sld [smem:$0x3FB2];
	_ =	sdelay $0x3  }
0x33: {  	p0 =	seq.s32 s10, $0x1;
	s10 =	sld [smem:$0x3FB4];
	_ =	sdelay $0x3  }
0x34: {  	[smem:$0x3FB4] =	sst s10  }
0x35: {  	s10 =	sld [smem:$0x3FB3];
	_ =	sdelay $0x3  }
0x36: {  	p1 =	seq.s32 s10, $0x1;
	s10 =	sld [smem:$0x3FB4];
	_ =	sdelay $0x3  }
0x37: {  	[smem:$0x3FB4] =	sst s10  }
0x38: {  	s10 =	sld [smem:$0x3FB5]  }
0x39: {  	_ = 	snop;
	(pc) =	sbr.ind lr, $3  }
0x3a: {  	_ = 	snop  }
0x3b: {  	_ = 	snop  }
0x3c: {  	p2 =	seq.s32 s10, $0x1;
	s10 =	sld [smem:$0x3FB4]  }
0x3d: {  	_ =	shalt  }
0x3e: {  	_ =	shalt  }
0x3f: {  	_ =	shalt  }
0x40: {  	_ =	shalt  }
0x41: {  	_ =	shalt  }
0x42: {  	_ =	shalt  }
0x43: {  	_ =	shalt  }
0x44: {  	_ =	shalt  }
0x45: {  	_ =	shalt  }
0x46: {  	_ =	shalt  }
0x47: {  	_ =	shalt  }
0x48: {  	_ =	shalt  }
0x49: {  	_ =	shalt  }
0x4a: {  	_ =	shalt  }
0x4b: {  	_ =	shalt  }
0x4c: {  	_ =	shalt  }
0x4d: {  	_ =	shalt  }
0x4e: {  	_ =	shalt  }
0x4f: {  	_ =	shalt  }
0x50: {  	_ =	shalt  }
0x51: {  	_ =	shalt  }
0x52: {  	_ =	shalt  }
0x53: {  	_ =	shalt  }
0x54: {  	_ =	shalt  }
0x55: {  	_ =	shalt  }
0x56: {  	_ =	shalt  }
0x57: {  	_ =	shalt  }
0x58: {  	_ =	shalt  }
0x59: {  	_ =	shalt  }
0x5a: {  	_ =	shalt  }
0x5b: {  	_ =	shalt  }
0x5c: {  	_ =	shalt  }
0x5d: {  	_ =	shalt  }
0x5e: {  	_ =	shalt  }
0x5f: {  	_ =	shalt  }
0x60: {  	_ =	shalt  }
0x61: {  	_ =	shalt  }
0x62: {  	_ =	shalt  }
0x63: {  	_ =	shalt  }
0x64: {  	_ =	shalt  }
0x65: {  	_ =	shalt  }
0x66: {  	_ =	shalt  }
0x67: {  	_ =	shalt  }
0x68: {  	_ =	shalt  }
0x69: {  	_ =	shalt  }
0x6a: {  	_ =	shalt  }
0x6b: {  	_ =	shalt  }
0x6c: {  	_ =	shalt  }
0x6d: {  	_ =	shalt  }
0x6e: {  	_ =	shalt  }
0x6f: {  	_ =	shalt  }
0x70: {  	_ =	shalt  }
0x71: {  	_ =	shalt  }
0x72: {  	_ =	shalt  }
0x73: {  	_ =	shalt  }
0x74: {  	_ =	shalt  }
0x75: {  	_ =	shalt  }
0x76: {  	_ =	shalt  }
0x77: {  	_ =	shalt  }
0x78: {  	_ =	shalt  }
0x79: {  	_ =	shalt  }
0x7a: {  	_ =	shalt  }
0x7b: {  	_ =	shalt  }
0x7c: {  	_ =	shalt  }
0x7d: {  	_ =	shalt  }
0x7e: {  	_ =	shalt  }
0x7f: {  	_ =	shalt  }
0x80: {  	_ =	shalt  }
0x81: {  	_ =	shalt  }
0x82: {  	_ =	shalt  }
0x83: {  	_ =	shalt  }
0x84: {  	_ =	shalt  }
0x85: {  	_ =	shalt  }
0x86: {  	_ =	shalt  }
0x87: {  	_ =	shalt  }
.Lfunc_end0:
.L_simem_size_0:
called_computation.1_lowered:
.L_overlay_start_0:
0x88: {  	s2 =	sld [smem:$0x3FD9]  }
0x89: {  	s3 =	sld [smem:$0x3FFE];
	_ =	sdelay $0x1  }
0x8a: {  	s1 =	srdreg.scid  }
0x8b: {  	s0 =	sand.u32 $0x1, s1  }
0x8c: {  	s17 =	sshll.u32 s0, $0xA;
	s2 =	sadd.s32 s3, s2  }
0x8d: {  	s2 =	sadd.s32 s2, s17  }
0x8e: {  	[smem:$0x3FC0] =	sst s2  }
0x8f: {  	_ = 	snop  }
0x90: {  	s18 =	sld [smem:$0x3FC4]  }
0x91: {  	s5 =	sld [smem:$0x3FC3]  }
0x92: {  	s4 =	sld [smem:$0x3FC2];
	(tm) =	ssettm $0x1  }
0x93: {  	s19 =	sld [smem:$0x3FFB];
	_ =	sdelay $0x3  }
0x94: {  	_ =	strace s19  }
0x95: {  	s2 =	sld [smem:$0x3FFC];
	_ =	sdelay $0x3  }
0x96: {  	_ =	strace s2  }
0x97: {  	s2 =	sld [smem:$0x3FFD];
	_ =	sdelay $0x3  }
0x98: {  	_ =	strace s2  }
0x99: {  	_ =	strace $0x8FFFFFFF  }
0x9a: {  	s20 =	sld [smem:$0x3FDB];
	_ =	sdelay $0x1  }
0x9b: {  	s6 =	simm.s32 $_scs_section_size  }
0x9c: {  	s7 =	simm.s32 $_size__tile_overlayer_lowered;
	s8 =	simm.s32 $_tile_overlayer_lowered  }
0x9d: {  	s9 =	simm.s32 $0x1BFF;
	s21 =	sshll.u32 s8, $0x1;
	s6 =	sadd.s32 s6, s20  }
0x9e: {  	s22 =	simm.s32 $0x0;
	s7 =	sshll.u32 s7, $0x1;
	s8 =	sadd.s32 s21, s6  }
0x9f: {  	[timem:s22], [sflag:s9] =	dma.local [hbm:s8], s7  }
0xa0: {  	_ =	swait.ge [sflag:s9], s7  }
0xa1: {  	s7 =	ssub.s32 $0x0, s7;
	[sflag:s9] =	ssyncset.done $0x0  }
0xa2: {  	[sflag:s9] =	ssyncadd.s32 s7;
	_ =	sdelay $0x1  }
0xa3: {  	s23 =	simm.s32 $0x1B8B  }
0xa4: {  	_ =	swait.ge [sflag:s23], $0x1  }
0xa5: {  	[sflag:s23] =	ssyncset.done $0x0  }
0xa6: {  	[sflag:s23] =	ssyncadd.s32 $0xFFFFFFFF  }
0xa7: {  	s7 =	sld [smem:$0x0]  }
0xa8: {  	s8 =	sand.u32 $0xFFFFFFFE, s1  }
0xa9: {  	p0 =	sne.s32 s1, s8  }
0xaa: {  	s8 =	sshll.u32 @p0 s8, $0xE  }
0xab: {  	s8 =	sadd.s32 @p0 $0x11B8D, s8;
	s9 =	sshll.u32 @p0 s7, $0x11  }
0xac: {  	s8 =	sor.u32 @p0 s9, s8  }
0xad: {  	[sflag:s8] =	ssyncadd.remote.s32 @p0 $0x1;
	_ =	sdelay $0x1  }
0xae: {  	s8 =	simm.s32 @p0 $0x1B8D  }
0xaf: {  	_ =	swait.eq @p0 [sflag:s8], $0x1  }
0xb0: {  	[sflag:s8] =	ssyncadd.s32 @p0 $0xFFFFFFFF  }
0xb1: {  	s9 =	sshll.u32 @!p0 s1, $0xE  }
0xb2: {  	s9 =	sor.u32 @!p0 $0x4000, s9;
	s8 =	simm.s32 @!p0 $0x1B8D  }
0xb3: {  	s7 =	sshll.u32 @!p0 s7, $0x11;
	s9 =	sadd.s32 @!p0 $0x11B8D, s9;
	_ =	swait.eq @!p0 [sflag:s8], $0x1  }
0xb4: {  	s7 =	sor.u32 @!p0 s7, s9;
	[sflag:s8] =	ssyncadd.s32 @!p0 $0xFFFFFFFF  }
0xb5: {  	s25 =	simm.s32 $0x1B8E;
	s24 =	sld [smem:$0x3FFE];
	[sflag:s7] =	ssyncadd.remote.s32 @!p0 $0x1  }
0xb6: {  	s26 =	simm.s32 $execute0_lowered;
	[smem:$0x3FD2] =	sst s25  }
0xb7: {  	s8 =	sshll.u32 s26, $0x1;
	_ =	strace $0x80000049;
	[dreg:$0x1] =	wrdreg $0xFFFFFFFF  }
0xb8: {  	s28 =	simm.s32 $_size_execute0_lowered;
	s6 =	sadd.s32 s6, s8;
	[dreg:$0x0] =	wrdreg $0x0  }
0xb9: {  	s8 =	sshll.u32 s28, $0x1;
	[dreg:$0x2] =	wrdreg s6  }
0xba: {  	[dreg:$0x3] =	wrdreg s8  }
0xbb: {  	[dreg:$0x4] =	wrdreg $0xC0  }
0xbc: {  	_ =	task [dreg:s22], $0x5FFFF  }
0xbd: {  	[dreg:$0x1] =	wrdreg $0xFFFFFFFF  }
0xbe: {  	[dreg:$0x0] =	wrdreg $0x60  }
0xbf: {  	[dreg:$0x2] =	wrdreg s5  }
0xc0: {  	[dreg:$0x3] =	wrdreg s18  }
0xc1: {  	[dreg:$0x4] =	wrdreg s4  }
0xc2: {  	[dreg:$0x5] =	wrdreg s24  }
0xc3: {  	[dreg:$0x6] =	wrdreg $0xA  }
0xc4: {  	_ =	task.clear_ibuf [dreg:s22], $0x7FFFF;
	_ =	strace $0x90000049  }
0xc5: {  	s29 =	simm.s32 $0xA;
	_ =	strace $0x8000004B  }
0xc6: {  	_ =	swait.ge [sflag:s29], $0x1  }
0xc7: {  	[sflag:s29] =	ssyncadd.s32 $0xFFFFFFFF  }
0xc8: {  	_ =	strace $0x9000004B  }
0xc9: {  	_ =	sfence  }
0xca: {  	s30 =	sld [smem:$0x0];
	_ =	sdelay $0x2  }
0xcb: {  	s31 =	sshll.u32 s1, $0xD;
	s1 =	sshrl.u32 s1, $0x2  }
0xcc: {  	s4 =	sand.u32 $0x4000, s31;
	s1 =	sadd.s32 s1, s30  }
0xcd: {  	s0 =	sor.u32 s4, s0;
	s1 =	sshll.u32 s1, $0x11  }
0xce: {  	s0 =	sor.u32 s1, s0  }
0xcf: {  	s0 =	sadd.s32 $0x8F2B, s0  }
0xd0: {  	[sflag:s0] =	ssyncadd.remote.s32 $0x1  }
0xd1: {  	_ =	sfence.sel $0xFFFF  }
0xd2: {  	[dreg:$0x0] =	wrdreg $0xFFFFFFFF;
	(pc) =	sbr.abs _section_cstart, $3  }
0xd3: {  	[dreg:$0x1] =	wrdreg $0xFFFFFFFF  }
0xd4: {  	_ =	task.clear_ibuf [dreg:s22], $0x2FFFF;
	_ =	strace $0x9FFFFFFF  }
0xd5: {  	(tm) =	ssettm $0x7FFFFFFF  }
tec
execute0_lowered:
.L_overlay_start_1:
0x0: {  	(tag) =	ssettag $0x1  }
0x1: {  	s1 =	rddreg [dreg:$0x0]  }
0x2: {  	s2 =	rddreg [dreg:$0x1]  }
0x3: {  	s3 =	rddreg [dreg:$0x2]  }
0x4: {  	s0 =	rddreg [dreg:$0x3];
	s4 =	srdreg.scid;
	s5 =	simm.s32 $0x0  }
0x5: {  	s7 =	stileid.u32;
	s18 =	simm.s32 $0x80;
	s19 =	simm.s32 $0x4000  }
0x6: {  	s20 =	simm.s32 $0xC000;
	s21 =	simm.s32 $0x32;
	s22 =	simm.s32 $0x14000  }
0x7: {  	s23 =	simm.s32 $0x1;
	s24 =	simm.s32 $0x8000;
	s28 =	simm.s32 $0x2  }
0x8: {  	s29 =	simm.s32 $0x10000;
	s30 =	simm.s32 $0x4;
	s31 =	simm.s32 $0x6  }
0x9: {  	s16 =	simm.s32 $0x0;
	s4 =	sand.u32 $0x1, s4;
	[smem:$0x7FF] =	sst s5  }
0xa: {  	s6 =	sshll.u32 s4, $0x4;
	_ =	strace $0x8000004A;
	s4 =	ssub.s32 $0x2, s4  }
0xb: {  	s9 =	sor.u32 s7, s6;
	s7 =	sadd.s32 $0x572200, s0;
	s11 =	sshrl.u32 s4, $0x1  }
0xc: {  	s6 =	sshll.u32 s9, $0x9;
	s8 =	sshll.u32 s9, $0xA;
	s4 =	ssub.s32 s4, s11  }
0xd: {  	s10 =	sadd.s32 s6, s0;
	s6 =	sadd.s32 $0x3B2200, s0;
	s26 =	smax.u32 s4, $0x1  }
0xe: {  	s0 =	sadd.s32 s8, s0;
	s12 =	sadd.s32 $0x39A200, s10;
	[dreg:$0x9] =	wrdreg s26  }
0xf: {  	s8 =	smul.u32 $0xE00, s9;
	s10 =	sadd.s32 $0x39E200, s10;
	[dreg:$0x5] =	wrdreg s12  }
0x10: {  	s4 =	simm.s32 $0x8;
	s25 =	sadd.s32 $0x3A2200, s0;
	[dreg:$0x6] =	wrdreg s10  }
0x11: {  	s0 =	sadd.s32 $0x3AA200, s0;
	s26 =	simm.s32 $0x15C00;
	[dreg:$0x7] =	wrdreg s25  }
0x12: {  	s12 =	smul.u32 $0x70000, s9;
	[dreg:$0x8] =	wrdreg s0;
	s25 =	simm.s32 $0x3  }
.LBB2_1:
0x13: {  	s0 =	rddreg [dreg:$0x5]  }
0x14: {  	[tilespmem:s5], [sflag:$0x8] =	stream.linear.gather [hbm4b:s0+s5], $0xE00, $0x38;
	[tilespmem:$0x19800] =	vst v63  }
0x15: {  	_ =	swait.ge [sflag:s4], $0xE00  }
0x16: {  	[sflag:s4] =	ssyncset.done $0x0  }
0x17: {  	s9 =	simm.s32 $0x1000;
	s15 =	rddreg [dreg:$0x6];
	[sflag:s4] =	ssyncadd.s32 $0xFFFFF200  }
0x18: {  	[tilespmem:s9], [sflag:$0x8] =	stream.linear.gather [hbm4b:s15+s5], $0xE00, $0x38;
	[tilespmem:$0x19800] =	vst v63  }
0x19: {  	_ =	swait.ge [sflag:s4], $0xE00  }
0x1a: {  	[sflag:s4] =	ssyncset.done $0x0  }
0x1b: {  	s10 =	simm.s32 $0x2000;
	s17 =	rddreg [dreg:$0x7];
	[sflag:s4] =	ssyncadd.s32 $0xFFFFF200  }
0x1c: {  	[tilespmem:s10], [sflag:$0x8] =	stream.linear.gather [hbm4b:s17+s5], $0x2000, $0x38;
	[tilespmem:$0x19800] =	vst v63  }
0x1d: {  	_ =	swait.ge [sflag:s4], $0x2000  }
0x1e: {  	[sflag:s4] =	ssyncset.done $0x0  }
0x1f: {  	[sflag:s4] =	ssyncadd.s32 $0xFFFFE000  }
0x20: {  	[tilespmem:s19], [sflag:$0x1] =	stream.indirect.gather [hbm4b:s1+s18], $0x80, s5, s18, $0xb8;
	[tilespmem:$0x19800] =	vst v63  }
0x21: {  	_ = 	snop  }
0x22: {  	[tilespmem:s20], [sflag:$0x2] =	stream.indirect.gather [hbm4b:s3+s18], $0x80, s9, s18, $0xb8;
	[tilespmem:$0x19800] =	vst v63  }
0x23: {  	s17 =	simm.s32 $0x0  }
0x24: {  	[tilespmem:s22], [sflag:$0x3] =	stream.indirect.gather [hbm4b:s2+s21], $0x80, s10, s21, $0xb8;
	[tilespmem:$0x19800] =	vst v63  }
.LBB2_2:
0x25: {  	s0 =	sshll.u32 s17, $0xF  }
0x26: {  	_ =	swait.ge [sflag:s23], $0x4000;
	s0 =	sadd.s32 s12, s0  }
0x27: {  	[sflag:s23] =	ssyncset.done $0x0;
	s14 =	sshrl.u32 s0, $0x3  }
0x28: {  	p0 =	seq.s32 s17, $0x0;
	[sflag:s23] =	ssyncadd.s32 $0xFFFFC000;
	s0 =	sadd.s32 s6, s14  }
0x29: {  	[hbm4b:s0+s5] =	stream.linear.scatter [tilespmem:s19], [sflag:$0x4], $0x4000, $0x38;
	[tilespmem:$0x19800] =	vst v63  }
0x2a: {  	s0 =	simm.s32 @!p0 $0x5  }
0x2b: {  	s4 =	sshll.u32 s17, $0x1;
	_ =	swait.ge @!p0 [sflag:s0], $0x4000  }
0x2c: {  	s9 =	sor.u32 $0x1, s4;
	[sflag:s0] =	ssyncset.done @!p0 $0x0  }
0x2d: {  	s10 =	sshll.u32 s9, $0x7;
	[sflag:s0] =	ssyncadd.s32 @!p0 $0xFFFFC000  }
0x2e: {  	[tilespmem:s24], [sflag:$0x1] =	stream.indirect.gather [hbm4b:s1+s18], $0x80, s10, s18, $0xb8;
	[tilespmem:$0x19800] =	vst v63  }
0x2f: {  	_ =	swait.ge [sflag:s25], $0x1900  }
0x30: {  	s11 =	sshll.u32 s17, $0x9;
	[sflag:s25] =	ssyncset.done $0x0  }
0x31: {  	s15 =	sadd.s32 $0x2080, s11;
	[sflag:s25] =	ssyncadd.s32 $0xFFFFE700  }
0x32: {  	[tilespmem:s26], [sflag:$0x3] =	stream.indirect.gather [hbm4b:s2+s21], $0x80, s15, s21, $0xb8;
	[tilespmem:$0x19800] =	vst v63  }
0x33: {  	v8 =	vld [tilespmem:$0x14000]  }
0x34: {  	v9 =	vld [tilespmem:$0x14010]  }
0x35: {  	v5 =	vld [tilespmem:$0x14020]  }
0x36: {  	v4 =	vld [tilespmem:$0x14030]  }
0x37: {  	v3 =	vld [tilespmem:$0x14040]  }
0x38: {  	v1 =	vld [tilespmem:$0x14050]  }
0x39: {  	v0 =	vld [tilespmem:$0x14060]  }
0x3a: {  	s15 =	simm.s32 $0xF0;
	v2 =	vld [tilespmem:$0x14070]  }
0x3b: {  	v7 =	vld [tilespmem:s15+$0x14000]  }
0x3c: {  	v11 =	vld [tilespmem:s15+$0x13F90]  }
0x3d: {  	v13 =	vld [tilespmem:s15+$0x13FA0]  }
0x3e: {  	v12 =	vld [tilespmem:s15+$0x13FB0]  }
0x3f: {  	v10 =	vld [tilespmem:s15+$0x13FC0]  }
0x40: {  	v6 =	vld [tilespmem:s15+$0x13FD0]  }
0x41: {  	v2 =	vadd.f32 v7, v2;
	v7 =	vld [tilespmem:s15+$0x13FE0]  }
0x42: {  	s13 =	sor.u32 $0x80, s11;
	s4 =	simm.s32 $0x7C0;
	s0 =	simm.s32 $0x170;
	v8 =	vadd.f32 v11, v8;
	v9 =	vadd.f32 v13, v9;
	v11 =	vld [tilespmem:s15+$0x13FF0]  }
.LBB2_3:
0x43: {  	p1 =	sne.s32 s4, $0x63C0;
	v13 =	vld [tilespmem:s0+$0x14000];
	v5 =	vadd.f32 v12, v5  }
0x44: {  	v14 =	vld [tilespmem:s0+$0x13F90];
	v4 =	vadd.f32 v10, v4  }
0x45: {  	v15 =	vld [tilespmem:s0+$0x13FA0];
	v3 =	vadd.f32 v6, v3  }
.Ltmp0:
0x46: {  	v12 =	vld [tilespmem:s0+$0x13FB0];
	v1 =	vadd.f32 v7, v1;
	(pc) =	sbr.rel @p1 .LBB2_3-.Ltmp0, $4  }
0x47: {  	v10 =	vld [tilespmem:s0+$0x13FC0];
	v0 =	vadd.f32 v11, v0  }
0x48: {  	v6 =	vld [tilespmem:s0+$0x13FD0];
	v2 =	vadd.f32 v13, v2  }
0x49: {  	v8 =	vadd.f32 v14, v8;
	v7 =	vld [tilespmem:s0+$0x13FE0]  }
0x4a: {  	v9 =	vadd.f32 v15, v9;
	v11 =	vld [tilespmem:s0+$0x13FF0];
	s0 =	sshra.s32 s4, $0x2;
	s4 =	sadd.s32 $0x200, s4  }
0x4b: {  	v14 =	vld [tilespmem:s0+$0x13F90]  }
0x4c: {  	v15 =	vld [tilespmem:s0+$0x13FA0]  }
0x4d: {  	v16 =	vld [tilespmem:s0+$0x13FB0]  }
0x4e: {  	v17 =	vld [tilespmem:s0+$0x13FC0]  }
0x4f: {  	v18 =	vld [tilespmem:s0+$0x13FD0]  }
0x50: {  	v5 =	vadd.f32 v12, v5;
	v12 =	vld [tilespmem:s0+$0x13FE0];
	v8 =	vadd.f32 v14, v8  }
0x51: {  	v13 =	vld [tilespmem:s0+$0x14000];
	v4 =	vadd.f32 v10, v4;
	v9 =	vadd.f32 v15, v9  }
0x52: {  	v10 =	vld [tilespmem:s0+$0x13FF0];
	v3 =	vadd.f32 v6, v3;
	v5 =	vadd.f32 v16, v5;
	[tilespmem:s11+$0x17800] =	vst v8  }
0x53: {  	v1 =	vadd.f32 v7, v1;
	v4 =	vadd.f32 v17, v4;
	[tilespmem:s11+$0x17810] =	vst v9  }
0x54: {  	v3 =	vadd.f32 v18, v3;
	[tilespmem:s11+$0x17820] =	vst v5  }
0x55: {  	v0 =	vadd.f32 v11, v0;
	v1 =	vadd.f32 v12, v1;
	[tilespmem:s11+$0x17830] =	vst v4  }
0x56: {  	v2 =	vadd.f32 v13, v2;
	[tilespmem:s11+$0x17840] =	vst v3  }
0x57: {  	v0 =	vadd.f32 v10, v0;
	[tilespmem:s11+$0x17850] =	vst v1  }
0x58: {  	[tilespmem:s11+$0x17870] =	vst v2  }
0x59: {  	[tilespmem:s11+$0x17860] =	vst v0  }
0x5a: {  	_ =	swait.ge [sflag:s28], $0x4000  }
0x5b: {  	[sflag:s28] =	ssyncset.done $0x0  }
0x5c: {  	s15 =	sadd.s32 s7, s14;
	s0 =	simm.s32 @!p0 $0x7;
	[sflag:s28] =	ssyncadd.s32 $0xFFFFC000  }
0x5d: {  	[hbm4b:s15+s5] =	stream.linear.scatter [tilespmem:s20], [sflag:$0x6], $0x4000, $0x38;
	[tilespmem:$0x19800] =	vst v63  }
0x5e: {  	_ =	swait.ge @!p0 [sflag:s0], $0x4000  }
0x5f: {  	[sflag:s0] =	ssyncset.done @!p0 $0x0  }
0x60: {  	s4 =	sadd.s32 $0x1000, s10;
	[sflag:s0] =	ssyncadd.s32 @!p0 $0xFFFFC000  }
0x61: {  	[tilespmem:s29], [sflag:$0x2] =	stream.indirect.gather [hbm4b:s3+s18], $0x80, s4, s18, $0xb8;
	[tilespmem:$0x19800] =	vst v63  }
0x62: {  	_ =	swait.ge [sflag:s25], $0x1900  }
0x63: {  	s14 =	sand.u32 $0x3FFFFE00, s11;
	[sflag:s25] =	ssyncset.done $0x0  }
0x64: {  	s0 =	sadd.s32 $0x2100, s14;
	[sflag:s25] =	ssyncadd.s32 $0xFFFFE700  }
0x65: {  	[tilespmem:s22], [sflag:$0x3] =	stream.indirect.gather [hbm4b:s2+s21], $0x80, s0, s21, $0xb8;
	[tilespmem:$0x19800] =	vst v63  }
0x66: {  	v8 =	vld [tilespmem:$0x15C00]  }
0x67: {  	v9 =	vld [tilespmem:$0x15C10]  }
0x68: {  	v5 =	vld [tilespmem:$0x15C20]  }
0x69: {  	v4 =	vld [tilespmem:$0x15C30]  }
0x6a: {  	v3 =	vld [tilespmem:$0x15C40]  }
0x6b: {  	v1 =	vld [tilespmem:$0x15C50]  }
0x6c: {  	v0 =	vld [tilespmem:$0x15C60]  }
0x6d: {  	s15 =	simm.s32 $0xF0;
	v2 =	vld [tilespmem:$0x15C70]  }
0x6e: {  	v7 =	vld [tilespmem:s15+$0x15C00]  }
0x6f: {  	v11 =	vld [tilespmem:s15+$0x15B90]  }
0x70: {  	v13 =	vld [tilespmem:s15+$0x15BA0]  }
0x71: {  	v12 =	vld [tilespmem:s15+$0x15BB0]  }
0x72: {  	v10 =	vld [tilespmem:s15+$0x15BC0]  }
0x73: {  	v6 =	vld [tilespmem:s15+$0x15BD0]  }
0x74: {  	v2 =	vadd.f32 v7, v2;
	v7 =	vld [tilespmem:s15+$0x15BE0]  }
0x75: {  	s4 =	simm.s32 $0x7C0;
	s0 =	simm.s32 $0x170;
	v8 =	vadd.f32 v11, v8;
	v9 =	vadd.f32 v13, v9;
	v11 =	vld [tilespmem:s15+$0x15BF0]  }
.LBB2_5:
0x76: {  	p0 =	sne.s32 s4, $0x63C0;
	v13 =	vld [tilespmem:s0+$0x15C00];
	v5 =	vadd.f32 v12, v5  }
0x77: {  	v14 =	vld [tilespmem:s0+$0x15B90];
	v4 =	vadd.f32 v10, v4  }
0x78: {  	v15 =	vld [tilespmem:s0+$0x15BA0];
	v3 =	vadd.f32 v6, v3  }
.Ltmp1:
0x79: {  	v12 =	vld [tilespmem:s0+$0x15BB0];
	v1 =	vadd.f32 v7, v1;
	(pc) =	sbr.rel @p0 .LBB2_5-.Ltmp1, $4  }
0x7a: {  	v10 =	vld [tilespmem:s0+$0x15BC0];
	v0 =	vadd.f32 v11, v0  }
0x7b: {  	v6 =	vld [tilespmem:s0+$0x15BD0];
	v2 =	vadd.f32 v13, v2  }
0x7c: {  	v8 =	vadd.f32 v14, v8;
	v7 =	vld [tilespmem:s0+$0x15BE0]  }
0x7d: {  	v9 =	vadd.f32 v15, v9;
	v11 =	vld [tilespmem:s0+$0x15BF0];
	s0 =	sshra.s32 s4, $0x2;
	s4 =	sadd.s32 $0x200, s4  }
0x7e: {  	v14 =	vld [tilespmem:s0+$0x15B90]  }
0x7f: {  	v15 =	vld [tilespmem:s0+$0x15BA0]  }
0x80: {  	v16 =	vld [tilespmem:s0+$0x15BB0]  }
0x81: {  	v17 =	vld [tilespmem:s0+$0x15BC0]  }
0x82: {  	v18 =	vld [tilespmem:s0+$0x15BD0]  }
0x83: {  	v5 =	vadd.f32 v12, v5;
	v12 =	vld [tilespmem:s0+$0x15BE0];
	v8 =	vadd.f32 v14, v8  }
0x84: {  	v4 =	vadd.f32 v10, v4;
	v10 =	vld [tilespmem:s0+$0x15BF0];
	v9 =	vadd.f32 v15, v9  }
0x85: {  	v13 =	vld [tilespmem:s0+$0x15C00];
	v3 =	vadd.f32 v6, v3;
	v5 =	vadd.f32 v16, v5;
	[tilespmem:s13+$0x17800] =	vst v8  }
0x86: {  	v1 =	vadd.f32 v7, v1;
	v4 =	vadd.f32 v17, v4;
	[tilespmem:s11+$0x17890] =	vst v9  }
0x87: {  	v0 =	vadd.f32 v11, v0;
	v3 =	vadd.f32 v18, v3;
	[tilespmem:s11+$0x178A0] =	vst v5  }
0x88: {  	v1 =	vadd.f32 v12, v1;
	[tilespmem:s11+$0x178B0] =	vst v4  }
0x89: {  	v0 =	vadd.f32 v10, v0;
	[tilespmem:s11+$0x178C0] =	vst v3  }
0x8a: {  	v2 =	vadd.f32 v13, v2;
	[tilespmem:s11+$0x178D0] =	vst v1  }
0x8b: {  	[tilespmem:s11+$0x178E0] =	vst v0  }
0x8c: {  	[tilespmem:s11+$0x178F0] =	vst v2  }
0x8d: {  	s14 =	sadd.s32 s8, s10;
	_ =	swait.ge [sflag:s23], $0x4000  }
0x8e: {  	s13 =	sshll.u32 s14, $0x4;
	[sflag:s23] =	ssyncset.done $0x0  }
0x8f: {  	p0 =	seq.s32 s17, $0xD;
	s0 =	sadd.s32 s6, s13;
	[sflag:s23] =	ssyncadd.s32 $0xFFFFC000  }
0x90: {  	[hbm4b:s0+s5] =	stream.linear.scatter [tilespmem:s24], [sflag:$0x5], $0x4000, $0x38;
	[tilespmem:$0x19800] =	vst v63  }
0x91: {  	s0 =	sshll.u32 @!p0 s17, $0x8;
	_ =	swait.ge [sflag:s30], $0x4000  }
0x92: {  	s4 =	simm.s32 @!p0 $0x80;
	s14 =	sand.u32 @!p0 $0x3FFFFF00, s0;
	[sflag:s30] =	ssyncset.done $0x0  }
0x93: {  	s10 =	simm.s32 @!p0 $0x4000;
	s0 =	sadd.s32 @!p0 $0x100, s14;
	[sflag:s30] =	ssyncadd.s32 $0xFFFFC000  }
0x94: {  	[tilespmem:s10], [sflag:$0x1] =	stream.indirect.gather @!p0 [hbm4b:s1+s4], $0x80, s0, s4, $0xb8;
	[tilespmem:$0x19800] =	vst v63  }
0x95: {  	_ =	swait.ge [sflag:s25], $0x1900  }
0x96: {  	s10 =	sshll.u32 s9, $0x8;
	[sflag:s25] =	ssyncset.done $0x0  }
0x97: {  	s15 =	sadd.s32 $0x2080, s10;
	[sflag:s25] =	ssyncadd.s32 $0xFFFFE700  }
0x98: {  	[tilespmem:s26], [sflag:$0x3] =	stream.indirect.gather [hbm4b:s2+s21], $0x80, s15, s21, $0xb8;
	[tilespmem:$0x19800] =	vst v63  }
0x99: {  	v8 =	vld [tilespmem:$0x14000]  }
0x9a: {  	v9 =	vld [tilespmem:$0x14010]  }
0x9b: {  	v5 =	vld [tilespmem:$0x14020]  }
0x9c: {  	v4 =	vld [tilespmem:$0x14030]  }
0x9d: {  	v3 =	vld [tilespmem:$0x14040]  }
0x9e: {  	v1 =	vld [tilespmem:$0x14050]  }
0x9f: {  	v0 =	vld [tilespmem:$0x14060]  }
0xa0: {  	s15 =	simm.s32 $0xF0;
	v2 =	vld [tilespmem:$0x14070]  }
0xa1: {  	v7 =	vld [tilespmem:s15+$0x14000]  }
0xa2: {  	v11 =	vld [tilespmem:s15+$0x13F90]  }
0xa3: {  	v13 =	vld [tilespmem:s15+$0x13FA0]  }
0xa4: {  	v12 =	vld [tilespmem:s15+$0x13FB0]  }
0xa5: {  	v10 =	vld [tilespmem:s15+$0x13FC0]  }
0xa6: {  	v6 =	vld [tilespmem:s15+$0x13FD0]  }
0xa7: {  	v2 =	vadd.f32 v7, v2;
	v7 =	vld [tilespmem:s15+$0x13FE0]  }
0xa8: {  	s0 =	simm.s32 $0x170;
	s4 =	simm.s32 $0x7C0;
	s11 =	sor.u32 $0x80, s10;
	v8 =	vadd.f32 v11, v8;
	v9 =	vadd.f32 v13, v9;
	v11 =	vld [tilespmem:s15+$0x13FF0]  }
.LBB2_7:
0xa9: {  	p1 =	sne.s32 s4, $0x63C0;
	v13 =	vld [tilespmem:s0+$0x14000];
	v5 =	vadd.f32 v12, v5  }
0xaa: {  	v14 =	vld [tilespmem:s0+$0x13F90];
	v4 =	vadd.f32 v10, v4  }
0xab: {  	v15 =	vld [tilespmem:s0+$0x13FA0];
	v3 =	vadd.f32 v6, v3  }
.Ltmp2:
0xac: {  	v12 =	vld [tilespmem:s0+$0x13FB0];
	v1 =	vadd.f32 v7, v1;
	(pc) =	sbr.rel @p1 .LBB2_7-.Ltmp2, $4  }
0xad: {  	v10 =	vld [tilespmem:s0+$0x13FC0];
	v0 =	vadd.f32 v11, v0  }
0xae: {  	v6 =	vld [tilespmem:s0+$0x13FD0];
	v2 =	vadd.f32 v13, v2  }
0xaf: {  	v8 =	vadd.f32 v14, v8;
	v7 =	vld [tilespmem:s0+$0x13FE0]  }
0xb0: {  	v9 =	vadd.f32 v15, v9;
	v11 =	vld [tilespmem:s0+$0x13FF0];
	s0 =	sshra.s32 s4, $0x2;
	s4 =	sadd.s32 $0x200, s4  }
0xb1: {  	v14 =	vld [tilespmem:s0+$0x13F90]  }
0xb2: {  	v15 =	vld [tilespmem:s0+$0x13FA0]  }
0xb3: {  	v16 =	vld [tilespmem:s0+$0x13FB0]  }
0xb4: {  	v17 =	vld [tilespmem:s0+$0x13FC0]  }
0xb5: {  	v18 =	vld [tilespmem:s0+$0x13FD0]  }
0xb6: {  	v5 =	vadd.f32 v12, v5;
	v12 =	vld [tilespmem:s0+$0x13FE0];
	v8 =	vadd.f32 v14, v8  }
0xb7: {  	v13 =	vld [tilespmem:s0+$0x14000];
	v4 =	vadd.f32 v10, v4;
	v9 =	vadd.f32 v15, v9  }
0xb8: {  	v10 =	vld [tilespmem:s0+$0x13FF0];
	v3 =	vadd.f32 v6, v3;
	v5 =	vadd.f32 v16, v5;
	[tilespmem:s10+$0x17800] =	vst v8  }
0xb9: {  	v1 =	vadd.f32 v7, v1;
	v4 =	vadd.f32 v17, v4;
	[tilespmem:s10+$0x17810] =	vst v9  }
0xba: {  	v3 =	vadd.f32 v18, v3;
	[tilespmem:s10+$0x17820] =	vst v5  }
0xbb: {  	v0 =	vadd.f32 v11, v0;
	v1 =	vadd.f32 v12, v1;
	[tilespmem:s10+$0x17830] =	vst v4  }
0xbc: {  	v2 =	vadd.f32 v13, v2;
	[tilespmem:s10+$0x17840] =	vst v3  }
0xbd: {  	v0 =	vadd.f32 v10, v0;
	[tilespmem:s10+$0x17850] =	vst v1  }
0xbe: {  	[tilespmem:s10+$0x17870] =	vst v2  }
0xbf: {  	[tilespmem:s10+$0x17860] =	vst v0  }
0xc0: {  	_ =	swait.ge [sflag:s28], $0x4000  }
0xc1: {  	[sflag:s28] =	ssyncset.done $0x0  }
0xc2: {  	s13 =	sadd.s32 s7, s13;
	[sflag:s28] =	ssyncadd.s32 $0xFFFFC000  }
0xc3: {  	[hbm4b:s13+s5] =	stream.linear.scatter [tilespmem:s29], [sflag:$0x7], $0x4000, $0x38;
	[tilespmem:$0x19800] =	vst v63  }
0xc4: {  	_ =	swait.ge [sflag:s31], $0x4000  }
0xc5: {  	[sflag:s31] =	ssyncset.done $0x0  }
0xc6: {  	s0 =	simm.s32 @p0 $0x3;
	[sflag:s31] =	ssyncadd.s32 $0xFFFFC000  }
0xc7: {  	_ =	swait.ge @p0 [sflag:s0], $0x1900  }
0xc8: {  	s4 =	simm.s32 @!p0 $0x80;
	[sflag:s0] =	ssyncset.done @p0 $0x0  }
0xc9: {  	s13 =	simm.s32 @!p0 $0xC000;
	[sflag:s0] =	ssyncadd.s32 @p0 $0xFFFFE700;
	s0 =	sadd.s32 @!p0 $0x1100, s14  }
0xca: {  	[tilespmem:s13], [sflag:$0x2] =	stream.indirect.gather @!p0 [hbm4b:s3+s4], $0x80, s0, s4, $0xb8;
	[tilespmem:$0x19800] =	vst v63  }
0xcb: {  	s0 =	simm.s32 @!p0 $0x3  }
0xcc: {  	_ =	swait.ge @!p0 [sflag:s0], $0x1900  }
0xcd: {  	s4 =	sshll.u32 @!p0 s9, $0x8;
	[sflag:s0] =	ssyncset.done @!p0 $0x0  }
0xce: {  	[sflag:s0] =	ssyncadd.s32 @!p0 $0xFFFFE700;
	s0 =	sand.u32 @!p0 $0x3FFFFF00, s4  }
0xcf: {  	s9 =	simm.s32 @!p0 $0x14000;
	s4 =	simm.s32 @!p0 $0x32;
	s0 =	sadd.s32 @!p0 $0x2100, s0  }
0xd0: {  	[tilespmem:s9], [sflag:$0x3] =	stream.indirect.gather @!p0 [hbm4b:s2+s4], $0x80, s0, s4, $0xb8;
	[tilespmem:$0x19800] =	vst v63  }
0xd1: {  	v8 =	vld [tilespmem:$0x15C00]  }
0xd2: {  	v9 =	vld [tilespmem:$0x15C10]  }
0xd3: {  	v5 =	vld [tilespmem:$0x15C20]  }
0xd4: {  	v4 =	vld [tilespmem:$0x15C30]  }
0xd5: {  	v3 =	vld [tilespmem:$0x15C40]  }
0xd6: {  	v1 =	vld [tilespmem:$0x15C50]  }
0xd7: {  	v0 =	vld [tilespmem:$0x15C60]  }
0xd8: {  	s15 =	simm.s32 $0xF0;
	v2 =	vld [tilespmem:$0x15C70]  }
0xd9: {  	v7 =	vld [tilespmem:s15+$0x15C00]  }
0xda: {  	v11 =	vld [tilespmem:s15+$0x15B90]  }
0xdb: {  	v13 =	vld [tilespmem:s15+$0x15BA0]  }
0xdc: {  	v12 =	vld [tilespmem:s15+$0x15BB0]  }
0xdd: {  	v10 =	vld [tilespmem:s15+$0x15BC0]  }
0xde: {  	v6 =	vld [tilespmem:s15+$0x15BD0]  }
0xdf: {  	v2 =	vadd.f32 v7, v2;
	v7 =	vld [tilespmem:s15+$0x15BE0]  }
0xe0: {  	s0 =	simm.s32 $0x170;
	s4 =	simm.s32 $0x7C0;
	v8 =	vadd.f32 v11, v8;
	v9 =	vadd.f32 v13, v9;
	v11 =	vld [tilespmem:s15+$0x15BF0]  }
.LBB2_9:
0xe1: {  	p0 =	sne.s32 s4, $0x63C0;
	v13 =	vld [tilespmem:s0+$0x15C00];
	v5 =	vadd.f32 v12, v5  }
0xe2: {  	v14 =	vld [tilespmem:s0+$0x15B90];
	v4 =	vadd.f32 v10, v4  }
0xe3: {  	v15 =	vld [tilespmem:s0+$0x15BA0];
	v3 =	vadd.f32 v6, v3  }
.Ltmp3:
0xe4: {  	v12 =	vld [tilespmem:s0+$0x15BB0];
	v1 =	vadd.f32 v7, v1;
	(pc) =	sbr.rel @p0 .LBB2_9-.Ltmp3, $4  }
0xe5: {  	v10 =	vld [tilespmem:s0+$0x15BC0];
	v0 =	vadd.f32 v11, v0  }
0xe6: {  	v6 =	vld [tilespmem:s0+$0x15BD0];
	v2 =	vadd.f32 v13, v2  }
0xe7: {  	v8 =	vadd.f32 v14, v8;
	v7 =	vld [tilespmem:s0+$0x15BE0]  }
0xe8: {  	v9 =	vadd.f32 v15, v9;
	v11 =	vld [tilespmem:s0+$0x15BF0];
	s0 =	sshra.s32 s4, $0x2;
	s4 =	sadd.s32 $0x200, s4  }
0xe9: {  	v14 =	vld [tilespmem:s0+$0x15B90]  }
0xea: {  	v15 =	vld [tilespmem:s0+$0x15BA0]  }
0xeb: {  	v16 =	vld [tilespmem:s0+$0x15BB0]  }
0xec: {  	v17 =	vld [tilespmem:s0+$0x15BC0]  }
0xed: {  	v18 =	vld [tilespmem:s0+$0x15BD0]  }
0xee: {  	v5 =	vadd.f32 v12, v5;
	v62 =	vld [tilespmem:s0+$0x15BE0];
	v8 =	vadd.f32 v14, v8  }
0xef: {  	v63 =	vld [tilespmem:s0+$0x15BF0];
	v4 =	vadd.f32 v10, v4;
	v9 =	vadd.f32 v15, v9  }
0xf0: {  	v13 =	vld [tilespmem:s0+$0x15C00];
	v3 =	vadd.f32 v6, v3;
	v5 =	vadd.f32 v16, v5;
	[tilespmem:s11+$0x17800] =	vst v8  }
0xf1: {  	s17 =	sadd.s32 $0x1, s17;
	v1 =	vadd.f32 v7, v1;
	v4 =	vadd.f32 v17, v4;
	[tilespmem:s10+$0x17890] =	vst v9  }
0xf2: {  	p0 =	sne.s32 s17, $0xE;
	v0 =	vadd.f32 v11, v0;
	v3 =	vadd.f32 v18, v3;
	[tilespmem:s10+$0x178A0] =	vst v5  }
.Ltmp4:
0xf3: {  	v1 =	vadd.f32 v62, v1;
	[tilespmem:s10+$0x178B0] =	vst v4;
	(pc) =	sbr.rel @p0 .LBB2_2-.Ltmp4, $4  }
0xf4: {  	v0 =	vadd.f32 v63, v0;
	[tilespmem:s10+$0x178C0] =	vst v3  }
0xf5: {  	v2 =	vadd.f32 v13, v2;
	[tilespmem:s10+$0x178D0] =	vst v1  }
0xf6: {  	[tilespmem:s10+$0x178E0] =	vst v0  }
0xf7: {  	[tilespmem:s10+$0x178F0] =	vst v2  }
0xf8: {  	s0 =	simm.s32 $0x5  }
0xf9: {  	_ =	swait.ge [sflag:s0], $0x4000  }
0xfa: {  	[sflag:s0] =	ssyncset.done $0x0  }
0xfb: {  	s15 =	simm.s32 $0x7;
	[sflag:s0] =	ssyncadd.s32 $0xFFFFC000  }
0xfc: {  	_ =	swait.ge [sflag:s15], $0x4000  }
0xfd: {  	[sflag:s15] =	ssyncset.done $0x0  }
0xfe: {  	s17 =	simm.s32 $0x3C00;
	s9 =	simm.s32 $0x1C;
	[sflag:s15] =	ssyncadd.s32 $0xFFFFC000  }
0xff: {  	[tilespmem:s22], [sflag:$0x3] =	stream.indirect.gather [hbm4b:s2+s21], $0x80, s17, s21, $0xb8;
	[tilespmem:$0x19800] =	vst v63  }
.LBB2_12:
0x100: {  	_ =	swait.ge [sflag:s25], $0x1900  }
0x101: {  	s10 =	sshll.u32 s9, $0x8;
	[sflag:s25] =	ssyncset.done $0x0  }
0x102: {  	s0 =	sadd.s32 $0x2080, s10;
	[sflag:s25] =	ssyncadd.s32 $0xFFFFE700  }
0x103: {  	[tilespmem:s26], [sflag:$0x3] =	stream.indirect.gather [hbm4b:s2+s21], $0x80, s0, s21, $0xb8;
	[tilespmem:$0x19800] =	vst v63  }
0x104: {  	v8 =	vld [tilespmem:$0x14000]  }
0x105: {  	v9 =	vld [tilespmem:$0x14010]  }
0x106: {  	v5 =	vld [tilespmem:$0x14020]  }
0x107: {  	v4 =	vld [tilespmem:$0x14030]  }
0x108: {  	v3 =	vld [tilespmem:$0x14040]  }
0x109: {  	v1 =	vld [tilespmem:$0x14050]  }
0x10a: {  	v0 =	vld [tilespmem:$0x14060]  }
0x10b: {  	s13 =	simm.s32 $0xF0;
	v2 =	vld [tilespmem:$0x14070]  }
0x10c: {  	v7 =	vld [tilespmem:s13+$0x14000]  }
0x10d: {  	v11 =	vld [tilespmem:s13+$0x13F90]  }
0x10e: {  	v13 =	vld [tilespmem:s13+$0x13FA0]  }
0x10f: {  	v12 =	vld [tilespmem:s13+$0x13FB0]  }
0x110: {  	v10 =	vld [tilespmem:s13+$0x13FC0]  }
0x111: {  	v6 =	vld [tilespmem:s13+$0x13FD0]  }
0x112: {  	v2 =	vadd.f32 v7, v2;
	v7 =	vld [tilespmem:s13+$0x13FE0]  }
0x113: {  	s4 =	simm.s32 $0x7C0;
	s11 =	sor.u32 $0x80, s10;
	s0 =	simm.s32 $0x170;
	v8 =	vadd.f32 v11, v8;
	v9 =	vadd.f32 v13, v9;
	v11 =	vld [tilespmem:s13+$0x13FF0]  }
.LBB2_13:
0x114: {  	p0 =	sne.s32 s4, $0x63C0;
	v13 =	vld [tilespmem:s0+$0x14000];
	v5 =	vadd.f32 v12, v5  }
0x115: {  	v14 =	vld [tilespmem:s0+$0x13F90];
	v4 =	vadd.f32 v10, v4  }
0x116: {  	v15 =	vld [tilespmem:s0+$0x13FA0];
	v3 =	vadd.f32 v6, v3  }
.Ltmp5:
0x117: {  	v12 =	vld [tilespmem:s0+$0x13FB0];
	v1 =	vadd.f32 v7, v1;
	(pc) =	sbr.rel @p0 .LBB2_13-.Ltmp5, $4  }
0x118: {  	v10 =	vld [tilespmem:s0+$0x13FC0];
	v0 =	vadd.f32 v11, v0  }
0x119: {  	v6 =	vld [tilespmem:s0+$0x13FD0];
	v2 =	vadd.f32 v13, v2  }
0x11a: {  	v8 =	vadd.f32 v14, v8;
	v7 =	vld [tilespmem:s0+$0x13FE0]  }
0x11b: {  	v9 =	vadd.f32 v15, v9;
	v11 =	vld [tilespmem:s0+$0x13FF0];
	s0 =	sshra.s32 s4, $0x2;
	s4 =	sadd.s32 $0x200, s4  }
0x11c: {  	v14 =	vld [tilespmem:s0+$0x13F90]  }
0x11d: {  	v15 =	vld [tilespmem:s0+$0x13FA0]  }
0x11e: {  	v16 =	vld [tilespmem:s0+$0x13FB0]  }
0x11f: {  	v17 =	vld [tilespmem:s0+$0x13FC0]  }
0x120: {  	v18 =	vld [tilespmem:s0+$0x13FD0]  }
0x121: {  	v5 =	vadd.f32 v12, v5;
	v12 =	vld [tilespmem:s0+$0x13FE0];
	v8 =	vadd.f32 v14, v8  }
0x122: {  	v13 =	vld [tilespmem:s0+$0x14000];
	v4 =	vadd.f32 v10, v4;
	v9 =	vadd.f32 v15, v9  }
0x123: {  	v10 =	vld [tilespmem:s0+$0x13FF0];
	v3 =	vadd.f32 v6, v3;
	v5 =	vadd.f32 v16, v5;
	[tilespmem:s10+$0x17800] =	vst v8  }
0x124: {  	v1 =	vadd.f32 v7, v1;
	v4 =	vadd.f32 v17, v4;
	[tilespmem:s10+$0x17810] =	vst v9  }
0x125: {  	v3 =	vadd.f32 v18, v3;
	[tilespmem:s10+$0x17820] =	vst v5  }
0x126: {  	v0 =	vadd.f32 v11, v0;
	v1 =	vadd.f32 v12, v1;
	[tilespmem:s10+$0x17830] =	vst v4  }
0x127: {  	v2 =	vadd.f32 v13, v2;
	[tilespmem:s10+$0x17840] =	vst v3  }
0x128: {  	v0 =	vadd.f32 v10, v0;
	[tilespmem:s10+$0x17850] =	vst v1  }
0x129: {  	[tilespmem:s10+$0x17870] =	vst v2  }
0x12a: {  	p0 =	seq.s32 s9, $0x1F;
	[tilespmem:s10+$0x17860] =	vst v0  }
0x12b: {  	s0 =	sshll.u32 @!p0 s9, $0x8;
	_ =	swait.ge [sflag:s25], $0x1900  }
0x12c: {  	s4 =	simm.s32 @!p0 $0x32;
	s0 =	sand.u32 @!p0 $0x3FFFFF00, s0;
	[sflag:s25] =	ssyncset.done $0x0  }
0x12d: {  	s13 =	simm.s32 @!p0 $0x14000;
	s0 =	sadd.s32 @!p0 $0x2100, s0;
	[sflag:s25] =	ssyncadd.s32 $0xFFFFE700  }
0x12e: {  	[tilespmem:s13], [sflag:$0x3] =	stream.indirect.gather @!p0 [hbm4b:s2+s4], $0x80, s0, s4, $0xb8;
	[tilespmem:$0x19800] =	vst v63  }
0x12f: {  	v8 =	vld [tilespmem:$0x15C00]  }
0x130: {  	v9 =	vld [tilespmem:$0x15C10]  }
0x131: {  	v5 =	vld [tilespmem:$0x15C20]  }
0x132: {  	v4 =	vld [tilespmem:$0x15C30]  }
0x133: {  	v3 =	vld [tilespmem:$0x15C40]  }
0x134: {  	v1 =	vld [tilespmem:$0x15C50]  }
0x135: {  	v0 =	vld [tilespmem:$0x15C60]  }
0x136: {  	s17 =	simm.s32 $0xF0;
	v2 =	vld [tilespmem:$0x15C70]  }
0x137: {  	v7 =	vld [tilespmem:s17+$0x15C00]  }
0x138: {  	v11 =	vld [tilespmem:s17+$0x15B90]  }
0x139: {  	v13 =	vld [tilespmem:s17+$0x15BA0]  }
0x13a: {  	v12 =	vld [tilespmem:s17+$0x15BB0]  }
0x13b: {  	v10 =	vld [tilespmem:s17+$0x15BC0]  }
0x13c: {  	v6 =	vld [tilespmem:s17+$0x15BD0]  }
0x13d: {  	v2 =	vadd.f32 v7, v2;
	v7 =	vld [tilespmem:s17+$0x15BE0]  }
0x13e: {  	s0 =	simm.s32 $0x170;
	s4 =	simm.s32 $0x7C0;
	v8 =	vadd.f32 v11, v8;
	v9 =	vadd.f32 v13, v9;
	v11 =	vld [tilespmem:s17+$0x15BF0]  }
.LBB2_15:
0x13f: {  	p0 =	sne.s32 s4, $0x63C0;
	v13 =	vld [tilespmem:s0+$0x15C00];
	v5 =	vadd.f32 v12, v5  }
0x140: {  	v14 =	vld [tilespmem:s0+$0x15B90];
	v4 =	vadd.f32 v10, v4  }
0x141: {  	v15 =	vld [tilespmem:s0+$0x15BA0];
	v3 =	vadd.f32 v6, v3  }
.Ltmp6:
0x142: {  	v12 =	vld [tilespmem:s0+$0x15BB0];
	v1 =	vadd.f32 v7, v1;
	(pc) =	sbr.rel @p0 .LBB2_15-.Ltmp6, $4  }
0x143: {  	v10 =	vld [tilespmem:s0+$0x15BC0];
	v0 =	vadd.f32 v11, v0  }
0x144: {  	v6 =	vld [tilespmem:s0+$0x15BD0];
	v2 =	vadd.f32 v13, v2  }
0x145: {  	v8 =	vadd.f32 v14, v8;
	v7 =	vld [tilespmem:s0+$0x15BE0]  }
0x146: {  	v9 =	vadd.f32 v15, v9;
	v11 =	vld [tilespmem:s0+$0x15BF0];
	s0 =	sshra.s32 s4, $0x2;
	s4 =	sadd.s32 $0x200, s4  }
0x147: {  	v14 =	vld [tilespmem:s0+$0x15B90]  }
0x148: {  	v15 =	vld [tilespmem:s0+$0x15BA0]  }
0x149: {  	v16 =	vld [tilespmem:s0+$0x15BB0]  }
0x14a: {  	v17 =	vld [tilespmem:s0+$0x15BC0]  }
0x14b: {  	v18 =	vld [tilespmem:s0+$0x15BD0]  }
0x14c: {  	v5 =	vadd.f32 v12, v5;
	v62 =	vld [tilespmem:s0+$0x15BE0];
	v8 =	vadd.f32 v14, v8  }
0x14d: {  	v63 =	vld [tilespmem:s0+$0x15BF0];
	v4 =	vadd.f32 v10, v4;
	v9 =	vadd.f32 v15, v9  }
0x14e: {  	v13 =	vld [tilespmem:s0+$0x15C00];
	v3 =	vadd.f32 v6, v3;
	v5 =	vadd.f32 v16, v5;
	[tilespmem:s11+$0x17800] =	vst v8  }
0x14f: {  	s9 =	sadd.s32 $0x1, s9;
	v1 =	vadd.f32 v7, v1;
	v4 =	vadd.f32 v17, v4;
	[tilespmem:s10+$0x17890] =	vst v9  }
0x150: {  	p0 =	sne.s32 s9, $0x20;
	v0 =	vadd.f32 v11, v0;
	v3 =	vadd.f32 v18, v3;
	[tilespmem:s10+$0x178A0] =	vst v5  }
.Ltmp7:
0x151: {  	v1 =	vadd.f32 v62, v1;
	[tilespmem:s10+$0x178B0] =	vst v4;
	(pc) =	sbr.rel @p0 .LBB2_12-.Ltmp7, $4  }
0x152: {  	v0 =	vadd.f32 v63, v0;
	[tilespmem:s10+$0x178C0] =	vst v3  }
0x153: {  	v2 =	vadd.f32 v13, v2;
	[tilespmem:s10+$0x178D0] =	vst v1  }
0x154: {  	[tilespmem:s10+$0x178E0] =	vst v0  }
0x155: {  	[tilespmem:s10+$0x178F0] =	vst v2  }
0x156: {  	s0 =	rddreg [dreg:$0x8];
	s4 =	simm.s32 $0x17800  }
0x157: {  	[hbm4b:s0+s5] =	stream.linear.scatter [tilespmem:s4], [sflag:$0x8], $0x2000, $0x38;
	[tilespmem:$0x19800] =	vst v63  }
0x158: {  	s4 =	simm.s32 $0x8  }
0x159: {  	_ =	swait.ge [sflag:s4], $0x2000  }
0x15a: {  	s16 =	sadd.s32 $0x1, s16;
	s17 =	rddreg [dreg:$0x9]  }
0x15b: {  	p0 =	sne.s32 s16, s17  }
.Ltmp8:
0x15c: {  	_ = 	snop;
	(pc) =	sbr.rel @p0 .LBB2_1-.Ltmp8, $3  }
0x15d: {  	_ =	sdelay $0x1  }
0x15e: {  	[sflag:s4] =	ssyncset.done $0x0  }
0x15f: {  	[sflag:s4] =	ssyncadd.s32 $0xFFFFE000  }
0x160: {  	_ =	sfence.sel $0x180000  }
0x161: {  	[bflag:$0x0] =	sbarrier.arrive $0xFFFF  }
0x162: {  	_ =	strace $0x9000004A  }
0x163: {  	s0 =	stileid.u32;
	[bflag:$0x2] =	sbarrier.arrive $0xFFFF  }
0x164: {  	p0 =	sne.s32 s0, $0x0;
	s0 =	rddreg [dreg:$0x4]  }
0x165: {  	s0 =	sadd.s32 @!p0 $0x100000, s0  }
0x166: {  	[sflag:s0] =	ssyncadd.tile.s32 @!p0 $0x1;
	_ =	shalt  }
.Lfunc_end2:
_tile_overlayer_lowered:
.L_overlay_start_2:
0x167: {  	(tag) =	ssettag $0x2  }
0x168: {  	s0 =	rddreg [dreg:$0x0];
	s2 =	stileid.u32  }
0x169: {  	s1 =	rddreg [dreg:$0x1];
	p0 =	sne.s32 s2, $0x0  }
0x16a: {  	s3 =	rddreg [dreg:$0x2];
	[bflag:$0x3] =	sbarrier.arrive $0xFFFF;
	s2 =	simm.s32 @!p0 $0x1C08  }
0x16b: {  	[timem:s3], [sflag:s2] =	dma.local @!p0 [hbm:s0], s1  }
0x16c: {  	s0 =	simm.s32 @!p0 $0x8  }
0x16d: {  	_ =	swait.ge @!p0 [sflag:s0], s1  }
0x16e: {  	s1 =	ssub.s32 @!p0 $0x0, s1;
	[sflag:s0] =	ssyncset.done @!p0 $0x0  }
0x16f: {  	[sflag:s0] =	ssyncadd.s32 @!p0 s1  }
0x170: {  	[bflag:$0x3] =	sbarrier.arrive $0xFFFF  }
0x171: {  	_ =	shalt  }

</sc_bundles>
